<compile_context>
chip_gen: v7x
topology: tpu7x:2x2x1
jax: 0.10.2.dev20260603
libtpu: 0.0.44.dev20260713+nightly
codegen_flags: <defaults>
</compile_context>

<pallas_src>
import functools

import numpy as np
import jax
import jax.numpy as jnp
from jax import lax
from jax.experimental import pallas as pl
from jax.experimental.pallas import tpu as pltpu
from jax.experimental.pallas import tpu_sc as plsc

N = 10000
E = 320000
D_CH = 16
D_NODE = 128

E_PAD = 327680
NSL = 2
E_SL = E_PAD // NSL

_z = np.linspace(-10.0, 10.0, 20001)
_dz = _z[1] - _z[0]
_pdf = np.exp(-0.5 * _z ** 2) / np.sqrt(2.0 * np.pi)
_silu_v = _z / (1.0 + np.exp(-_z))
_SILU_NORM = float(1.0 / np.sqrt(np.sum(_silu_v ** 2 * _pdf) * _dz))
_OUT_NORM = float(1.0 / np.sqrt(D_CH * D_NODE))

TE = 2560


def _mlp_body(ef_ref, ea_ref, w1_ref, w2_ref, w3_ref, w4_ref, out_ref, *, gbase):
    def _act(x):
        return x * (1.0 / (1.0 + jnp.exp(-x))) * _SILU_NORM

    cdim = (((0,), (0,)), ((), ()))
    x = ef_ref[...]
    h = _act(lax.dot_general(w1_ref[...], x, cdim,
                             preferred_element_type=jnp.float32))
    h = _act(lax.dot_general(w2_ref[...], h, cdim,
                             preferred_element_type=jnp.float32))
    h = _act(lax.dot_general(w3_ref[...], h, cdim,
                             preferred_element_type=jnp.float32))
    h = h * ea_ref[...]
    out_e = lax.dot_general(h, w4_ref[...], cdim,
                            preferred_element_type=jnp.float32)
    out_e = jnp.where(gbase + pl.program_id(0) < E // TE, out_e, 0.0)
    for sb in range(TE // 512):
        for j in range(8):
            base = 512 * sb + 64 * j
            out_ref[sb, :, 16 * j:16 * (j + 1)] = out_e[base:base + 64, :]


def _edge_mlp(edge_feats_t, edge_attrs_t, w1, w2, w3, w4, kslice):
    grid = (E_SL // TE,)
    gb = kslice * (E_SL // TE)
    return pl.pallas_call(
        functools.partial(_mlp_body, gbase=gb),
        grid=grid,
        in_specs=[
            pl.BlockSpec((16, TE), lambda i: (0, jnp.minimum(gb + i, E // TE - 1))),
            pl.BlockSpec((1, TE), lambda i: (0, jnp.minimum(gb + i, E // TE - 1))),
            pl.BlockSpec((16, 64), lambda i: (0, 0)),
            pl.BlockSpec((64, 64), lambda i: (0, 0)),
            pl.BlockSpec((64, 64), lambda i: (0, 0)),
            pl.BlockSpec((64, 16), lambda i: (0, 0)),
        ],
        out_specs=pl.BlockSpec((TE // 512, 64, 128), lambda i: (i, 0, 0)),
        out_shape=jax.ShapeDtypeStruct((E_SL // 512, 64, 128), jnp.float32),
    )(edge_feats_t, edge_attrs_t, w1, w2, w3, w4)


NC = 2
NS = 16
NW = NC * NS
EPW = E_SL // NW
CH = 128
SCH = 512
NCHK = EPW // CH
NSUP = EPW // SCH
N_PAD = 10240
NSTRIPE = N_PAD // NS


def _sc_scatter(a_packed, snd, rcv, charges_pad):
    mesh = plsc.VectorSubcoreMesh(core_axis_name="c", subcore_axis_name="s")

    @functools.partial(
        pl.kernel,
        mesh=mesh,
        out_type=jax.ShapeDtypeStruct((NC, N_PAD, 16), jnp.float32),
        scratch_types=[
            pltpu.VMEM((NCHK, CH), jnp.int32),
            pltpu.VMEM((NCHK, CH), jnp.int32),
            pltpu.VMEM((64, 128), jnp.float32),
            pltpu.VMEM((64, 128), jnp.float32),
            pltpu.VMEM((SCH, 16), jnp.float32),
            pltpu.VMEM((SCH, 16), jnp.float32),
            pltpu.VMEM((SCH, 16), jnp.float32),
            pltpu.VMEM((SCH, 16), jnp.float32),
            pltpu.VMEM((NSTRIPE, 16), jnp.float32),
            pltpu.VMEM_SHARED((N_PAD, 16), jnp.float32),
            pltpu.VMEM_SHARED((N_PAD, 16), jnp.float32),
            pltpu.SemaphoreType.DMA,
            pltpu.SemaphoreType.DMA,
            pltpu.SemaphoreType.DMA,
            pltpu.SemaphoreType.DMA,
            pltpu.SemaphoreType.DMA,
            pltpu.SemaphoreType.DMA,
        ],
        compiler_params=pltpu.CompilerParams(use_tc_tiling_on_sc=False,
                                             needs_layout_passes=False),
    )
    def scat(a_hbm, snd_hbm, rcv_hbm, c_hbm, out_hbm,
             snd_v, rcv_v, a0, a1, g0, g1, p0, p1, z_v, c_sh, s_sh,
             sa0, sa1, sg0, sg1, ss0, ss1):
        cid = lax.axis_index("c")
        sid = lax.axis_index("s")
        wid = cid * NS + sid
        stripe = pl.ds(sid * NSTRIPE, NSTRIPE)

        pltpu.sync_copy(c_hbm.at[stripe], z_v)
        pltpu.sync_copy(z_v, c_sh.at[stripe])

        def zbody(r, carry):
            z_v[r] = jnp.zeros((16,), jnp.float32)
            return carry

        lax.fori_loop(0, NSTRIPE, zbody, 0)
        pltpu.sync_copy(z_v, s_sh.at[stripe])

        pltpu.sync_copy(snd_hbm.at[wid], snd_v)
        pltpu.sync_copy(rcv_hbm.at[wid], rcv_v)
        plsc.subcore_barrier()

        asb = wid * NSUP
        bufs = ((a0, g0, p0, sa0, sg0, ss0), (a1, g1, p1, sa1, sg1, ss1))

        def start(s, a_b, g_b, sa_b, sg_b):
            pltpu.async_copy(a_hbm.at[asb + s], a_b, sa_b)
            for q in range(4):
                pltpu.async_copy(c_sh.at[snd_v.at[4 * s + q]],
                                 g_b.at[pl.ds(128 * q, 128)], sg_b)

        start(0, a0, g0, sa0, sg0)
        start(1, a1, g1, sa1, sg1)

        def outer(i, carry):
            for b, (a_b, g_b, p_b, sa_b, sg_b, ss_b) in enumerate(bufs):
                s = 2 * i + b
                pltpu.make_async_copy(a_hbm.at[asb + s], a_b, sa_b).wait()
                for q in range(4):
                    pltpu.make_async_copy(c_sh.at[snd_v.at[4 * s + q]],
                                          g_b.at[pl.ds(128 * q, 128)],
                                          sg_b).wait()

                def mul(r, c2, a_b=a_b, g_b=g_b, p_b=p_b):
                    for j in range(8):
                        p_b[64 * j + r] = (
                            a_b[r, 16 * j:16 * (j + 1)] * g_b[64 * j + r])
                    return c2

                lax.fori_loop(0, 64, mul, 0, unroll=2)

                for q in range(4):
                    pltpu.sync_copy(p_b.at[pl.ds(128 * q, 128)],
                                    s_sh.at[rcv_v.at[4 * s + q]], add=True)

                @pl.when(s + 2 < NSUP)
                def _prefetch(s=s, a_b=a_b, g_b=g_b, sa_b=sa_b, sg_b=sg_b):
                    start(s + 2, a_b, g_b, sa_b, sg_b)

            return carry

        lax.fori_loop(0, NSUP // 2, outer, 0)
        plsc.subcore_barrier()

        pltpu.sync_copy(s_sh.at[stripe], z_v)
        pltpu.sync_copy(z_v, out_hbm.at[cid, stripe])

    return scat(a_packed, snd, rcv, charges_pad)


TN = 2000


def _readout_body(s_ref, nf_ref, wn_ref, out_ref):
    s = s_ref[0] + s_ref[1]
    t = lax.dot_general(nf_ref[...], wn_ref[...],
                        (((1,), (1,)), ((), ())),
                        preferred_element_type=jnp.float32)
    out_ref[...] = jnp.sum(s * t, axis=1, keepdims=True) * _OUT_NORM


def _readout(s_partial, node_feats, w_node):
    grid = (N // TN,)
    return pl.pallas_call(
        _readout_body,
        grid=grid,
        in_specs=[
            pl.BlockSpec((NC, TN, 16), lambda i: (0, i, 0)),
            pl.BlockSpec((TN, D_NODE), lambda i: (i, 0)),
            pl.BlockSpec((16, D_NODE), lambda i: (0, 0)),
        ],
        out_specs=pl.BlockSpec((TN, 1), lambda i: (i, 0)),
        out_shape=jax.ShapeDtypeStruct((N, 1), jnp.float32),
    )(s_partial, node_feats, w_node)


def kernel(node_feats, charges_0, charges_induced, edge_feats, edge_attrs,
           field_feats, edge_index, batch, W1, W2, W3, W4, w_node):
    w1 = W1 * (1.0 / np.sqrt(W1.shape[0]))
    w2 = W2 * (1.0 / np.sqrt(W2.shape[0]))
    w3 = W3 * (1.0 / np.sqrt(W3.shape[0]))
    w4 = W4 * (1.0 / np.sqrt(W4.shape[0]))
    idx = edge_index.astype(jnp.int32)
    idx = jnp.pad(idx, ((0, 0), (0, E_PAD - E)))
    snd = idx[0].reshape(NSL, NW, NCHK, CH)
    rcv = idx[1].reshape(NSL, NW, NCHK, CH)
    c_pad = jnp.pad(charges_induced, ((0, N_PAD - N), (0, 0)))
    eft = edge_feats.T
    eat = edge_attrs.T
    s_parts = []
    for k in range(NSL):
        a_k = _edge_mlp(eft, eat, w1, w2, w3, w4, k)
        s_parts.append(_sc_scatter(a_k, snd[k], rcv[k], c_pad))
    energy = _readout(s_parts[0] + s_parts[1], node_feats, w_node)
    return energy.reshape(N)

# --- scband reference (transcript-rebuilt; emitter-appended) ---
"""Pipeline reference for scband-one-body-interaction-energy-readout-13872744366323 (READ-ONLY COPY).

The authoritative reference and input builder live on the scoring server;
editing this copy changes nothing except your own understanding.
"""

import jax, jax.numpy as jnp
import numpy as np

N = 10000
E = 320000
D_NODE = 128
D_CH = 16
D_EF = 16
H = 64

# e3nn-style activation normalization constant for silu: 1/sqrt(E_{z~N(0,1)}[silu(z)^2])
_z = np.linspace(-10.0, 10.0, 20001)
_dz = _z[1] - _z[0]
_pdf = np.exp(-0.5 * _z ** 2) / np.sqrt(2.0 * np.pi)
_silu_v = _z / (1.0 + np.exp(-_z))
SILU_NORM = float(1.0 / np.sqrt(np.sum(_silu_v ** 2 * _pdf) * _dz))


def _fully_connected_net(x, Ws):
    # e3nn nn.FullyConnectedNet: h = act(x @ W / sqrt(fan_in)) * act_norm, last layer linear
    n_layers = len(Ws)
    for i, W in enumerate(Ws):
        x = x @ (W / np.sqrt(W.shape[0]))
        if i < n_layers - 1:
            x = jax.nn.silu(x) * SILU_NORM
    return x


def setup_inputs(seed: int = 0) -> dict:
    key = jax.random.key(seed)
    ks = jax.random.split(key, 13)
    node_feats = jax.random.normal(ks[0], (N, D_NODE), dtype=jnp.float32)
    charges_0 = jax.random.normal(ks[1], (N, D_CH), dtype=jnp.float32)
    charges_induced = jax.random.normal(ks[2], (N, D_CH), dtype=jnp.float32)
    edge_feats = jax.random.normal(ks[3], (E, D_EF), dtype=jnp.float32)
    edge_attrs = jax.random.normal(ks[4], (E, 1), dtype=jnp.float32)
    field_feats = jax.random.normal(ks[5], (N, 16), dtype=jnp.float32)
    edge_index = jax.random.randint(ks[6], (2, E), 0, N)
    batch = jnp.zeros((N,), dtype=jnp.int32)
    # learned parameters: edge_tp_weights MLP [16,64,64,64,16] (no biases, e3nn style)
    W1 = jax.random.normal(ks[7], (D_EF, H), dtype=jnp.float32)
    W2 = jax.random.normal(ks[8], (H, H), dtype=jnp.float32)
    W3 = jax.random.normal(ks[9], (H, H), dtype=jnp.float32)
    W4 = jax.random.normal(ks[10], (H, D_CH), dtype=jnp.float32)
    # node_tp: FullyConnectedTensorProduct(16x0e, 128x0e -> 1x0e) weight [16,128]
    w_node = jax.random.normal(ks[11], (D_CH, D_NODE), dtype=jnp.float32)
    return {
        "node_feats": node_feats,
        "charges_0": charges_0,
        "charges_induced": charges_induced,
        "edge_feats": edge_feats,
        "edge_attrs": edge_attrs,
        "field_feats": field_feats,
        "edge_index": edge_index,
        "batch": batch,
        "W1": W1,
        "W2": W2,
        "W3": W3,
        "W4": W4,
        "w_node": w_node,
    }


def reference(node_feats, charges_0, charges_induced, edge_feats, edge_attrs, field_feats, edge_index, batch, W1, W2, W3, W4, w_node):
    sender = edge_index[0]
    receiver = edge_index[1]
    num_nodes = node_feats.shape[0]
    # per-edge tensor-product weights from radial edge features
    tp_weights = _fully_connected_net(edge_feats, [W1, W2, W3, W4])  # [E, 16]
    # edge_tp (uvu, 16x0e (x) 1x0e -> 16x0e), shared_weights=False: w_e * q[sender] * Y_e
    edge_q_rep = tp_weights * charges_induced[sender] * edge_attrs  # [E, 16]
    # scatter_sum over receiving nodes
    summed_charge_rep = jax.ops.segment_sum(edge_q_rep, receiver, num_segments=num_nodes)  # [N, 16]
    # FullyConnectedTensorProduct(16x0e, 128x0e -> 1x0e): fan_in normalization 1/sqrt(16*128)
    energy = jnp.einsum('nu,nv,uv->n', summed_charge_rep, node_feats, w_node) / np.sqrt(D_CH * D_NODE)
    return energy  # [N], already squeezed

if __name__ == "__main__":
    import jax
    _d = setup_inputs()
    print(jax.jit(kernel)(*tuple(_d.values())))

</pallas_src>

<mosaic_0001>
#map = affine_map<(d0, d1) -> (0, 0, 0)>
#map1 = affine_map<(d0, d1) -> (0, 0)>
module attributes {stable_mosaic.version = 14 : i64} {
  func.func @scat(%arg0: i32, %arg1: i32, %arg2: memref<320x64x128xf32, #tpu.memory_space<hbm>>, %arg3: memref<32x40x128xi32, #tpu.memory_space<hbm>>, %arg4: memref<32x40x128xi32, #tpu.memory_space<hbm>>, %arg5: memref<10240x16xf32, #tpu.memory_space<hbm>>, %arg6: memref<2x10240x16xf32, #tpu.memory_space<hbm>>, %arg7: memref<40x128xi32, #tpu.memory_space<vmem>>, %arg8: memref<40x128xi32, #tpu.memory_space<vmem>>, %arg9: memref<64x128xf32, #tpu.memory_space<vmem>>, %arg10: memref<64x128xf32, #tpu.memory_space<vmem>>, %arg11: memref<512x16xf32, #tpu.memory_space<vmem>>, %arg12: memref<512x16xf32, #tpu.memory_space<vmem>>, %arg13: memref<512x16xf32, #tpu.memory_space<vmem>>, %arg14: memref<512x16xf32, #tpu.memory_space<vmem>>, %arg15: memref<640x16xf32, #tpu.memory_space<vmem>>, %arg16: memref<10240x16xf32, #tpu.memory_space<vmem_shared>>, %arg17: memref<10240x16xf32, #tpu.memory_space<vmem_shared>>, %arg18: memref<!tpu.dma_semaphore, #tpu.memory_space<semaphore_mem>>, %arg19: memref<!tpu.dma_semaphore, #tpu.memory_space<semaphore_mem>>, %arg20: memref<!tpu.dma_semaphore, #tpu.memory_space<semaphore_mem>>, %arg21: memref<!tpu.dma_semaphore, #tpu.memory_space<semaphore_mem>>, %arg22: memref<!tpu.dma_semaphore, #tpu.memory_space<semaphore_mem>>, %arg23: memref<!tpu.dma_semaphore, #tpu.memory_space<semaphore_mem>>) attributes {dimension_semantics = [#tpu.dimension_semantics<core_parallel>, #tpu.dimension_semantics<subcore_parallel>], iteration_bounds = array<i64: 2, 16>, scalar_prefetch = 0 : i64, scratch_operands = 17 : i64, tpu.core_type = #tpu.core_type<sc_vector_subcore>, window_params = [{transform_indices = #map}, {transform_indices = #map}, {transform_indices = #map}, {transform_indices = #map1}, {transform_indices = #map}]} {
    %mul3A = arith.constant 16 : i32
    %mul3A_0 = arith.muli %arg0, %mul3A : i32
    %add3A = arith.addi %mul3A_0, %arg1 : i32
    %mul3A_1 = arith.constant 640 : i32
    %mul3A_2 = arith.muli %arg1, %mul3A_1 : i32
    "tpu.region"() ({
      %run_scoped3A = tpu.sem_alloc : memref<!tpu.dma_semaphore, #tpu.memory_space<semaphore_mem>>
      %dma_start3A_116 = arith.constant 0 : i32
      %dma_start3A_117 = tpu.memref_slice %arg5[%mul3A_2, %dma_start3A_116] : memref<10240x16xf32, #tpu.memory_space<hbm>> -> memref<640x16xf32, #tpu.memory_space<hbm>>
      %dma_start3A_118 = arith.constant 0 : i32
      %dma_start3A_119 = tpu.memref_slice %arg5[%mul3A_2, %dma_start3A_118] : memref<10240x16xf32, #tpu.memory_space<hbm>> -> memref<640x16xf32, #tpu.memory_space<hbm>>
      tpu.enqueue_dma source(%dma_start3A_119 : memref<640x16xf32, #tpu.memory_space<hbm>>) target(%arg15 : memref<640x16xf32, #tpu.memory_space<vmem>>) target_semaphore(%run_scoped3A : memref<!tpu.dma_semaphore, #tpu.memory_space<semaphore_mem>>)
      %dma_wait3A = arith.constant 0 : i32
      %dma_wait3A_120 = tpu.memref_slice %arg5[%mul3A_2, %dma_wait3A] : memref<10240x16xf32, #tpu.memory_space<hbm>> -> memref<640x16xf32, #tpu.memory_space<hbm>>
      %dma_wait3A_121 = arith.constant 0 : i32
      %dma_wait3A_122 = tpu.memref_slice %arg5[%mul3A_2, %dma_wait3A_121] : memref<10240x16xf32, #tpu.memory_space<hbm>> -> memref<640x16xf32, #tpu.memory_space<hbm>>
      tpu.wait_dma2 semaphore(%run_scoped3A : memref<!tpu.dma_semaphore, #tpu.memory_space<semaphore_mem>>) src(%dma_wait3A_122 : memref<640x16xf32, #tpu.memory_space<hbm>>) dst(%arg15 : memref<640x16xf32, #tpu.memory_space<vmem>>)
      tpu.yield
    }) : () -> ()
    "tpu.region"() ({
      %run_scoped3A = tpu.sem_alloc : memref<!tpu.dma_semaphore, #tpu.memory_space<semaphore_mem>>
      %dma_start3A_116 = arith.constant 0 : i32
      %dma_start3A_117 = tpu.memref_slice %arg16[%mul3A_2, %dma_start3A_116] : memref<10240x16xf32, #tpu.memory_space<vmem_shared>> -> memref<640x16xf32, #tpu.memory_space<vmem_shared>>
      %dma_start3A_118 = arith.constant 0 : i32
      %dma_start3A_119 = tpu.memref_slice %arg16[%mul3A_2, %dma_start3A_118] : memref<10240x16xf32, #tpu.memory_space<vmem_shared>> -> memref<640x16xf32, #tpu.memory_space<vmem_shared>>
      tpu.enqueue_dma source(%arg15 : memref<640x16xf32, #tpu.memory_space<vmem>>) target(%dma_start3A_119 : memref<640x16xf32, #tpu.memory_space<vmem_shared>>) target_semaphore(%run_scoped3A : memref<!tpu.dma_semaphore, #tpu.memory_space<semaphore_mem>>)
      %dma_wait3A = arith.constant 0 : i32
      %dma_wait3A_120 = tpu.memref_slice %arg16[%mul3A_2, %dma_wait3A] : memref<10240x16xf32, #tpu.memory_space<vmem_shared>> -> memref<640x16xf32, #tpu.memory_space<vmem_shared>>
      %dma_wait3A_121 = arith.constant 0 : i32
      %dma_wait3A_122 = tpu.memref_slice %arg16[%mul3A_2, %dma_wait3A_121] : memref<10240x16xf32, #tpu.memory_space<vmem_shared>> -> memref<640x16xf32, #tpu.memory_space<vmem_shared>>
      tpu.wait_dma2 semaphore(%run_scoped3A : memref<!tpu.dma_semaphore, #tpu.memory_space<semaphore_mem>>) src(%arg15 : memref<640x16xf32, #tpu.memory_space<vmem>>) dst(%dma_wait3A_122 : memref<640x16xf32, #tpu.memory_space<vmem_shared>>)
      tpu.yield
    }) : () -> ()
    %scan3A = arith.constant 0 : i32
    %scan3A_3 = arith.constant 0 : i32
    %scan3A_4 = arith.constant 640 : i32
    %scan3A_5 = arith.addi %scan3A_3, %scan3A_4 : i32
    %scan3A_6 = arith.constant 1 : i32
    scf.for %scan3A_116 = %scan3A_3 to %scan3A_5 step %scan3A_6  : i32 {
      %broadcast_in_dim3A = arith.constant 0.000000e+00 : f32
      %broadcast_in_dim3A_117 = vector.broadcast %broadcast_in_dim3A : f32 to vector<16xf32>
      %swap3A = arith.index_cast %scan3A_116 : i32 to index
      %swap3A_118 = arith.constant 0 : index
      %swap3A_119 = tpu.vector_load %arg15[%swap3A, %swap3A_118] {strides = array<i32>} : memref<640x16xf32, #tpu.memory_space<vmem>>, vector<16xf32>,
      tpu.vector_store %arg15[%swap3A, %swap3A_118], %broadcast_in_dim3A_117 {strides = array<i32>} : memref<640x16xf32, #tpu.memory_space<vmem>>, vector<16xf32>,
    }
    %scan3A_7 = arith.constant 640 : i32
    "tpu.region"() ({
      %run_scoped3A = tpu.sem_alloc : memref<!tpu.dma_semaphore, #tpu.memory_space<semaphore_mem>>
      %dma_start3A_116 = arith.constant 0 : i32
      %dma_start3A_117 = tpu.memref_slice %arg17[%mul3A_2, %dma_start3A_116] : memref<10240x16xf32, #tpu.memory_space<vmem_shared>> -> memref<640x16xf32, #tpu.memory_space<vmem_shared>>
      %dma_start3A_118 = arith.constant 0 : i32
      %dma_start3A_119 = tpu.memref_slice %arg17[%mul3A_2, %dma_start3A_118] : memref<10240x16xf32, #tpu.memory_space<vmem_shared>> -> memref<640x16xf32, #tpu.memory_space<vmem_shared>>
      tpu.enqueue_dma source(%arg15 : memref<640x16xf32, #tpu.memory_space<vmem>>) target(%dma_start3A_119 : memref<640x16xf32, #tpu.memory_space<vmem_shared>>) target_semaphore(%run_scoped3A : memref<!tpu.dma_semaphore, #tpu.memory_space<semaphore_mem>>)
      %dma_wait3A = arith.constant 0 : i32
      %dma_wait3A_120 = tpu.memref_slice %arg17[%mul3A_2, %dma_wait3A] : memref<10240x16xf32, #tpu.memory_space<vmem_shared>> -> memref<640x16xf32, #tpu.memory_space<vmem_shared>>
      %dma_wait3A_121 = arith.constant 0 : i32
      %dma_wait3A_122 = tpu.memref_slice %arg17[%mul3A_2, %dma_wait3A_121] : memref<10240x16xf32, #tpu.memory_space<vmem_shared>> -> memref<640x16xf32, #tpu.memory_space<vmem_shared>>
      tpu.wait_dma2 semaphore(%run_scoped3A : memref<!tpu.dma_semaphore, #tpu.memory_space<semaphore_mem>>) src(%arg15 : memref<640x16xf32, #tpu.memory_space<vmem>>) dst(%dma_wait3A_122 : memref<640x16xf32, #tpu.memory_space<vmem_shared>>)
      tpu.yield
    }) : () -> ()
    "tpu.region"() ({
      %run_scoped3A = tpu.sem_alloc : memref<!tpu.dma_semaphore, #tpu.memory_space<semaphore_mem>>
      %dma_start3A_116 = arith.constant 0 : i32
      %dma_start3A_117 = arith.constant 0 : i32
      %dma_start3A_118 = tpu.memref_slice %arg3[%add3A, %dma_start3A_116, %dma_start3A_117] : memref<32x40x128xi32, #tpu.memory_space<hbm>> -> memref<1x40x128xi32, #tpu.memory_space<hbm>>
      %dma_start3A_119 = tpu.memref_squeeze %dma_start3A_118 : memref<1x40x128xi32, #tpu.memory_space<hbm>> -> memref<40x128xi32, #tpu.memory_space<hbm>>
      %dma_start3A_120 = arith.constant 0 : i32
      %dma_start3A_121 = arith.constant 0 : i32
      %dma_start3A_122 = tpu.memref_slice %arg3[%add3A, %dma_start3A_120, %dma_start3A_121] : memref<32x40x128xi32, #tpu.memory_space<hbm>> -> memref<1x40x128xi32, #tpu.memory_space<hbm>>
      %dma_start3A_123 = tpu.memref_squeeze %dma_start3A_122 : memref<1x40x128xi32, #tpu.memory_space<hbm>> -> memref<40x128xi32, #tpu.memory_space<hbm>>
      tpu.enqueue_dma source(%dma_start3A_123 : memref<40x128xi32, #tpu.memory_space<hbm>>) target(%arg7 : memref<40x128xi32, #tpu.memory_space<vmem>>) target_semaphore(%run_scoped3A : memref<!tpu.dma_semaphore, #tpu.memory_space<semaphore_mem>>)
      %dma_wait3A = arith.constant 0 : i32
      %dma_wait3A_124 = arith.constant 0 : i32
      %dma_wait3A_125 = tpu.memref_slice %arg3[%add3A, %dma_wait3A, %dma_wait3A_124] : memref<32x40x128xi32, #tpu.memory_space<hbm>> -> memref<1x40x128xi32, #tpu.memory_space<hbm>>
      %dma_wait3A_126 = tpu.memref_squeeze %dma_wait3A_125 : memref<1x40x128xi32, #tpu.memory_space<hbm>> -> memref<40x128xi32, #tpu.memory_space<hbm>>
      %dma_wait3A_127 = arith.constant 0 : i32
      %dma_wait3A_128 = arith.constant 0 : i32
      %dma_wait3A_129 = tpu.memref_slice %arg3[%add3A, %dma_wait3A_127, %dma_wait3A_128] : memref<32x40x128xi32, #tpu.memory_space<hbm>> -> memref<1x40x128xi32, #tpu.memory_space<hbm>>
      %dma_wait3A_130 = tpu.memref_squeeze %dma_wait3A_129 : memref<1x40x128xi32, #tpu.memory_space<hbm>> -> memref<40x128xi32, #tpu.memory_space<hbm>>
      tpu.wait_dma2 semaphore(%run_scoped3A : memref<!tpu.dma_semaphore, #tpu.memory_space<semaphore_mem>>) src(%dma_wait3A_130 : memref<40x128xi32, #tpu.memory_space<hbm>>) dst(%arg7 : memref<40x128xi32, #tpu.memory_space<vmem>>)
      tpu.yield
    }) : () -> ()
    "tpu.region"() ({
      %run_scoped3A = tpu.sem_alloc : memref<!tpu.dma_semaphore, #tpu.memory_space<semaphore_mem>>
      %dma_start3A_116 = arith.constant 0 : i32
      %dma_start3A_117 = arith.constant 0 : i32
      %dma_start3A_118 = tpu.memref_slice %arg4[%add3A, %dma_start3A_116, %dma_start3A_117] : memref<32x40x128xi32, #tpu.memory_space<hbm>> -> memref<1x40x128xi32, #tpu.memory_space<hbm>>
      %dma_start3A_119 = tpu.memref_squeeze %dma_start3A_118 : memref<1x40x128xi32, #tpu.memory_space<hbm>> -> memref<40x128xi32, #tpu.memory_space<hbm>>
      %dma_start3A_120 = arith.constant 0 : i32
      %dma_start3A_121 = arith.constant 0 : i32
      %dma_start3A_122 = tpu.memref_slice %arg4[%add3A, %dma_start3A_120, %dma_start3A_121] : memref<32x40x128xi32, #tpu.memory_space<hbm>> -> memref<1x40x128xi32, #tpu.memory_space<hbm>>
      %dma_start3A_123 = tpu.memref_squeeze %dma_start3A_122 : memref<1x40x128xi32, #tpu.memory_space<hbm>> -> memref<40x128xi32, #tpu.memory_space<hbm>>
      tpu.enqueue_dma source(%dma_start3A_123 : memref<40x128xi32, #tpu.memory_space<hbm>>) target(%arg8 : memref<40x128xi32, #tpu.memory_space<vmem>>) target_semaphore(%run_scoped3A : memref<!tpu.dma_semaphore, #tpu.memory_space<semaphore_mem>>)
      %dma_wait3A = arith.constant 0 : i32
      %dma_wait3A_124 = arith.constant 0 : i32
      %dma_wait3A_125 = tpu.memref_slice %arg4[%add3A, %dma_wait3A, %dma_wait3A_124] : memref<32x40x128xi32, #tpu.memory_space<hbm>> -> memref<1x40x128xi32, #tpu.memory_space<hbm>>
      %dma_wait3A_126 = tpu.memref_squeeze %dma_wait3A_125 : memref<1x40x128xi32, #tpu.memory_space<hbm>> -> memref<40x128xi32, #tpu.memory_space<hbm>>
      %dma_wait3A_127 = arith.constant 0 : i32
      %dma_wait3A_128 = arith.constant 0 : i32
      %dma_wait3A_129 = tpu.memref_slice %arg4[%add3A, %dma_wait3A_127, %dma_wait3A_128] : memref<32x40x128xi32, #tpu.memory_space<hbm>> -> memref<1x40x128xi32, #tpu.memory_space<hbm>>
      %dma_wait3A_130 = tpu.memref_squeeze %dma_wait3A_129 : memref<1x40x128xi32, #tpu.memory_space<hbm>> -> memref<40x128xi32, #tpu.memory_space<hbm>>
      tpu.wait_dma2 semaphore(%run_scoped3A : memref<!tpu.dma_semaphore, #tpu.memory_space<semaphore_mem>>) src(%dma_wait3A_130 : memref<40x128xi32, #tpu.memory_space<hbm>>) dst(%arg8 : memref<40x128xi32, #tpu.memory_space<vmem>>)
      tpu.yield
    }) : () -> ()
    %barrier3A = arith.constant 0 : index
    tpu.barrier barrier_id(%barrier3A)
    %mul3A_8 = arith.constant 10 : i32
    %mul3A_9 = arith.muli %add3A, %mul3A_8 : i32
    %add3A_10 = arith.constant 0 : i32
    %add3A_11 = arith.addi %mul3A_9, %add3A_10 : i32
    %dma_start3A = arith.constant 0 : i32
    %dma_start3A_12 = arith.constant 0 : i32
    %dma_start3A_13 = tpu.memref_slice %arg2[%add3A_11, %dma_start3A, %dma_start3A_12] : memref<320x64x128xf32, #tpu.memory_space<hbm>> -> memref<1x64x128xf32, #tpu.memory_space<hbm>>
    %dma_start3A_14 = tpu.memref_squeeze %dma_start3A_13 : memref<1x64x128xf32, #tpu.memory_space<hbm>> -> memref<64x128xf32, #tpu.memory_space<hbm>>
    %dma_start3A_15 = arith.constant 0 : i32
    %dma_start3A_16 = arith.constant 0 : i32
    %dma_start3A_17 = tpu.memref_slice %arg2[%add3A_11, %dma_start3A_15, %dma_start3A_16] : memref<320x64x128xf32, #tpu.memory_space<hbm>> -> memref<1x64x128xf32, #tpu.memory_space<hbm>>
    %dma_start3A_18 = tpu.memref_squeeze %dma_start3A_17 : memref<1x64x128xf32, #tpu.memory_space<hbm>> -> memref<64x128xf32, #tpu.memory_space<hbm>>
    tpu.enqueue_dma source(%dma_start3A_18 : memref<64x128xf32, #tpu.memory_space<hbm>>) target(%arg9 : memref<64x128xf32, #tpu.memory_space<vmem>>) target_semaphore(%arg18 : memref<!tpu.dma_semaphore, #tpu.memory_space<semaphore_mem>>)
    %dma_start3A_19 = arith.constant 0 : i32
    %dma_start3A_20 = arith.constant 0 : i32
    %dma_start3A_21 = arith.constant 0 : i32
    %dma_start3A_22 = tpu.memref_slice %arg11[%dma_start3A_20, %dma_start3A_21] : memref<512x16xf32, #tpu.memory_space<vmem>> -> memref<128x16xf32, #tpu.memory_space<vmem>>
    %dma_start3A_23 = arith.constant 0 : i32
    %dma_start3A_24 = tpu.memref_slice %arg7[%dma_start3A_19, %dma_start3A_23] : memref<40x128xi32, #tpu.memory_space<vmem>> -> memref<1x128xi32, #tpu.memory_space<vmem>>
    %dma_start3A_25 = tpu.memref_squeeze %dma_start3A_24 : memref<1x128xi32, #tpu.memory_space<vmem>> -> memref<128xi32, #tpu.memory_space<vmem>>
    %dma_start3A_26 = arith.constant 0 : i32
    %dma_start3A_27 = arith.constant 0 : i32
    %dma_start3A_28 = tpu.memref_slice %arg16[%dma_start3A_26, %dma_start3A_27] : memref<10240x16xf32, #tpu.memory_space<vmem_shared>> -> memref<10240x16xf32, #tpu.memory_space<vmem_shared>>
    tpu.enqueue_indirect_dma source(%dma_start3A_28 : memref<10240x16xf32, #tpu.memory_space<vmem_shared>>) target(%dma_start3A_22 : memref<128x16xf32, #tpu.memory_space<vmem>>) offsets(%dma_start3A_25 : memref<128xi32, #tpu.memory_space<vmem>>) semaphore(%arg20 : memref<!tpu.dma_semaphore, #tpu.memory_space<semaphore_mem>>)
    %dma_start3A_29 = arith.constant 1 : i32
    %dma_start3A_30 = arith.constant 128 : i32
    %dma_start3A_31 = arith.constant 0 : i32
    %dma_start3A_32 = tpu.memref_slice %arg11[%dma_start3A_30, %dma_start3A_31] : memref<512x16xf32, #tpu.memory_space<vmem>> -> memref<128x16xf32, #tpu.memory_space<vmem>>
    %dma_start3A_33 = arith.constant 0 : i32
    %dma_start3A_34 = tpu.memref_slice %arg7[%dma_start3A_29, %dma_start3A_33] : memref<40x128xi32, #tpu.memory_space<vmem>> -> memref<1x128xi32, #tpu.memory_space<vmem>>
    %dma_start3A_35 = tpu.memref_squeeze %dma_start3A_34 : memref<1x128xi32, #tpu.memory_space<vmem>> -> memref<128xi32, #tpu.memory_space<vmem>>
    %dma_start3A_36 = arith.constant 0 : i32
    %dma_start3A_37 = arith.constant 0 : i32
    %dma_start3A_38 = tpu.memref_slice %arg16[%dma_start3A_36, %dma_start3A_37] : memref<10240x16xf32, #tpu.memory_space<vmem_shared>> -> memref<10240x16xf32, #tpu.memory_space<vmem_shared>>
    tpu.enqueue_indirect_dma source(%dma_start3A_38 : memref<10240x16xf32, #tpu.memory_space<vmem_shared>>) target(%dma_start3A_32 : memref<128x16xf32, #tpu.memory_space<vmem>>) offsets(%dma_start3A_35 : memref<128xi32, #tpu.memory_space<vmem>>) semaphore(%arg20 : memref<!tpu.dma_semaphore, #tpu.memory_space<semaphore_mem>>)
    %dma_start3A_39 = arith.constant 2 : i32
    %dma_start3A_40 = arith.constant 256 : i32
    %dma_start3A_41 = arith.constant 0 : i32
    %dma_start3A_42 = tpu.memref_slice %arg11[%dma_start3A_40, %dma_start3A_41] : memref<512x16xf32, #tpu.memory_space<vmem>> -> memref<128x16xf32, #tpu.memory_space<vmem>>
    %dma_start3A_43 = arith.constant 0 : i32
    %dma_start3A_44 = tpu.memref_slice %arg7[%dma_start3A_39, %dma_start3A_43] : memref<40x128xi32, #tpu.memory_space<vmem>> -> memref<1x128xi32, #tpu.memory_space<vmem>>
    %dma_start3A_45 = tpu.memref_squeeze %dma_start3A_44 : memref<1x128xi32, #tpu.memory_space<vmem>> -> memref<128xi32, #tpu.memory_space<vmem>>
    %dma_start3A_46 = arith.constant 0 : i32
    %dma_start3A_47 = arith.constant 0 : i32
    %dma_start3A_48 = tpu.memref_slice %arg16[%dma_start3A_46, %dma_start3A_47] : memref<10240x16xf32, #tpu.memory_space<vmem_shared>> -> memref<10240x16xf32, #tpu.memory_space<vmem_shared>>
    tpu.enqueue_indirect_dma source(%dma_start3A_48 : memref<10240x16xf32, #tpu.memory_space<vmem_shared>>) target(%dma_start3A_42 : memref<128x16xf32, #tpu.memory_space<vmem>>) offsets(%dma_start3A_45 : memref<128xi32, #tpu.memory_space<vmem>>) semaphore(%arg20 : memref<!tpu.dma_semaphore, #tpu.memory_space<semaphore_mem>>)
    %dma_start3A_49 = arith.constant 3 : i32
    %dma_start3A_50 = arith.constant 384 : i32
    %dma_start3A_51 = arith.constant 0 : i32
    %dma_start3A_52 = tpu.memref_slice %arg11[%dma_start3A_50, %dma_start3A_51] : memref<512x16xf32, #tpu.memory_space<vmem>> -> memref<128x16xf32, #tpu.memory_space<vmem>>
    %dma_start3A_53 = arith.constant 0 : i32
    %dma_start3A_54 = tpu.memref_slice %arg7[%dma_start3A_49, %dma_start3A_53] : memref<40x128xi32, #tpu.memory_space<vmem>> -> memref<1x128xi32, #tpu.memory_space<vmem>>
    %dma_start3A_55 = tpu.memref_squeeze %dma_start3A_54 : memref<1x128xi32, #tpu.memory_space<vmem>> -> memref<128xi32, #tpu.memory_space<vmem>>
    %dma_start3A_56 = arith.constant 0 : i32
    %dma_start3A_57 = arith.constant 0 : i32
    %dma_start3A_58 = tpu.memref_slice %arg16[%dma_start3A_56, %dma_start3A_57] : memref<10240x16xf32, #tpu.memory_space<vmem_shared>> -> memref<10240x16xf32, #tpu.memory_space<vmem_shared>>
    tpu.enqueue_indirect_dma source(%dma_start3A_58 : memref<10240x16xf32, #tpu.memory_space<vmem_shared>>) target(%dma_start3A_52 : memref<128x16xf32, #tpu.memory_space<vmem>>) offsets(%dma_start3A_55 : memref<128xi32, #tpu.memory_space<vmem>>) semaphore(%arg20 : memref<!tpu.dma_semaphore, #tpu.memory_space<semaphore_mem>>)
    %add3A_59 = arith.constant 1 : i32
    %add3A_60 = arith.addi %mul3A_9, %add3A_59 : i32
    %dma_start3A_61 = arith.constant 0 : i32
    %dma_start3A_62 = arith.constant 0 : i32
    %dma_start3A_63 = tpu.memref_slice %arg2[%add3A_60, %dma_start3A_61, %dma_start3A_62] : memref<320x64x128xf32, #tpu.memory_space<hbm>> -> memref<1x64x128xf32, #tpu.memory_space<hbm>>
    %dma_start3A_64 = tpu.memref_squeeze %dma_start3A_63 : memref<1x64x128xf32, #tpu.memory_space<hbm>> -> memref<64x128xf32, #tpu.memory_space<hbm>>
    %dma_start3A_65 = arith.constant 0 : i32
    %dma_start3A_66 = arith.constant 0 : i32
    %dma_start3A_67 = tpu.memref_slice %arg2[%add3A_60, %dma_start3A_65, %dma_start3A_66] : memref<320x64x128xf32, #tpu.memory_space<hbm>> -> memref<1x64x128xf32, #tpu.memory_space<hbm>>
    %dma_start3A_68 = tpu.memref_squeeze %dma_start3A_67 : memref<1x64x128xf32, #tpu.memory_space<hbm>> -> memref<64x128xf32, #tpu.memory_space<hbm>>
    tpu.enqueue_dma source(%dma_start3A_68 : memref<64x128xf32, #tpu.memory_space<hbm>>) target(%arg10 : memref<64x128xf32, #tpu.memory_space<vmem>>) target_semaphore(%arg19 : memref<!tpu.dma_semaphore, #tpu.memory_space<semaphore_mem>>)
    %dma_start3A_69 = arith.constant 4 : i32
    %dma_start3A_70 = arith.constant 0 : i32
    %dma_start3A_71 = arith.constant 0 : i32
    %dma_start3A_72 = tpu.memref_slice %arg12[%dma_start3A_70, %dma_start3A_71] : memref<512x16xf32, #tpu.memory_space<vmem>> -> memref<128x16xf32, #tpu.memory_space<vmem>>
    %dma_start3A_73 = arith.constant 0 : i32
    %dma_start3A_74 = tpu.memref_slice %arg7[%dma_start3A_69, %dma_start3A_73] : memref<40x128xi32, #tpu.memory_space<vmem>> -> memref<1x128xi32, #tpu.memory_space<vmem>>
    %dma_start3A_75 = tpu.memref_squeeze %dma_start3A_74 : memref<1x128xi32, #tpu.memory_space<vmem>> -> memref<128xi32, #tpu.memory_space<vmem>>
    %dma_start3A_76 = arith.constant 0 : i32
    %dma_start3A_77 = arith.constant 0 : i32
    %dma_start3A_78 = tpu.memref_slice %arg16[%dma_start3A_76, %dma_start3A_77] : memref<10240x16xf32, #tpu.memory_space<vmem_shared>> -> memref<10240x16xf32, #tpu.memory_space<vmem_shared>>
    tpu.enqueue_indirect_dma source(%dma_start3A_78 : memref<10240x16xf32, #tpu.memory_space<vmem_shared>>) target(%dma_start3A_72 : memref<128x16xf32, #tpu.memory_space<vmem>>) offsets(%dma_start3A_75 : memref<128xi32, #tpu.memory_space<vmem>>) semaphore(%arg21 : memref<!tpu.dma_semaphore, #tpu.memory_space<semaphore_mem>>)
    %dma_start3A_79 = arith.constant 5 : i32
    %dma_start3A_80 = arith.constant 128 : i32
    %dma_start3A_81 = arith.constant 0 : i32
    %dma_start3A_82 = tpu.memref_slice %arg12[%dma_start3A_80, %dma_start3A_81] : memref<512x16xf32, #tpu.memory_space<vmem>> -> memref<128x16xf32, #tpu.memory_space<vmem>>
    %dma_start3A_83 = arith.constant 0 : i32
    %dma_start3A_84 = tpu.memref_slice %arg7[%dma_start3A_79, %dma_start3A_83] : memref<40x128xi32, #tpu.memory_space<vmem>> -> memref<1x128xi32, #tpu.memory_space<vmem>>
    %dma_start3A_85 = tpu.memref_squeeze %dma_start3A_84 : memref<1x128xi32, #tpu.memory_space<vmem>> -> memref<128xi32, #tpu.memory_space<vmem>>
    %dma_start3A_86 = arith.constant 0 : i32
    %dma_start3A_87 = arith.constant 0 : i32
    %dma_start3A_88 = tpu.memref_slice %arg16[%dma_start3A_86, %dma_start3A_87] : memref<10240x16xf32, #tpu.memory_space<vmem_shared>> -> memref<10240x16xf32, #tpu.memory_space<vmem_shared>>
    tpu.enqueue_indirect_dma source(%dma_start3A_88 : memref<10240x16xf32, #tpu.memory_space<vmem_shared>>) target(%dma_start3A_82 : memref<128x16xf32, #tpu.memory_space<vmem>>) offsets(%dma_start3A_85 : memref<128xi32, #tpu.memory_space<vmem>>) semaphore(%arg21 : memref<!tpu.dma_semaphore, #tpu.memory_space<semaphore_mem>>)
    %dma_start3A_89 = arith.constant 6 : i32
    %dma_start3A_90 = arith.constant 256 : i32
    %dma_start3A_91 = arith.constant 0 : i32
    %dma_start3A_92 = tpu.memref_slice %arg12[%dma_start3A_90, %dma_start3A_91] : memref<512x16xf32, #tpu.memory_space<vmem>> -> memref<128x16xf32, #tpu.memory_space<vmem>>
    %dma_start3A_93 = arith.constant 0 : i32
    %dma_start3A_94 = tpu.memref_slice %arg7[%dma_start3A_89, %dma_start3A_93] : memref<40x128xi32, #tpu.memory_space<vmem>> -> memref<1x128xi32, #tpu.memory_space<vmem>>
    %dma_start3A_95 = tpu.memref_squeeze %dma_start3A_94 : memref<1x128xi32, #tpu.memory_space<vmem>> -> memref<128xi32, #tpu.memory_space<vmem>>
    %dma_start3A_96 = arith.constant 0 : i32
    %dma_start3A_97 = arith.constant 0 : i32
    %dma_start3A_98 = tpu.memref_slice %arg16[%dma_start3A_96, %dma_start3A_97] : memref<10240x16xf32, #tpu.memory_space<vmem_shared>> -> memref<10240x16xf32, #tpu.memory_space<vmem_shared>>
    tpu.enqueue_indirect_dma source(%dma_start3A_98 : memref<10240x16xf32, #tpu.memory_space<vmem_shared>>) target(%dma_start3A_92 : memref<128x16xf32, #tpu.memory_space<vmem>>) offsets(%dma_start3A_95 : memref<128xi32, #tpu.memory_space<vmem>>) semaphore(%arg21 : memref<!tpu.dma_semaphore, #tpu.memory_space<semaphore_mem>>)
    %dma_start3A_99 = arith.constant 7 : i32
    %dma_start3A_100 = arith.constant 384 : i32
    %dma_start3A_101 = arith.constant 0 : i32
    %dma_start3A_102 = tpu.memref_slice %arg12[%dma_start3A_100, %dma_start3A_101] : memref<512x16xf32, #tpu.memory_space<vmem>> -> memref<128x16xf32, #tpu.memory_space<vmem>>
    %dma_start3A_103 = arith.constant 0 : i32
    %dma_start3A_104 = tpu.memref_slice %arg7[%dma_start3A_99, %dma_start3A_103] : memref<40x128xi32, #tpu.memory_space<vmem>> -> memref<1x128xi32, #tpu.memory_space<vmem>>
    %dma_start3A_105 = tpu.memref_squeeze %dma_start3A_104 : memref<1x128xi32, #tpu.memory_space<vmem>> -> memref<128xi32, #tpu.memory_space<vmem>>
    %dma_start3A_106 = arith.constant 0 : i32
    %dma_start3A_107 = arith.constant 0 : i32
    %dma_start3A_108 = tpu.memref_slice %arg16[%dma_start3A_106, %dma_start3A_107] : memref<10240x16xf32, #tpu.memory_space<vmem_shared>> -> memref<10240x16xf32, #tpu.memory_space<vmem_shared>>
    tpu.enqueue_indirect_dma source(%dma_start3A_108 : memref<10240x16xf32, #tpu.memory_space<vmem_shared>>) target(%dma_start3A_102 : memref<128x16xf32, #tpu.memory_space<vmem>>) offsets(%dma_start3A_105 : memref<128xi32, #tpu.memory_space<vmem>>) semaphore(%arg21 : memref<!tpu.dma_semaphore, #tpu.memory_space<semaphore_mem>>)
    %scan3A_109 = arith.constant 0 : i32
    %scan3A_110 = arith.constant 0 : i32
    %scan3A_111 = arith.constant 5 : i32
    %scan3A_112 = arith.addi %scan3A_110, %scan3A_111 : i32
    %scan3A_113 = arith.constant 1 : i32
    scf.for %scan3A_116 = %scan3A_110 to %scan3A_112 step %scan3A_113  : i32 {
      %mul3A_117 = arith.constant 2 : i32
      %mul3A_118 = arith.muli %mul3A_117, %scan3A_116 : i32
      %add3A_119 = arith.constant 0 : i32
      %add3A_120 = arith.addi %mul3A_118, %add3A_119 : i32
      %add3A_121 = arith.addi %mul3A_9, %add3A_120 : i32
      %dma_wait3A = arith.constant 0 : i32
      %dma_wait3A_122 = arith.constant 0 : i32
      %dma_wait3A_123 = tpu.memref_slice %arg2[%add3A_121, %dma_wait3A, %dma_wait3A_122] : memref<320x64x128xf32, #tpu.memory_space<hbm>> -> memref<1x64x128xf32, #tpu.memory_space<hbm>>
      %dma_wait3A_124 = tpu.memref_squeeze %dma_wait3A_123 : memref<1x64x128xf32, #tpu.memory_space<hbm>> -> memref<64x128xf32, #tpu.memory_space<hbm>>
      %dma_wait3A_125 = arith.constant 0 : i32
      %dma_wait3A_126 = arith.constant 0 : i32
      %dma_wait3A_127 = tpu.memref_slice %arg2[%add3A_121, %dma_wait3A_125, %dma_wait3A_126] : memref<320x64x128xf32, #tpu.memory_space<hbm>> -> memref<1x64x128xf32, #tpu.memory_space<hbm>>
      %dma_wait3A_128 = tpu.memref_squeeze %dma_wait3A_127 : memref<1x64x128xf32, #tpu.memory_space<hbm>> -> memref<64x128xf32, #tpu.memory_space<hbm>>
      tpu.wait_dma2 semaphore(%arg18 : memref<!tpu.dma_semaphore, #tpu.memory_space<semaphore_mem>>) src(%dma_wait3A_128 : memref<64x128xf32, #tpu.memory_space<hbm>>) dst(%arg9 : memref<64x128xf32, #tpu.memory_space<vmem>>)
      %mul3A_129 = arith.constant 4 : i32
      %mul3A_130 = arith.muli %mul3A_129, %add3A_120 : i32
      %add3A_131 = arith.constant 0 : i32
      %add3A_132 = arith.addi %mul3A_130, %add3A_131 : i32
      %dma_wait3A_133 = arith.constant 0 : i32
      %dma_wait3A_134 = arith.constant 0 : i32
      %dma_wait3A_135 = tpu.memref_slice %arg11[%dma_wait3A_133, %dma_wait3A_134] : memref<512x16xf32, #tpu.memory_space<vmem>> -> memref<128x16xf32, #tpu.memory_space<vmem>>
      %dma_wait3A_136 = arith.constant 0 : i32
      %dma_wait3A_137 = tpu.memref_slice %arg7[%add3A_132, %dma_wait3A_136] : memref<40x128xi32, #tpu.memory_space<vmem>> -> memref<1x128xi32, #tpu.memory_space<vmem>>
      %dma_wait3A_138 = tpu.memref_squeeze %dma_wait3A_137 : memref<1x128xi32, #tpu.memory_space<vmem>> -> memref<128xi32, #tpu.memory_space<vmem>>
      %dma_wait3A_139 = arith.constant 0 : i32
      %dma_wait3A_140 = arith.constant 0 : i32
      %dma_wait3A_141 = tpu.memref_slice %arg16[%dma_wait3A_139, %dma_wait3A_140] : memref<10240x16xf32, #tpu.memory_space<vmem_shared>> -> memref<10240x16xf32, #tpu.memory_space<vmem_shared>>
      tpu.wait_indirect_dma semaphore(%arg20 : memref<!tpu.dma_semaphore, #tpu.memory_space<semaphore_mem>>) src(%dma_wait3A_141 : memref<10240x16xf32, #tpu.memory_space<vmem_shared>>) dst(%dma_wait3A_135 : memref<128x16xf32, #tpu.memory_space<vmem>>)
      %mul3A_142 = arith.constant 4 : i32
      %mul3A_143 = arith.muli %mul3A_142, %add3A_120 : i32
      %add3A_144 = arith.constant 1 : i32
      %add3A_145 = arith.addi %mul3A_143, %add3A_144 : i32
      %dma_wait3A_146 = arith.constant 128 : i32
      %dma_wait3A_147 = arith.constant 0 : i32
      %dma_wait3A_148 = tpu.memref_slice %arg11[%dma_wait3A_146, %dma_wait3A_147] : memref<512x16xf32, #tpu.memory_space<vmem>> -> memref<128x16xf32, #tpu.memory_space<vmem>>
      %dma_wait3A_149 = arith.constant 0 : i32
      %dma_wait3A_150 = tpu.memref_slice %arg7[%add3A_145, %dma_wait3A_149] : memref<40x128xi32, #tpu.memory_space<vmem>> -> memref<1x128xi32, #tpu.memory_space<vmem>>
      %dma_wait3A_151 = tpu.memref_squeeze %dma_wait3A_150 : memref<1x128xi32, #tpu.memory_space<vmem>> -> memref<128xi32, #tpu.memory_space<vmem>>
      %dma_wait3A_152 = arith.constant 0 : i32
      %dma_wait3A_153 = arith.constant 0 : i32
      %dma_wait3A_154 = tpu.memref_slice %arg16[%dma_wait3A_152, %dma_wait3A_153] : memref<10240x16xf32, #tpu.memory_space<vmem_shared>> -> memref<10240x16xf32, #tpu.memory_space<vmem_shared>>
      tpu.wait_indirect_dma semaphore(%arg20 : memref<!tpu.dma_semaphore, #tpu.memory_space<semaphore_mem>>) src(%dma_wait3A_154 : memref<10240x16xf32, #tpu.memory_space<vmem_shared>>) dst(%dma_wait3A_148 : memref<128x16xf32, #tpu.memory_space<vmem>>)
      %mul3A_155 = arith.constant 4 : i32
      %mul3A_156 = arith.muli %mul3A_155, %add3A_120 : i32
      %add3A_157 = arith.constant 2 : i32
      %add3A_158 = arith.addi %mul3A_156, %add3A_157 : i32
      %dma_wait3A_159 = arith.constant 256 : i32
      %dma_wait3A_160 = arith.constant 0 : i32
      %dma_wait3A_161 = tpu.memref_slice %arg11[%dma_wait3A_159, %dma_wait3A_160] : memref<512x16xf32, #tpu.memory_space<vmem>> -> memref<128x16xf32, #tpu.memory_space<vmem>>
      %dma_wait3A_162 = arith.constant 0 : i32
      %dma_wait3A_163 = tpu.memref_slice %arg7[%add3A_158, %dma_wait3A_162] : memref<40x128xi32, #tpu.memory_space<vmem>> -> memref<1x128xi32, #tpu.memory_space<vmem>>
      %dma_wait3A_164 = tpu.memref_squeeze %dma_wait3A_163 : memref<1x128xi32, #tpu.memory_space<vmem>> -> memref<128xi32, #tpu.memory_space<vmem>>
      %dma_wait3A_165 = arith.constant 0 : i32
      %dma_wait3A_166 = arith.constant 0 : i32
      %dma_wait3A_167 = tpu.memref_slice %arg16[%dma_wait3A_165, %dma_wait3A_166] : memref<10240x16xf32, #tpu.memory_space<vmem_shared>> -> memref<10240x16xf32, #tpu.memory_space<vmem_shared>>
      tpu.wait_indirect_dma semaphore(%arg20 : memref<!tpu.dma_semaphore, #tpu.memory_space<semaphore_mem>>) src(%dma_wait3A_167 : memref<10240x16xf32, #tpu.memory_space<vmem_shared>>) dst(%dma_wait3A_161 : memref<128x16xf32, #tpu.memory_space<vmem>>)
      %mul3A_168 = arith.constant 4 : i32
      %mul3A_169 = arith.muli %mul3A_168, %add3A_120 : i32
      %add3A_170 = arith.constant 3 : i32
      %add3A_171 = arith.addi %mul3A_169, %add3A_170 : i32
      %dma_wait3A_172 = arith.constant 384 : i32
      %dma_wait3A_173 = arith.constant 0 : i32
      %dma_wait3A_174 = tpu.memref_slice %arg11[%dma_wait3A_172, %dma_wait3A_173] : memref<512x16xf32, #tpu.memory_space<vmem>> -> memref<128x16xf32, #tpu.memory_space<vmem>>
      %dma_wait3A_175 = arith.constant 0 : i32
      %dma_wait3A_176 = tpu.memref_slice %arg7[%add3A_171, %dma_wait3A_175] : memref<40x128xi32, #tpu.memory_space<vmem>> -> memref<1x128xi32, #tpu.memory_space<vmem>>
      %dma_wait3A_177 = tpu.memref_squeeze %dma_wait3A_176 : memref<1x128xi32, #tpu.memory_space<vmem>> -> memref<128xi32, #tpu.memory_space<vmem>>
      %dma_wait3A_178 = arith.constant 0 : i32
      %dma_wait3A_179 = arith.constant 0 : i32
      %dma_wait3A_180 = tpu.memref_slice %arg16[%dma_wait3A_178, %dma_wait3A_179] : memref<10240x16xf32, #tpu.memory_space<vmem_shared>> -> memref<10240x16xf32, #tpu.memory_space<vmem_shared>>
      tpu.wait_indirect_dma semaphore(%arg20 : memref<!tpu.dma_semaphore, #tpu.memory_space<semaphore_mem>>) src(%dma_wait3A_180 : memref<10240x16xf32, #tpu.memory_space<vmem_shared>>) dst(%dma_wait3A_174 : memref<128x16xf32, #tpu.memory_space<vmem>>)
      %scan3A_181 = arith.constant 0 : i32
      %scan3A_182 = arith.constant 0 : i32
      %scan3A_183 = arith.constant 64 : i32
      %scan3A_184 = arith.addi %scan3A_182, %scan3A_183 : i32
      %scan3A_185 = arith.constant 2 : i32
      scf.for %scan3A_301 = %scan3A_182 to %scan3A_184 step %scan3A_185  : i32 {
        %get3A = arith.index_cast %scan3A_301 : i32 to index
        %get3A_302 = arith.constant 0 : index
        %get3A_303 = tpu.vector_load %arg9[%get3A, %get3A_302] {strides = array<i32>} : memref<64x128xf32, #tpu.memory_space<vmem>>, vector<16xf32>,
        %add3A_304 = arith.constant 0 : i32
        %add3A_305 = arith.addi %add3A_304, %scan3A_301 : i32
        %get3A_306 = arith.index_cast %add3A_305 : i32 to index
        %get3A_307 = arith.constant 0 : index
        %get3A_308 = tpu.vector_load %arg11[%get3A_306, %get3A_307] {strides = array<i32>} : memref<512x16xf32, #tpu.memory_space<vmem>>, vector<16xf32>,
        %mul3A_309 = arith.mulf %get3A_303, %get3A_308 : vector<16xf32>
        %add3A_310 = arith.constant 0 : i32
        %add3A_311 = arith.addi %add3A_310, %scan3A_301 : i32
        %swap3A = arith.index_cast %add3A_311 : i32 to index
        %swap3A_312 = arith.constant 0 : index
        %swap3A_313 = tpu.vector_load %arg13[%swap3A, %swap3A_312] {strides = array<i32>} : memref<512x16xf32, #tpu.memory_space<vmem>>, vector<16xf32>,
        tpu.vector_store %arg13[%swap3A, %swap3A_312], %mul3A_309 {strides = array<i32>} : memref<512x16xf32, #tpu.memory_space<vmem>>, vector<16xf32>,
        %get3A_314 = arith.index_cast %scan3A_301 : i32 to index
        %get3A_315 = arith.constant 16 : index
        %get3A_316 = tpu.vector_load %arg9[%get3A_314, %get3A_315] {strides = array<i32>} : memref<64x128xf32, #tpu.memory_space<vmem>>, vector<16xf32>,
        %add3A_317 = arith.constant 64 : i32
        %add3A_318 = arith.addi %add3A_317, %scan3A_301 : i32
        %get3A_319 = arith.index_cast %add3A_318 : i32 to index
        %get3A_320 = arith.constant 0 : index
        %get3A_321 = tpu.vector_load %arg11[%get3A_319, %get3A_320] {strides = array<i32>} : memref<512x16xf32, #tpu.memory_space<vmem>>, vector<16xf32>,
        %mul3A_322 = arith.mulf %get3A_316, %get3A_321 : vector<16xf32>
        %add3A_323 = arith.constant 64 : i32
        %add3A_324 = arith.addi %add3A_323, %scan3A_301 : i32
        %swap3A_325 = arith.index_cast %add3A_324 : i32 to index
        %swap3A_326 = arith.constant 0 : index
        %swap3A_327 = tpu.vector_load %arg13[%swap3A_325, %swap3A_326] {strides = array<i32>} : memref<512x16xf32, #tpu.memory_space<vmem>>, vector<16xf32>,
        tpu.vector_store %arg13[%swap3A_325, %swap3A_326], %mul3A_322 {strides = array<i32>} : memref<512x16xf32, #tpu.memory_space<vmem>>, vector<16xf32>,
        %get3A_328 = arith.index_cast %scan3A_301 : i32 to index
        %get3A_329 = arith.constant 32 : index
        %get3A_330 = tpu.vector_load %arg9[%get3A_328, %get3A_329] {strides = array<i32>} : memref<64x128xf32, #tpu.memory_space<vmem>>, vector<16xf32>,
        %add3A_331 = arith.constant 128 : i32
        %add3A_332 = arith.addi %add3A_331, %scan3A_301 : i32
        %get3A_333 = arith.index_cast %add3A_332 : i32 to index
        %get3A_334 = arith.constant 0 : index
        %get3A_335 = tpu.vector_load %arg11[%get3A_333, %get3A_334] {strides = array<i32>} : memref<512x16xf32, #tpu.memory_space<vmem>>, vector<16xf32>,
        %mul3A_336 = arith.mulf %get3A_330, %get3A_335 : vector<16xf32>
        %add3A_337 = arith.constant 128 : i32
        %add3A_338 = arith.addi %add3A_337, %scan3A_301 : i32
        %swap3A_339 = arith.index_cast %add3A_338 : i32 to index
        %swap3A_340 = arith.constant 0 : index
        %swap3A_341 = tpu.vector_load %arg13[%swap3A_339, %swap3A_340] {strides = array<i32>} : memref<512x16xf32, #tpu.memory_space<vmem>>, vector<16xf32>,
        tpu.vector_store %arg13[%swap3A_339, %swap3A_340], %mul3A_336 {strides = array<i32>} : memref<512x16xf32, #tpu.memory_space<vmem>>, vector<16xf32>,
        %get3A_342 = arith.index_cast %scan3A_301 : i32 to index
        %get3A_343 = arith.constant 48 : index
        %get3A_344 = tpu.vector_load %arg9[%get3A_342, %get3A_343] {strides = array<i32>} : memref<64x128xf32, #tpu.memory_space<vmem>>, vector<16xf32>,
        %add3A_345 = arith.constant 192 : i32
        %add3A_346 = arith.addi %add3A_345, %scan3A_301 : i32
        %get3A_347 = arith.index_cast %add3A_346 : i32 to index
        %get3A_348 = arith.constant 0 : index
        %get3A_349 = tpu.vector_load %arg11[%get3A_347, %get3A_348] {strides = array<i32>} : memref<512x16xf32, #tpu.memory_space<vmem>>, vector<16xf32>,
        %mul3A_350 = arith.mulf %get3A_344, %get3A_349 : vector<16xf32>
        %add3A_351 = arith.constant 192 : i32
        %add3A_352 = arith.addi %add3A_351, %scan3A_301 : i32
        %swap3A_353 = arith.index_cast %add3A_352 : i32 to index
        %swap3A_354 = arith.constant 0 : index
        %swap3A_355 = tpu.vector_load %arg13[%swap3A_353, %swap3A_354] {strides = array<i32>} : memref<512x16xf32, #tpu.memory_space<vmem>>, vector<16xf32>,
        tpu.vector_store %arg13[%swap3A_353, %swap3A_354], %mul3A_350 {strides = array<i32>} : memref<512x16xf32, #tpu.memory_space<vmem>>, vector<16xf32>,
        %get3A_356 = arith.index_cast %scan3A_301 : i32 to index
        %get3A_357 = arith.constant 64 : index
        %get3A_358 = tpu.vector_load %arg9[%get3A_356, %get3A_357] {strides = array<i32>} : memref<64x128xf32, #tpu.memory_space<vmem>>, vector<16xf32>,
        %add3A_359 = arith.constant 256 : i32
        %add3A_360 = arith.addi %add3A_359, %scan3A_301 : i32
        %get3A_361 = arith.index_cast %add3A_360 : i32 to index
        %get3A_362 = arith.constant 0 : index
        %get3A_363 = tpu.vector_load %arg11[%get3A_361, %get3A_362] {strides = array<i32>} : memref<512x16xf32, #tpu.memory_space<vmem>>, vector<16xf32>,
        %mul3A_364 = arith.mulf %get3A_358, %get3A_363 : vector<16xf32>
        %add3A_365 = arith.constant 256 : i32
        %add3A_366 = arith.addi %add3A_365, %scan3A_301 : i32
        %swap3A_367 = arith.index_cast %add3A_366 : i32 to index
        %swap3A_368 = arith.constant 0 : index
        %swap3A_369 = tpu.vector_load %arg13[%swap3A_367, %swap3A_368] {strides = array<i32>} : memref<512x16xf32, #tpu.memory_space<vmem>>, vector<16xf32>,
        tpu.vector_store %arg13[%swap3A_367, %swap3A_368], %mul3A_364 {strides = array<i32>} : memref<512x16xf32, #tpu.memory_space<vmem>>, vector<16xf32>,
        %get3A_370 = arith.index_cast %scan3A_301 : i32 to index
        %get3A_371 = arith.constant 80 : index
        %get3A_372 = tpu.vector_load %arg9[%get3A_370, %get3A_371] {strides = array<i32>} : memref<64x128xf32, #tpu.memory_space<vmem>>, vector<16xf32>,
        %add3A_373 = arith.constant 320 : i32
        %add3A_374 = arith.addi %add3A_373, %scan3A_301 : i32
        %get3A_375 = arith.index_cast %add3A_374 : i32 to index
        %get3A_376 = arith.constant 0 : index
        %get3A_377 = tpu.vector_load %arg11[%get3A_375, %get3A_376] {strides = array<i32>} : memref<512x16xf32, #tpu.memory_space<vmem>>, vector<16xf32>,
        %mul3A_378 = arith.mulf %get3A_372, %get3A_377 : vector<16xf32>
        %add3A_379 = arith.constant 320 : i32
        %add3A_380 = arith.addi %add3A_379, %scan3A_301 : i32
        %swap3A_381 = arith.index_cast %add3A_380 : i32 to index
        %swap3A_382 = arith.constant 0 : index
        %swap3A_383 = tpu.vector_load %arg13[%swap3A_381, %swap3A_382] {strides = array<i32>} : memref<512x16xf32, #tpu.memory_space<vmem>>, vector<16xf32>,
        tpu.vector_store %arg13[%swap3A_381, %swap3A_382], %mul3A_378 {strides = array<i32>} : memref<512x16xf32, #tpu.memory_space<vmem>>, vector<16xf32>,
        %get3A_384 = arith.index_cast %scan3A_301 : i32 to index
        %get3A_385 = arith.constant 96 : index
        %get3A_386 = tpu.vector_load %arg9[%get3A_384, %get3A_385] {strides = array<i32>} : memref<64x128xf32, #tpu.memory_space<vmem>>, vector<16xf32>,
        %add3A_387 = arith.constant 384 : i32
        %add3A_388 = arith.addi %add3A_387, %scan3A_301 : i32
        %get3A_389 = arith.index_cast %add3A_388 : i32 to index
        %get3A_390 = arith.constant 0 : index
        %get3A_391 = tpu.vector_load %arg11[%get3A_389, %get3A_390] {strides = array<i32>} : memref<512x16xf32, #tpu.memory_space<vmem>>, vector<16xf32>,
        %mul3A_392 = arith.mulf %get3A_386, %get3A_391 : vector<16xf32>
        %add3A_393 = arith.constant 384 : i32
        %add3A_394 = arith.addi %add3A_393, %scan3A_301 : i32
        %swap3A_395 = arith.index_cast %add3A_394 : i32 to index
        %swap3A_396 = arith.constant 0 : index
        %swap3A_397 = tpu.vector_load %arg13[%swap3A_395, %swap3A_396] {strides = array<i32>} : memref<512x16xf32, #tpu.memory_space<vmem>>, vector<16xf32>,
        tpu.vector_store %arg13[%swap3A_395, %swap3A_396], %mul3A_392 {strides = array<i32>} : memref<512x16xf32, #tpu.memory_space<vmem>>, vector<16xf32>,
        %get3A_398 = arith.index_cast %scan3A_301 : i32 to index
        %get3A_399 = arith.constant 112 : index
        %get3A_400 = tpu.vector_load %arg9[%get3A_398, %get3A_399] {strides = array<i32>} : memref<64x128xf32, #tpu.memory_space<vmem>>, vector<16xf32>,
        %add3A_401 = arith.constant 448 : i32
        %add3A_402 = arith.addi %add3A_401, %scan3A_301 : i32
        %get3A_403 = arith.index_cast %add3A_402 : i32 to index
        %get3A_404 = arith.constant 0 : index
        %get3A_405 = tpu.vector_load %arg11[%get3A_403, %get3A_404] {strides = array<i32>} : memref<512x16xf32, #tpu.memory_space<vmem>>, vector<16xf32>,
        %mul3A_406 = arith.mulf %get3A_400, %get3A_405 : vector<16xf32>
        %add3A_407 = arith.constant 448 : i32
        %add3A_408 = arith.addi %add3A_407, %scan3A_301 : i32
        %swap3A_409 = arith.index_cast %add3A_408 : i32 to index
        %swap3A_410 = arith.constant 0 : index
        %swap3A_411 = tpu.vector_load %arg13[%swap3A_409, %swap3A_410] {strides = array<i32>} : memref<512x16xf32, #tpu.memory_space<vmem>>, vector<16xf32>,
        tpu.vector_store %arg13[%swap3A_409, %swap3A_410], %mul3A_406 {strides = array<i32>} : memref<512x16xf32, #tpu.memory_space<vmem>>, vector<16xf32>,
        %scan3A_412 = arith.constant 1 : i32
        %scan3A_413 = arith.addi %scan3A_301, %scan3A_412 : i32
        %get3A_414 = arith.index_cast %scan3A_413 : i32 to index
        %get3A_415 = arith.constant 0 : index
        %get3A_416 = tpu.vector_load %arg9[%get3A_414, %get3A_415] {strides = array<i32>} : memref<64x128xf32, #tpu.memory_space<vmem>>, vector<16xf32>,
        %add3A_417 = arith.constant 0 : i32
        %add3A_418 = arith.addi %add3A_417, %scan3A_413 : i32
        %get3A_419 = arith.index_cast %add3A_418 : i32 to index
        %get3A_420 = arith.constant 0 : index
        %get3A_421 = tpu.vector_load %arg11[%get3A_419, %get3A_420] {strides = array<i32>} : memref<512x16xf32, #tpu.memory_space<vmem>>, vector<16xf32>,
        %mul3A_422 = arith.mulf %get3A_416, %get3A_421 : vector<16xf32>
        %add3A_423 = arith.constant 0 : i32
        %add3A_424 = arith.addi %add3A_423, %scan3A_413 : i32
        %swap3A_425 = arith.index_cast %add3A_424 : i32 to index
        %swap3A_426 = arith.constant 0 : index
        %swap3A_427 = tpu.vector_load %arg13[%swap3A_425, %swap3A_426] {strides = array<i32>} : memref<512x16xf32, #tpu.memory_space<vmem>>, vector<16xf32>,
        tpu.vector_store %arg13[%swap3A_425, %swap3A_426], %mul3A_422 {strides = array<i32>} : memref<512x16xf32, #tpu.memory_space<vmem>>, vector<16xf32>,
        %get3A_428 = arith.index_cast %scan3A_413 : i32 to index
        %get3A_429 = arith.constant 16 : index
        %get3A_430 = tpu.vector_load %arg9[%get3A_428, %get3A_429] {strides = array<i32>} : memref<64x128xf32, #tpu.memory_space<vmem>>, vector<16xf32>,
        %add3A_431 = arith.constant 64 : i32
        %add3A_432 = arith.addi %add3A_431, %scan3A_413 : i32
        %get3A_433 = arith.index_cast %add3A_432 : i32 to index
        %get3A_434 = arith.constant 0 : index
        %get3A_435 = tpu.vector_load %arg11[%get3A_433, %get3A_434] {strides = array<i32>} : memref<512x16xf32, #tpu.memory_space<vmem>>, vector<16xf32>,
        %mul3A_436 = arith.mulf %get3A_430, %get3A_435 : vector<16xf32>
        %add3A_437 = arith.constant 64 : i32
        %add3A_438 = arith.addi %add3A_437, %scan3A_413 : i32
        %swap3A_439 = arith.index_cast %add3A_438 : i32 to index
        %swap3A_440 = arith.constant 0 : index
        %swap3A_441 = tpu.vector_load %arg13[%swap3A_439, %swap3A_440] {strides = array<i32>} : memref<512x16xf32, #tpu.memory_space<vmem>>, vector<16xf32>,
        tpu.vector_store %arg13[%swap3A_439, %swap3A_440], %mul3A_436 {strides = array<i32>} : memref<512x16xf32, #tpu.memory_space<vmem>>, vector<16xf32>,
        %get3A_442 = arith.index_cast %scan3A_413 : i32 to index
        %get3A_443 = arith.constant 32 : index
        %get3A_444 = tpu.vector_load %arg9[%get3A_442, %get3A_443] {strides = array<i32>} : memref<64x128xf32, #tpu.memory_space<vmem>>, vector<16xf32>,
        %add3A_445 = arith.constant 128 : i32
        %add3A_446 = arith.addi %add3A_445, %scan3A_413 : i32
        %get3A_447 = arith.index_cast %add3A_446 : i32 to index
        %get3A_448 = arith.constant 0 : index
        %get3A_449 = tpu.vector_load %arg11[%get3A_447, %get3A_448] {strides = array<i32>} : memref<512x16xf32, #tpu.memory_space<vmem>>, vector<16xf32>,
        %mul3A_450 = arith.mulf %get3A_444, %get3A_449 : vector<16xf32>
        %add3A_451 = arith.constant 128 : i32
        %add3A_452 = arith.addi %add3A_451, %scan3A_413 : i32
        %swap3A_453 = arith.index_cast %add3A_452 : i32 to index
        %swap3A_454 = arith.constant 0 : index
        %swap3A_455 = tpu.vector_load %arg13[%swap3A_453, %swap3A_454] {strides = array<i32>} : memref<512x16xf32, #tpu.memory_space<vmem>>, vector<16xf32>,
        tpu.vector_store %arg13[%swap3A_453, %swap3A_454], %mul3A_450 {strides = array<i32>} : memref<512x16xf32, #tpu.memory_space<vmem>>, vector<16xf32>,
        %get3A_456 = arith.index_cast %scan3A_413 : i32 to index
        %get3A_457 = arith.constant 48 : index
        %get3A_458 = tpu.vector_load %arg9[%get3A_456, %get3A_457] {strides = array<i32>} : memref<64x128xf32, #tpu.memory_space<vmem>>, vector<16xf32>,
        %add3A_459 = arith.constant 192 : i32
        %add3A_460 = arith.addi %add3A_459, %scan3A_413 : i32
        %get3A_461 = arith.index_cast %add3A_460 : i32 to index
        %get3A_462 = arith.constant 0 : index
        %get3A_463 = tpu.vector_load %arg11[%get3A_461, %get3A_462] {strides = array<i32>} : memref<512x16xf32, #tpu.memory_space<vmem>>, vector<16xf32>,
        %mul3A_464 = arith.mulf %get3A_458, %get3A_463 : vector<16xf32>
        %add3A_465 = arith.constant 192 : i32
        %add3A_466 = arith.addi %add3A_465, %scan3A_413 : i32
        %swap3A_467 = arith.index_cast %add3A_466 : i32 to index
        %swap3A_468 = arith.constant 0 : index
        %swap3A_469 = tpu.vector_load %arg13[%swap3A_467, %swap3A_468] {strides = array<i32>} : memref<512x16xf32, #tpu.memory_space<vmem>>, vector<16xf32>,
        tpu.vector_store %arg13[%swap3A_467, %swap3A_468], %mul3A_464 {strides = array<i32>} : memref<512x16xf32, #tpu.memory_space<vmem>>, vector<16xf32>,
        %get3A_470 = arith.index_cast %scan3A_413 : i32 to index
        %get3A_471 = arith.constant 64 : index
        %get3A_472 = tpu.vector_load %arg9[%get3A_470, %get3A_471] {strides = array<i32>} : memref<64x128xf32, #tpu.memory_space<vmem>>, vector<16xf32>,
        %add3A_473 = arith.constant 256 : i32
        %add3A_474 = arith.addi %add3A_473, %scan3A_413 : i32
        %get3A_475 = arith.index_cast %add3A_474 : i32 to index
        %get3A_476 = arith.constant 0 : index
        %get3A_477 = tpu.vector_load %arg11[%get3A_475, %get3A_476] {strides = array<i32>} : memref<512x16xf32, #tpu.memory_space<vmem>>, vector<16xf32>,
        %mul3A_478 = arith.mulf %get3A_472, %get3A_477 : vector<16xf32>
        %add3A_479 = arith.constant 256 : i32
        %add3A_480 = arith.addi %add3A_479, %scan3A_413 : i32
        %swap3A_481 = arith.index_cast %add3A_480 : i32 to index
        %swap3A_482 = arith.constant 0 : index
        %swap3A_483 = tpu.vector_load %arg13[%swap3A_481, %swap3A_482] {strides = array<i32>} : memref<512x16xf32, #tpu.memory_space<vmem>>, vector<16xf32>,
        tpu.vector_store %arg13[%swap3A_481, %swap3A_482], %mul3A_478 {strides = array<i32>} : memref<512x16xf32, #tpu.memory_space<vmem>>, vector<16xf32>,
        %get3A_484 = arith.index_cast %scan3A_413 : i32 to index
        %get3A_485 = arith.constant 80 : index
        %get3A_486 = tpu.vector_load %arg9[%get3A_484, %get3A_485] {strides = array<i32>} : memref<64x128xf32, #tpu.memory_space<vmem>>, vector<16xf32>,
        %add3A_487 = arith.constant 320 : i32
        %add3A_488 = arith.addi %add3A_487, %scan3A_413 : i32
        %get3A_489 = arith.index_cast %add3A_488 : i32 to index
        %get3A_490 = arith.constant 0 : index
        %get3A_491 = tpu.vector_load %arg11[%get3A_489, %get3A_490] {strides = array<i32>} : memref<512x16xf32, #tpu.memory_space<vmem>>, vector<16xf32>,
        %mul3A_492 = arith.mulf %get3A_486, %get3A_491 : vector<16xf32>
        %add3A_493 = arith.constant 320 : i32
        %add3A_494 = arith.addi %add3A_493, %scan3A_413 : i32
        %swap3A_495 = arith.index_cast %add3A_494 : i32 to index
        %swap3A_496 = arith.constant 0 : index
        %swap3A_497 = tpu.vector_load %arg13[%swap3A_495, %swap3A_496] {strides = array<i32>} : memref<512x16xf32, #tpu.memory_space<vmem>>, vector<16xf32>,
        tpu.vector_store %arg13[%swap3A_495, %swap3A_496], %mul3A_492 {strides = array<i32>} : memref<512x16xf32, #tpu.memory_space<vmem>>, vector<16xf32>,
        %get3A_498 = arith.index_cast %scan3A_413 : i32 to index
        %get3A_499 = arith.constant 96 : index
        %get3A_500 = tpu.vector_load %arg9[%get3A_498, %get3A_499] {strides = array<i32>} : memref<64x128xf32, #tpu.memory_space<vmem>>, vector<16xf32>,
        %add3A_501 = arith.constant 384 : i32
        %add3A_502 = arith.addi %add3A_501, %scan3A_413 : i32
        %get3A_503 = arith.index_cast %add3A_502 : i32 to index
        %get3A_504 = arith.constant 0 : index
        %get3A_505 = tpu.vector_load %arg11[%get3A_503, %get3A_504] {strides = array<i32>} : memref<512x16xf32, #tpu.memory_space<vmem>>, vector<16xf32>,
        %mul3A_506 = arith.mulf %get3A_500, %get3A_505 : vector<16xf32>
        %add3A_507 = arith.constant 384 : i32
        %add3A_508 = arith.addi %add3A_507, %scan3A_413 : i32
        %swap3A_509 = arith.index_cast %add3A_508 : i32 to index
        %swap3A_510 = arith.constant 0 : index
        %swap3A_511 = tpu.vector_load %arg13[%swap3A_509, %swap3A_510] {strides = array<i32>} : memref<512x16xf32, #tpu.memory_space<vmem>>, vector<16xf32>,
        tpu.vector_store %arg13[%swap3A_509, %swap3A_510], %mul3A_506 {strides = array<i32>} : memref<512x16xf32, #tpu.memory_space<vmem>>, vector<16xf32>,
        %get3A_512 = arith.index_cast %scan3A_413 : i32 to index
        %get3A_513 = arith.constant 112 : index
        %get3A_514 = tpu.vector_load %arg9[%get3A_512, %get3A_513] {strides = array<i32>} : memref<64x128xf32, #tpu.memory_space<vmem>>, vector<16xf32>,
        %add3A_515 = arith.constant 448 : i32
        %add3A_516 = arith.addi %add3A_515, %scan3A_413 : i32
        %get3A_517 = arith.index_cast %add3A_516 : i32 to index
        %get3A_518 = arith.constant 0 : index
        %get3A_519 = tpu.vector_load %arg11[%get3A_517, %get3A_518] {strides = array<i32>} : memref<512x16xf32, #tpu.memory_space<vmem>>, vector<16xf32>,
        %mul3A_520 = arith.mulf %get3A_514, %get3A_519 : vector<16xf32>
        %add3A_521 = arith.constant 448 : i32
        %add3A_522 = arith.addi %add3A_521, %scan3A_413 : i32
        %swap3A_523 = arith.index_cast %add3A_522 : i32 to index
        %swap3A_524 = arith.constant 0 : index
        %swap3A_525 = tpu.vector_load %arg13[%swap3A_523, %swap3A_524] {strides = array<i32>} : memref<512x16xf32, #tpu.memory_space<vmem>>, vector<16xf32>,
        tpu.vector_store %arg13[%swap3A_523, %swap3A_524], %mul3A_520 {strides = array<i32>} : memref<512x16xf32, #tpu.memory_space<vmem>>, vector<16xf32>,
      }
      %scan3A_186 = arith.constant 64 : i32
      %mul3A_187 = arith.constant 4 : i32
      %mul3A_188 = arith.muli %mul3A_187, %add3A_120 : i32
      %add3A_189 = arith.constant 0 : i32
      %add3A_190 = arith.addi %mul3A_188, %add3A_189 : i32
      "tpu.region"() ({
        %run_scoped3A = tpu.sem_alloc : memref<!tpu.dma_semaphore, #tpu.memory_space<semaphore_mem>>
        %dma_start3A_301 = arith.constant 0 : i32
        %dma_start3A_302 = arith.constant 0 : i32
        %dma_start3A_303 = tpu.memref_slice %arg13[%dma_start3A_301, %dma_start3A_302] : memref<512x16xf32, #tpu.memory_space<vmem>> -> memref<128x16xf32, #tpu.memory_space<vmem>>
        %dma_start3A_304 = arith.constant 0 : i32
        %dma_start3A_305 = tpu.memref_slice %arg8[%add3A_190, %dma_start3A_304] : memref<40x128xi32, #tpu.memory_space<vmem>> -> memref<1x128xi32, #tpu.memory_space<vmem>>
        %dma_start3A_306 = tpu.memref_squeeze %dma_start3A_305 : memref<1x128xi32, #tpu.memory_space<vmem>> -> memref<128xi32, #tpu.memory_space<vmem>>
        %dma_start3A_307 = arith.constant 0 : i32
        %dma_start3A_308 = arith.constant 0 : i32
        %dma_start3A_309 = tpu.memref_slice %arg17[%dma_start3A_307, %dma_start3A_308] : memref<10240x16xf32, #tpu.memory_space<vmem_shared>> -> memref<10240x16xf32, #tpu.memory_space<vmem_shared>>
        tpu.enqueue_indirect_dma source(%dma_start3A_303 : memref<128x16xf32, #tpu.memory_space<vmem>>) target(%dma_start3A_309 : memref<10240x16xf32, #tpu.memory_space<vmem_shared>>) offsets(%dma_start3A_306 : memref<128xi32, #tpu.memory_space<vmem>>) semaphore(%run_scoped3A : memref<!tpu.dma_semaphore, #tpu.memory_space<semaphore_mem>>) {add = true}
        %dma_wait3A_310 = arith.constant 0 : i32
        %dma_wait3A_311 = arith.constant 0 : i32
        %dma_wait3A_312 = tpu.memref_slice %arg13[%dma_wait3A_310, %dma_wait3A_311] : memref<512x16xf32, #tpu.memory_space<vmem>> -> memref<128x16xf32, #tpu.memory_space<vmem>>
        %dma_wait3A_313 = arith.constant 0 : i32
        %dma_wait3A_314 = tpu.memref_slice %arg8[%add3A_190, %dma_wait3A_313] : memref<40x128xi32, #tpu.memory_space<vmem>> -> memref<1x128xi32, #tpu.memory_space<vmem>>
        %dma_wait3A_315 = tpu.memref_squeeze %dma_wait3A_314 : memref<1x128xi32, #tpu.memory_space<vmem>> -> memref<128xi32, #tpu.memory_space<vmem>>
        %dma_wait3A_316 = arith.constant 0 : i32
        %dma_wait3A_317 = arith.constant 0 : i32
        %dma_wait3A_318 = tpu.memref_slice %arg17[%dma_wait3A_316, %dma_wait3A_317] : memref<10240x16xf32, #tpu.memory_space<vmem_shared>> -> memref<10240x16xf32, #tpu.memory_space<vmem_shared>>
        tpu.wait_indirect_dma semaphore(%run_scoped3A : memref<!tpu.dma_semaphore, #tpu.memory_space<semaphore_mem>>) src(%dma_wait3A_312 : memref<128x16xf32, #tpu.memory_space<vmem>>) dst(%dma_wait3A_318 : memref<10240x16xf32, #tpu.memory_space<vmem_shared>>)
        tpu.yield
      }) : () -> ()
      %mul3A_191 = arith.constant 4 : i32
      %mul3A_192 = arith.muli %mul3A_191, %add3A_120 : i32
      %add3A_193 = arith.constant 1 : i32
      %add3A_194 = arith.addi %mul3A_192, %add3A_193 : i32
      "tpu.region"() ({
        %run_scoped3A = tpu.sem_alloc : memref<!tpu.dma_semaphore, #tpu.memory_space<semaphore_mem>>
        %dma_start3A_301 = arith.constant 128 : i32
        %dma_start3A_302 = arith.constant 0 : i32
        %dma_start3A_303 = tpu.memref_slice %arg13[%dma_start3A_301, %dma_start3A_302] : memref<512x16xf32, #tpu.memory_space<vmem>> -> memref<128x16xf32, #tpu.memory_space<vmem>>
        %dma_start3A_304 = arith.constant 0 : i32
        %dma_start3A_305 = tpu.memref_slice %arg8[%add3A_194, %dma_start3A_304] : memref<40x128xi32, #tpu.memory_space<vmem>> -> memref<1x128xi32, #tpu.memory_space<vmem>>
        %dma_start3A_306 = tpu.memref_squeeze %dma_start3A_305 : memref<1x128xi32, #tpu.memory_space<vmem>> -> memref<128xi32, #tpu.memory_space<vmem>>
        %dma_start3A_307 = arith.constant 0 : i32
        %dma_start3A_308 = arith.constant 0 : i32
        %dma_start3A_309 = tpu.memref_slice %arg17[%dma_start3A_307, %dma_start3A_308] : memref<10240x16xf32, #tpu.memory_space<vmem_shared>> -> memref<10240x16xf32, #tpu.memory_space<vmem_shared>>
        tpu.enqueue_indirect_dma source(%dma_start3A_303 : memref<128x16xf32, #tpu.memory_space<vmem>>) target(%dma_start3A_309 : memref<10240x16xf32, #tpu.memory_space<vmem_shared>>) offsets(%dma_start3A_306 : memref<128xi32, #tpu.memory_space<vmem>>) semaphore(%run_scoped3A : memref<!tpu.dma_semaphore, #tpu.memory_space<semaphore_mem>>) {add = true}
        %dma_wait3A_310 = arith.constant 128 : i32
        %dma_wait3A_311 = arith.constant 0 : i32
        %dma_wait3A_312 = tpu.memref_slice %arg13[%dma_wait3A_310, %dma_wait3A_311] : memref<512x16xf32, #tpu.memory_space<vmem>> -> memref<128x16xf32, #tpu.memory_space<vmem>>
        %dma_wait3A_313 = arith.constant 0 : i32
        %dma_wait3A_314 = tpu.memref_slice %arg8[%add3A_194, %dma_wait3A_313] : memref<40x128xi32, #tpu.memory_space<vmem>> -> memref<1x128xi32, #tpu.memory_space<vmem>>
        %dma_wait3A_315 = tpu.memref_squeeze %dma_wait3A_314 : memref<1x128xi32, #tpu.memory_space<vmem>> -> memref<128xi32, #tpu.memory_space<vmem>>
        %dma_wait3A_316 = arith.constant 0 : i32
        %dma_wait3A_317 = arith.constant 0 : i32
        %dma_wait3A_318 = tpu.memref_slice %arg17[%dma_wait3A_316, %dma_wait3A_317] : memref<10240x16xf32, #tpu.memory_space<vmem_shared>> -> memref<10240x16xf32, #tpu.memory_space<vmem_shared>>
        tpu.wait_indirect_dma semaphore(%run_scoped3A : memref<!tpu.dma_semaphore, #tpu.memory_space<semaphore_mem>>) src(%dma_wait3A_312 : memref<128x16xf32, #tpu.memory_space<vmem>>) dst(%dma_wait3A_318 : memref<10240x16xf32, #tpu.memory_space<vmem_shared>>)
        tpu.yield
      }) : () -> ()
      %mul3A_195 = arith.constant 4 : i32
      %mul3A_196 = arith.muli %mul3A_195, %add3A_120 : i32
      %add3A_197 = arith.constant 2 : i32
      %add3A_198 = arith.addi %mul3A_196, %add3A_197 : i32
      "tpu.region"() ({
        %run_scoped3A = tpu.sem_alloc : memref<!tpu.dma_semaphore, #tpu.memory_space<semaphore_mem>>
        %dma_start3A_301 = arith.constant 256 : i32
        %dma_start3A_302 = arith.constant 0 : i32
        %dma_start3A_303 = tpu.memref_slice %arg13[%dma_start3A_301, %dma_start3A_302] : memref<512x16xf32, #tpu.memory_space<vmem>> -> memref<128x16xf32, #tpu.memory_space<vmem>>
        %dma_start3A_304 = arith.constant 0 : i32
        %dma_start3A_305 = tpu.memref_slice %arg8[%add3A_198, %dma_start3A_304] : memref<40x128xi32, #tpu.memory_space<vmem>> -> memref<1x128xi32, #tpu.memory_space<vmem>>
        %dma_start3A_306 = tpu.memref_squeeze %dma_start3A_305 : memref<1x128xi32, #tpu.memory_space<vmem>> -> memref<128xi32, #tpu.memory_space<vmem>>
        %dma_start3A_307 = arith.constant 0 : i32
        %dma_start3A_308 = arith.constant 0 : i32
        %dma_start3A_309 = tpu.memref_slice %arg17[%dma_start3A_307, %dma_start3A_308] : memref<10240x16xf32, #tpu.memory_space<vmem_shared>> -> memref<10240x16xf32, #tpu.memory_space<vmem_shared>>
        tpu.enqueue_indirect_dma source(%dma_start3A_303 : memref<128x16xf32, #tpu.memory_space<vmem>>) target(%dma_start3A_309 : memref<10240x16xf32, #tpu.memory_space<vmem_shared>>) offsets(%dma_start3A_306 : memref<128xi32, #tpu.memory_space<vmem>>) semaphore(%run_scoped3A : memref<!tpu.dma_semaphore, #tpu.memory_space<semaphore_mem>>) {add = true}
        %dma_wait3A_310 = arith.constant 256 : i32
        %dma_wait3A_311 = arith.constant 0 : i32
        %dma_wait3A_312 = tpu.memref_slice %arg13[%dma_wait3A_310, %dma_wait3A_311] : memref<512x16xf32, #tpu.memory_space<vmem>> -> memref<128x16xf32, #tpu.memory_space<vmem>>
        %dma_wait3A_313 = arith.constant 0 : i32
        %dma_wait3A_314 = tpu.memref_slice %arg8[%add3A_198, %dma_wait3A_313] : memref<40x128xi32, #tpu.memory_space<vmem>> -> memref<1x128xi32, #tpu.memory_space<vmem>>
        %dma_wait3A_315 = tpu.memref_squeeze %dma_wait3A_314 : memref<1x128xi32, #tpu.memory_space<vmem>> -> memref<128xi32, #tpu.memory_space<vmem>>
        %dma_wait3A_316 = arith.constant 0 : i32
        %dma_wait3A_317 = arith.constant 0 : i32
        %dma_wait3A_318 = tpu.memref_slice %arg17[%dma_wait3A_316, %dma_wait3A_317] : memref<10240x16xf32, #tpu.memory_space<vmem_shared>> -> memref<10240x16xf32, #tpu.memory_space<vmem_shared>>
        tpu.wait_indirect_dma semaphore(%run_scoped3A : memref<!tpu.dma_semaphore, #tpu.memory_space<semaphore_mem>>) src(%dma_wait3A_312 : memref<128x16xf32, #tpu.memory_space<vmem>>) dst(%dma_wait3A_318 : memref<10240x16xf32, #tpu.memory_space<vmem_shared>>)
        tpu.yield
      }) : () -> ()
      %mul3A_199 = arith.constant 4 : i32
      %mul3A_200 = arith.muli %mul3A_199, %add3A_120 : i32
      %add3A_201 = arith.constant 3 : i32
      %add3A_202 = arith.addi %mul3A_200, %add3A_201 : i32
      "tpu.region"() ({
        %run_scoped3A = tpu.sem_alloc : memref<!tpu.dma_semaphore, #tpu.memory_space<semaphore_mem>>
        %dma_start3A_301 = arith.constant 384 : i32
        %dma_start3A_302 = arith.constant 0 : i32
        %dma_start3A_303 = tpu.memref_slice %arg13[%dma_start3A_301, %dma_start3A_302] : memref<512x16xf32, #tpu.memory_space<vmem>> -> memref<128x16xf32, #tpu.memory_space<vmem>>
        %dma_start3A_304 = arith.constant 0 : i32
        %dma_start3A_305 = tpu.memref_slice %arg8[%add3A_202, %dma_start3A_304] : memref<40x128xi32, #tpu.memory_space<vmem>> -> memref<1x128xi32, #tpu.memory_space<vmem>>
        %dma_start3A_306 = tpu.memref_squeeze %dma_start3A_305 : memref<1x128xi32, #tpu.memory_space<vmem>> -> memref<128xi32, #tpu.memory_space<vmem>>
        %dma_start3A_307 = arith.constant 0 : i32
        %dma_start3A_308 = arith.constant 0 : i32
        %dma_start3A_309 = tpu.memref_slice %arg17[%dma_start3A_307, %dma_start3A_308] : memref<10240x16xf32, #tpu.memory_space<vmem_shared>> -> memref<10240x16xf32, #tpu.memory_space<vmem_shared>>
        tpu.enqueue_indirect_dma source(%dma_start3A_303 : memref<128x16xf32, #tpu.memory_space<vmem>>) target(%dma_start3A_309 : memref<10240x16xf32, #tpu.memory_space<vmem_shared>>) offsets(%dma_start3A_306 : memref<128xi32, #tpu.memory_space<vmem>>) semaphore(%run_scoped3A : memref<!tpu.dma_semaphore, #tpu.memory_space<semaphore_mem>>) {add = true}
        %dma_wait3A_310 = arith.constant 384 : i32
        %dma_wait3A_311 = arith.constant 0 : i32
        %dma_wait3A_312 = tpu.memref_slice %arg13[%dma_wait3A_310, %dma_wait3A_311] : memref<512x16xf32, #tpu.memory_space<vmem>> -> memref<128x16xf32, #tpu.memory_space<vmem>>
        %dma_wait3A_313 = arith.constant 0 : i32
        %dma_wait3A_314 = tpu.memref_slice %arg8[%add3A_202, %dma_wait3A_313] : memref<40x128xi32, #tpu.memory_space<vmem>> -> memref<1x128xi32, #tpu.memory_space<vmem>>
        %dma_wait3A_315 = tpu.memref_squeeze %dma_wait3A_314 : memref<1x128xi32, #tpu.memory_space<vmem>> -> memref<128xi32, #tpu.memory_space<vmem>>
        %dma_wait3A_316 = arith.constant 0 : i32
        %dma_wait3A_317 = arith.constant 0 : i32
        %dma_wait3A_318 = tpu.memref_slice %arg17[%dma_wait3A_316, %dma_wait3A_317] : memref<10240x16xf32, #tpu.memory_space<vmem_shared>> -> memref<10240x16xf32, #tpu.memory_space<vmem_shared>>
        tpu.wait_indirect_dma semaphore(%run_scoped3A : memref<!tpu.dma_semaphore, #tpu.memory_space<semaphore_mem>>) src(%dma_wait3A_312 : memref<128x16xf32, #tpu.memory_space<vmem>>) dst(%dma_wait3A_318 : memref<10240x16xf32, #tpu.memory_space<vmem_shared>>)
        tpu.yield
      }) : () -> ()
      %add3A_203 = arith.constant 2 : i32
      %add3A_204 = arith.addi %add3A_120, %add3A_203 : i32
      %lt3A = arith.constant 10 : i32
      %lt3A_205 = arith.cmpi slt, %add3A_204, %lt3A : i32
      %convert_element_type3A = arith.extui %lt3A_205 : i1 to i32
      %cond3A = arith.constant 0 : i32
      %cond3A_206 = arith.cmpi ne, %convert_element_type3A, %cond3A : i32
      scf.if %cond3A_206 {
        %add3A_301 = arith.constant 2 : i32
        %add3A_302 = arith.addi %add3A_120, %add3A_301 : i32
        %add3A_303 = arith.addi %mul3A_9, %add3A_302 : i32
        %dma_start3A_304 = arith.constant 0 : i32
        %dma_start3A_305 = arith.constant 0 : i32
        %dma_start3A_306 = tpu.memref_slice %arg2[%add3A_303, %dma_start3A_304, %dma_start3A_305] : memref<320x64x128xf32, #tpu.memory_space<hbm>> -> memref<1x64x128xf32, #tpu.memory_space<hbm>>
        %dma_start3A_307 = tpu.memref_squeeze %dma_start3A_306 : memref<1x64x128xf32, #tpu.memory_space<hbm>> -> memref<64x128xf32, #tpu.memory_space<hbm>>
        %dma_start3A_308 = arith.constant 0 : i32
        %dma_start3A_309 = arith.constant 0 : i32
        %dma_start3A_310 = tpu.memref_slice %arg2[%add3A_303, %dma_start3A_308, %dma_start3A_309] : memref<320x64x128xf32, #tpu.memory_space<hbm>> -> memref<1x64x128xf32, #tpu.memory_space<hbm>>
        %dma_start3A_311 = tpu.memref_squeeze %dma_start3A_310 : memref<1x64x128xf32, #tpu.memory_space<hbm>> -> memref<64x128xf32, #tpu.memory_space<hbm>>
        tpu.enqueue_dma source(%dma_start3A_311 : memref<64x128xf32, #tpu.memory_space<hbm>>) target(%arg9 : memref<64x128xf32, #tpu.memory_space<vmem>>) target_semaphore(%arg18 : memref<!tpu.dma_semaphore, #tpu.memory_space<semaphore_mem>>)
        %mul3A_312 = arith.constant 4 : i32
        %mul3A_313 = arith.muli %mul3A_312, %add3A_302 : i32
        %add3A_314 = arith.constant 0 : i32
        %add3A_315 = arith.addi %mul3A_313, %add3A_314 : i32
        %dma_start3A_316 = arith.constant 0 : i32
        %dma_start3A_317 = arith.constant 0 : i32
        %dma_start3A_318 = tpu.memref_slice %arg11[%dma_start3A_316, %dma_start3A_317] : memref<512x16xf32, #tpu.memory_space<vmem>> -> memref<128x16xf32, #tpu.memory_space<vmem>>
        %dma_start3A_319 = arith.constant 0 : i32
        %dma_start3A_320 = tpu.memref_slice %arg7[%add3A_315, %dma_start3A_319] : memref<40x128xi32, #tpu.memory_space<vmem>> -> memref<1x128xi32, #tpu.memory_space<vmem>>
        %dma_start3A_321 = tpu.memref_squeeze %dma_start3A_320 : memref<1x128xi32, #tpu.memory_space<vmem>> -> memref<128xi32, #tpu.memory_space<vmem>>
        %dma_start3A_322 = arith.constant 0 : i32
        %dma_start3A_323 = arith.constant 0 : i32
        %dma_start3A_324 = tpu.memref_slice %arg16[%dma_start3A_322, %dma_start3A_323] : memref<10240x16xf32, #tpu.memory_space<vmem_shared>> -> memref<10240x16xf32, #tpu.memory_space<vmem_shared>>
        tpu.enqueue_indirect_dma source(%dma_start3A_324 : memref<10240x16xf32, #tpu.memory_space<vmem_shared>>) target(%dma_start3A_318 : memref<128x16xf32, #tpu.memory_space<vmem>>) offsets(%dma_start3A_321 : memref<128xi32, #tpu.memory_space<vmem>>) semaphore(%arg20 : memref<!tpu.dma_semaphore, #tpu.memory_space<semaphore_mem>>)
        %mul3A_325 = arith.constant 4 : i32
        %mul3A_326 = arith.muli %mul3A_325, %add3A_302 : i32
        %add3A_327 = arith.constant 1 : i32
        %add3A_328 = arith.addi %mul3A_326, %add3A_327 : i32
        %dma_start3A_329 = arith.constant 128 : i32
        %dma_start3A_330 = arith.constant 0 : i32
        %dma_start3A_331 = tpu.memref_slice %arg11[%dma_start3A_329, %dma_start3A_330] : memref<512x16xf32, #tpu.memory_space<vmem>> -> memref<128x16xf32, #tpu.memory_space<vmem>>
        %dma_start3A_332 = arith.constant 0 : i32
        %dma_start3A_333 = tpu.memref_slice %arg7[%add3A_328, %dma_start3A_332] : memref<40x128xi32, #tpu.memory_space<vmem>> -> memref<1x128xi32, #tpu.memory_space<vmem>>
        %dma_start3A_334 = tpu.memref_squeeze %dma_start3A_333 : memref<1x128xi32, #tpu.memory_space<vmem>> -> memref<128xi32, #tpu.memory_space<vmem>>
        %dma_start3A_335 = arith.constant 0 : i32
        %dma_start3A_336 = arith.constant 0 : i32
        %dma_start3A_337 = tpu.memref_slice %arg16[%dma_start3A_335, %dma_start3A_336] : memref<10240x16xf32, #tpu.memory_space<vmem_shared>> -> memref<10240x16xf32, #tpu.memory_space<vmem_shared>>
        tpu.enqueue_indirect_dma source(%dma_start3A_337 : memref<10240x16xf32, #tpu.memory_space<vmem_shared>>) target(%dma_start3A_331 : memref<128x16xf32, #tpu.memory_space<vmem>>) offsets(%dma_start3A_334 : memref<128xi32, #tpu.memory_space<vmem>>) semaphore(%arg20 : memref<!tpu.dma_semaphore, #tpu.memory_space<semaphore_mem>>)
        %mul3A_338 = arith.constant 4 : i32
        %mul3A_339 = arith.muli %mul3A_338, %add3A_302 : i32
        %add3A_340 = arith.constant 2 : i32
        %add3A_341 = arith.addi %mul3A_339, %add3A_340 : i32
        %dma_start3A_342 = arith.constant 256 : i32
        %dma_start3A_343 = arith.constant 0 : i32
        %dma_start3A_344 = tpu.memref_slice %arg11[%dma_start3A_342, %dma_start3A_343] : memref<512x16xf32, #tpu.memory_space<vmem>> -> memref<128x16xf32, #tpu.memory_space<vmem>>
        %dma_start3A_345 = arith.constant 0 : i32
        %dma_start3A_346 = tpu.memref_slice %arg7[%add3A_341, %dma_start3A_345] : memref<40x128xi32, #tpu.memory_space<vmem>> -> memref<1x128xi32, #tpu.memory_space<vmem>>
        %dma_start3A_347 = tpu.memref_squeeze %dma_start3A_346 : memref<1x128xi32, #tpu.memory_space<vmem>> -> memref<128xi32, #tpu.memory_space<vmem>>
        %dma_start3A_348 = arith.constant 0 : i32
        %dma_start3A_349 = arith.constant 0 : i32
        %dma_start3A_350 = tpu.memref_slice %arg16[%dma_start3A_348, %dma_start3A_349] : memref<10240x16xf32, #tpu.memory_space<vmem_shared>> -> memref<10240x16xf32, #tpu.memory_space<vmem_shared>>
        tpu.enqueue_indirect_dma source(%dma_start3A_350 : memref<10240x16xf32, #tpu.memory_space<vmem_shared>>) target(%dma_start3A_344 : memref<128x16xf32, #tpu.memory_space<vmem>>) offsets(%dma_start3A_347 : memref<128xi32, #tpu.memory_space<vmem>>) semaphore(%arg20 : memref<!tpu.dma_semaphore, #tpu.memory_space<semaphore_mem>>)
        %mul3A_351 = arith.constant 4 : i32
        %mul3A_352 = arith.muli %mul3A_351, %add3A_302 : i32
        %add3A_353 = arith.constant 3 : i32
        %add3A_354 = arith.addi %mul3A_352, %add3A_353 : i32
        %dma_start3A_355 = arith.constant 384 : i32
        %dma_start3A_356 = arith.constant 0 : i32
        %dma_start3A_357 = tpu.memref_slice %arg11[%dma_start3A_355, %dma_start3A_356] : memref<512x16xf32, #tpu.memory_space<vmem>> -> memref<128x16xf32, #tpu.memory_space<vmem>>
        %dma_start3A_358 = arith.constant 0 : i32
        %dma_start3A_359 = tpu.memref_slice %arg7[%add3A_354, %dma_start3A_358] : memref<40x128xi32, #tpu.memory_space<vmem>> -> memref<1x128xi32, #tpu.memory_space<vmem>>
        %dma_start3A_360 = tpu.memref_squeeze %dma_start3A_359 : memref<1x128xi32, #tpu.memory_space<vmem>> -> memref<128xi32, #tpu.memory_space<vmem>>
        %dma_start3A_361 = arith.constant 0 : i32
        %dma_start3A_362 = arith.constant 0 : i32
        %dma_start3A_363 = tpu.memref_slice %arg16[%dma_start3A_361, %dma_start3A_362] : memref<10240x16xf32, #tpu.memory_space<vmem_shared>> -> memref<10240x16xf32, #tpu.memory_space<vmem_shared>>
        tpu.enqueue_indirect_dma source(%dma_start3A_363 : memref<10240x16xf32, #tpu.memory_space<vmem_shared>>) target(%dma_start3A_357 : memref<128x16xf32, #tpu.memory_space<vmem>>) offsets(%dma_start3A_360 : memref<128xi32, #tpu.memory_space<vmem>>) semaphore(%arg20 : memref<!tpu.dma_semaphore, #tpu.memory_space<semaphore_mem>>)
      } else {
      }
      %mul3A_207 = arith.constant 2 : i32
      %mul3A_208 = arith.muli %mul3A_207, %scan3A_116 : i32
      %add3A_209 = arith.constant 1 : i32
      %add3A_210 = arith.addi %mul3A_208, %add3A_209 : i32
      %add3A_211 = arith.addi %mul3A_9, %add3A_210 : i32
      %dma_wait3A_212 = arith.constant 0 : i32
      %dma_wait3A_213 = arith.constant 0 : i32
      %dma_wait3A_214 = tpu.memref_slice %arg2[%add3A_211, %dma_wait3A_212, %dma_wait3A_213] : memref<320x64x128xf32, #tpu.memory_space<hbm>> -> memref<1x64x128xf32, #tpu.memory_space<hbm>>
      %dma_wait3A_215 = tpu.memref_squeeze %dma_wait3A_214 : memref<1x64x128xf32, #tpu.memory_space<hbm>> -> memref<64x128xf32, #tpu.memory_space<hbm>>
      %dma_wait3A_216 = arith.constant 0 : i32
      %dma_wait3A_217 = arith.constant 0 : i32
      %dma_wait3A_218 = tpu.memref_slice %arg2[%add3A_211, %dma_wait3A_216, %dma_wait3A_217] : memref<320x64x128xf32, #tpu.memory_space<hbm>> -> memref<1x64x128xf32, #tpu.memory_space<hbm>>
      %dma_wait3A_219 = tpu.memref_squeeze %dma_wait3A_218 : memref<1x64x128xf32, #tpu.memory_space<hbm>> -> memref<64x128xf32, #tpu.memory_space<hbm>>
      tpu.wait_dma2 semaphore(%arg19 : memref<!tpu.dma_semaphore, #tpu.memory_space<semaphore_mem>>) src(%dma_wait3A_219 : memref<64x128xf32, #tpu.memory_space<hbm>>) dst(%arg10 : memref<64x128xf32, #tpu.memory_space<vmem>>)
      %mul3A_220 = arith.constant 4 : i32
      %mul3A_221 = arith.muli %mul3A_220, %add3A_210 : i32
      %add3A_222 = arith.constant 0 : i32
      %add3A_223 = arith.addi %mul3A_221, %add3A_222 : i32
      %dma_wait3A_224 = arith.constant 0 : i32
      %dma_wait3A_225 = arith.constant 0 : i32
      %dma_wait3A_226 = tpu.memref_slice %arg12[%dma_wait3A_224, %dma_wait3A_225] : memref<512x16xf32, #tpu.memory_space<vmem>> -> memref<128x16xf32, #tpu.memory_space<vmem>>
      %dma_wait3A_227 = arith.constant 0 : i32
      %dma_wait3A_228 = tpu.memref_slice %arg7[%add3A_223, %dma_wait3A_227] : memref<40x128xi32, #tpu.memory_space<vmem>> -> memref<1x128xi32, #tpu.memory_space<vmem>>
      %dma_wait3A_229 = tpu.memref_squeeze %dma_wait3A_228 : memref<1x128xi32, #tpu.memory_space<vmem>> -> memref<128xi32, #tpu.memory_space<vmem>>
      %dma_wait3A_230 = arith.constant 0 : i32
      %dma_wait3A_231 = arith.constant 0 : i32
      %dma_wait3A_232 = tpu.memref_slice %arg16[%dma_wait3A_230, %dma_wait3A_231] : memref<10240x16xf32, #tpu.memory_space<vmem_shared>> -> memref<10240x16xf32, #tpu.memory_space<vmem_shared>>
      tpu.wait_indirect_dma semaphore(%arg21 : memref<!tpu.dma_semaphore, #tpu.memory_space<semaphore_mem>>) src(%dma_wait3A_232 : memref<10240x16xf32, #tpu.memory_space<vmem_shared>>) dst(%dma_wait3A_226 : memref<128x16xf32, #tpu.memory_space<vmem>>)
      %mul3A_233 = arith.constant 4 : i32
      %mul3A_234 = arith.muli %mul3A_233, %add3A_210 : i32
      %add3A_235 = arith.constant 1 : i32
      %add3A_236 = arith.addi %mul3A_234, %add3A_235 : i32
      %dma_wait3A_237 = arith.constant 128 : i32
      %dma_wait3A_238 = arith.constant 0 : i32
      %dma_wait3A_239 = tpu.memref_slice %arg12[%dma_wait3A_237, %dma_wait3A_238] : memref<512x16xf32, #tpu.memory_space<vmem>> -> memref<128x16xf32, #tpu.memory_space<vmem>>
      %dma_wait3A_240 = arith.constant 0 : i32
      %dma_wait3A_241 = tpu.memref_slice %arg7[%add3A_236, %dma_wait3A_240] : memref<40x128xi32, #tpu.memory_space<vmem>> -> memref<1x128xi32, #tpu.memory_space<vmem>>
      %dma_wait3A_242 = tpu.memref_squeeze %dma_wait3A_241 : memref<1x128xi32, #tpu.memory_space<vmem>> -> memref<128xi32, #tpu.memory_space<vmem>>
      %dma_wait3A_243 = arith.constant 0 : i32
      %dma_wait3A_244 = arith.constant 0 : i32
      %dma_wait3A_245 = tpu.memref_slice %arg16[%dma_wait3A_243, %dma_wait3A_244] : memref<10240x16xf32, #tpu.memory_space<vmem_shared>> -> memref<10240x16xf32, #tpu.memory_space<vmem_shared>>
      tpu.wait_indirect_dma semaphore(%arg21 : memref<!tpu.dma_semaphore, #tpu.memory_space<semaphore_mem>>) src(%dma_wait3A_245 : memref<10240x16xf32, #tpu.memory_space<vmem_shared>>) dst(%dma_wait3A_239 : memref<128x16xf32, #tpu.memory_space<vmem>>)
      %mul3A_246 = arith.constant 4 : i32
      %mul3A_247 = arith.muli %mul3A_246, %add3A_210 : i32
      %add3A_248 = arith.constant 2 : i32
      %add3A_249 = arith.addi %mul3A_247, %add3A_248 : i32
      %dma_wait3A_250 = arith.constant 256 : i32
      %dma_wait3A_251 = arith.constant 0 : i32
      %dma_wait3A_252 = tpu.memref_slice %arg12[%dma_wait3A_250, %dma_wait3A_251] : memref<512x16xf32, #tpu.memory_space<vmem>> -> memref<128x16xf32, #tpu.memory_space<vmem>>
      %dma_wait3A_253 = arith.constant 0 : i32
      %dma_wait3A_254 = tpu.memref_slice %arg7[%add3A_249, %dma_wait3A_253] : memref<40x128xi32, #tpu.memory_space<vmem>> -> memref<1x128xi32, #tpu.memory_space<vmem>>
      %dma_wait3A_255 = tpu.memref_squeeze %dma_wait3A_254 : memref<1x128xi32, #tpu.memory_space<vmem>> -> memref<128xi32, #tpu.memory_space<vmem>>
      %dma_wait3A_256 = arith.constant 0 : i32
      %dma_wait3A_257 = arith.constant 0 : i32
      %dma_wait3A_258 = tpu.memref_slice %arg16[%dma_wait3A_256, %dma_wait3A_257] : memref<10240x16xf32, #tpu.memory_space<vmem_shared>> -> memref<10240x16xf32, #tpu.memory_space<vmem_shared>>
      tpu.wait_indirect_dma semaphore(%arg21 : memref<!tpu.dma_semaphore, #tpu.memory_space<semaphore_mem>>) src(%dma_wait3A_258 : memref<10240x16xf32, #tpu.memory_space<vmem_shared>>) dst(%dma_wait3A_252 : memref<128x16xf32, #tpu.memory_space<vmem>>)
      %mul3A_259 = arith.constant 4 : i32
      %mul3A_260 = arith.muli %mul3A_259, %add3A_210 : i32
      %add3A_261 = arith.constant 3 : i32
      %add3A_262 = arith.addi %mul3A_260, %add3A_261 : i32
      %dma_wait3A_263 = arith.constant 384 : i32
      %dma_wait3A_264 = arith.constant 0 : i32
      %dma_wait3A_265 = tpu.memref_slice %arg12[%dma_wait3A_263, %dma_wait3A_264] : memref<512x16xf32, #tpu.memory_space<vmem>> -> memref<128x16xf32, #tpu.memory_space<vmem>>
      %dma_wait3A_266 = arith.constant 0 : i32
      %dma_wait3A_267 = tpu.memref_slice %arg7[%add3A_262, %dma_wait3A_266] : memref<40x128xi32, #tpu.memory_space<vmem>> -> memref<1x128xi32, #tpu.memory_space<vmem>>
      %dma_wait3A_268 = tpu.memref_squeeze %dma_wait3A_267 : memref<1x128xi32, #tpu.memory_space<vmem>> -> memref<128xi32, #tpu.memory_space<vmem>>
      %dma_wait3A_269 = arith.constant 0 : i32
      %dma_wait3A_270 = arith.constant 0 : i32
      %dma_wait3A_271 = tpu.memref_slice %arg16[%dma_wait3A_269, %dma_wait3A_270] : memref<10240x16xf32, #tpu.memory_space<vmem_shared>> -> memref<10240x16xf32, #tpu.memory_space<vmem_shared>>
      tpu.wait_indirect_dma semaphore(%arg21 : memref<!tpu.dma_semaphore, #tpu.memory_space<semaphore_mem>>) src(%dma_wait3A_271 : memref<10240x16xf32, #tpu.memory_space<vmem_shared>>) dst(%dma_wait3A_265 : memref<128x16xf32, #tpu.memory_space<vmem>>)
      %scan3A_272 = arith.constant 0 : i32
      %scan3A_273 = arith.constant 0 : i32
      %scan3A_274 = arith.constant 64 : i32
      %scan3A_275 = arith.addi %scan3A_273, %scan3A_274 : i32
      %scan3A_276 = arith.constant 2 : i32
      scf.for %scan3A_301 = %scan3A_273 to %scan3A_275 step %scan3A_276  : i32 {
        %get3A = arith.index_cast %scan3A_301 : i32 to index
        %get3A_302 = arith.constant 0 : index
        %get3A_303 = tpu.vector_load %arg10[%get3A, %get3A_302] {strides = array<i32>} : memref<64x128xf32, #tpu.memory_space<vmem>>, vector<16xf32>,
        %add3A_304 = arith.constant 0 : i32
        %add3A_305 = arith.addi %add3A_304, %scan3A_301 : i32
        %get3A_306 = arith.index_cast %add3A_305 : i32 to index
        %get3A_307 = arith.constant 0 : index
        %get3A_308 = tpu.vector_load %arg12[%get3A_306, %get3A_307] {strides = array<i32>} : memref<512x16xf32, #tpu.memory_space<vmem>>, vector<16xf32>,
        %mul3A_309 = arith.mulf %get3A_303, %get3A_308 : vector<16xf32>
        %add3A_310 = arith.constant 0 : i32
        %add3A_311 = arith.addi %add3A_310, %scan3A_301 : i32
        %swap3A = arith.index_cast %add3A_311 : i32 to index
        %swap3A_312 = arith.constant 0 : index
        %swap3A_313 = tpu.vector_load %arg14[%swap3A, %swap3A_312] {strides = array<i32>} : memref<512x16xf32, #tpu.memory_space<vmem>>, vector<16xf32>,
        tpu.vector_store %arg14[%swap3A, %swap3A_312], %mul3A_309 {strides = array<i32>} : memref<512x16xf32, #tpu.memory_space<vmem>>, vector<16xf32>,
        %get3A_314 = arith.index_cast %scan3A_301 : i32 to index
        %get3A_315 = arith.constant 16 : index
        %get3A_316 = tpu.vector_load %arg10[%get3A_314, %get3A_315] {strides = array<i32>} : memref<64x128xf32, #tpu.memory_space<vmem>>, vector<16xf32>,
        %add3A_317 = arith.constant 64 : i32
        %add3A_318 = arith.addi %add3A_317, %scan3A_301 : i32
        %get3A_319 = arith.index_cast %add3A_318 : i32 to index
        %get3A_320 = arith.constant 0 : index
        %get3A_321 = tpu.vector_load %arg12[%get3A_319, %get3A_320] {strides = array<i32>} : memref<512x16xf32, #tpu.memory_space<vmem>>, vector<16xf32>,
        %mul3A_322 = arith.mulf %get3A_316, %get3A_321 : vector<16xf32>
        %add3A_323 = arith.constant 64 : i32
        %add3A_324 = arith.addi %add3A_323, %scan3A_301 : i32
        %swap3A_325 = arith.index_cast %add3A_324 : i32 to index
        %swap3A_326 = arith.constant 0 : index
        %swap3A_327 = tpu.vector_load %arg14[%swap3A_325, %swap3A_326] {strides = array<i32>} : memref<512x16xf32, #tpu.memory_space<vmem>>, vector<16xf32>,
        tpu.vector_store %arg14[%swap3A_325, %swap3A_326], %mul3A_322 {strides = array<i32>} : memref<512x16xf32, #tpu.memory_space<vmem>>, vector<16xf32>,
        %get3A_328 = arith.index_cast %scan3A_301 : i32 to index
        %get3A_329 = arith.constant 32 : index
        %get3A_330 = tpu.vector_load %arg10[%get3A_328, %get3A_329] {strides = array<i32>} : memref<64x128xf32, #tpu.memory_space<vmem>>, vector<16xf32>,
        %add3A_331 = arith.constant 128 : i32
        %add3A_332 = arith.addi %add3A_331, %scan3A_301 : i32
        %get3A_333 = arith.index_cast %add3A_332 : i32 to index
        %get3A_334 = arith.constant 0 : index
        %get3A_335 = tpu.vector_load %arg12[%get3A_333, %get3A_334] {strides = array<i32>} : memref<512x16xf32, #tpu.memory_space<vmem>>, vector<16xf32>,
        %mul3A_336 = arith.mulf %get3A_330, %get3A_335 : vector<16xf32>
        %add3A_337 = arith.constant 128 : i32
        %add3A_338 = arith.addi %add3A_337, %scan3A_301 : i32
        %swap3A_339 = arith.index_cast %add3A_338 : i32 to index
        %swap3A_340 = arith.constant 0 : index
        %swap3A_341 = tpu.vector_load %arg14[%swap3A_339, %swap3A_340] {strides = array<i32>} : memref<512x16xf32, #tpu.memory_space<vmem>>, vector<16xf32>,
        tpu.vector_store %arg14[%swap3A_339, %swap3A_340], %mul3A_336 {strides = array<i32>} : memref<512x16xf32, #tpu.memory_space<vmem>>, vector<16xf32>,
        %get3A_342 = arith.index_cast %scan3A_301 : i32 to index
        %get3A_343 = arith.constant 48 : index
        %get3A_344 = tpu.vector_load %arg10[%get3A_342, %get3A_343] {strides = array<i32>} : memref<64x128xf32, #tpu.memory_space<vmem>>, vector<16xf32>,
        %add3A_345 = arith.constant 192 : i32
        %add3A_346 = arith.addi %add3A_345, %scan3A_301 : i32
        %get3A_347 = arith.index_cast %add3A_346 : i32 to index
        %get3A_348 = arith.constant 0 : index
        %get3A_349 = tpu.vector_load %arg12[%get3A_347, %get3A_348] {strides = array<i32>} : memref<512x16xf32, #tpu.memory_space<vmem>>, vector<16xf32>,
        %mul3A_350 = arith.mulf %get3A_344, %get3A_349 : vector<16xf32>
        %add3A_351 = arith.constant 192 : i32
        %add3A_352 = arith.addi %add3A_351, %scan3A_301 : i32
        %swap3A_353 = arith.index_cast %add3A_352 : i32 to index
        %swap3A_354 = arith.constant 0 : index
        %swap3A_355 = tpu.vector_load %arg14[%swap3A_353, %swap3A_354] {strides = array<i32>} : memref<512x16xf32, #tpu.memory_space<vmem>>, vector<16xf32>,
        tpu.vector_store %arg14[%swap3A_353, %swap3A_354], %mul3A_350 {strides = array<i32>} : memref<512x16xf32, #tpu.memory_space<vmem>>, vector<16xf32>,
        %get3A_356 = arith.index_cast %scan3A_301 : i32 to index
        %get3A_357 = arith.constant 64 : index
        %get3A_358 = tpu.vector_load %arg10[%get3A_356, %get3A_357] {strides = array<i32>} : memref<64x128xf32, #tpu.memory_space<vmem>>, vector<16xf32>,
        %add3A_359 = arith.constant 256 : i32
        %add3A_360 = arith.addi %add3A_359, %scan3A_301 : i32
        %get3A_361 = arith.index_cast %add3A_360 : i32 to index
        %get3A_362 = arith.constant 0 : index
        %get3A_363 = tpu.vector_load %arg12[%get3A_361, %get3A_362] {strides = array<i32>} : memref<512x16xf32, #tpu.memory_space<vmem>>, vector<16xf32>,
        %mul3A_364 = arith.mulf %get3A_358, %get3A_363 : vector<16xf32>
        %add3A_365 = arith.constant 256 : i32
        %add3A_366 = arith.addi %add3A_365, %scan3A_301 : i32
        %swap3A_367 = arith.index_cast %add3A_366 : i32 to index
        %swap3A_368 = arith.constant 0 : index
        %swap3A_369 = tpu.vector_load %arg14[%swap3A_367, %swap3A_368] {strides = array<i32>} : memref<512x16xf32, #tpu.memory_space<vmem>>, vector<16xf32>,
        tpu.vector_store %arg14[%swap3A_367, %swap3A_368], %mul3A_364 {strides = array<i32>} : memref<512x16xf32, #tpu.memory_space<vmem>>, vector<16xf32>,
        %get3A_370 = arith.index_cast %scan3A_301 : i32 to index
        %get3A_371 = arith.constant 80 : index
        %get3A_372 = tpu.vector_load %arg10[%get3A_370, %get3A_371] {strides = array<i32>} : memref<64x128xf32, #tpu.memory_space<vmem>>, vector<16xf32>,
        %add3A_373 = arith.constant 320 : i32
        %add3A_374 = arith.addi %add3A_373, %scan3A_301 : i32
        %get3A_375 = arith.index_cast %add3A_374 : i32 to index
        %get3A_376 = arith.constant 0 : index
        %get3A_377 = tpu.vector_load %arg12[%get3A_375, %get3A_376] {strides = array<i32>} : memref<512x16xf32, #tpu.memory_space<vmem>>, vector<16xf32>,
        %mul3A_378 = arith.mulf %get3A_372, %get3A_377 : vector<16xf32>
        %add3A_379 = arith.constant 320 : i32
        %add3A_380 = arith.addi %add3A_379, %scan3A_301 : i32
        %swap3A_381 = arith.index_cast %add3A_380 : i32 to index
        %swap3A_382 = arith.constant 0 : index
        %swap3A_383 = tpu.vector_load %arg14[%swap3A_381, %swap3A_382] {strides = array<i32>} : memref<512x16xf32, #tpu.memory_space<vmem>>, vector<16xf32>,
        tpu.vector_store %arg14[%swap3A_381, %swap3A_382], %mul3A_378 {strides = array<i32>} : memref<512x16xf32, #tpu.memory_space<vmem>>, vector<16xf32>,
        %get3A_384 = arith.index_cast %scan3A_301 : i32 to index
        %get3A_385 = arith.constant 96 : index
        %get3A_386 = tpu.vector_load %arg10[%get3A_384, %get3A_385] {strides = array<i32>} : memref<64x128xf32, #tpu.memory_space<vmem>>, vector<16xf32>,
        %add3A_387 = arith.constant 384 : i32
        %add3A_388 = arith.addi %add3A_387, %scan3A_301 : i32
        %get3A_389 = arith.index_cast %add3A_388 : i32 to index
        %get3A_390 = arith.constant 0 : index
        %get3A_391 = tpu.vector_load %arg12[%get3A_389, %get3A_390] {strides = array<i32>} : memref<512x16xf32, #tpu.memory_space<vmem>>, vector<16xf32>,
        %mul3A_392 = arith.mulf %get3A_386, %get3A_391 : vector<16xf32>
        %add3A_393 = arith.constant 384 : i32
        %add3A_394 = arith.addi %add3A_393, %scan3A_301 : i32
        %swap3A_395 = arith.index_cast %add3A_394 : i32 to index
        %swap3A_396 = arith.constant 0 : index
        %swap3A_397 = tpu.vector_load %arg14[%swap3A_395, %swap3A_396] {strides = array<i32>} : memref<512x16xf32, #tpu.memory_space<vmem>>, vector<16xf32>,
        tpu.vector_store %arg14[%swap3A_395, %swap3A_396], %mul3A_392 {strides = array<i32>} : memref<512x16xf32, #tpu.memory_space<vmem>>, vector<16xf32>,
        %get3A_398 = arith.index_cast %scan3A_301 : i32 to index
        %get3A_399 = arith.constant 112 : index
        %get3A_400 = tpu.vector_load %arg10[%get3A_398, %get3A_399] {strides = array<i32>} : memref<64x128xf32, #tpu.memory_space<vmem>>, vector<16xf32>,
        %add3A_401 = arith.constant 448 : i32
        %add3A_402 = arith.addi %add3A_401, %scan3A_301 : i32
        %get3A_403 = arith.index_cast %add3A_402 : i32 to index
        %get3A_404 = arith.constant 0 : index
        %get3A_405 = tpu.vector_load %arg12[%get3A_403, %get3A_404] {strides = array<i32>} : memref<512x16xf32, #tpu.memory_space<vmem>>, vector<16xf32>,
        %mul3A_406 = arith.mulf %get3A_400, %get3A_405 : vector<16xf32>
        %add3A_407 = arith.constant 448 : i32
        %add3A_408 = arith.addi %add3A_407, %scan3A_301 : i32
        %swap3A_409 = arith.index_cast %add3A_408 : i32 to index
        %swap3A_410 = arith.constant 0 : index
        %swap3A_411 = tpu.vector_load %arg14[%swap3A_409, %swap3A_410] {strides = array<i32>} : memref<512x16xf32, #tpu.memory_space<vmem>>, vector<16xf32>,
        tpu.vector_store %arg14[%swap3A_409, %swap3A_410], %mul3A_406 {strides = array<i32>} : memref<512x16xf32, #tpu.memory_space<vmem>>, vector<16xf32>,
        %scan3A_412 = arith.constant 1 : i32
        %scan3A_413 = arith.addi %scan3A_301, %scan3A_412 : i32
        %get3A_414 = arith.index_cast %scan3A_413 : i32 to index
        %get3A_415 = arith.constant 0 : index
        %get3A_416 = tpu.vector_load %arg10[%get3A_414, %get3A_415] {strides = array<i32>} : memref<64x128xf32, #tpu.memory_space<vmem>>, vector<16xf32>,
        %add3A_417 = arith.constant 0 : i32
        %add3A_418 = arith.addi %add3A_417, %scan3A_413 : i32
        %get3A_419 = arith.index_cast %add3A_418 : i32 to index
        %get3A_420 = arith.constant 0 : index
        %get3A_421 = tpu.vector_load %arg12[%get3A_419, %get3A_420] {strides = array<i32>} : memref<512x16xf32, #tpu.memory_space<vmem>>, vector<16xf32>,
        %mul3A_422 = arith.mulf %get3A_416, %get3A_421 : vector<16xf32>
        %add3A_423 = arith.constant 0 : i32
        %add3A_424 = arith.addi %add3A_423, %scan3A_413 : i32
        %swap3A_425 = arith.index_cast %add3A_424 : i32 to index
        %swap3A_426 = arith.constant 0 : index
        %swap3A_427 = tpu.vector_load %arg14[%swap3A_425, %swap3A_426] {strides = array<i32>} : memref<512x16xf32, #tpu.memory_space<vmem>>, vector<16xf32>,
        tpu.vector_store %arg14[%swap3A_425, %swap3A_426], %mul3A_422 {strides = array<i32>} : memref<512x16xf32, #tpu.memory_space<vmem>>, vector<16xf32>,
        %get3A_428 = arith.index_cast %scan3A_413 : i32 to index
        %get3A_429 = arith.constant 16 : index
        %get3A_430 = tpu.vector_load %arg10[%get3A_428, %get3A_429] {strides = array<i32>} : memref<64x128xf32, #tpu.memory_space<vmem>>, vector<16xf32>,
        %add3A_431 = arith.constant 64 : i32
        %add3A_432 = arith.addi %add3A_431, %scan3A_413 : i32
        %get3A_433 = arith.index_cast %add3A_432 : i32 to index
        %get3A_434 = arith.constant 0 : index
        %get3A_435 = tpu.vector_load %arg12[%get3A_433, %get3A_434] {strides = array<i32>} : memref<512x16xf32, #tpu.memory_space<vmem>>, vector<16xf32>,
        %mul3A_436 = arith.mulf %get3A_430, %get3A_435 : vector<16xf32>
        %add3A_437 = arith.constant 64 : i32
        %add3A_438 = arith.addi %add3A_437, %scan3A_413 : i32
        %swap3A_439 = arith.index_cast %add3A_438 : i32 to index
        %swap3A_440 = arith.constant 0 : index
        %swap3A_441 = tpu.vector_load %arg14[%swap3A_439, %swap3A_440] {strides = array<i32>} : memref<512x16xf32, #tpu.memory_space<vmem>>, vector<16xf32>,
        tpu.vector_store %arg14[%swap3A_439, %swap3A_440], %mul3A_436 {strides = array<i32>} : memref<512x16xf32, #tpu.memory_space<vmem>>, vector<16xf32>,
        %get3A_442 = arith.index_cast %scan3A_413 : i32 to index
        %get3A_443 = arith.constant 32 : index
        %get3A_444 = tpu.vector_load %arg10[%get3A_442, %get3A_443] {strides = array<i32>} : memref<64x128xf32, #tpu.memory_space<vmem>>, vector<16xf32>,
        %add3A_445 = arith.constant 128 : i32
        %add3A_446 = arith.addi %add3A_445, %scan3A_413 : i32
        %get3A_447 = arith.index_cast %add3A_446 : i32 to index
        %get3A_448 = arith.constant 0 : index
        %get3A_449 = tpu.vector_load %arg12[%get3A_447, %get3A_448] {strides = array<i32>} : memref<512x16xf32, #tpu.memory_space<vmem>>, vector<16xf32>,
        %mul3A_450 = arith.mulf %get3A_444, %get3A_449 : vector<16xf32>
        %add3A_451 = arith.constant 128 : i32
        %add3A_452 = arith.addi %add3A_451, %scan3A_413 : i32
        %swap3A_453 = arith.index_cast %add3A_452 : i32 to index
        %swap3A_454 = arith.constant 0 : index
        %swap3A_455 = tpu.vector_load %arg14[%swap3A_453, %swap3A_454] {strides = array<i32>} : memref<512x16xf32, #tpu.memory_space<vmem>>, vector<16xf32>,
        tpu.vector_store %arg14[%swap3A_453, %swap3A_454], %mul3A_450 {strides = array<i32>} : memref<512x16xf32, #tpu.memory_space<vmem>>, vector<16xf32>,
        %get3A_456 = arith.index_cast %scan3A_413 : i32 to index
        %get3A_457 = arith.constant 48 : index
        %get3A_458 = tpu.vector_load %arg10[%get3A_456, %get3A_457] {strides = array<i32>} : memref<64x128xf32, #tpu.memory_space<vmem>>, vector<16xf32>,
        %add3A_459 = arith.constant 192 : i32
        %add3A_460 = arith.addi %add3A_459, %scan3A_413 : i32
        %get3A_461 = arith.index_cast %add3A_460 : i32 to index
        %get3A_462 = arith.constant 0 : index
        %get3A_463 = tpu.vector_load %arg12[%get3A_461, %get3A_462] {strides = array<i32>} : memref<512x16xf32, #tpu.memory_space<vmem>>, vector<16xf32>,
        %mul3A_464 = arith.mulf %get3A_458, %get3A_463 : vector<16xf32>
        %add3A_465 = arith.constant 192 : i32
        %add3A_466 = arith.addi %add3A_465, %scan3A_413 : i32
        %swap3A_467 = arith.index_cast %add3A_466 : i32 to index
        %swap3A_468 = arith.constant 0 : index
        %swap3A_469 = tpu.vector_load %arg14[%swap3A_467, %swap3A_468] {strides = array<i32>} : memref<512x16xf32, #tpu.memory_space<vmem>>, vector<16xf32>,
        tpu.vector_store %arg14[%swap3A_467, %swap3A_468], %mul3A_464 {strides = array<i32>} : memref<512x16xf32, #tpu.memory_space<vmem>>, vector<16xf32>,
        %get3A_470 = arith.index_cast %scan3A_413 : i32 to index
        %get3A_471 = arith.constant 64 : index
        %get3A_472 = tpu.vector_load %arg10[%get3A_470, %get3A_471] {strides = array<i32>} : memref<64x128xf32, #tpu.memory_space<vmem>>, vector<16xf32>,
        %add3A_473 = arith.constant 256 : i32
        %add3A_474 = arith.addi %add3A_473, %scan3A_413 : i32
        %get3A_475 = arith.index_cast %add3A_474 : i32 to index
        %get3A_476 = arith.constant 0 : index
        %get3A_477 = tpu.vector_load %arg12[%get3A_475, %get3A_476] {strides = array<i32>} : memref<512x16xf32, #tpu.memory_space<vmem>>, vector<16xf32>,
        %mul3A_478 = arith.mulf %get3A_472, %get3A_477 : vector<16xf32>
        %add3A_479 = arith.constant 256 : i32
        %add3A_480 = arith.addi %add3A_479, %scan3A_413 : i32
        %swap3A_481 = arith.index_cast %add3A_480 : i32 to index
        %swap3A_482 = arith.constant 0 : index
        %swap3A_483 = tpu.vector_load %arg14[%swap3A_481, %swap3A_482] {strides = array<i32>} : memref<512x16xf32, #tpu.memory_space<vmem>>, vector<16xf32>,
        tpu.vector_store %arg14[%swap3A_481, %swap3A_482], %mul3A_478 {strides = array<i32>} : memref<512x16xf32, #tpu.memory_space<vmem>>, vector<16xf32>,
        %get3A_484 = arith.index_cast %scan3A_413 : i32 to index
        %get3A_485 = arith.constant 80 : index
        %get3A_486 = tpu.vector_load %arg10[%get3A_484, %get3A_485] {strides = array<i32>} : memref<64x128xf32, #tpu.memory_space<vmem>>, vector<16xf32>,
        %add3A_487 = arith.constant 320 : i32
        %add3A_488 = arith.addi %add3A_487, %scan3A_413 : i32
        %get3A_489 = arith.index_cast %add3A_488 : i32 to index
        %get3A_490 = arith.constant 0 : index
        %get3A_491 = tpu.vector_load %arg12[%get3A_489, %get3A_490] {strides = array<i32>} : memref<512x16xf32, #tpu.memory_space<vmem>>, vector<16xf32>,
        %mul3A_492 = arith.mulf %get3A_486, %get3A_491 : vector<16xf32>
        %add3A_493 = arith.constant 320 : i32
        %add3A_494 = arith.addi %add3A_493, %scan3A_413 : i32
        %swap3A_495 = arith.index_cast %add3A_494 : i32 to index
        %swap3A_496 = arith.constant 0 : index
        %swap3A_497 = tpu.vector_load %arg14[%swap3A_495, %swap3A_496] {strides = array<i32>} : memref<512x16xf32, #tpu.memory_space<vmem>>, vector<16xf32>,
        tpu.vector_store %arg14[%swap3A_495, %swap3A_496], %mul3A_492 {strides = array<i32>} : memref<512x16xf32, #tpu.memory_space<vmem>>, vector<16xf32>,
        %get3A_498 = arith.index_cast %scan3A_413 : i32 to index
        %get3A_499 = arith.constant 96 : index
        %get3A_500 = tpu.vector_load %arg10[%get3A_498, %get3A_499] {strides = array<i32>} : memref<64x128xf32, #tpu.memory_space<vmem>>, vector<16xf32>,
        %add3A_501 = arith.constant 384 : i32
        %add3A_502 = arith.addi %add3A_501, %scan3A_413 : i32
        %get3A_503 = arith.index_cast %add3A_502 : i32 to index
        %get3A_504 = arith.constant 0 : index
        %get3A_505 = tpu.vector_load %arg12[%get3A_503, %get3A_504] {strides = array<i32>} : memref<512x16xf32, #tpu.memory_space<vmem>>, vector<16xf32>,
        %mul3A_506 = arith.mulf %get3A_500, %get3A_505 : vector<16xf32>
        %add3A_507 = arith.constant 384 : i32
        %add3A_508 = arith.addi %add3A_507, %scan3A_413 : i32
        %swap3A_509 = arith.index_cast %add3A_508 : i32 to index
        %swap3A_510 = arith.constant 0 : index
        %swap3A_511 = tpu.vector_load %arg14[%swap3A_509, %swap3A_510] {strides = array<i32>} : memref<512x16xf32, #tpu.memory_space<vmem>>, vector<16xf32>,
        tpu.vector_store %arg14[%swap3A_509, %swap3A_510], %mul3A_506 {strides = array<i32>} : memref<512x16xf32, #tpu.memory_space<vmem>>, vector<16xf32>,
        %get3A_512 = arith.index_cast %scan3A_413 : i32 to index
        %get3A_513 = arith.constant 112 : index
        %get3A_514 = tpu.vector_load %arg10[%get3A_512, %get3A_513] {strides = array<i32>} : memref<64x128xf32, #tpu.memory_space<vmem>>, vector<16xf32>,
        %add3A_515 = arith.constant 448 : i32
        %add3A_516 = arith.addi %add3A_515, %scan3A_413 : i32
        %get3A_517 = arith.index_cast %add3A_516 : i32 to index
        %get3A_518 = arith.constant 0 : index
        %get3A_519 = tpu.vector_load %arg12[%get3A_517, %get3A_518] {strides = array<i32>} : memref<512x16xf32, #tpu.memory_space<vmem>>, vector<16xf32>,
        %mul3A_520 = arith.mulf %get3A_514, %get3A_519 : vector<16xf32>
        %add3A_521 = arith.constant 448 : i32
        %add3A_522 = arith.addi %add3A_521, %scan3A_413 : i32
        %swap3A_523 = arith.index_cast %add3A_522 : i32 to index
        %swap3A_524 = arith.constant 0 : index
        %swap3A_525 = tpu.vector_load %arg14[%swap3A_523, %swap3A_524] {strides = array<i32>} : memref<512x16xf32, #tpu.memory_space<vmem>>, vector<16xf32>,
        tpu.vector_store %arg14[%swap3A_523, %swap3A_524], %mul3A_520 {strides = array<i32>} : memref<512x16xf32, #tpu.memory_space<vmem>>, vector<16xf32>,
      }
      %scan3A_277 = arith.constant 64 : i32
      %mul3A_278 = arith.constant 4 : i32
      %mul3A_279 = arith.muli %mul3A_278, %add3A_210 : i32
      %add3A_280 = arith.constant 0 : i32
      %add3A_281 = arith.addi %mul3A_279, %add3A_280 : i32
      "tpu.region"() ({
        %run_scoped3A = tpu.sem_alloc : memref<!tpu.dma_semaphore, #tpu.memory_space<semaphore_mem>>
        %dma_start3A_301 = arith.constant 0 : i32
        %dma_start3A_302 = arith.constant 0 : i32
        %dma_start3A_303 = tpu.memref_slice %arg14[%dma_start3A_301, %dma_start3A_302] : memref<512x16xf32, #tpu.memory_space<vmem>> -> memref<128x16xf32, #tpu.memory_space<vmem>>
        %dma_start3A_304 = arith.constant 0 : i32
        %dma_start3A_305 = tpu.memref_slice %arg8[%add3A_281, %dma_start3A_304] : memref<40x128xi32, #tpu.memory_space<vmem>> -> memref<1x128xi32, #tpu.memory_space<vmem>>
        %dma_start3A_306 = tpu.memref_squeeze %dma_start3A_305 : memref<1x128xi32, #tpu.memory_space<vmem>> -> memref<128xi32, #tpu.memory_space<vmem>>
        %dma_start3A_307 = arith.constant 0 : i32
        %dma_start3A_308 = arith.constant 0 : i32
        %dma_start3A_309 = tpu.memref_slice %arg17[%dma_start3A_307, %dma_start3A_308] : memref<10240x16xf32, #tpu.memory_space<vmem_shared>> -> memref<10240x16xf32, #tpu.memory_space<vmem_shared>>
        tpu.enqueue_indirect_dma source(%dma_start3A_303 : memref<128x16xf32, #tpu.memory_space<vmem>>) target(%dma_start3A_309 : memref<10240x16xf32, #tpu.memory_space<vmem_shared>>) offsets(%dma_start3A_306 : memref<128xi32, #tpu.memory_space<vmem>>) semaphore(%run_scoped3A : memref<!tpu.dma_semaphore, #tpu.memory_space<semaphore_mem>>) {add = true}
        %dma_wait3A_310 = arith.constant 0 : i32
        %dma_wait3A_311 = arith.constant 0 : i32
        %dma_wait3A_312 = tpu.memref_slice %arg14[%dma_wait3A_310, %dma_wait3A_311] : memref<512x16xf32, #tpu.memory_space<vmem>> -> memref<128x16xf32, #tpu.memory_space<vmem>>
        %dma_wait3A_313 = arith.constant 0 : i32
        %dma_wait3A_314 = tpu.memref_slice %arg8[%add3A_281, %dma_wait3A_313] : memref<40x128xi32, #tpu.memory_space<vmem>> -> memref<1x128xi32, #tpu.memory_space<vmem>>
        %dma_wait3A_315 = tpu.memref_squeeze %dma_wait3A_314 : memref<1x128xi32, #tpu.memory_space<vmem>> -> memref<128xi32, #tpu.memory_space<vmem>>
        %dma_wait3A_316 = arith.constant 0 : i32
        %dma_wait3A_317 = arith.constant 0 : i32
        %dma_wait3A_318 = tpu.memref_slice %arg17[%dma_wait3A_316, %dma_wait3A_317] : memref<10240x16xf32, #tpu.memory_space<vmem_shared>> -> memref<10240x16xf32, #tpu.memory_space<vmem_shared>>
        tpu.wait_indirect_dma semaphore(%run_scoped3A : memref<!tpu.dma_semaphore, #tpu.memory_space<semaphore_mem>>) src(%dma_wait3A_312 : memref<128x16xf32, #tpu.memory_space<vmem>>) dst(%dma_wait3A_318 : memref<10240x16xf32, #tpu.memory_space<vmem_shared>>)
        tpu.yield
      }) : () -> ()
      %mul3A_282 = arith.constant 4 : i32
      %mul3A_283 = arith.muli %mul3A_282, %add3A_210 : i32
      %add3A_284 = arith.constant 1 : i32
      %add3A_285 = arith.addi %mul3A_283, %add3A_284 : i32
      "tpu.region"() ({
        %run_scoped3A = tpu.sem_alloc : memref<!tpu.dma_semaphore, #tpu.memory_space<semaphore_mem>>
        %dma_start3A_301 = arith.constant 128 : i32
        %dma_start3A_302 = arith.constant 0 : i32
        %dma_start3A_303 = tpu.memref_slice %arg14[%dma_start3A_301, %dma_start3A_302] : memref<512x16xf32, #tpu.memory_space<vmem>> -> memref<128x16xf32, #tpu.memory_space<vmem>>
        %dma_start3A_304 = arith.constant 0 : i32
        %dma_start3A_305 = tpu.memref_slice %arg8[%add3A_285, %dma_start3A_304] : memref<40x128xi32, #tpu.memory_space<vmem>> -> memref<1x128xi32, #tpu.memory_space<vmem>>
        %dma_start3A_306 = tpu.memref_squeeze %dma_start3A_305 : memref<1x128xi32, #tpu.memory_space<vmem>> -> memref<128xi32, #tpu.memory_space<vmem>>
        %dma_start3A_307 = arith.constant 0 : i32
        %dma_start3A_308 = arith.constant 0 : i32
        %dma_start3A_309 = tpu.memref_slice %arg17[%dma_start3A_307, %dma_start3A_308] : memref<10240x16xf32, #tpu.memory_space<vmem_shared>> -> memref<10240x16xf32, #tpu.memory_space<vmem_shared>>
        tpu.enqueue_indirect_dma source(%dma_start3A_303 : memref<128x16xf32, #tpu.memory_space<vmem>>) target(%dma_start3A_309 : memref<10240x16xf32, #tpu.memory_space<vmem_shared>>) offsets(%dma_start3A_306 : memref<128xi32, #tpu.memory_space<vmem>>) semaphore(%run_scoped3A : memref<!tpu.dma_semaphore, #tpu.memory_space<semaphore_mem>>) {add = true}
        %dma_wait3A_310 = arith.constant 128 : i32
        %dma_wait3A_311 = arith.constant 0 : i32
        %dma_wait3A_312 = tpu.memref_slice %arg14[%dma_wait3A_310, %dma_wait3A_311] : memref<512x16xf32, #tpu.memory_space<vmem>> -> memref<128x16xf32, #tpu.memory_space<vmem>>
        %dma_wait3A_313 = arith.constant 0 : i32
        %dma_wait3A_314 = tpu.memref_slice %arg8[%add3A_285, %dma_wait3A_313] : memref<40x128xi32, #tpu.memory_space<vmem>> -> memref<1x128xi32, #tpu.memory_space<vmem>>
        %dma_wait3A_315 = tpu.memref_squeeze %dma_wait3A_314 : memref<1x128xi32, #tpu.memory_space<vmem>> -> memref<128xi32, #tpu.memory_space<vmem>>
        %dma_wait3A_316 = arith.constant 0 : i32
        %dma_wait3A_317 = arith.constant 0 : i32
        %dma_wait3A_318 = tpu.memref_slice %arg17[%dma_wait3A_316, %dma_wait3A_317] : memref<10240x16xf32, #tpu.memory_space<vmem_shared>> -> memref<10240x16xf32, #tpu.memory_space<vmem_shared>>
        tpu.wait_indirect_dma semaphore(%run_scoped3A : memref<!tpu.dma_semaphore, #tpu.memory_space<semaphore_mem>>) src(%dma_wait3A_312 : memref<128x16xf32, #tpu.memory_space<vmem>>) dst(%dma_wait3A_318 : memref<10240x16xf32, #tpu.memory_space<vmem_shared>>)
        tpu.yield
      }) : () -> ()
      %mul3A_286 = arith.constant 4 : i32
      %mul3A_287 = arith.muli %mul3A_286, %add3A_210 : i32
      %add3A_288 = arith.constant 2 : i32
      %add3A_289 = arith.addi %mul3A_287, %add3A_288 : i32
      "tpu.region"() ({
        %run_scoped3A = tpu.sem_alloc : memref<!tpu.dma_semaphore, #tpu.memory_space<semaphore_mem>>
        %dma_start3A_301 = arith.constant 256 : i32
        %dma_start3A_302 = arith.constant 0 : i32
        %dma_start3A_303 = tpu.memref_slice %arg14[%dma_start3A_301, %dma_start3A_302] : memref<512x16xf32, #tpu.memory_space<vmem>> -> memref<128x16xf32, #tpu.memory_space<vmem>>
        %dma_start3A_304 = arith.constant 0 : i32
        %dma_start3A_305 = tpu.memref_slice %arg8[%add3A_289, %dma_start3A_304] : memref<40x128xi32, #tpu.memory_space<vmem>> -> memref<1x128xi32, #tpu.memory_space<vmem>>
        %dma_start3A_306 = tpu.memref_squeeze %dma_start3A_305 : memref<1x128xi32, #tpu.memory_space<vmem>> -> memref<128xi32, #tpu.memory_space<vmem>>
        %dma_start3A_307 = arith.constant 0 : i32
        %dma_start3A_308 = arith.constant 0 : i32
        %dma_start3A_309 = tpu.memref_slice %arg17[%dma_start3A_307, %dma_start3A_308] : memref<10240x16xf32, #tpu.memory_space<vmem_shared>> -> memref<10240x16xf32, #tpu.memory_space<vmem_shared>>
        tpu.enqueue_indirect_dma source(%dma_start3A_303 : memref<128x16xf32, #tpu.memory_space<vmem>>) target(%dma_start3A_309 : memref<10240x16xf32, #tpu.memory_space<vmem_shared>>) offsets(%dma_start3A_306 : memref<128xi32, #tpu.memory_space<vmem>>) semaphore(%run_scoped3A : memref<!tpu.dma_semaphore, #tpu.memory_space<semaphore_mem>>) {add = true}
        %dma_wait3A_310 = arith.constant 256 : i32
        %dma_wait3A_311 = arith.constant 0 : i32
        %dma_wait3A_312 = tpu.memref_slice %arg14[%dma_wait3A_310, %dma_wait3A_311] : memref<512x16xf32, #tpu.memory_space<vmem>> -> memref<128x16xf32, #tpu.memory_space<vmem>>
        %dma_wait3A_313 = arith.constant 0 : i32
        %dma_wait3A_314 = tpu.memref_slice %arg8[%add3A_289, %dma_wait3A_313] : memref<40x128xi32, #tpu.memory_space<vmem>> -> memref<1x128xi32, #tpu.memory_space<vmem>>
        %dma_wait3A_315 = tpu.memref_squeeze %dma_wait3A_314 : memref<1x128xi32, #tpu.memory_space<vmem>> -> memref<128xi32, #tpu.memory_space<vmem>>
        %dma_wait3A_316 = arith.constant 0 : i32
        %dma_wait3A_317 = arith.constant 0 : i32
        %dma_wait3A_318 = tpu.memref_slice %arg17[%dma_wait3A_316, %dma_wait3A_317] : memref<10240x16xf32, #tpu.memory_space<vmem_shared>> -> memref<10240x16xf32, #tpu.memory_space<vmem_shared>>
        tpu.wait_indirect_dma semaphore(%run_scoped3A : memref<!tpu.dma_semaphore, #tpu.memory_space<semaphore_mem>>) src(%dma_wait3A_312 : memref<128x16xf32, #tpu.memory_space<vmem>>) dst(%dma_wait3A_318 : memref<10240x16xf32, #tpu.memory_space<vmem_shared>>)
        tpu.yield
      }) : () -> ()
      %mul3A_290 = arith.constant 4 : i32
      %mul3A_291 = arith.muli %mul3A_290, %add3A_210 : i32
      %add3A_292 = arith.constant 3 : i32
      %add3A_293 = arith.addi %mul3A_291, %add3A_292 : i32
      "tpu.region"() ({
        %run_scoped3A = tpu.sem_alloc : memref<!tpu.dma_semaphore, #tpu.memory_space<semaphore_mem>>
        %dma_start3A_301 = arith.constant 384 : i32
        %dma_start3A_302 = arith.constant 0 : i32
        %dma_start3A_303 = tpu.memref_slice %arg14[%dma_start3A_301, %dma_start3A_302] : memref<512x16xf32, #tpu.memory_space<vmem>> -> memref<128x16xf32, #tpu.memory_space<vmem>>
        %dma_start3A_304 = arith.constant 0 : i32
        %dma_start3A_305 = tpu.memref_slice %arg8[%add3A_293, %dma_start3A_304] : memref<40x128xi32, #tpu.memory_space<vmem>> -> memref<1x128xi32, #tpu.memory_space<vmem>>
        %dma_start3A_306 = tpu.memref_squeeze %dma_start3A_305 : memref<1x128xi32, #tpu.memory_space<vmem>> -> memref<128xi32, #tpu.memory_space<vmem>>
        %dma_start3A_307 = arith.constant 0 : i32
        %dma_start3A_308 = arith.constant 0 : i32
        %dma_start3A_309 = tpu.memref_slice %arg17[%dma_start3A_307, %dma_start3A_308] : memref<10240x16xf32, #tpu.memory_space<vmem_shared>> -> memref<10240x16xf32, #tpu.memory_space<vmem_shared>>
        tpu.enqueue_indirect_dma source(%dma_start3A_303 : memref<128x16xf32, #tpu.memory_space<vmem>>) target(%dma_start3A_309 : memref<10240x16xf32, #tpu.memory_space<vmem_shared>>) offsets(%dma_start3A_306 : memref<128xi32, #tpu.memory_space<vmem>>) semaphore(%run_scoped3A : memref<!tpu.dma_semaphore, #tpu.memory_space<semaphore_mem>>) {add = true}
        %dma_wait3A_310 = arith.constant 384 : i32
        %dma_wait3A_311 = arith.constant 0 : i32
        %dma_wait3A_312 = tpu.memref_slice %arg14[%dma_wait3A_310, %dma_wait3A_311] : memref<512x16xf32, #tpu.memory_space<vmem>> -> memref<128x16xf32, #tpu.memory_space<vmem>>
        %dma_wait3A_313 = arith.constant 0 : i32
        %dma_wait3A_314 = tpu.memref_slice %arg8[%add3A_293, %dma_wait3A_313] : memref<40x128xi32, #tpu.memory_space<vmem>> -> memref<1x128xi32, #tpu.memory_space<vmem>>
        %dma_wait3A_315 = tpu.memref_squeeze %dma_wait3A_314 : memref<1x128xi32, #tpu.memory_space<vmem>> -> memref<128xi32, #tpu.memory_space<vmem>>
        %dma_wait3A_316 = arith.constant 0 : i32
        %dma_wait3A_317 = arith.constant 0 : i32
        %dma_wait3A_318 = tpu.memref_slice %arg17[%dma_wait3A_316, %dma_wait3A_317] : memref<10240x16xf32, #tpu.memory_space<vmem_shared>> -> memref<10240x16xf32, #tpu.memory_space<vmem_shared>>
        tpu.wait_indirect_dma semaphore(%run_scoped3A : memref<!tpu.dma_semaphore, #tpu.memory_space<semaphore_mem>>) src(%dma_wait3A_312 : memref<128x16xf32, #tpu.memory_space<vmem>>) dst(%dma_wait3A_318 : memref<10240x16xf32, #tpu.memory_space<vmem_shared>>)
        tpu.yield
      }) : () -> ()
      %add3A_294 = arith.constant 2 : i32
      %add3A_295 = arith.addi %add3A_210, %add3A_294 : i32
      %lt3A_296 = arith.constant 10 : i32
      %lt3A_297 = arith.cmpi slt, %add3A_295, %lt3A_296 : i32
      %convert_element_type3A_298 = arith.extui %lt3A_297 : i1 to i32
      %cond3A_299 = arith.constant 0 : i32
      %cond3A_300 = arith.cmpi ne, %convert_element_type3A_298, %cond3A_299 : i32
      scf.if %cond3A_300 {
        %add3A_301 = arith.constant 2 : i32
        %add3A_302 = arith.addi %add3A_210, %add3A_301 : i32
        %add3A_303 = arith.addi %mul3A_9, %add3A_302 : i32
        %dma_start3A_304 = arith.constant 0 : i32
        %dma_start3A_305 = arith.constant 0 : i32
        %dma_start3A_306 = tpu.memref_slice %arg2[%add3A_303, %dma_start3A_304, %dma_start3A_305] : memref<320x64x128xf32, #tpu.memory_space<hbm>> -> memref<1x64x128xf32, #tpu.memory_space<hbm>>
        %dma_start3A_307 = tpu.memref_squeeze %dma_start3A_306 : memref<1x64x128xf32, #tpu.memory_space<hbm>> -> memref<64x128xf32, #tpu.memory_space<hbm>>
        %dma_start3A_308 = arith.constant 0 : i32
        %dma_start3A_309 = arith.constant 0 : i32
        %dma_start3A_310 = tpu.memref_slice %arg2[%add3A_303, %dma_start3A_308, %dma_start3A_309] : memref<320x64x128xf32, #tpu.memory_space<hbm>> -> memref<1x64x128xf32, #tpu.memory_space<hbm>>
        %dma_start3A_311 = tpu.memref_squeeze %dma_start3A_310 : memref<1x64x128xf32, #tpu.memory_space<hbm>> -> memref<64x128xf32, #tpu.memory_space<hbm>>
        tpu.enqueue_dma source(%dma_start3A_311 : memref<64x128xf32, #tpu.memory_space<hbm>>) target(%arg10 : memref<64x128xf32, #tpu.memory_space<vmem>>) target_semaphore(%arg19 : memref<!tpu.dma_semaphore, #tpu.memory_space<semaphore_mem>>)
        %mul3A_312 = arith.constant 4 : i32
        %mul3A_313 = arith.muli %mul3A_312, %add3A_302 : i32
        %add3A_314 = arith.constant 0 : i32
        %add3A_315 = arith.addi %mul3A_313, %add3A_314 : i32
        %dma_start3A_316 = arith.constant 0 : i32
        %dma_start3A_317 = arith.constant 0 : i32
        %dma_start3A_318 = tpu.memref_slice %arg12[%dma_start3A_316, %dma_start3A_317] : memref<512x16xf32, #tpu.memory_space<vmem>> -> memref<128x16xf32, #tpu.memory_space<vmem>>
        %dma_start3A_319 = arith.constant 0 : i32
        %dma_start3A_320 = tpu.memref_slice %arg7[%add3A_315, %dma_start3A_319] : memref<40x128xi32, #tpu.memory_space<vmem>> -> memref<1x128xi32, #tpu.memory_space<vmem>>
        %dma_start3A_321 = tpu.memref_squeeze %dma_start3A_320 : memref<1x128xi32, #tpu.memory_space<vmem>> -> memref<128xi32, #tpu.memory_space<vmem>>
        %dma_start3A_322 = arith.constant 0 : i32
        %dma_start3A_323 = arith.constant 0 : i32
        %dma_start3A_324 = tpu.memref_slice %arg16[%dma_start3A_322, %dma_start3A_323] : memref<10240x16xf32, #tpu.memory_space<vmem_shared>> -> memref<10240x16xf32, #tpu.memory_space<vmem_shared>>
        tpu.enqueue_indirect_dma source(%dma_start3A_324 : memref<10240x16xf32, #tpu.memory_space<vmem_shared>>) target(%dma_start3A_318 : memref<128x16xf32, #tpu.memory_space<vmem>>) offsets(%dma_start3A_321 : memref<128xi32, #tpu.memory_space<vmem>>) semaphore(%arg21 : memref<!tpu.dma_semaphore, #tpu.memory_space<semaphore_mem>>)
        %mul3A_325 = arith.constant 4 : i32
        %mul3A_326 = arith.muli %mul3A_325, %add3A_302 : i32
        %add3A_327 = arith.constant 1 : i32
        %add3A_328 = arith.addi %mul3A_326, %add3A_327 : i32
        %dma_start3A_329 = arith.constant 128 : i32
        %dma_start3A_330 = arith.constant 0 : i32
        %dma_start3A_331 = tpu.memref_slice %arg12[%dma_start3A_329, %dma_start3A_330] : memref<512x16xf32, #tpu.memory_space<vmem>> -> memref<128x16xf32, #tpu.memory_space<vmem>>
        %dma_start3A_332 = arith.constant 0 : i32
        %dma_start3A_333 = tpu.memref_slice %arg7[%add3A_328, %dma_start3A_332] : memref<40x128xi32, #tpu.memory_space<vmem>> -> memref<1x128xi32, #tpu.memory_space<vmem>>
        %dma_start3A_334 = tpu.memref_squeeze %dma_start3A_333 : memref<1x128xi32, #tpu.memory_space<vmem>> -> memref<128xi32, #tpu.memory_space<vmem>>
        %dma_start3A_335 = arith.constant 0 : i32
        %dma_start3A_336 = arith.constant 0 : i32
        %dma_start3A_337 = tpu.memref_slice %arg16[%dma_start3A_335, %dma_start3A_336] : memref<10240x16xf32, #tpu.memory_space<vmem_shared>> -> memref<10240x16xf32, #tpu.memory_space<vmem_shared>>
        tpu.enqueue_indirect_dma source(%dma_start3A_337 : memref<10240x16xf32, #tpu.memory_space<vmem_shared>>) target(%dma_start3A_331 : memref<128x16xf32, #tpu.memory_space<vmem>>) offsets(%dma_start3A_334 : memref<128xi32, #tpu.memory_space<vmem>>) semaphore(%arg21 : memref<!tpu.dma_semaphore, #tpu.memory_space<semaphore_mem>>)
        %mul3A_338 = arith.constant 4 : i32
        %mul3A_339 = arith.muli %mul3A_338, %add3A_302 : i32
        %add3A_340 = arith.constant 2 : i32
        %add3A_341 = arith.addi %mul3A_339, %add3A_340 : i32
        %dma_start3A_342 = arith.constant 256 : i32
        %dma_start3A_343 = arith.constant 0 : i32
        %dma_start3A_344 = tpu.memref_slice %arg12[%dma_start3A_342, %dma_start3A_343] : memref<512x16xf32, #tpu.memory_space<vmem>> -> memref<128x16xf32, #tpu.memory_space<vmem>>
        %dma_start3A_345 = arith.constant 0 : i32
        %dma_start3A_346 = tpu.memref_slice %arg7[%add3A_341, %dma_start3A_345] : memref<40x128xi32, #tpu.memory_space<vmem>> -> memref<1x128xi32, #tpu.memory_space<vmem>>
        %dma_start3A_347 = tpu.memref_squeeze %dma_start3A_346 : memref<1x128xi32, #tpu.memory_space<vmem>> -> memref<128xi32, #tpu.memory_space<vmem>>
        %dma_start3A_348 = arith.constant 0 : i32
        %dma_start3A_349 = arith.constant 0 : i32
        %dma_start3A_350 = tpu.memref_slice %arg16[%dma_start3A_348, %dma_start3A_349] : memref<10240x16xf32, #tpu.memory_space<vmem_shared>> -> memref<10240x16xf32, #tpu.memory_space<vmem_shared>>
        tpu.enqueue_indirect_dma source(%dma_start3A_350 : memref<10240x16xf32, #tpu.memory_space<vmem_shared>>) target(%dma_start3A_344 : memref<128x16xf32, #tpu.memory_space<vmem>>) offsets(%dma_start3A_347 : memref<128xi32, #tpu.memory_space<vmem>>) semaphore(%arg21 : memref<!tpu.dma_semaphore, #tpu.memory_space<semaphore_mem>>)
        %mul3A_351 = arith.constant 4 : i32
        %mul3A_352 = arith.muli %mul3A_351, %add3A_302 : i32
        %add3A_353 = arith.constant 3 : i32
        %add3A_354 = arith.addi %mul3A_352, %add3A_353 : i32
        %dma_start3A_355 = arith.constant 384 : i32
        %dma_start3A_356 = arith.constant 0 : i32
        %dma_start3A_357 = tpu.memref_slice %arg12[%dma_start3A_355, %dma_start3A_356] : memref<512x16xf32, #tpu.memory_space<vmem>> -> memref<128x16xf32, #tpu.memory_space<vmem>>
        %dma_start3A_358 = arith.constant 0 : i32
        %dma_start3A_359 = tpu.memref_slice %arg7[%add3A_354, %dma_start3A_358] : memref<40x128xi32, #tpu.memory_space<vmem>> -> memref<1x128xi32, #tpu.memory_space<vmem>>
        %dma_start3A_360 = tpu.memref_squeeze %dma_start3A_359 : memref<1x128xi32, #tpu.memory_space<vmem>> -> memref<128xi32, #tpu.memory_space<vmem>>
        %dma_start3A_361 = arith.constant 0 : i32
        %dma_start3A_362 = arith.constant 0 : i32
        %dma_start3A_363 = tpu.memref_slice %arg16[%dma_start3A_361, %dma_start3A_362] : memref<10240x16xf32, #tpu.memory_space<vmem_shared>> -> memref<10240x16xf32, #tpu.memory_space<vmem_shared>>
        tpu.enqueue_indirect_dma source(%dma_start3A_363 : memref<10240x16xf32, #tpu.memory_space<vmem_shared>>) target(%dma_start3A_357 : memref<128x16xf32, #tpu.memory_space<vmem>>) offsets(%dma_start3A_360 : memref<128xi32, #tpu.memory_space<vmem>>) semaphore(%arg21 : memref<!tpu.dma_semaphore, #tpu.memory_space<semaphore_mem>>)
      } else {
      }
    }
    %scan3A_114 = arith.constant 5 : i32
    %barrier3A_115 = arith.constant 0 : index
    tpu.barrier barrier_id(%barrier3A_115)
    "tpu.region"() ({
      %run_scoped3A = tpu.sem_alloc : memref<!tpu.dma_semaphore, #tpu.memory_space<semaphore_mem>>
      %dma_start3A_116 = arith.constant 0 : i32
      %dma_start3A_117 = tpu.memref_slice %arg17[%mul3A_2, %dma_start3A_116] : memref<10240x16xf32, #tpu.memory_space<vmem_shared>> -> memref<640x16xf32, #tpu.memory_space<vmem_shared>>
      %dma_start3A_118 = arith.constant 0 : i32
      %dma_start3A_119 = tpu.memref_slice %arg17[%mul3A_2, %dma_start3A_118] : memref<10240x16xf32, #tpu.memory_space<vmem_shared>> -> memref<640x16xf32, #tpu.memory_space<vmem_shared>>
      tpu.enqueue_dma source(%dma_start3A_119 : memref<640x16xf32, #tpu.memory_space<vmem_shared>>) target(%arg15 : memref<640x16xf32, #tpu.memory_space<vmem>>) target_semaphore(%run_scoped3A : memref<!tpu.dma_semaphore, #tpu.memory_space<semaphore_mem>>)
      %dma_wait3A = arith.constant 0 : i32
      %dma_wait3A_120 = tpu.memref_slice %arg17[%mul3A_2, %dma_wait3A] : memref<10240x16xf32, #tpu.memory_space<vmem_shared>> -> memref<640x16xf32, #tpu.memory_space<vmem_shared>>
      %dma_wait3A_121 = arith.constant 0 : i32
      %dma_wait3A_122 = tpu.memref_slice %arg17[%mul3A_2, %dma_wait3A_121] : memref<10240x16xf32, #tpu.memory_space<vmem_shared>> -> memref<640x16xf32, #tpu.memory_space<vmem_shared>>
      tpu.wait_dma2 semaphore(%run_scoped3A : memref<!tpu.dma_semaphore, #tpu.memory_space<semaphore_mem>>) src(%dma_wait3A_122 : memref<640x16xf32, #tpu.memory_space<vmem_shared>>) dst(%arg15 : memref<640x16xf32, #tpu.memory_space<vmem>>)
      tpu.yield
    }) : () -> ()
    "tpu.region"() ({
      %run_scoped3A = tpu.sem_alloc : memref<!tpu.dma_semaphore, #tpu.memory_space<semaphore_mem>>
      %dma_start3A_116 = arith.constant 0 : i32
      %dma_start3A_117 = tpu.memref_slice %arg6[%arg0, %mul3A_2, %dma_start3A_116] : memref<2x10240x16xf32, #tpu.memory_space<hbm>> -> memref<1x640x16xf32, #tpu.memory_space<hbm>>
      %dma_start3A_118 = tpu.memref_squeeze %dma_start3A_117 : memref<1x640x16xf32, #tpu.memory_space<hbm>> -> memref<640x16xf32, #tpu.memory_space<hbm>>
      %dma_start3A_119 = arith.constant 0 : i32
      %dma_start3A_120 = tpu.memref_slice %arg6[%arg0, %mul3A_2, %dma_start3A_119] : memref<2x10240x16xf32, #tpu.memory_space<hbm>> -> memref<1x640x16xf32, #tpu.memory_space<hbm>>
      %dma_start3A_121 = tpu.memref_squeeze %dma_start3A_120 : memref<1x640x16xf32, #tpu.memory_space<hbm>> -> memref<640x16xf32, #tpu.memory_space<hbm>>
      tpu.enqueue_dma source(%arg15 : memref<640x16xf32, #tpu.memory_space<vmem>>) target(%dma_start3A_121 : memref<640x16xf32, #tpu.memory_space<hbm>>) target_semaphore(%run_scoped3A : memref<!tpu.dma_semaphore, #tpu.memory_space<semaphore_mem>>)
      %dma_wait3A = arith.constant 0 : i32
      %dma_wait3A_122 = tpu.memref_slice %arg6[%arg0, %mul3A_2, %dma_wait3A] : memref<2x10240x16xf32, #tpu.memory_space<hbm>> -> memref<1x640x16xf32, #tpu.memory_space<hbm>>
      %dma_wait3A_123 = tpu.memref_squeeze %dma_wait3A_122 : memref<1x640x16xf32, #tpu.memory_space<hbm>> -> memref<640x16xf32, #tpu.memory_space<hbm>>
      %dma_wait3A_124 = arith.constant 0 : i32
      %dma_wait3A_125 = tpu.memref_slice %arg6[%arg0, %mul3A_2, %dma_wait3A_124] : memref<2x10240x16xf32, #tpu.memory_space<hbm>> -> memref<1x640x16xf32, #tpu.memory_space<hbm>>
      %dma_wait3A_126 = tpu.memref_squeeze %dma_wait3A_125 : memref<1x640x16xf32, #tpu.memory_space<hbm>> -> memref<640x16xf32, #tpu.memory_space<hbm>>
      tpu.wait_dma2 semaphore(%run_scoped3A : memref<!tpu.dma_semaphore, #tpu.memory_space<semaphore_mem>>) src(%arg15 : memref<640x16xf32, #tpu.memory_space<vmem>>) dst(%dma_wait3A_126 : memref<640x16xf32, #tpu.memory_space<hbm>>)
      tpu.yield
    }) : () -> ()
    return
  }
}

#map = affine_map<(d0, d1) -> (0, 0, 0)>
#map1 = affine_map<(d0, d1) -> (0, 0)>
module attributes {stable_mosaic.version = 14 : i64} {
  func.func @scat(%arg0: i32, %arg1: i32, %arg2: memref<320x64x128xf32, #tpu.memory_space<hbm>>, %arg3: memref<32x40x128xi32, #tpu.memory_space<hbm>>, %arg4: memref<32x40x128xi32, #tpu.memory_space<hbm>>, %arg5: memref<10240x16xf32, #tpu.memory_space<hbm>>, %arg6: memref<2x10240x16xf32, #tpu.memory_space<hbm>>, %arg7: memref<40x128xi32, #tpu.memory_space<vmem>>, %arg8: memref<40x128xi32, #tpu.memory_space<vmem>>, %arg9: memref<64x128xf32, #tpu.memory_space<vmem>>, %arg10: memref<64x128xf32, #tpu.memory_space<vmem>>, %arg11: memref<512x16xf32, #tpu.memory_space<vmem>>, %arg12: memref<512x16xf32, #tpu.memory_space<vmem>>, %arg13: memref<512x16xf32, #tpu.memory_space<vmem>>, %arg14: memref<512x16xf32, #tpu.memory_space<vmem>>, %arg15: memref<640x16xf32, #tpu.memory_space<vmem>>, %arg16: memref<10240x16xf32, #tpu.memory_space<vmem_shared>>, %arg17: memref<10240x16xf32, #tpu.memory_space<vmem_shared>>, %arg18: memref<!tpu.dma_semaphore, #tpu.memory_space<semaphore_mem>>, %arg19: memref<!tpu.dma_semaphore, #tpu.memory_space<semaphore_mem>>, %arg20: memref<!tpu.dma_semaphore, #tpu.memory_space<semaphore_mem>>, %arg21: memref<!tpu.dma_semaphore, #tpu.memory_space<semaphore_mem>>, %arg22: memref<!tpu.dma_semaphore, #tpu.memory_space<semaphore_mem>>, %arg23: memref<!tpu.dma_semaphore, #tpu.memory_space<semaphore_mem>>) attributes {dimension_semantics = [#tpu.dimension_semantics<core_parallel>, #tpu.dimension_semantics<subcore_parallel>], iteration_bounds = array<i64: 2, 16>, scalar_prefetch = 0 : i64, scratch_operands = 17 : i64, tpu.core_type = #tpu.core_type<sc_vector_subcore>, window_params = [{transform_indices = #map}, {transform_indices = #map}, {transform_indices = #map}, {transform_indices = #map1}, {transform_indices = #map}]} {
    %mul3A = arith.constant 16 : i32
    %mul3A_0 = arith.muli %arg0, %mul3A : i32
    %add3A = arith.addi %mul3A_0, %arg1 : i32
    %mul3A_1 = arith.constant 640 : i32
    %mul3A_2 = arith.muli %arg1, %mul3A_1 : i32
    "tpu.region"() ({
      %run_scoped3A = tpu.sem_alloc : memref<!tpu.dma_semaphore, #tpu.memory_space<semaphore_mem>>
      %dma_start3A_116 = arith.constant 0 : i32
      %dma_start3A_117 = tpu.memref_slice %arg5[%mul3A_2, %dma_start3A_116] : memref<10240x16xf32, #tpu.memory_space<hbm>> -> memref<640x16xf32, #tpu.memory_space<hbm>>
      %dma_start3A_118 = arith.constant 0 : i32
      %dma_start3A_119 = tpu.memref_slice %arg5[%mul3A_2, %dma_start3A_118] : memref<10240x16xf32, #tpu.memory_space<hbm>> -> memref<640x16xf32, #tpu.memory_space<hbm>>
      tpu.enqueue_dma source(%dma_start3A_119 : memref<640x16xf32, #tpu.memory_space<hbm>>) target(%arg15 : memref<640x16xf32, #tpu.memory_space<vmem>>) target_semaphore(%run_scoped3A : memref<!tpu.dma_semaphore, #tpu.memory_space<semaphore_mem>>)
      %dma_wait3A = arith.constant 0 : i32
      %dma_wait3A_120 = tpu.memref_slice %arg5[%mul3A_2, %dma_wait3A] : memref<10240x16xf32, #tpu.memory_space<hbm>> -> memref<640x16xf32, #tpu.memory_space<hbm>>
      %dma_wait3A_121 = arith.constant 0 : i32
      %dma_wait3A_122 = tpu.memref_slice %arg5[%mul3A_2, %dma_wait3A_121] : memref<10240x16xf32, #tpu.memory_space<hbm>> -> memref<640x16xf32, #tpu.memory_space<hbm>>
      tpu.wait_dma2 semaphore(%run_scoped3A : memref<!tpu.dma_semaphore, #tpu.memory_space<semaphore_mem>>) src(%dma_wait3A_122 : memref<640x16xf32, #tpu.memory_space<hbm>>) dst(%arg15 : memref<640x16xf32, #tpu.memory_space<vmem>>)
      tpu.yield
    }) : () -> ()
    "tpu.region"() ({
      %run_scoped3A = tpu.sem_alloc : memref<!tpu.dma_semaphore, #tpu.memory_space<semaphore_mem>>
      %dma_start3A_116 = arith.constant 0 : i32
      %dma_start3A_117 = tpu.memref_slice %arg16[%mul3A_2, %dma_start3A_116] : memref<10240x16xf32, #tpu.memory_space<vmem_shared>> -> memref<640x16xf32, #tpu.memory_space<vmem_shared>>
      %dma_start3A_118 = arith.constant 0 : i32
      %dma_start3A_119 = tpu.memref_slice %arg16[%mul3A_2, %dma_start3A_118] : memref<10240x16xf32, #tpu.memory_space<vmem_shared>> -> memref<640x16xf32, #tpu.memory_space<vmem_shared>>
      tpu.enqueue_dma source(%arg15 : memref<640x16xf32, #tpu.memory_space<vmem>>) target(%dma_start3A_119 : memref<640x16xf32, #tpu.memory_space<vmem_shared>>) target_semaphore(%run_scoped3A : memref<!tpu.dma_semaphore, #tpu.memory_space<semaphore_mem>>)
      %dma_wait3A = arith.constant 0 : i32
      %dma_wait3A_120 = tpu.memref_slice %arg16[%mul3A_2, %dma_wait3A] : memref<10240x16xf32, #tpu.memory_space<vmem_shared>> -> memref<640x16xf32, #tpu.memory_space<vmem_shared>>
      %dma_wait3A_121 = arith.constant 0 : i32
      %dma_wait3A_122 = tpu.memref_slice %arg16[%mul3A_2, %dma_wait3A_121] : memref<10240x16xf32, #tpu.memory_space<vmem_shared>> -> memref<640x16xf32, #tpu.memory_space<vmem_shared>>
      tpu.wait_dma2 semaphore(%run_scoped3A : memref<!tpu.dma_semaphore, #tpu.memory_space<semaphore_mem>>) src(%arg15 : memref<640x16xf32, #tpu.memory_space<vmem>>) dst(%dma_wait3A_122 : memref<640x16xf32, #tpu.memory_space<vmem_shared>>)
      tpu.yield
    }) : () -> ()
    %scan3A = arith.constant 0 : i32
    %scan3A_3 = arith.constant 0 : i32
    %scan3A_4 = arith.constant 640 : i32
    %scan3A_5 = arith.addi %scan3A_3, %scan3A_4 : i32
    %scan3A_6 = arith.constant 1 : i32
    scf.for %scan3A_116 = %scan3A_3 to %scan3A_5 step %scan3A_6  : i32 {
      %broadcast_in_dim3A = arith.constant 0.000000e+00 : f32
      %broadcast_in_dim3A_117 = vector.broadcast %broadcast_in_dim3A : f32 to vector<16xf32>
      %swap3A = arith.index_cast %scan3A_116 : i32 to index
      %swap3A_118 = arith.constant 0 : index
      %swap3A_119 = tpu.vector_load %arg15[%swap3A, %swap3A_118] {strides = array<i32>} : memref<640x16xf32, #tpu.memory_space<vmem>>, vector<16xf32>,
      tpu.vector_store %arg15[%swap3A, %swap3A_118], %broadcast_in_dim3A_117 {strides = array<i32>} : memref<640x16xf32, #tpu.memory_space<vmem>>, vector<16xf32>,
    }
    %scan3A_7 = arith.constant 640 : i32
    "tpu.region"() ({
      %run_scoped3A = tpu.sem_alloc : memref<!tpu.dma_semaphore, #tpu.memory_space<semaphore_mem>>
      %dma_start3A_116 = arith.constant 0 : i32
      %dma_start3A_117 = tpu.memref_slice %arg17[%mul3A_2, %dma_start3A_116] : memref<10240x16xf32, #tpu.memory_space<vmem_shared>> -> memref<640x16xf32, #tpu.memory_space<vmem_shared>>
      %dma_start3A_118 = arith.constant 0 : i32
      %dma_start3A_119 = tpu.memref_slice %arg17[%mul3A_2, %dma_start3A_118] : memref<10240x16xf32, #tpu.memory_space<vmem_shared>> -> memref<640x16xf32, #tpu.memory_space<vmem_shared>>
      tpu.enqueue_dma source(%arg15 : memref<640x16xf32, #tpu.memory_space<vmem>>) target(%dma_start3A_119 : memref<640x16xf32, #tpu.memory_space<vmem_shared>>) target_semaphore(%run_scoped3A : memref<!tpu.dma_semaphore, #tpu.memory_space<semaphore_mem>>)
      %dma_wait3A = arith.constant 0 : i32
      %dma_wait3A_120 = tpu.memref_slice %arg17[%mul3A_2, %dma_wait3A] : memref<10240x16xf32, #tpu.memory_space<vmem_shared>> -> memref<640x16xf32, #tpu.memory_space<vmem_shared>>
      %dma_wait3A_121 = arith.constant 0 : i32
      %dma_wait3A_122 = tpu.memref_slice %arg17[%mul3A_2, %dma_wait3A_121] : memref<10240x16xf32, #tpu.memory_space<vmem_shared>> -> memref<640x16xf32, #tpu.memory_space<vmem_shared>>
      tpu.wait_dma2 semaphore(%run_scoped3A : memref<!tpu.dma_semaphore, #tpu.memory_space<semaphore_mem>>) src(%arg15 : memref<640x16xf32, #tpu.memory_space<vmem>>) dst(%dma_wait3A_122 : memref<640x16xf32, #tpu.memory_space<vmem_shared>>)
      tpu.yield
    }) : () -> ()
    "tpu.region"() ({
      %run_scoped3A = tpu.sem_alloc : memref<!tpu.dma_semaphore, #tpu.memory_space<semaphore_mem>>
      %dma_start3A_116 = arith.constant 0 : i32
      %dma_start3A_117 = arith.constant 0 : i32
      %dma_start3A_118 = tpu.memref_slice %arg3[%add3A, %dma_start3A_116, %dma_start3A_117] : memref<32x40x128xi32, #tpu.memory_space<hbm>> -> memref<1x40x128xi32, #tpu.memory_space<hbm>>
      %dma_start3A_119 = tpu.memref_squeeze %dma_start3A_118 : memref<1x40x128xi32, #tpu.memory_space<hbm>> -> memref<40x128xi32, #tpu.memory_space<hbm>>
      %dma_start3A_120 = arith.constant 0 : i32
      %dma_start3A_121 = arith.constant 0 : i32
      %dma_start3A_122 = tpu.memref_slice %arg3[%add3A, %dma_start3A_120, %dma_start3A_121] : memref<32x40x128xi32, #tpu.memory_space<hbm>> -> memref<1x40x128xi32, #tpu.memory_space<hbm>>
      %dma_start3A_123 = tpu.memref_squeeze %dma_start3A_122 : memref<1x40x128xi32, #tpu.memory_space<hbm>> -> memref<40x128xi32, #tpu.memory_space<hbm>>
      tpu.enqueue_dma source(%dma_start3A_123 : memref<40x128xi32, #tpu.memory_space<hbm>>) target(%arg7 : memref<40x128xi32, #tpu.memory_space<vmem>>) target_semaphore(%run_scoped3A : memref<!tpu.dma_semaphore, #tpu.memory_space<semaphore_mem>>)
      %dma_wait3A = arith.constant 0 : i32
      %dma_wait3A_124 = arith.constant 0 : i32
      %dma_wait3A_125 = tpu.memref_slice %arg3[%add3A, %dma_wait3A, %dma_wait3A_124] : memref<32x40x128xi32, #tpu.memory_space<hbm>> -> memref<1x40x128xi32, #tpu.memory_space<hbm>>
      %dma_wait3A_126 = tpu.memref_squeeze %dma_wait3A_125 : memref<1x40x128xi32, #tpu.memory_space<hbm>> -> memref<40x128xi32, #tpu.memory_space<hbm>>
      %dma_wait3A_127 = arith.constant 0 : i32
      %dma_wait3A_128 = arith.constant 0 : i32
      %dma_wait3A_129 = tpu.memref_slice %arg3[%add3A, %dma_wait3A_127, %dma_wait3A_128] : memref<32x40x128xi32, #tpu.memory_space<hbm>> -> memref<1x40x128xi32, #tpu.memory_space<hbm>>
      %dma_wait3A_130 = tpu.memref_squeeze %dma_wait3A_129 : memref<1x40x128xi32, #tpu.memory_space<hbm>> -> memref<40x128xi32, #tpu.memory_space<hbm>>
      tpu.wait_dma2 semaphore(%run_scoped3A : memref<!tpu.dma_semaphore, #tpu.memory_space<semaphore_mem>>) src(%dma_wait3A_130 : memref<40x128xi32, #tpu.memory_space<hbm>>) dst(%arg7 : memref<40x128xi32, #tpu.memory_space<vmem>>)
      tpu.yield
    }) : () -> ()
    "tpu.region"() ({
      %run_scoped3A = tpu.sem_alloc : memref<!tpu.dma_semaphore, #tpu.memory_space<semaphore_mem>>
      %dma_start3A_116 = arith.constant 0 : i32
      %dma_start3A_117 = arith.constant 0 : i32
      %dma_start3A_118 = tpu.memref_slice %arg4[%add3A, %dma_start3A_116, %dma_start3A_117] : memref<32x40x128xi32, #tpu.memory_space<hbm>> -> memref<1x40x128xi32, #tpu.memory_space<hbm>>
      %dma_start3A_119 = tpu.memref_squeeze %dma_start3A_118 : memref<1x40x128xi32, #tpu.memory_space<hbm>> -> memref<40x128xi32, #tpu.memory_space<hbm>>
      %dma_start3A_120 = arith.constant 0 : i32
      %dma_start3A_121 = arith.constant 0 : i32
      %dma_start3A_122 = tpu.memref_slice %arg4[%add3A, %dma_start3A_120, %dma_start3A_121] : memref<32x40x128xi32, #tpu.memory_space<hbm>> -> memref<1x40x128xi32, #tpu.memory_space<hbm>>
      %dma_start3A_123 = tpu.memref_squeeze %dma_start3A_122 : memref<1x40x128xi32, #tpu.memory_space<hbm>> -> memref<40x128xi32, #tpu.memory_space<hbm>>
      tpu.enqueue_dma source(%dma_start3A_123 : memref<40x128xi32, #tpu.memory_space<hbm>>) target(%arg8 : memref<40x128xi32, #tpu.memory_space<vmem>>) target_semaphore(%run_scoped3A : memref<!tpu.dma_semaphore, #tpu.memory_space<semaphore_mem>>)
      %dma_wait3A = arith.constant 0 : i32
      %dma_wait3A_124 = arith.constant 0 : i32
      %dma_wait3A_125 = tpu.memref_slice %arg4[%add3A, %dma_wait3A, %dma_wait3A_124] : memref<32x40x128xi32, #tpu.memory_space<hbm>> -> memref<1x40x128xi32, #tpu.memory_space<hbm>>
      %dma_wait3A_126 = tpu.memref_squeeze %dma_wait3A_125 : memref<1x40x128xi32, #tpu.memory_space<hbm>> -> memref<40x128xi32, #tpu.memory_space<hbm>>
      %dma_wait3A_127 = arith.constant 0 : i32
      %dma_wait3A_128 = arith.constant 0 : i32
      %dma_wait3A_129 = tpu.memref_slice %arg4[%add3A, %dma_wait3A_127, %dma_wait3A_128] : memref<32x40x128xi32, #tpu.memory_space<hbm>> -> memref<1x40x128xi32, #tpu.memory_space<hbm>>
      %dma_wait3A_130 = tpu.memref_squeeze %dma_wait3A_129 : memref<1x40x128xi32, #tpu.memory_space<hbm>> -> memref<40x128xi32, #tpu.memory_space<hbm>>
      tpu.wait_dma2 semaphore(%run_scoped3A : memref<!tpu.dma_semaphore, #tpu.memory_space<semaphore_mem>>) src(%dma_wait3A_130 : memref<40x128xi32, #tpu.memory_space<hbm>>) dst(%arg8 : memref<40x128xi32, #tpu.memory_space<vmem>>)
      tpu.yield
    }) : () -> ()
    %barrier3A = arith.constant 0 : index
    tpu.barrier barrier_id(%barrier3A)
    %mul3A_8 = arith.constant 10 : i32
    %mul3A_9 = arith.muli %add3A, %mul3A_8 : i32
    %add3A_10 = arith.constant 0 : i32
    %add3A_11 = arith.addi %mul3A_9, %add3A_10 : i32
    %dma_start3A = arith.constant 0 : i32
    %dma_start3A_12 = arith.constant 0 : i32
    %dma_start3A_13 = tpu.memref_slice %arg2[%add3A_11, %dma_start3A, %dma_start3A_12] : memref<320x64x128xf32, #tpu.memory_space<hbm>> -> memref<1x64x128xf32, #tpu.memory_space<hbm>>
    %dma_start3A_14 = tpu.memref_squeeze %dma_start3A_13 : memref<1x64x128xf32, #tpu.memory_space<hbm>> -> memref<64x128xf32, #tpu.memory_space<hbm>>
    %dma_start3A_15 = arith.constant 0 : i32
    %dma_start3A_16 = arith.constant 0 : i32
    %dma_start3A_17 = tpu.memref_slice %arg2[%add3A_11, %dma_start3A_15, %dma_start3A_16] : memref<320x64x128xf32, #tpu.memory_space<hbm>> -> memref<1x64x128xf32, #tpu.memory_space<hbm>>
    %dma_start3A_18 = tpu.memref_squeeze %dma_start3A_17 : memref<1x64x128xf32, #tpu.memory_space<hbm>> -> memref<64x128xf32, #tpu.memory_space<hbm>>
    tpu.enqueue_dma source(%dma_start3A_18 : memref<64x128xf32, #tpu.memory_space<hbm>>) target(%arg9 : memref<64x128xf32, #tpu.memory_space<vmem>>) target_semaphore(%arg18 : memref<!tpu.dma_semaphore, #tpu.memory_space<semaphore_mem>>)
    %dma_start3A_19 = arith.constant 0 : i32
    %dma_start3A_20 = arith.constant 0 : i32
    %dma_start3A_21 = arith.constant 0 : i32
    %dma_start3A_22 = tpu.memref_slice %arg11[%dma_start3A_20, %dma_start3A_21] : memref<512x16xf32, #tpu.memory_space<vmem>> -> memref<128x16xf32, #tpu.memory_space<vmem>>
    %dma_start3A_23 = arith.constant 0 : i32
    %dma_start3A_24 = tpu.memref_slice %arg7[%dma_start3A_19, %dma_start3A_23] : memref<40x128xi32, #tpu.memory_space<vmem>> -> memref<1x128xi32, #tpu.memory_space<vmem>>
    %dma_start3A_25 = tpu.memref_squeeze %dma_start3A_24 : memref<1x128xi32, #tpu.memory_space<vmem>> -> memref<128xi32, #tpu.memory_space<vmem>>
    %dma_start3A_26 = arith.constant 0 : i32
    %dma_start3A_27 = arith.constant 0 : i32
    %dma_start3A_28 = tpu.memref_slice %arg16[%dma_start3A_26, %dma_start3A_27] : memref<10240x16xf32, #tpu.memory_space<vmem_shared>> -> memref<10240x16xf32, #tpu.memory_space<vmem_shared>>
    tpu.enqueue_indirect_dma source(%dma_start3A_28 : memref<10240x16xf32, #tpu.memory_space<vmem_shared>>) target(%dma_start3A_22 : memref<128x16xf32, #tpu.memory_space<vmem>>) offsets(%dma_start3A_25 : memref<128xi32, #tpu.memory_space<vmem>>) semaphore(%arg20 : memref<!tpu.dma_semaphore, #tpu.memory_space<semaphore_mem>>)
    %dma_start3A_29 = arith.constant 1 : i32
    %dma_start3A_30 = arith.constant 128 : i32
    %dma_start3A_31 = arith.constant 0 : i32
    %dma_start3A_32 = tpu.memref_slice %arg11[%dma_start3A_30, %dma_start3A_31] : memref<512x16xf32, #tpu.memory_space<vmem>> -> memref<128x16xf32, #tpu.memory_space<vmem>>
    %dma_start3A_33 = arith.constant 0 : i32
    %dma_start3A_34 = tpu.memref_slice %arg7[%dma_start3A_29, %dma_start3A_33] : memref<40x128xi32, #tpu.memory_space<vmem>> -> memref<1x128xi32, #tpu.memory_space<vmem>>
    %dma_start3A_35 = tpu.memref_squeeze %dma_start3A_34 : memref<1x128xi32, #tpu.memory_space<vmem>> -> memref<128xi32, #tpu.memory_space<vmem>>
    %dma_start3A_36 = arith.constant 0 : i32
    %dma_start3A_37 = arith.constant 0 : i32
    %dma_start3A_38 = tpu.memref_slice %arg16[%dma_start3A_36, %dma_start3A_37] : memref<10240x16xf32, #tpu.memory_space<vmem_shared>> -> memref<10240x16xf32, #tpu.memory_space<vmem_shared>>
    tpu.enqueue_indirect_dma source(%dma_start3A_38 : memref<10240x16xf32, #tpu.memory_space<vmem_shared>>) target(%dma_start3A_32 : memref<128x16xf32, #tpu.memory_space<vmem>>) offsets(%dma_start3A_35 : memref<128xi32, #tpu.memory_space<vmem>>) semaphore(%arg20 : memref<!tpu.dma_semaphore, #tpu.memory_space<semaphore_mem>>)
    %dma_start3A_39 = arith.constant 2 : i32
    %dma_start3A_40 = arith.constant 256 : i32
    %dma_start3A_41 = arith.constant 0 : i32
    %dma_start3A_42 = tpu.memref_slice %arg11[%dma_start3A_40, %dma_start3A_41] : memref<512x16xf32, #tpu.memory_space<vmem>> -> memref<128x16xf32, #tpu.memory_space<vmem>>
    %dma_start3A_43 = arith.constant 0 : i32
    %dma_start3A_44 = tpu.memref_slice %arg7[%dma_start3A_39, %dma_start3A_43] : memref<40x128xi32, #tpu.memory_space<vmem>> -> memref<1x128xi32, #tpu.memory_space<vmem>>
    %dma_start3A_45 = tpu.memref_squeeze %dma_start3A_44 : memref<1x128xi32, #tpu.memory_space<vmem>> -> memref<128xi32, #tpu.memory_space<vmem>>
    %dma_start3A_46 = arith.constant 0 : i32
    %dma_start3A_47 = arith.constant 0 : i32
    %dma_start3A_48 = tpu.memref_slice %arg16[%dma_start3A_46, %dma_start3A_47] : memref<10240x16xf32, #tpu.memory_space<vmem_shared>> -> memref<10240x16xf32, #tpu.memory_space<vmem_shared>>
    tpu.enqueue_indirect_dma source(%dma_start3A_48 : memref<10240x16xf32, #tpu.memory_space<vmem_shared>>) target(%dma_start3A_42 : memref<128x16xf32, #tpu.memory_space<vmem>>) offsets(%dma_start3A_45 : memref<128xi32, #tpu.memory_space<vmem>>) semaphore(%arg20 : memref<!tpu.dma_semaphore, #tpu.memory_space<semaphore_mem>>)
    %dma_start3A_49 = arith.constant 3 : i32
    %dma_start3A_50 = arith.constant 384 : i32
    %dma_start3A_51 = arith.constant 0 : i32
    %dma_start3A_52 = tpu.memref_slice %arg11[%dma_start3A_50, %dma_start3A_51] : memref<512x16xf32, #tpu.memory_space<vmem>> -> memref<128x16xf32, #tpu.memory_space<vmem>>
    %dma_start3A_53 = arith.constant 0 : i32
    %dma_start3A_54 = tpu.memref_slice %arg7[%dma_start3A_49, %dma_start3A_53] : memref<40x128xi32, #tpu.memory_space<vmem>> -> memref<1x128xi32, #tpu.memory_space<vmem>>
    %dma_start3A_55 = tpu.memref_squeeze %dma_start3A_54 : memref<1x128xi32, #tpu.memory_space<vmem>> -> memref<128xi32, #tpu.memory_space<vmem>>
    %dma_start3A_56 = arith.constant 0 : i32
    %dma_start3A_57 = arith.constant 0 : i32
    %dma_start3A_58 = tpu.memref_slice %arg16[%dma_start3A_56, %dma_start3A_57] : memref<10240x16xf32, #tpu.memory_space<vmem_shared>> -> memref<10240x16xf32, #tpu.memory_space<vmem_shared>>
    tpu.enqueue_indirect_dma source(%dma_start3A_58 : memref<10240x16xf32, #tpu.memory_space<vmem_shared>>) target(%dma_start3A_52 : memref<128x16xf32, #tpu.memory_space<vmem>>) offsets(%dma_start3A_55 : memref<128xi32, #tpu.memory_space<vmem>>) semaphore(%arg20 : memref<!tpu.dma_semaphore, #tpu.memory_space<semaphore_mem>>)
    %add3A_59 = arith.constant 1 : i32
    %add3A_60 = arith.addi %mul3A_9, %add3A_59 : i32
    %dma_start3A_61 = arith.constant 0 : i32
    %dma_start3A_62 = arith.constant 0 : i32
    %dma_start3A_63 = tpu.memref_slice %arg2[%add3A_60, %dma_start3A_61, %dma_start3A_62] : memref<320x64x128xf32, #tpu.memory_space<hbm>> -> memref<1x64x128xf32, #tpu.memory_space<hbm>>
    %dma_start3A_64 = tpu.memref_squeeze %dma_start3A_63 : memref<1x64x128xf32, #tpu.memory_space<hbm>> -> memref<64x128xf32, #tpu.memory_space<hbm>>
    %dma_start3A_65 = arith.constant 0 : i32
    %dma_start3A_66 = arith.constant 0 : i32
    %dma_start3A_67 = tpu.memref_slice %arg2[%add3A_60, %dma_start3A_65, %dma_start3A_66] : memref<320x64x128xf32, #tpu.memory_space<hbm>> -> memref<1x64x128xf32, #tpu.memory_space<hbm>>
    %dma_start3A_68 = tpu.memref_squeeze %dma_start3A_67 : memref<1x64x128xf32, #tpu.memory_space<hbm>> -> memref<64x128xf32, #tpu.memory_space<hbm>>
    tpu.enqueue_dma source(%dma_start3A_68 : memref<64x128xf32, #tpu.memory_space<hbm>>) target(%arg10 : memref<64x128xf32, #tpu.memory_space<vmem>>) target_semaphore(%arg19 : memref<!tpu.dma_semaphore, #tpu.memory_space<semaphore_mem>>)
    %dma_start3A_69 = arith.constant 4 : i32
    %dma_start3A_70 = arith.constant 0 : i32
    %dma_start3A_71 = arith.constant 0 : i32
    %dma_start3A_72 = tpu.memref_slice %arg12[%dma_start3A_70, %dma_start3A_71] : memref<512x16xf32, #tpu.memory_space<vmem>> -> memref<128x16xf32, #tpu.memory_space<vmem>>
    %dma_start3A_73 = arith.constant 0 : i32
    %dma_start3A_74 = tpu.memref_slice %arg7[%dma_start3A_69, %dma_start3A_73] : memref<40x128xi32, #tpu.memory_space<vmem>> -> memref<1x128xi32, #tpu.memory_space<vmem>>
    %dma_start3A_75 = tpu.memref_squeeze %dma_start3A_74 : memref<1x128xi32, #tpu.memory_space<vmem>> -> memref<128xi32, #tpu.memory_space<vmem>>
    %dma_start3A_76 = arith.constant 0 : i32
    %dma_start3A_77 = arith.constant 0 : i32
    %dma_start3A_78 = tpu.memref_slice %arg16[%dma_start3A_76, %dma_start3A_77] : memref<10240x16xf32, #tpu.memory_space<vmem_shared>> -> memref<10240x16xf32, #tpu.memory_space<vmem_shared>>
    tpu.enqueue_indirect_dma source(%dma_start3A_78 : memref<10240x16xf32, #tpu.memory_space<vmem_shared>>) target(%dma_start3A_72 : memref<128x16xf32, #tpu.memory_space<vmem>>) offsets(%dma_start3A_75 : memref<128xi32, #tpu.memory_space<vmem>>) semaphore(%arg21 : memref<!tpu.dma_semaphore, #tpu.memory_space<semaphore_mem>>)
    %dma_start3A_79 = arith.constant 5 : i32
    %dma_start3A_80 = arith.constant 128 : i32
    %dma_start3A_81 = arith.constant 0 : i32
    %dma_start3A_82 = tpu.memref_slice %arg12[%dma_start3A_80, %dma_start3A_81] : memref<512x16xf32, #tpu.memory_space<vmem>> -> memref<128x16xf32, #tpu.memory_space<vmem>>
    %dma_start3A_83 = arith.constant 0 : i32
    %dma_start3A_84 = tpu.memref_slice %arg7[%dma_start3A_79, %dma_start3A_83] : memref<40x128xi32, #tpu.memory_space<vmem>> -> memref<1x128xi32, #tpu.memory_space<vmem>>
    %dma_start3A_85 = tpu.memref_squeeze %dma_start3A_84 : memref<1x128xi32, #tpu.memory_space<vmem>> -> memref<128xi32, #tpu.memory_space<vmem>>
    %dma_start3A_86 = arith.constant 0 : i32
    %dma_start3A_87 = arith.constant 0 : i32
    %dma_start3A_88 = tpu.memref_slice %arg16[%dma_start3A_86, %dma_start3A_87] : memref<10240x16xf32, #tpu.memory_space<vmem_shared>> -> memref<10240x16xf32, #tpu.memory_space<vmem_shared>>
    tpu.enqueue_indirect_dma source(%dma_start3A_88 : memref<10240x16xf32, #tpu.memory_space<vmem_shared>>) target(%dma_start3A_82 : memref<128x16xf32, #tpu.memory_space<vmem>>) offsets(%dma_start3A_85 : memref<128xi32, #tpu.memory_space<vmem>>) semaphore(%arg21 : memref<!tpu.dma_semaphore, #tpu.memory_space<semaphore_mem>>)
    %dma_start3A_89 = arith.constant 6 : i32
    %dma_start3A_90 = arith.constant 256 : i32
    %dma_start3A_91 = arith.constant 0 : i32
    %dma_start3A_92 = tpu.memref_slice %arg12[%dma_start3A_90, %dma_start3A_91] : memref<512x16xf32, #tpu.memory_space<vmem>> -> memref<128x16xf32, #tpu.memory_space<vmem>>
    %dma_start3A_93 = arith.constant 0 : i32
    %dma_start3A_94 = tpu.memref_slice %arg7[%dma_start3A_89, %dma_start3A_93] : memref<40x128xi32, #tpu.memory_space<vmem>> -> memref<1x128xi32, #tpu.memory_space<vmem>>
    %dma_start3A_95 = tpu.memref_squeeze %dma_start3A_94 : memref<1x128xi32, #tpu.memory_space<vmem>> -> memref<128xi32, #tpu.memory_space<vmem>>
    %dma_start3A_96 = arith.constant 0 : i32
    %dma_start3A_97 = arith.constant 0 : i32
    %dma_start3A_98 = tpu.memref_slice %arg16[%dma_start3A_96, %dma_start3A_97] : memref<10240x16xf32, #tpu.memory_space<vmem_shared>> -> memref<10240x16xf32, #tpu.memory_space<vmem_shared>>
    tpu.enqueue_indirect_dma source(%dma_start3A_98 : memref<10240x16xf32, #tpu.memory_space<vmem_shared>>) target(%dma_start3A_92 : memref<128x16xf32, #tpu.memory_space<vmem>>) offsets(%dma_start3A_95 : memref<128xi32, #tpu.memory_space<vmem>>) semaphore(%arg21 : memref<!tpu.dma_semaphore, #tpu.memory_space<semaphore_mem>>)
    %dma_start3A_99 = arith.constant 7 : i32
    %dma_start3A_100 = arith.constant 384 : i32
    %dma_start3A_101 = arith.constant 0 : i32
    %dma_start3A_102 = tpu.memref_slice %arg12[%dma_start3A_100, %dma_start3A_101] : memref<512x16xf32, #tpu.memory_space<vmem>> -> memref<128x16xf32, #tpu.memory_space<vmem>>
    %dma_start3A_103 = arith.constant 0 : i32
    %dma_start3A_104 = tpu.memref_slice %arg7[%dma_start3A_99, %dma_start3A_103] : memref<40x128xi32, #tpu.memory_space<vmem>> -> memref<1x128xi32, #tpu.memory_space<vmem>>
    %dma_start3A_105 = tpu.memref_squeeze %dma_start3A_104 : memref<1x128xi32, #tpu.memory_space<vmem>> -> memref<128xi32, #tpu.memory_space<vmem>>
    %dma_start3A_106 = arith.constant 0 : i32
    %dma_start3A_107 = arith.constant 0 : i32
    %dma_start3A_108 = tpu.memref_slice %arg16[%dma_start3A_106, %dma_start3A_107] : memref<10240x16xf32, #tpu.memory_space<vmem_shared>> -> memref<10240x16xf32, #tpu.memory_space<vmem_shared>>
    tpu.enqueue_indirect_dma source(%dma_start3A_108 : memref<10240x16xf32, #tpu.memory_space<vmem_shared>>) target(%dma_start3A_102 : memref<128x16xf32, #tpu.memory_space<vmem>>) offsets(%dma_start3A_105 : memref<128xi32, #tpu.memory_space<vmem>>) semaphore(%arg21 : memref<!tpu.dma_semaphore, #tpu.memory_space<semaphore_mem>>)
    %scan3A_109 = arith.constant 0 : i32
    %scan3A_110 = arith.constant 0 : i32
    %scan3A_111 = arith.constant 5 : i32
    %scan3A_112 = arith.addi %scan3A_110, %scan3A_111 : i32
    %scan3A_113 = arith.constant 1 : i32
    scf.for %scan3A_116 = %scan3A_110 to %scan3A_112 step %scan3A_113  : i32 {
      %mul3A_117 = arith.constant 2 : i32
      %mul3A_118 = arith.muli %mul3A_117, %scan3A_116 : i32
      %add3A_119 = arith.constant 0 : i32
      %add3A_120 = arith.addi %mul3A_118, %add3A_119 : i32
      %add3A_121 = arith.addi %mul3A_9, %add3A_120 : i32
      %dma_wait3A = arith.constant 0 : i32
      %dma_wait3A_122 = arith.constant 0 : i32
      %dma_wait3A_123 = tpu.memref_slice %arg2[%add3A_121, %dma_wait3A, %dma_wait3A_122] : memref<320x64x128xf32, #tpu.memory_space<hbm>> -> memref<1x64x128xf32, #tpu.memory_space<hbm>>
      %dma_wait3A_124 = tpu.memref_squeeze %dma_wait3A_123 : memref<1x64x128xf32, #tpu.memory_space<hbm>> -> memref<64x128xf32, #tpu.memory_space<hbm>>
      %dma_wait3A_125 = arith.constant 0 : i32
      %dma_wait3A_126 = arith.constant 0 : i32
      %dma_wait3A_127 = tpu.memref_slice %arg2[%add3A_121, %dma_wait3A_125, %dma_wait3A_126] : memref<320x64x128xf32, #tpu.memory_space<hbm>> -> memref<1x64x128xf32, #tpu.memory_space<hbm>>
      %dma_wait3A_128 = tpu.memref_squeeze %dma_wait3A_127 : memref<1x64x128xf32, #tpu.memory_space<hbm>> -> memref<64x128xf32, #tpu.memory_space<hbm>>
      tpu.wait_dma2 semaphore(%arg18 : memref<!tpu.dma_semaphore, #tpu.memory_space<semaphore_mem>>) src(%dma_wait3A_128 : memref<64x128xf32, #tpu.memory_space<hbm>>) dst(%arg9 : memref<64x128xf32, #tpu.memory_space<vmem>>)
      %mul3A_129 = arith.constant 4 : i32
      %mul3A_130 = arith.muli %mul3A_129, %add3A_120 : i32
      %add3A_131 = arith.constant 0 : i32
      %add3A_132 = arith.addi %mul3A_130, %add3A_131 : i32
      %dma_wait3A_133 = arith.constant 0 : i32
      %dma_wait3A_134 = arith.constant 0 : i32
      %dma_wait3A_135 = tpu.memref_slice %arg11[%dma_wait3A_133, %dma_wait3A_134] : memref<512x16xf32, #tpu.memory_space<vmem>> -> memref<128x16xf32, #tpu.memory_space<vmem>>
      %dma_wait3A_136 = arith.constant 0 : i32
      %dma_wait3A_137 = tpu.memref_slice %arg7[%add3A_132, %dma_wait3A_136] : memref<40x128xi32, #tpu.memory_space<vmem>> -> memref<1x128xi32, #tpu.memory_space<vmem>>
      %dma_wait3A_138 = tpu.memref_squeeze %dma_wait3A_137 : memref<1x128xi32, #tpu.memory_space<vmem>> -> memref<128xi32, #tpu.memory_space<vmem>>
      %dma_wait3A_139 = arith.constant 0 : i32
      %dma_wait3A_140 = arith.constant 0 : i32
      %dma_wait3A_141 = tpu.memref_slice %arg16[%dma_wait3A_139, %dma_wait3A_140] : memref<10240x16xf32, #tpu.memory_space<vmem_shared>> -> memref<10240x16xf32, #tpu.memory_space<vmem_shared>>
      tpu.wait_indirect_dma semaphore(%arg20 : memref<!tpu.dma_semaphore, #tpu.memory_space<semaphore_mem>>) src(%dma_wait3A_141 : memref<10240x16xf32, #tpu.memory_space<vmem_shared>>) dst(%dma_wait3A_135 : memref<128x16xf32, #tpu.memory_space<vmem>>)
      %mul3A_142 = arith.constant 4 : i32
      %mul3A_143 = arith.muli %mul3A_142, %add3A_120 : i32
      %add3A_144 = arith.constant 1 : i32
      %add3A_145 = arith.addi %mul3A_143, %add3A_144 : i32
      %dma_wait3A_146 = arith.constant 128 : i32
      %dma_wait3A_147 = arith.constant 0 : i32
      %dma_wait3A_148 = tpu.memref_slice %arg11[%dma_wait3A_146, %dma_wait3A_147] : memref<512x16xf32, #tpu.memory_space<vmem>> -> memref<128x16xf32, #tpu.memory_space<vmem>>
      %dma_wait3A_149 = arith.constant 0 : i32
      %dma_wait3A_150 = tpu.memref_slice %arg7[%add3A_145, %dma_wait3A_149] : memref<40x128xi32, #tpu.memory_space<vmem>> -> memref<1x128xi32, #tpu.memory_space<vmem>>
      %dma_wait3A_151 = tpu.memref_squeeze %dma_wait3A_150 : memref<1x128xi32, #tpu.memory_space<vmem>> -> memref<128xi32, #tpu.memory_space<vmem>>
      %dma_wait3A_152 = arith.constant 0 : i32
      %dma_wait3A_153 = arith.constant 0 : i32
      %dma_wait3A_154 = tpu.memref_slice %arg16[%dma_wait3A_152, %dma_wait3A_153] : memref<10240x16xf32, #tpu.memory_space<vmem_shared>> -> memref<10240x16xf32, #tpu.memory_space<vmem_shared>>
      tpu.wait_indirect_dma semaphore(%arg20 : memref<!tpu.dma_semaphore, #tpu.memory_space<semaphore_mem>>) src(%dma_wait3A_154 : memref<10240x16xf32, #tpu.memory_space<vmem_shared>>) dst(%dma_wait3A_148 : memref<128x16xf32, #tpu.memory_space<vmem>>)
      %mul3A_155 = arith.constant 4 : i32
      %mul3A_156 = arith.muli %mul3A_155, %add3A_120 : i32
      %add3A_157 = arith.constant 2 : i32
      %add3A_158 = arith.addi %mul3A_156, %add3A_157 : i32
      %dma_wait3A_159 = arith.constant 256 : i32
      %dma_wait3A_160 = arith.constant 0 : i32
      %dma_wait3A_161 = tpu.memref_slice %arg11[%dma_wait3A_159, %dma_wait3A_160] : memref<512x16xf32, #tpu.memory_space<vmem>> -> memref<128x16xf32, #tpu.memory_space<vmem>>
      %dma_wait3A_162 = arith.constant 0 : i32
      %dma_wait3A_163 = tpu.memref_slice %arg7[%add3A_158, %dma_wait3A_162] : memref<40x128xi32, #tpu.memory_space<vmem>> -> memref<1x128xi32, #tpu.memory_space<vmem>>
      %dma_wait3A_164 = tpu.memref_squeeze %dma_wait3A_163 : memref<1x128xi32, #tpu.memory_space<vmem>> -> memref<128xi32, #tpu.memory_space<vmem>>
      %dma_wait3A_165 = arith.constant 0 : i32
      %dma_wait3A_166 = arith.constant 0 : i32
      %dma_wait3A_167 = tpu.memref_slice %arg16[%dma_wait3A_165, %dma_wait3A_166] : memref<10240x16xf32, #tpu.memory_space<vmem_shared>> -> memref<10240x16xf32, #tpu.memory_space<vmem_shared>>
      tpu.wait_indirect_dma semaphore(%arg20 : memref<!tpu.dma_semaphore, #tpu.memory_space<semaphore_mem>>) src(%dma_wait3A_167 : memref<10240x16xf32, #tpu.memory_space<vmem_shared>>) dst(%dma_wait3A_161 : memref<128x16xf32, #tpu.memory_space<vmem>>)
      %mul3A_168 = arith.constant 4 : i32
      %mul3A_169 = arith.muli %mul3A_168, %add3A_120 : i32
      %add3A_170 = arith.constant 3 : i32
      %add3A_171 = arith.addi %mul3A_169, %add3A_170 : i32
      %dma_wait3A_172 = arith.constant 384 : i32
      %dma_wait3A_173 = arith.constant 0 : i32
      %dma_wait3A_174 = tpu.memref_slice %arg11[%dma_wait3A_172, %dma_wait3A_173] : memref<512x16xf32, #tpu.memory_space<vmem>> -> memref<128x16xf32, #tpu.memory_space<vmem>>
      %dma_wait3A_175 = arith.constant 0 : i32
      %dma_wait3A_176 = tpu.memref_slice %arg7[%add3A_171, %dma_wait3A_175] : memref<40x128xi32, #tpu.memory_space<vmem>> -> memref<1x128xi32, #tpu.memory_space<vmem>>
      %dma_wait3A_177 = tpu.memref_squeeze %dma_wait3A_176 : memref<1x128xi32, #tpu.memory_space<vmem>> -> memref<128xi32, #tpu.memory_space<vmem>>
      %dma_wait3A_178 = arith.constant 0 : i32
      %dma_wait3A_179 = arith.constant 0 : i32
      %dma_wait3A_180 = tpu.memref_slice %arg16[%dma_wait3A_178, %dma_wait3A_179] : memref<10240x16xf32, #tpu.memory_space<vmem_shared>> -> memref<10240x16xf32, #tpu.memory_space<vmem_shared>>
      tpu.wait_indirect_dma semaphore(%arg20 : memref<!tpu.dma_semaphore, #tpu.memory_space<semaphore_mem>>) src(%dma_wait3A_180 : memref<10240x16xf32, #tpu.memory_space<vmem_shared>>) dst(%dma_wait3A_174 : memref<128x16xf32, #tpu.memory_space<vmem>>)
      %scan3A_181 = arith.constant 0 : i32
      %scan3A_182 = arith.constant 0 : i32
      %scan3A_183 = arith.constant 64 : i32
      %scan3A_184 = arith.addi %scan3A_182, %scan3A_183 : i32
      %scan3A_185 = arith.constant 2 : i32
      scf.for %scan3A_301 = %scan3A_182 to %scan3A_184 step %scan3A_185  : i32 {
        %get3A = arith.index_cast %scan3A_301 : i32 to index
        %get3A_302 = arith.constant 0 : index
        %get3A_303 = tpu.vector_load %arg9[%get3A, %get3A_302] {strides = array<i32>} : memref<64x128xf32, #tpu.memory_space<vmem>>, vector<16xf32>,
        %add3A_304 = arith.constant 0 : i32
        %add3A_305 = arith.addi %add3A_304, %scan3A_301 : i32
        %get3A_306 = arith.index_cast %add3A_305 : i32 to index
        %get3A_307 = arith.constant 0 : index
        %get3A_308 = tpu.vector_load %arg11[%get3A_306, %get3A_307] {strides = array<i32>} : memref<512x16xf32, #tpu.memory_space<vmem>>, vector<16xf32>,
        %mul3A_309 = arith.mulf %get3A_303, %get3A_308 : vector<16xf32>
        %add3A_310 = arith.constant 0 : i32
        %add3A_311 = arith.addi %add3A_310, %scan3A_301 : i32
        %swap3A = arith.index_cast %add3A_311 : i32 to index
        %swap3A_312 = arith.constant 0 : index
        %swap3A_313 = tpu.vector_load %arg13[%swap3A, %swap3A_312] {strides = array<i32>} : memref<512x16xf32, #tpu.memory_space<vmem>>, vector<16xf32>,
        tpu.vector_store %arg13[%swap3A, %swap3A_312], %mul3A_309 {strides = array<i32>} : memref<512x16xf32, #tpu.memory_space<vmem>>, vector<16xf32>,
        %get3A_314 = arith.index_cast %scan3A_301 : i32 to index
        %get3A_315 = arith.constant 16 : index
        %get3A_316 = tpu.vector_load %arg9[%get3A_314, %get3A_315] {strides = array<i32>} : memref<64x128xf32, #tpu.memory_space<vmem>>, vector<16xf32>,
        %add3A_317 = arith.constant 64 : i32
        %add3A_318 = arith.addi %add3A_317, %scan3A_301 : i32
        %get3A_319 = arith.index_cast %add3A_318 : i32 to index
        %get3A_320 = arith.constant 0 : index
        %get3A_321 = tpu.vector_load %arg11[%get3A_319, %get3A_320] {strides = array<i32>} : memref<512x16xf32, #tpu.memory_space<vmem>>, vector<16xf32>,
        %mul3A_322 = arith.mulf %get3A_316, %get3A_321 : vector<16xf32>
        %add3A_323 = arith.constant 64 : i32
        %add3A_324 = arith.addi %add3A_323, %scan3A_301 : i32
        %swap3A_325 = arith.index_cast %add3A_324 : i32 to index
        %swap3A_326 = arith.constant 0 : index
        %swap3A_327 = tpu.vector_load %arg13[%swap3A_325, %swap3A_326] {strides = array<i32>} : memref<512x16xf32, #tpu.memory_space<vmem>>, vector<16xf32>,
        tpu.vector_store %arg13[%swap3A_325, %swap3A_326], %mul3A_322 {strides = array<i32>} : memref<512x16xf32, #tpu.memory_space<vmem>>, vector<16xf32>,
        %get3A_328 = arith.index_cast %scan3A_301 : i32 to index
        %get3A_329 = arith.constant 32 : index
        %get3A_330 = tpu.vector_load %arg9[%get3A_328, %get3A_329] {strides = array<i32>} : memref<64x128xf32, #tpu.memory_space<vmem>>, vector<16xf32>,
        %add3A_331 = arith.constant 128 : i32
        %add3A_332 = arith.addi %add3A_331, %scan3A_301 : i32
        %get3A_333 = arith.index_cast %add3A_332 : i32 to index
        %get3A_334 = arith.constant 0 : index
        %get3A_335 = tpu.vector_load %arg11[%get3A_333, %get3A_334] {strides = array<i32>} : memref<512x16xf32, #tpu.memory_space<vmem>>, vector<16xf32>,
        %mul3A_336 = arith.mulf %get3A_330, %get3A_335 : vector<16xf32>
        %add3A_337 = arith.constant 128 : i32
        %add3A_338 = arith.addi %add3A_337, %scan3A_301 : i32
        %swap3A_339 = arith.index_cast %add3A_338 : i32 to index
        %swap3A_340 = arith.constant 0 : index
        %swap3A_341 = tpu.vector_load %arg13[%swap3A_339, %swap3A_340] {strides = array<i32>} : memref<512x16xf32, #tpu.memory_space<vmem>>, vector<16xf32>,
        tpu.vector_store %arg13[%swap3A_339, %swap3A_340], %mul3A_336 {strides = array<i32>} : memref<512x16xf32, #tpu.memory_space<vmem>>, vector<16xf32>,
        %get3A_342 = arith.index_cast %scan3A_301 : i32 to index
        %get3A_343 = arith.constant 48 : index
        %get3A_344 = tpu.vector_load %arg9[%get3A_342, %get3A_343] {strides = array<i32>} : memref<64x128xf32, #tpu.memory_space<vmem>>, vector<16xf32>,
        %add3A_345 = arith.constant 192 : i32
        %add3A_346 = arith.addi %add3A_345, %scan3A_301 : i32
        %get3A_347 = arith.index_cast %add3A_346 : i32 to index
        %get3A_348 = arith.constant 0 : index
        %get3A_349 = tpu.vector_load %arg11[%get3A_347, %get3A_348] {strides = array<i32>} : memref<512x16xf32, #tpu.memory_space<vmem>>, vector<16xf32>,
        %mul3A_350 = arith.mulf %get3A_344, %get3A_349 : vector<16xf32>
        %add3A_351 = arith.constant 192 : i32
        %add3A_352 = arith.addi %add3A_351, %scan3A_301 : i32
        %swap3A_353 = arith.index_cast %add3A_352 : i32 to index
        %swap3A_354 = arith.constant 0 : index
        %swap3A_355 = tpu.vector_load %arg13[%swap3A_353, %swap3A_354] {strides = array<i32>} : memref<512x16xf32, #tpu.memory_space<vmem>>, vector<16xf32>,
        tpu.vector_store %arg13[%swap3A_353, %swap3A_354], %mul3A_350 {strides = array<i32>} : memref<512x16xf32, #tpu.memory_space<vmem>>, vector<16xf32>,
        %get3A_356 = arith.index_cast %scan3A_301 : i32 to index
        %get3A_357 = arith.constant 64 : index
        %get3A_358 = tpu.vector_load %arg9[%get3A_356, %get3A_357] {strides = array<i32>} : memref<64x128xf32, #tpu.memory_space<vmem>>, vector<16xf32>,
        %add3A_359 = arith.constant 256 : i32
        %add3A_360 = arith.addi %add3A_359, %scan3A_301 : i32
        %get3A_361 = arith.index_cast %add3A_360 : i32 to index
        %get3A_362 = arith.constant 0 : index
        %get3A_363 = tpu.vector_load %arg11[%get3A_361, %get3A_362] {strides = array<i32>} : memref<512x16xf32, #tpu.memory_space<vmem>>, vector<16xf32>,
        %mul3A_364 = arith.mulf %get3A_358, %get3A_363 : vector<16xf32>
        %add3A_365 = arith.constant 256 : i32
        %add3A_366 = arith.addi %add3A_365, %scan3A_301 : i32
        %swap3A_367 = arith.index_cast %add3A_366 : i32 to index
        %swap3A_368 = arith.constant 0 : index
        %swap3A_369 = tpu.vector_load %arg13[%swap3A_367, %swap3A_368] {strides = array<i32>} : memref<512x16xf32, #tpu.memory_space<vmem>>, vector<16xf32>,
        tpu.vector_store %arg13[%swap3A_367, %swap3A_368], %mul3A_364 {strides = array<i32>} : memref<512x16xf32, #tpu.memory_space<vmem>>, vector<16xf32>,
        %get3A_370 = arith.index_cast %scan3A_301 : i32 to index
        %get3A_371 = arith.constant 80 : index
        %get3A_372 = tpu.vector_load %arg9[%get3A_370, %get3A_371] {strides = array<i32>} : memref<64x128xf32, #tpu.memory_space<vmem>>, vector<16xf32>,
        %add3A_373 = arith.constant 320 : i32
        %add3A_374 = arith.addi %add3A_373, %scan3A_301 : i32
        %get3A_375 = arith.index_cast %add3A_374 : i32 to index
        %get3A_376 = arith.constant 0 : index
        %get3A_377 = tpu.vector_load %arg11[%get3A_375, %get3A_376] {strides = array<i32>} : memref<512x16xf32, #tpu.memory_space<vmem>>, vector<16xf32>,
        %mul3A_378 = arith.mulf %get3A_372, %get3A_377 : vector<16xf32>
        %add3A_379 = arith.constant 320 : i32
        %add3A_380 = arith.addi %add3A_379, %scan3A_301 : i32
        %swap3A_381 = arith.index_cast %add3A_380 : i32 to index
        %swap3A_382 = arith.constant 0 : index
        %swap3A_383 = tpu.vector_load %arg13[%swap3A_381, %swap3A_382] {strides = array<i32>} : memref<512x16xf32, #tpu.memory_space<vmem>>, vector<16xf32>,
        tpu.vector_store %arg13[%swap3A_381, %swap3A_382], %mul3A_378 {strides = array<i32>} : memref<512x16xf32, #tpu.memory_space<vmem>>, vector<16xf32>,
        %get3A_384 = arith.index_cast %scan3A_301 : i32 to index
        %get3A_385 = arith.constant 96 : index
        %get3A_386 = tpu.vector_load %arg9[%get3A_384, %get3A_385] {strides = array<i32>} : memref<64x128xf32, #tpu.memory_space<vmem>>, vector<16xf32>,
        %add3A_387 = arith.constant 384 : i32
        %add3A_388 = arith.addi %add3A_387, %scan3A_301 : i32
        %get3A_389 = arith.index_cast %add3A_388 : i32 to index
        %get3A_390 = arith.constant 0 : index
        %get3A_391 = tpu.vector_load %arg11[%get3A_389, %get3A_390] {strides = array<i32>} : memref<512x16xf32, #tpu.memory_space<vmem>>, vector<16xf32>,
        %mul3A_392 = arith.mulf %get3A_386, %get3A_391 : vector<16xf32>
        %add3A_393 = arith.constant 384 : i32
        %add3A_394 = arith.addi %add3A_393, %scan3A_301 : i32
        %swap3A_395 = arith.index_cast %add3A_394 : i32 to index
        %swap3A_396 = arith.constant 0 : index
        %swap3A_397 = tpu.vector_load %arg13[%swap3A_395, %swap3A_396] {strides = array<i32>} : memref<512x16xf32, #tpu.memory_space<vmem>>, vector<16xf32>,
        tpu.vector_store %arg13[%swap3A_395, %swap3A_396], %mul3A_392 {strides = array<i32>} : memref<512x16xf32, #tpu.memory_space<vmem>>, vector<16xf32>,
        %get3A_398 = arith.index_cast %scan3A_301 : i32 to index
        %get3A_399 = arith.constant 112 : index
        %get3A_400 = tpu.vector_load %arg9[%get3A_398, %get3A_399] {strides = array<i32>} : memref<64x128xf32, #tpu.memory_space<vmem>>, vector<16xf32>,
        %add3A_401 = arith.constant 448 : i32
        %add3A_402 = arith.addi %add3A_401, %scan3A_301 : i32
        %get3A_403 = arith.index_cast %add3A_402 : i32 to index
        %get3A_404 = arith.constant 0 : index
        %get3A_405 = tpu.vector_load %arg11[%get3A_403, %get3A_404] {strides = array<i32>} : memref<512x16xf32, #tpu.memory_space<vmem>>, vector<16xf32>,
        %mul3A_406 = arith.mulf %get3A_400, %get3A_405 : vector<16xf32>
        %add3A_407 = arith.constant 448 : i32
        %add3A_408 = arith.addi %add3A_407, %scan3A_301 : i32
        %swap3A_409 = arith.index_cast %add3A_408 : i32 to index
        %swap3A_410 = arith.constant 0 : index
        %swap3A_411 = tpu.vector_load %arg13[%swap3A_409, %swap3A_410] {strides = array<i32>} : memref<512x16xf32, #tpu.memory_space<vmem>>, vector<16xf32>,
        tpu.vector_store %arg13[%swap3A_409, %swap3A_410], %mul3A_406 {strides = array<i32>} : memref<512x16xf32, #tpu.memory_space<vmem>>, vector<16xf32>,
        %scan3A_412 = arith.constant 1 : i32
        %scan3A_413 = arith.addi %scan3A_301, %scan3A_412 : i32
        %get3A_414 = arith.index_cast %scan3A_413 : i32 to index
        %get3A_415 = arith.constant 0 : index
        %get3A_416 = tpu.vector_load %arg9[%get3A_414, %get3A_415] {strides = array<i32>} : memref<64x128xf32, #tpu.memory_space<vmem>>, vector<16xf32>,
        %add3A_417 = arith.constant 0 : i32
        %add3A_418 = arith.addi %add3A_417, %scan3A_413 : i32
        %get3A_419 = arith.index_cast %add3A_418 : i32 to index
        %get3A_420 = arith.constant 0 : index
        %get3A_421 = tpu.vector_load %arg11[%get3A_419, %get3A_420] {strides = array<i32>} : memref<512x16xf32, #tpu.memory_space<vmem>>, vector<16xf32>,
        %mul3A_422 = arith.mulf %get3A_416, %get3A_421 : vector<16xf32>
        %add3A_423 = arith.constant 0 : i32
        %add3A_424 = arith.addi %add3A_423, %scan3A_413 : i32
        %swap3A_425 = arith.index_cast %add3A_424 : i32 to index
        %swap3A_426 = arith.constant 0 : index
        %swap3A_427 = tpu.vector_load %arg13[%swap3A_425, %swap3A_426] {strides = array<i32>} : memref<512x16xf32, #tpu.memory_space<vmem>>, vector<16xf32>,
        tpu.vector_store %arg13[%swap3A_425, %swap3A_426], %mul3A_422 {strides = array<i32>} : memref<512x16xf32, #tpu.memory_space<vmem>>, vector<16xf32>,
        %get3A_428 = arith.index_cast %scan3A_413 : i32 to index
        %get3A_429 = arith.constant 16 : index
        %get3A_430 = tpu.vector_load %arg9[%get3A_428, %get3A_429] {strides = array<i32>} : memref<64x128xf32, #tpu.memory_space<vmem>>, vector<16xf32>,
        %add3A_431 = arith.constant 64 : i32
        %add3A_432 = arith.addi %add3A_431, %scan3A_413 : i32
        %get3A_433 = arith.index_cast %add3A_432 : i32 to index
        %get3A_434 = arith.constant 0 : index
        %get3A_435 = tpu.vector_load %arg11[%get3A_433, %get3A_434] {strides = array<i32>} : memref<512x16xf32, #tpu.memory_space<vmem>>, vector<16xf32>,
        %mul3A_436 = arith.mulf %get3A_430, %get3A_435 : vector<16xf32>
        %add3A_437 = arith.constant 64 : i32
        %add3A_438 = arith.addi %add3A_437, %scan3A_413 : i32
        %swap3A_439 = arith.index_cast %add3A_438 : i32 to index
        %swap3A_440 = arith.constant 0 : index
        %swap3A_441 = tpu.vector_load %arg13[%swap3A_439, %swap3A_440] {strides = array<i32>} : memref<512x16xf32, #tpu.memory_space<vmem>>, vector<16xf32>,
        tpu.vector_store %arg13[%swap3A_439, %swap3A_440], %mul3A_436 {strides = array<i32>} : memref<512x16xf32, #tpu.memory_space<vmem>>, vector<16xf32>,
        %get3A_442 = arith.index_cast %scan3A_413 : i32 to index
        %get3A_443 = arith.constant 32 : index
        %get3A_444 = tpu.vector_load %arg9[%get3A_442, %get3A_443] {strides = array<i32>} : memref<64x128xf32, #tpu.memory_space<vmem>>, vector<16xf32>,
        %add3A_445 = arith.constant 128 : i32
        %add3A_446 = arith.addi %add3A_445, %scan3A_413 : i32
        %get3A_447 = arith.index_cast %add3A_446 : i32 to index
        %get3A_448 = arith.constant 0 : index
        %get3A_449 = tpu.vector_load %arg11[%get3A_447, %get3A_448] {strides = array<i32>} : memref<512x16xf32, #tpu.memory_space<vmem>>, vector<16xf32>,
        %mul3A_450 = arith.mulf %get3A_444, %get3A_449 : vector<16xf32>
        %add3A_451 = arith.constant 128 : i32
        %add3A_452 = arith.addi %add3A_451, %scan3A_413 : i32
        %swap3A_453 = arith.index_cast %add3A_452 : i32 to index
        %swap3A_454 = arith.constant 0 : index
        %swap3A_455 = tpu.vector_load %arg13[%swap3A_453, %swap3A_454] {strides = array<i32>} : memref<512x16xf32, #tpu.memory_space<vmem>>, vector<16xf32>,
        tpu.vector_store %arg13[%swap3A_453, %swap3A_454], %mul3A_450 {strides = array<i32>} : memref<512x16xf32, #tpu.memory_space<vmem>>, vector<16xf32>,
        %get3A_456 = arith.index_cast %scan3A_413 : i32 to index
        %get3A_457 = arith.constant 48 : index
        %get3A_458 = tpu.vector_load %arg9[%get3A_456, %get3A_457] {strides = array<i32>} : memref<64x128xf32, #tpu.memory_space<vmem>>, vector<16xf32>,
        %add3A_459 = arith.constant 192 : i32
        %add3A_460 = arith.addi %add3A_459, %scan3A_413 : i32
        %get3A_461 = arith.index_cast %add3A_460 : i32 to index
        %get3A_462 = arith.constant 0 : index
        %get3A_463 = tpu.vector_load %arg11[%get3A_461, %get3A_462] {strides = array<i32>} : memref<512x16xf32, #tpu.memory_space<vmem>>, vector<16xf32>,
        %mul3A_464 = arith.mulf %get3A_458, %get3A_463 : vector<16xf32>
        %add3A_465 = arith.constant 192 : i32
        %add3A_466 = arith.addi %add3A_465, %scan3A_413 : i32
        %swap3A_467 = arith.index_cast %add3A_466 : i32 to index
        %swap3A_468 = arith.constant 0 : index
        %swap3A_469 = tpu.vector_load %arg13[%swap3A_467, %swap3A_468] {strides = array<i32>} : memref<512x16xf32, #tpu.memory_space<vmem>>, vector<16xf32>,
        tpu.vector_store %arg13[%swap3A_467, %swap3A_468], %mul3A_464 {strides = array<i32>} : memref<512x16xf32, #tpu.memory_space<vmem>>, vector<16xf32>,
        %get3A_470 = arith.index_cast %scan3A_413 : i32 to index
        %get3A_471 = arith.constant 64 : index
        %get3A_472 = tpu.vector_load %arg9[%get3A_470, %get3A_471] {strides = array<i32>} : memref<64x128xf32, #tpu.memory_space<vmem>>, vector<16xf32>,
        %add3A_473 = arith.constant 256 : i32
        %add3A_474 = arith.addi %add3A_473, %scan3A_413 : i32
        %get3A_475 = arith.index_cast %add3A_474 : i32 to index
        %get3A_476 = arith.constant 0 : index
        %get3A_477 = tpu.vector_load %arg11[%get3A_475, %get3A_476] {strides = array<i32>} : memref<512x16xf32, #tpu.memory_space<vmem>>, vector<16xf32>,
        %mul3A_478 = arith.mulf %get3A_472, %get3A_477 : vector<16xf32>
        %add3A_479 = arith.constant 256 : i32
        %add3A_480 = arith.addi %add3A_479, %scan3A_413 : i32
        %swap3A_481 = arith.index_cast %add3A_480 : i32 to index
        %swap3A_482 = arith.constant 0 : index
        %swap3A_483 = tpu.vector_load %arg13[%swap3A_481, %swap3A_482] {strides = array<i32>} : memref<512x16xf32, #tpu.memory_space<vmem>>, vector<16xf32>,
        tpu.vector_store %arg13[%swap3A_481, %swap3A_482], %mul3A_478 {strides = array<i32>} : memref<512x16xf32, #tpu.memory_space<vmem>>, vector<16xf32>,
        %get3A_484 = arith.index_cast %scan3A_413 : i32 to index
        %get3A_485 = arith.constant 80 : index
        %get3A_486 = tpu.vector_load %arg9[%get3A_484, %get3A_485] {strides = array<i32>} : memref<64x128xf32, #tpu.memory_space<vmem>>, vector<16xf32>,
        %add3A_487 = arith.constant 320 : i32
        %add3A_488 = arith.addi %add3A_487, %scan3A_413 : i32
        %get3A_489 = arith.index_cast %add3A_488 : i32 to index
        %get3A_490 = arith.constant 0 : index
        %get3A_491 = tpu.vector_load %arg11[%get3A_489, %get3A_490] {strides = array<i32>} : memref<512x16xf32, #tpu.memory_space<vmem>>, vector<16xf32>,
        %mul3A_492 = arith.mulf %get3A_486, %get3A_491 : vector<16xf32>
        %add3A_493 = arith.constant 320 : i32
        %add3A_494 = arith.addi %add3A_493, %scan3A_413 : i32
        %swap3A_495 = arith.index_cast %add3A_494 : i32 to index
        %swap3A_496 = arith.constant 0 : index
        %swap3A_497 = tpu.vector_load %arg13[%swap3A_495, %swap3A_496] {strides = array<i32>} : memref<512x16xf32, #tpu.memory_space<vmem>>, vector<16xf32>,
        tpu.vector_store %arg13[%swap3A_495, %swap3A_496], %mul3A_492 {strides = array<i32>} : memref<512x16xf32, #tpu.memory_space<vmem>>, vector<16xf32>,
        %get3A_498 = arith.index_cast %scan3A_413 : i32 to index
        %get3A_499 = arith.constant 96 : index
        %get3A_500 = tpu.vector_load %arg9[%get3A_498, %get3A_499] {strides = array<i32>} : memref<64x128xf32, #tpu.memory_space<vmem>>, vector<16xf32>,
        %add3A_501 = arith.constant 384 : i32
        %add3A_502 = arith.addi %add3A_501, %scan3A_413 : i32
        %get3A_503 = arith.index_cast %add3A_502 : i32 to index
        %get3A_504 = arith.constant 0 : index
        %get3A_505 = tpu.vector_load %arg11[%get3A_503, %get3A_504] {strides = array<i32>} : memref<512x16xf32, #tpu.memory_space<vmem>>, vector<16xf32>,
        %mul3A_506 = arith.mulf %get3A_500, %get3A_505 : vector<16xf32>
        %add3A_507 = arith.constant 384 : i32
        %add3A_508 = arith.addi %add3A_507, %scan3A_413 : i32
        %swap3A_509 = arith.index_cast %add3A_508 : i32 to index
        %swap3A_510 = arith.constant 0 : index
        %swap3A_511 = tpu.vector_load %arg13[%swap3A_509, %swap3A_510] {strides = array<i32>} : memref<512x16xf32, #tpu.memory_space<vmem>>, vector<16xf32>,
        tpu.vector_store %arg13[%swap3A_509, %swap3A_510], %mul3A_506 {strides = array<i32>} : memref<512x16xf32, #tpu.memory_space<vmem>>, vector<16xf32>,
        %get3A_512 = arith.index_cast %scan3A_413 : i32 to index
        %get3A_513 = arith.constant 112 : index
        %get3A_514 = tpu.vector_load %arg9[%get3A_512, %get3A_513] {strides = array<i32>} : memref<64x128xf32, #tpu.memory_space<vmem>>, vector<16xf32>,
        %add3A_515 = arith.constant 448 : i32
        %add3A_516 = arith.addi %add3A_515, %scan3A_413 : i32
        %get3A_517 = arith.index_cast %add3A_516 : i32 to index
        %get3A_518 = arith.constant 0 : index
        %get3A_519 = tpu.vector_load %arg11[%get3A_517, %get3A_518] {strides = array<i32>} : memref<512x16xf32, #tpu.memory_space<vmem>>, vector<16xf32>,
        %mul3A_520 = arith.mulf %get3A_514, %get3A_519 : vector<16xf32>
        %add3A_521 = arith.constant 448 : i32
        %add3A_522 = arith.addi %add3A_521, %scan3A_413 : i32
        %swap3A_523 = arith.index_cast %add3A_522 : i32 to index
        %swap3A_524 = arith.constant 0 : index
        %swap3A_525 = tpu.vector_load %arg13[%swap3A_523, %swap3A_524] {strides = array<i32>} : memref<512x16xf32, #tpu.memory_space<vmem>>, vector<16xf32>,
        tpu.vector_store %arg13[%swap3A_523, %swap3A_524], %mul3A_520 {strides = array<i32>} : memref<512x16xf32, #tpu.memory_space<vmem>>, vector<16xf32>,
      }
      %scan3A_186 = arith.constant 64 : i32
      %mul3A_187 = arith.constant 4 : i32
      %mul3A_188 = arith.muli %mul3A_187, %add3A_120 : i32
      %add3A_189 = arith.constant 0 : i32
      %add3A_190 = arith.addi %mul3A_188, %add3A_189 : i32
      "tpu.region"() ({
        %run_scoped3A = tpu.sem_alloc : memref<!tpu.dma_semaphore, #tpu.memory_space<semaphore_mem>>
        %dma_start3A_301 = arith.constant 0 : i32
        %dma_start3A_302 = arith.constant 0 : i32
        %dma_start3A_303 = tpu.memref_slice %arg13[%dma_start3A_301, %dma_start3A_302] : memref<512x16xf32, #tpu.memory_space<vmem>> -> memref<128x16xf32, #tpu.memory_space<vmem>>
        %dma_start3A_304 = arith.constant 0 : i32
        %dma_start3A_305 = tpu.memref_slice %arg8[%add3A_190, %dma_start3A_304] : memref<40x128xi32, #tpu.memory_space<vmem>> -> memref<1x128xi32, #tpu.memory_space<vmem>>
        %dma_start3A_306 = tpu.memref_squeeze %dma_start3A_305 : memref<1x128xi32, #tpu.memory_space<vmem>> -> memref<128xi32, #tpu.memory_space<vmem>>
        %dma_start3A_307 = arith.constant 0 : i32
        %dma_start3A_308 = arith.constant 0 : i32
        %dma_start3A_309 = tpu.memref_slice %arg17[%dma_start3A_307, %dma_start3A_308] : memref<10240x16xf32, #tpu.memory_space<vmem_shared>> -> memref<10240x16xf32, #tpu.memory_space<vmem_shared>>
        tpu.enqueue_indirect_dma source(%dma_start3A_303 : memref<128x16xf32, #tpu.memory_space<vmem>>) target(%dma_start3A_309 : memref<10240x16xf32, #tpu.memory_space<vmem_shared>>) offsets(%dma_start3A_306 : memref<128xi32, #tpu.memory_space<vmem>>) semaphore(%run_scoped3A : memref<!tpu.dma_semaphore, #tpu.memory_space<semaphore_mem>>) {add = true}
        %dma_wait3A_310 = arith.constant 0 : i32
        %dma_wait3A_311 = arith.constant 0 : i32
        %dma_wait3A_312 = tpu.memref_slice %arg13[%dma_wait3A_310, %dma_wait3A_311] : memref<512x16xf32, #tpu.memory_space<vmem>> -> memref<128x16xf32, #tpu.memory_space<vmem>>
        %dma_wait3A_313 = arith.constant 0 : i32
        %dma_wait3A_314 = tpu.memref_slice %arg8[%add3A_190, %dma_wait3A_313] : memref<40x128xi32, #tpu.memory_space<vmem>> -> memref<1x128xi32, #tpu.memory_space<vmem>>
        %dma_wait3A_315 = tpu.memref_squeeze %dma_wait3A_314 : memref<1x128xi32, #tpu.memory_space<vmem>> -> memref<128xi32, #tpu.memory_space<vmem>>
        %dma_wait3A_316 = arith.constant 0 : i32
        %dma_wait3A_317 = arith.constant 0 : i32
        %dma_wait3A_318 = tpu.memref_slice %arg17[%dma_wait3A_316, %dma_wait3A_317] : memref<10240x16xf32, #tpu.memory_space<vmem_shared>> -> memref<10240x16xf32, #tpu.memory_space<vmem_shared>>
        tpu.wait_indirect_dma semaphore(%run_scoped3A : memref<!tpu.dma_semaphore, #tpu.memory_space<semaphore_mem>>) src(%dma_wait3A_312 : memref<128x16xf32, #tpu.memory_space<vmem>>) dst(%dma_wait3A_318 : memref<10240x16xf32, #tpu.memory_space<vmem_shared>>)
        tpu.yield
      }) : () -> ()
      %mul3A_191 = arith.constant 4 : i32
      %mul3A_192 = arith.muli %mul3A_191, %add3A_120 : i32
      %add3A_193 = arith.constant 1 : i32
      %add3A_194 = arith.addi %mul3A_192, %add3A_193 : i32
      "tpu.region"() ({
        %run_scoped3A = tpu.sem_alloc : memref<!tpu.dma_semaphore, #tpu.memory_space<semaphore_mem>>
        %dma_start3A_301 = arith.constant 128 : i32
        %dma_start3A_302 = arith.constant 0 : i32
        %dma_start3A_303 = tpu.memref_slice %arg13[%dma_start3A_301, %dma_start3A_302] : memref<512x16xf32, #tpu.memory_space<vmem>> -> memref<128x16xf32, #tpu.memory_space<vmem>>
        %dma_start3A_304 = arith.constant 0 : i32
        %dma_start3A_305 = tpu.memref_slice %arg8[%add3A_194, %dma_start3A_304] : memref<40x128xi32, #tpu.memory_space<vmem>> -> memref<1x128xi32, #tpu.memory_space<vmem>>
        %dma_start3A_306 = tpu.memref_squeeze %dma_start3A_305 : memref<1x128xi32, #tpu.memory_space<vmem>> -> memref<128xi32, #tpu.memory_space<vmem>>
        %dma_start3A_307 = arith.constant 0 : i32
        %dma_start3A_308 = arith.constant 0 : i32
        %dma_start3A_309 = tpu.memref_slice %arg17[%dma_start3A_307, %dma_start3A_308] : memref<10240x16xf32, #tpu.memory_space<vmem_shared>> -> memref<10240x16xf32, #tpu.memory_space<vmem_shared>>
        tpu.enqueue_indirect_dma source(%dma_start3A_303 : memref<128x16xf32, #tpu.memory_space<vmem>>) target(%dma_start3A_309 : memref<10240x16xf32, #tpu.memory_space<vmem_shared>>) offsets(%dma_start3A_306 : memref<128xi32, #tpu.memory_space<vmem>>) semaphore(%run_scoped3A : memref<!tpu.dma_semaphore, #tpu.memory_space<semaphore_mem>>) {add = true}
        %dma_wait3A_310 = arith.constant 128 : i32
        %dma_wait3A_311 = arith.constant 0 : i32
        %dma_wait3A_312 = tpu.memref_slice %arg13[%dma_wait3A_310, %dma_wait3A_311] : memref<512x16xf32, #tpu.memory_space<vmem>> -> memref<128x16xf32, #tpu.memory_space<vmem>>
        %dma_wait3A_313 = arith.constant 0 : i32
        %dma_wait3A_314 = tpu.memref_slice %arg8[%add3A_194, %dma_wait3A_313] : memref<40x128xi32, #tpu.memory_space<vmem>> -> memref<1x128xi32, #tpu.memory_space<vmem>>
        %dma_wait3A_315 = tpu.memref_squeeze %dma_wait3A_314 : memref<1x128xi32, #tpu.memory_space<vmem>> -> memref<128xi32, #tpu.memory_space<vmem>>
        %dma_wait3A_316 = arith.constant 0 : i32
        %dma_wait3A_317 = arith.constant 0 : i32
        %dma_wait3A_318 = tpu.memref_slice %arg17[%dma_wait3A_316, %dma_wait3A_317] : memref<10240x16xf32, #tpu.memory_space<vmem_shared>> -> memref<10240x16xf32, #tpu.memory_space<vmem_shared>>
        tpu.wait_indirect_dma semaphore(%run_scoped3A : memref<!tpu.dma_semaphore, #tpu.memory_space<semaphore_mem>>) src(%dma_wait3A_312 : memref<128x16xf32, #tpu.memory_space<vmem>>) dst(%dma_wait3A_318 : memref<10240x16xf32, #tpu.memory_space<vmem_shared>>)
        tpu.yield
      }) : () -> ()
      %mul3A_195 = arith.constant 4 : i32
      %mul3A_196 = arith.muli %mul3A_195, %add3A_120 : i32
      %add3A_197 = arith.constant 2 : i32
      %add3A_198 = arith.addi %mul3A_196, %add3A_197 : i32
      "tpu.region"() ({
        %run_scoped3A = tpu.sem_alloc : memref<!tpu.dma_semaphore, #tpu.memory_space<semaphore_mem>>
        %dma_start3A_301 = arith.constant 256 : i32
        %dma_start3A_302 = arith.constant 0 : i32
        %dma_start3A_303 = tpu.memref_slice %arg13[%dma_start3A_301, %dma_start3A_302] : memref<512x16xf32, #tpu.memory_space<vmem>> -> memref<128x16xf32, #tpu.memory_space<vmem>>
        %dma_start3A_304 = arith.constant 0 : i32
        %dma_start3A_305 = tpu.memref_slice %arg8[%add3A_198, %dma_start3A_304] : memref<40x128xi32, #tpu.memory_space<vmem>> -> memref<1x128xi32, #tpu.memory_space<vmem>>
        %dma_start3A_306 = tpu.memref_squeeze %dma_start3A_305 : memref<1x128xi32, #tpu.memory_space<vmem>> -> memref<128xi32, #tpu.memory_space<vmem>>
        %dma_start3A_307 = arith.constant 0 : i32
        %dma_start3A_308 = arith.constant 0 : i32
        %dma_start3A_309 = tpu.memref_slice %arg17[%dma_start3A_307, %dma_start3A_308] : memref<10240x16xf32, #tpu.memory_space<vmem_shared>> -> memref<10240x16xf32, #tpu.memory_space<vmem_shared>>
        tpu.enqueue_indirect_dma source(%dma_start3A_303 : memref<128x16xf32, #tpu.memory_space<vmem>>) target(%dma_start3A_309 : memref<10240x16xf32, #tpu.memory_space<vmem_shared>>) offsets(%dma_start3A_306 : memref<128xi32, #tpu.memory_space<vmem>>) semaphore(%run_scoped3A : memref<!tpu.dma_semaphore, #tpu.memory_space<semaphore_mem>>) {add = true}
        %dma_wait3A_310 = arith.constant 256 : i32
        %dma_wait3A_311 = arith.constant 0 : i32
        %dma_wait3A_312 = tpu.memref_slice %arg13[%dma_wait3A_310, %dma_wait3A_311] : memref<512x16xf32, #tpu.memory_space<vmem>> -> memref<128x16xf32, #tpu.memory_space<vmem>>
        %dma_wait3A_313 = arith.constant 0 : i32
        %dma_wait3A_314 = tpu.memref_slice %arg8[%add3A_198, %dma_wait3A_313] : memref<40x128xi32, #tpu.memory_space<vmem>> -> memref<1x128xi32, #tpu.memory_space<vmem>>
        %dma_wait3A_315 = tpu.memref_squeeze %dma_wait3A_314 : memref<1x128xi32, #tpu.memory_space<vmem>> -> memref<128xi32, #tpu.memory_space<vmem>>
        %dma_wait3A_316 = arith.constant 0 : i32
        %dma_wait3A_317 = arith.constant 0 : i32
        %dma_wait3A_318 = tpu.memref_slice %arg17[%dma_wait3A_316, %dma_wait3A_317] : memref<10240x16xf32, #tpu.memory_space<vmem_shared>> -> memref<10240x16xf32, #tpu.memory_space<vmem_shared>>
        tpu.wait_indirect_dma semaphore(%run_scoped3A : memref<!tpu.dma_semaphore, #tpu.memory_space<semaphore_mem>>) src(%dma_wait3A_312 : memref<128x16xf32, #tpu.memory_space<vmem>>) dst(%dma_wait3A_318 : memref<10240x16xf32, #tpu.memory_space<vmem_shared>>)
        tpu.yield
      }) : () -> ()
      %mul3A_199 = arith.constant 4 : i32
      %mul3A_200 = arith.muli %mul3A_199, %add3A_120 : i32
      %add3A_201 = arith.constant 3 : i32
      %add3A_202 = arith.addi %mul3A_200, %add3A_201 : i32
      "tpu.region"() ({
        %run_scoped3A = tpu.sem_alloc : memref<!tpu.dma_semaphore, #tpu.memory_space<semaphore_mem>>
        %dma_start3A_301 = arith.constant 384 : i32
        %dma_start3A_302 = arith.constant 0 : i32
        %dma_start3A_303 = tpu.memref_slice %arg13[%dma_start3A_301, %dma_start3A_302] : memref<512x16xf32, #tpu.memory_space<vmem>> -> memref<128x16xf32, #tpu.memory_space<vmem>>
        %dma_start3A_304 = arith.constant 0 : i32
        %dma_start3A_305 = tpu.memref_slice %arg8[%add3A_202, %dma_start3A_304] : memref<40x128xi32, #tpu.memory_space<vmem>> -> memref<1x128xi32, #tpu.memory_space<vmem>>
        %dma_start3A_306 = tpu.memref_squeeze %dma_start3A_305 : memref<1x128xi32, #tpu.memory_space<vmem>> -> memref<128xi32, #tpu.memory_space<vmem>>
        %dma_start3A_307 = arith.constant 0 : i32
        %dma_start3A_308 = arith.constant 0 : i32
        %dma_start3A_309 = tpu.memref_slice %arg17[%dma_start3A_307, %dma_start3A_308] : memref<10240x16xf32, #tpu.memory_space<vmem_shared>> -> memref<10240x16xf32, #tpu.memory_space<vmem_shared>>
        tpu.enqueue_indirect_dma source(%dma_start3A_303 : memref<128x16xf32, #tpu.memory_space<vmem>>) target(%dma_start3A_309 : memref<10240x16xf32, #tpu.memory_space<vmem_shared>>) offsets(%dma_start3A_306 : memref<128xi32, #tpu.memory_space<vmem>>) semaphore(%run_scoped3A : memref<!tpu.dma_semaphore, #tpu.memory_space<semaphore_mem>>) {add = true}
        %dma_wait3A_310 = arith.constant 384 : i32
        %dma_wait3A_311 = arith.constant 0 : i32
        %dma_wait3A_312 = tpu.memref_slice %arg13[%dma_wait3A_310, %dma_wait3A_311] : memref<512x16xf32, #tpu.memory_space<vmem>> -> memref<128x16xf32, #tpu.memory_space<vmem>>
        %dma_wait3A_313 = arith.constant 0 : i32
        %dma_wait3A_314 = tpu.memref_slice %arg8[%add3A_202, %dma_wait3A_313] : memref<40x128xi32, #tpu.memory_space<vmem>> -> memref<1x128xi32, #tpu.memory_space<vmem>>
        %dma_wait3A_315 = tpu.memref_squeeze %dma_wait3A_314 : memref<1x128xi32, #tpu.memory_space<vmem>> -> memref<128xi32, #tpu.memory_space<vmem>>
        %dma_wait3A_316 = arith.constant 0 : i32
        %dma_wait3A_317 = arith.constant 0 : i32
        %dma_wait3A_318 = tpu.memref_slice %arg17[%dma_wait3A_316, %dma_wait3A_317] : memref<10240x16xf32, #tpu.memory_space<vmem_shared>> -> memref<10240x16xf32, #tpu.memory_space<vmem_shared>>
        tpu.wait_indirect_dma semaphore(%run_scoped3A : memref<!tpu.dma_semaphore, #tpu.memory_space<semaphore_mem>>) src(%dma_wait3A_312 : memref<128x16xf32, #tpu.memory_space<vmem>>) dst(%dma_wait3A_318 : memref<10240x16xf32, #tpu.memory_space<vmem_shared>>)
        tpu.yield
      }) : () -> ()
      %add3A_203 = arith.constant 2 : i32
      %add3A_204 = arith.addi %add3A_120, %add3A_203 : i32
      %lt3A = arith.constant 10 : i32
      %lt3A_205 = arith.cmpi slt, %add3A_204, %lt3A : i32
      %convert_element_type3A = arith.extui %lt3A_205 : i1 to i32
      %cond3A = arith.constant 0 : i32
      %cond3A_206 = arith.cmpi ne, %convert_element_type3A, %cond3A : i32
      scf.if %cond3A_206 {
        %add3A_301 = arith.constant 2 : i32
        %add3A_302 = arith.addi %add3A_120, %add3A_301 : i32
        %add3A_303 = arith.addi %mul3A_9, %add3A_302 : i32
        %dma_start3A_304 = arith.constant 0 : i32
        %dma_start3A_305 = arith.constant 0 : i32
        %dma_start3A_306 = tpu.memref_slice %arg2[%add3A_303, %dma_start3A_304, %dma_start3A_305] : memref<320x64x128xf32, #tpu.memory_space<hbm>> -> memref<1x64x128xf32, #tpu.memory_space<hbm>>
        %dma_start3A_307 = tpu.memref_squeeze %dma_start3A_306 : memref<1x64x128xf32, #tpu.memory_space<hbm>> -> memref<64x128xf32, #tpu.memory_space<hbm>>
        %dma_start3A_308 = arith.constant 0 : i32
        %dma_start3A_309 = arith.constant 0 : i32
        %dma_start3A_310 = tpu.memref_slice %arg2[%add3A_303, %dma_start3A_308, %dma_start3A_309] : memref<320x64x128xf32, #tpu.memory_space<hbm>> -> memref<1x64x128xf32, #tpu.memory_space<hbm>>
        %dma_start3A_311 = tpu.memref_squeeze %dma_start3A_310 : memref<1x64x128xf32, #tpu.memory_space<hbm>> -> memref<64x128xf32, #tpu.memory_space<hbm>>
        tpu.enqueue_dma source(%dma_start3A_311 : memref<64x128xf32, #tpu.memory_space<hbm>>) target(%arg9 : memref<64x128xf32, #tpu.memory_space<vmem>>) target_semaphore(%arg18 : memref<!tpu.dma_semaphore, #tpu.memory_space<semaphore_mem>>)
        %mul3A_312 = arith.constant 4 : i32
        %mul3A_313 = arith.muli %mul3A_312, %add3A_302 : i32
        %add3A_314 = arith.constant 0 : i32
        %add3A_315 = arith.addi %mul3A_313, %add3A_314 : i32
        %dma_start3A_316 = arith.constant 0 : i32
        %dma_start3A_317 = arith.constant 0 : i32
        %dma_start3A_318 = tpu.memref_slice %arg11[%dma_start3A_316, %dma_start3A_317] : memref<512x16xf32, #tpu.memory_space<vmem>> -> memref<128x16xf32, #tpu.memory_space<vmem>>
        %dma_start3A_319 = arith.constant 0 : i32
        %dma_start3A_320 = tpu.memref_slice %arg7[%add3A_315, %dma_start3A_319] : memref<40x128xi32, #tpu.memory_space<vmem>> -> memref<1x128xi32, #tpu.memory_space<vmem>>
        %dma_start3A_321 = tpu.memref_squeeze %dma_start3A_320 : memref<1x128xi32, #tpu.memory_space<vmem>> -> memref<128xi32, #tpu.memory_space<vmem>>
        %dma_start3A_322 = arith.constant 0 : i32
        %dma_start3A_323 = arith.constant 0 : i32
        %dma_start3A_324 = tpu.memref_slice %arg16[%dma_start3A_322, %dma_start3A_323] : memref<10240x16xf32, #tpu.memory_space<vmem_shared>> -> memref<10240x16xf32, #tpu.memory_space<vmem_shared>>
        tpu.enqueue_indirect_dma source(%dma_start3A_324 : memref<10240x16xf32, #tpu.memory_space<vmem_shared>>) target(%dma_start3A_318 : memref<128x16xf32, #tpu.memory_space<vmem>>) offsets(%dma_start3A_321 : memref<128xi32, #tpu.memory_space<vmem>>) semaphore(%arg20 : memref<!tpu.dma_semaphore, #tpu.memory_space<semaphore_mem>>)
        %mul3A_325 = arith.constant 4 : i32
        %mul3A_326 = arith.muli %mul3A_325, %add3A_302 : i32
        %add3A_327 = arith.constant 1 : i32
        %add3A_328 = arith.addi %mul3A_326, %add3A_327 : i32
        %dma_start3A_329 = arith.constant 128 : i32
        %dma_start3A_330 = arith.constant 0 : i32
        %dma_start3A_331 = tpu.memref_slice %arg11[%dma_start3A_329, %dma_start3A_330] : memref<512x16xf32, #tpu.memory_space<vmem>> -> memref<128x16xf32, #tpu.memory_space<vmem>>
        %dma_start3A_332 = arith.constant 0 : i32
        %dma_start3A_333 = tpu.memref_slice %arg7[%add3A_328, %dma_start3A_332] : memref<40x128xi32, #tpu.memory_space<vmem>> -> memref<1x128xi32, #tpu.memory_space<vmem>>
        %dma_start3A_334 = tpu.memref_squeeze %dma_start3A_333 : memref<1x128xi32, #tpu.memory_space<vmem>> -> memref<128xi32, #tpu.memory_space<vmem>>
        %dma_start3A_335 = arith.constant 0 : i32
        %dma_start3A_336 = arith.constant 0 : i32
        %dma_start3A_337 = tpu.memref_slice %arg16[%dma_start3A_335, %dma_start3A_336] : memref<10240x16xf32, #tpu.memory_space<vmem_shared>> -> memref<10240x16xf32, #tpu.memory_space<vmem_shared>>
        tpu.enqueue_indirect_dma source(%dma_start3A_337 : memref<10240x16xf32, #tpu.memory_space<vmem_shared>>) target(%dma_start3A_331 : memref<128x16xf32, #tpu.memory_space<vmem>>) offsets(%dma_start3A_334 : memref<128xi32, #tpu.memory_space<vmem>>) semaphore(%arg20 : memref<!tpu.dma_semaphore, #tpu.memory_space<semaphore_mem>>)
        %mul3A_338 = arith.constant 4 : i32
        %mul3A_339 = arith.muli %mul3A_338, %add3A_302 : i32
        %add3A_340 = arith.constant 2 : i32
        %add3A_341 = arith.addi %mul3A_339, %add3A_340 : i32
        %dma_start3A_342 = arith.constant 256 : i32
        %dma_start3A_343 = arith.constant 0 : i32
        %dma_start3A_344 = tpu.memref_slice %arg11[%dma_start3A_342, %dma_start3A_343] : memref<512x16xf32, #tpu.memory_space<vmem>> -> memref<128x16xf32, #tpu.memory_space<vmem>>
        %dma_start3A_345 = arith.constant 0 : i32
        %dma_start3A_346 = tpu.memref_slice %arg7[%add3A_341, %dma_start3A_345] : memref<40x128xi32, #tpu.memory_space<vmem>> -> memref<1x128xi32, #tpu.memory_space<vmem>>
        %dma_start3A_347 = tpu.memref_squeeze %dma_start3A_346 : memref<1x128xi32, #tpu.memory_space<vmem>> -> memref<128xi32, #tpu.memory_space<vmem>>
        %dma_start3A_348 = arith.constant 0 : i32
        %dma_start3A_349 = arith.constant 0 : i32
        %dma_start3A_350 = tpu.memref_slice %arg16[%dma_start3A_348, %dma_start3A_349] : memref<10240x16xf32, #tpu.memory_space<vmem_shared>> -> memref<10240x16xf32, #tpu.memory_space<vmem_shared>>
        tpu.enqueue_indirect_dma source(%dma_start3A_350 : memref<10240x16xf32, #tpu.memory_space<vmem_shared>>) target(%dma_start3A_344 : memref<128x16xf32, #tpu.memory_space<vmem>>) offsets(%dma_start3A_347 : memref<128xi32, #tpu.memory_space<vmem>>) semaphore(%arg20 : memref<!tpu.dma_semaphore, #tpu.memory_space<semaphore_mem>>)
        %mul3A_351 = arith.constant 4 : i32
        %mul3A_352 = arith.muli %mul3A_351, %add3A_302 : i32
        %add3A_353 = arith.constant 3 : i32
        %add3A_354 = arith.addi %mul3A_352, %add3A_353 : i32
        %dma_start3A_355 = arith.constant 384 : i32
        %dma_start3A_356 = arith.constant 0 : i32
        %dma_start3A_357 = tpu.memref_slice %arg11[%dma_start3A_355, %dma_start3A_356] : memref<512x16xf32, #tpu.memory_space<vmem>> -> memref<128x16xf32, #tpu.memory_space<vmem>>
        %dma_start3A_358 = arith.constant 0 : i32
        %dma_start3A_359 = tpu.memref_slice %arg7[%add3A_354, %dma_start3A_358] : memref<40x128xi32, #tpu.memory_space<vmem>> -> memref<1x128xi32, #tpu.memory_space<vmem>>
        %dma_start3A_360 = tpu.memref_squeeze %dma_start3A_359 : memref<1x128xi32, #tpu.memory_space<vmem>> -> memref<128xi32, #tpu.memory_space<vmem>>
        %dma_start3A_361 = arith.constant 0 : i32
        %dma_start3A_362 = arith.constant 0 : i32
        %dma_start3A_363 = tpu.memref_slice %arg16[%dma_start3A_361, %dma_start3A_362] : memref<10240x16xf32, #tpu.memory_space<vmem_shared>> -> memref<10240x16xf32, #tpu.memory_space<vmem_shared>>
        tpu.enqueue_indirect_dma source(%dma_start3A_363 : memref<10240x16xf32, #tpu.memory_space<vmem_shared>>) target(%dma_start3A_357 : memref<128x16xf32, #tpu.memory_space<vmem>>) offsets(%dma_start3A_360 : memref<128xi32, #tpu.memory_space<vmem>>) semaphore(%arg20 : memref<!tpu.dma_semaphore, #tpu.memory_space<semaphore_mem>>)
      } else {
      }
      %mul3A_207 = arith.constant 2 : i32
      %mul3A_208 = arith.muli %mul3A_207, %scan3A_116 : i32
      %add3A_209 = arith.constant 1 : i32
      %add3A_210 = arith.addi %mul3A_208, %add3A_209 : i32
      %add3A_211 = arith.addi %mul3A_9, %add3A_210 : i32
      %dma_wait3A_212 = arith.constant 0 : i32
      %dma_wait3A_213 = arith.constant 0 : i32
      %dma_wait3A_214 = tpu.memref_slice %arg2[%add3A_211, %dma_wait3A_212, %dma_wait3A_213] : memref<320x64x128xf32, #tpu.memory_space<hbm>> -> memref<1x64x128xf32, #tpu.memory_space<hbm>>
      %dma_wait3A_215 = tpu.memref_squeeze %dma_wait3A_214 : memref<1x64x128xf32, #tpu.memory_space<hbm>> -> memref<64x128xf32, #tpu.memory_space<hbm>>
      %dma_wait3A_216 = arith.constant 0 : i32
      %dma_wait3A_217 = arith.constant 0 : i32
      %dma_wait3A_218 = tpu.memref_slice %arg2[%add3A_211, %dma_wait3A_216, %dma_wait3A_217] : memref<320x64x128xf32, #tpu.memory_space<hbm>> -> memref<1x64x128xf32, #tpu.memory_space<hbm>>
      %dma_wait3A_219 = tpu.memref_squeeze %dma_wait3A_218 : memref<1x64x128xf32, #tpu.memory_space<hbm>> -> memref<64x128xf32, #tpu.memory_space<hbm>>
      tpu.wait_dma2 semaphore(%arg19 : memref<!tpu.dma_semaphore, #tpu.memory_space<semaphore_mem>>) src(%dma_wait3A_219 : memref<64x128xf32, #tpu.memory_space<hbm>>) dst(%arg10 : memref<64x128xf32, #tpu.memory_space<vmem>>)
      %mul3A_220 = arith.constant 4 : i32
      %mul3A_221 = arith.muli %mul3A_220, %add3A_210 : i32
      %add3A_222 = arith.constant 0 : i32
      %add3A_223 = arith.addi %mul3A_221, %add3A_222 : i32
      %dma_wait3A_224 = arith.constant 0 : i32
      %dma_wait3A_225 = arith.constant 0 : i32
      %dma_wait3A_226 = tpu.memref_slice %arg12[%dma_wait3A_224, %dma_wait3A_225] : memref<512x16xf32, #tpu.memory_space<vmem>> -> memref<128x16xf32, #tpu.memory_space<vmem>>
      %dma_wait3A_227 = arith.constant 0 : i32
      %dma_wait3A_228 = tpu.memref_slice %arg7[%add3A_223, %dma_wait3A_227] : memref<40x128xi32, #tpu.memory_space<vmem>> -> memref<1x128xi32, #tpu.memory_space<vmem>>
      %dma_wait3A_229 = tpu.memref_squeeze %dma_wait3A_228 : memref<1x128xi32, #tpu.memory_space<vmem>> -> memref<128xi32, #tpu.memory_space<vmem>>
      %dma_wait3A_230 = arith.constant 0 : i32
      %dma_wait3A_231 = arith.constant 0 : i32
      %dma_wait3A_232 = tpu.memref_slice %arg16[%dma_wait3A_230, %dma_wait3A_231] : memref<10240x16xf32, #tpu.memory_space<vmem_shared>> -> memref<10240x16xf32, #tpu.memory_space<vmem_shared>>
      tpu.wait_indirect_dma semaphore(%arg21 : memref<!tpu.dma_semaphore, #tpu.memory_space<semaphore_mem>>) src(%dma_wait3A_232 : memref<10240x16xf32, #tpu.memory_space<vmem_shared>>) dst(%dma_wait3A_226 : memref<128x16xf32, #tpu.memory_space<vmem>>)
      %mul3A_233 = arith.constant 4 : i32
      %mul3A_234 = arith.muli %mul3A_233, %add3A_210 : i32
      %add3A_235 = arith.constant 1 : i32
      %add3A_236 = arith.addi %mul3A_234, %add3A_235 : i32
      %dma_wait3A_237 = arith.constant 128 : i32
      %dma_wait3A_238 = arith.constant 0 : i32
      %dma_wait3A_239 = tpu.memref_slice %arg12[%dma_wait3A_237, %dma_wait3A_238] : memref<512x16xf32, #tpu.memory_space<vmem>> -> memref<128x16xf32, #tpu.memory_space<vmem>>
      %dma_wait3A_240 = arith.constant 0 : i32
      %dma_wait3A_241 = tpu.memref_slice %arg7[%add3A_236, %dma_wait3A_240] : memref<40x128xi32, #tpu.memory_space<vmem>> -> memref<1x128xi32, #tpu.memory_space<vmem>>
      %dma_wait3A_242 = tpu.memref_squeeze %dma_wait3A_241 : memref<1x128xi32, #tpu.memory_space<vmem>> -> memref<128xi32, #tpu.memory_space<vmem>>
      %dma_wait3A_243 = arith.constant 0 : i32
      %dma_wait3A_244 = arith.constant 0 : i32
      %dma_wait3A_245 = tpu.memref_slice %arg16[%dma_wait3A_243, %dma_wait3A_244] : memref<10240x16xf32, #tpu.memory_space<vmem_shared>> -> memref<10240x16xf32, #tpu.memory_space<vmem_shared>>
      tpu.wait_indirect_dma semaphore(%arg21 : memref<!tpu.dma_semaphore, #tpu.memory_space<semaphore_mem>>) src(%dma_wait3A_245 : memref<10240x16xf32, #tpu.memory_space<vmem_shared>>) dst(%dma_wait3A_239 : memref<128x16xf32, #tpu.memory_space<vmem>>)
      %mul3A_246 = arith.constant 4 : i32
      %mul3A_247 = arith.muli %mul3A_246, %add3A_210 : i32
      %add3A_248 = arith.constant 2 : i32
      %add3A_249 = arith.addi %mul3A_247, %add3A_248 : i32
      %dma_wait3A_250 = arith.constant 256 : i32
      %dma_wait3A_251 = arith.constant 0 : i32
      %dma_wait3A_252 = tpu.memref_slice %arg12[%dma_wait3A_250, %dma_wait3A_251] : memref<512x16xf32, #tpu.memory_space<vmem>> -> memref<128x16xf32, #tpu.memory_space<vmem>>
      %dma_wait3A_253 = arith.constant 0 : i32
      %dma_wait3A_254 = tpu.memref_slice %arg7[%add3A_249, %dma_wait3A_253] : memref<40x128xi32, #tpu.memory_space<vmem>> -> memref<1x128xi32, #tpu.memory_space<vmem>>
      %dma_wait3A_255 = tpu.memref_squeeze %dma_wait3A_254 : memref<1x128xi32, #tpu.memory_space<vmem>> -> memref<128xi32, #tpu.memory_space<vmem>>
      %dma_wait3A_256 = arith.constant 0 : i32
      %dma_wait3A_257 = arith.constant 0 : i32
      %dma_wait3A_258 = tpu.memref_slice %arg16[%dma_wait3A_256, %dma_wait3A_257] : memref<10240x16xf32, #tpu.memory_space<vmem_shared>> -> memref<10240x16xf32, #tpu.memory_space<vmem_shared>>
      tpu.wait_indirect_dma semaphore(%arg21 : memref<!tpu.dma_semaphore, #tpu.memory_space<semaphore_mem>>) src(%dma_wait3A_258 : memref<10240x16xf32, #tpu.memory_space<vmem_shared>>) dst(%dma_wait3A_252 : memref<128x16xf32, #tpu.memory_space<vmem>>)
      %mul3A_259 = arith.constant 4 : i32
      %mul3A_260 = arith.muli %mul3A_259, %add3A_210 : i32
      %add3A_261 = arith.constant 3 : i32
      %add3A_262 = arith.addi %mul3A_260, %add3A_261 : i32
      %dma_wait3A_263 = arith.constant 384 : i32
      %dma_wait3A_264 = arith.constant 0 : i32
      %dma_wait3A_265 = tpu.memref_slice %arg12[%dma_wait3A_263, %dma_wait3A_264] : memref<512x16xf32, #tpu.memory_space<vmem>> -> memref<128x16xf32, #tpu.memory_space<vmem>>
      %dma_wait3A_266 = arith.constant 0 : i32
      %dma_wait3A_267 = tpu.memref_slice %arg7[%add3A_262, %dma_wait3A_266] : memref<40x128xi32, #tpu.memory_space<vmem>> -> memref<1x128xi32, #tpu.memory_space<vmem>>
      %dma_wait3A_268 = tpu.memref_squeeze %dma_wait3A_267 : memref<1x128xi32, #tpu.memory_space<vmem>> -> memref<128xi32, #tpu.memory_space<vmem>>
      %dma_wait3A_269 = arith.constant 0 : i32
      %dma_wait3A_270 = arith.constant 0 : i32
      %dma_wait3A_271 = tpu.memref_slice %arg16[%dma_wait3A_269, %dma_wait3A_270] : memref<10240x16xf32, #tpu.memory_space<vmem_shared>> -> memref<10240x16xf32, #tpu.memory_space<vmem_shared>>
      tpu.wait_indirect_dma semaphore(%arg21 : memref<!tpu.dma_semaphore, #tpu.memory_space<semaphore_mem>>) src(%dma_wait3A_271 : memref<10240x16xf32, #tpu.memory_space<vmem_shared>>) dst(%dma_wait3A_265 : memref<128x16xf32, #tpu.memory_space<vmem>>)
      %scan3A_272 = arith.constant 0 : i32
      %scan3A_273 = arith.constant 0 : i32
      %scan3A_274 = arith.constant 64 : i32
      %scan3A_275 = arith.addi %scan3A_273, %scan3A_274 : i32
      %scan3A_276 = arith.constant 2 : i32
      scf.for %scan3A_301 = %scan3A_273 to %scan3A_275 step %scan3A_276  : i32 {
        %get3A = arith.index_cast %scan3A_301 : i32 to index
        %get3A_302 = arith.constant 0 : index
        %get3A_303 = tpu.vector_load %arg10[%get3A, %get3A_302] {strides = array<i32>} : memref<64x128xf32, #tpu.memory_space<vmem>>, vector<16xf32>,
        %add3A_304 = arith.constant 0 : i32
        %add3A_305 = arith.addi %add3A_304, %scan3A_301 : i32
        %get3A_306 = arith.index_cast %add3A_305 : i32 to index
        %get3A_307 = arith.constant 0 : index
        %get3A_308 = tpu.vector_load %arg12[%get3A_306, %get3A_307] {strides = array<i32>} : memref<512x16xf32, #tpu.memory_space<vmem>>, vector<16xf32>,
        %mul3A_309 = arith.mulf %get3A_303, %get3A_308 : vector<16xf32>
        %add3A_310 = arith.constant 0 : i32
        %add3A_311 = arith.addi %add3A_310, %scan3A_301 : i32
        %swap3A = arith.index_cast %add3A_311 : i32 to index
        %swap3A_312 = arith.constant 0 : index
        %swap3A_313 = tpu.vector_load %arg14[%swap3A, %swap3A_312] {strides = array<i32>} : memref<512x16xf32, #tpu.memory_space<vmem>>, vector<16xf32>,
        tpu.vector_store %arg14[%swap3A, %swap3A_312], %mul3A_309 {strides = array<i32>} : memref<512x16xf32, #tpu.memory_space<vmem>>, vector<16xf32>,
        %get3A_314 = arith.index_cast %scan3A_301 : i32 to index
        %get3A_315 = arith.constant 16 : index
        %get3A_316 = tpu.vector_load %arg10[%get3A_314, %get3A_315] {strides = array<i32>} : memref<64x128xf32, #tpu.memory_space<vmem>>, vector<16xf32>,
        %add3A_317 = arith.constant 64 : i32
        %add3A_318 = arith.addi %add3A_317, %scan3A_301 : i32
        %get3A_319 = arith.index_cast %add3A_318 : i32 to index
        %get3A_320 = arith.constant 0 : index
        %get3A_321 = tpu.vector_load %arg12[%get3A_319, %get3A_320] {strides = array<i32>} : memref<512x16xf32, #tpu.memory_space<vmem>>, vector<16xf32>,
        %mul3A_322 = arith.mulf %get3A_316, %get3A_321 : vector<16xf32>
        %add3A_323 = arith.constant 64 : i32
        %add3A_324 = arith.addi %add3A_323, %scan3A_301 : i32
        %swap3A_325 = arith.index_cast %add3A_324 : i32 to index
        %swap3A_326 = arith.constant 0 : index
        %swap3A_327 = tpu.vector_load %arg14[%swap3A_325, %swap3A_326] {strides = array<i32>} : memref<512x16xf32, #tpu.memory_space<vmem>>, vector<16xf32>,
        tpu.vector_store %arg14[%swap3A_325, %swap3A_326], %mul3A_322 {strides = array<i32>} : memref<512x16xf32, #tpu.memory_space<vmem>>, vector<16xf32>,
        %get3A_328 = arith.index_cast %scan3A_301 : i32 to index
        %get3A_329 = arith.constant 32 : index
        %get3A_330 = tpu.vector_load %arg10[%get3A_328, %get3A_329] {strides = array<i32>} : memref<64x128xf32, #tpu.memory_space<vmem>>, vector<16xf32>,
        %add3A_331 = arith.constant 128 : i32
        %add3A_332 = arith.addi %add3A_331, %scan3A_301 : i32
        %get3A_333 = arith.index_cast %add3A_332 : i32 to index
        %get3A_334 = arith.constant 0 : index
        %get3A_335 = tpu.vector_load %arg12[%get3A_333, %get3A_334] {strides = array<i32>} : memref<512x16xf32, #tpu.memory_space<vmem>>, vector<16xf32>,
        %mul3A_336 = arith.mulf %get3A_330, %get3A_335 : vector<16xf32>
        %add3A_337 = arith.constant 128 : i32
        %add3A_338 = arith.addi %add3A_337, %scan3A_301 : i32
        %swap3A_339 = arith.index_cast %add3A_338 : i32 to index
        %swap3A_340 = arith.constant 0 : index
        %swap3A_341 = tpu.vector_load %arg14[%swap3A_339, %swap3A_340] {strides = array<i32>} : memref<512x16xf32, #tpu.memory_space<vmem>>, vector<16xf32>,
        tpu.vector_store %arg14[%swap3A_339, %swap3A_340], %mul3A_336 {strides = array<i32>} : memref<512x16xf32, #tpu.memory_space<vmem>>, vector<16xf32>,
        %get3A_342 = arith.index_cast %scan3A_301 : i32 to index
        %get3A_343 = arith.constant 48 : index
        %get3A_344 = tpu.vector_load %arg10[%get3A_342, %get3A_343] {strides = array<i32>} : memref<64x128xf32, #tpu.memory_space<vmem>>, vector<16xf32>,
        %add3A_345 = arith.constant 192 : i32
        %add3A_346 = arith.addi %add3A_345, %scan3A_301 : i32
        %get3A_347 = arith.index_cast %add3A_346 : i32 to index
        %get3A_348 = arith.constant 0 : index
        %get3A_349 = tpu.vector_load %arg12[%get3A_347, %get3A_348] {strides = array<i32>} : memref<512x16xf32, #tpu.memory_space<vmem>>, vector<16xf32>,
        %mul3A_350 = arith.mulf %get3A_344, %get3A_349 : vector<16xf32>
        %add3A_351 = arith.constant 192 : i32
        %add3A_352 = arith.addi %add3A_351, %scan3A_301 : i32
        %swap3A_353 = arith.index_cast %add3A_352 : i32 to index
        %swap3A_354 = arith.constant 0 : index
        %swap3A_355 = tpu.vector_load %arg14[%swap3A_353, %swap3A_354] {strides = array<i32>} : memref<512x16xf32, #tpu.memory_space<vmem>>, vector<16xf32>,
        tpu.vector_store %arg14[%swap3A_353, %swap3A_354], %mul3A_350 {strides = array<i32>} : memref<512x16xf32, #tpu.memory_space<vmem>>, vector<16xf32>,
        %get3A_356 = arith.index_cast %scan3A_301 : i32 to index
        %get3A_357 = arith.constant 64 : index
        %get3A_358 = tpu.vector_load %arg10[%get3A_356, %get3A_357] {strides = array<i32>} : memref<64x128xf32, #tpu.memory_space<vmem>>, vector<16xf32>,
        %add3A_359 = arith.constant 256 : i32
        %add3A_360 = arith.addi %add3A_359, %scan3A_301 : i32
        %get3A_361 = arith.index_cast %add3A_360 : i32 to index
        %get3A_362 = arith.constant 0 : index
        %get3A_363 = tpu.vector_load %arg12[%get3A_361, %get3A_362] {strides = array<i32>} : memref<512x16xf32, #tpu.memory_space<vmem>>, vector<16xf32>,
        %mul3A_364 = arith.mulf %get3A_358, %get3A_363 : vector<16xf32>
        %add3A_365 = arith.constant 256 : i32
        %add3A_366 = arith.addi %add3A_365, %scan3A_301 : i32
        %swap3A_367 = arith.index_cast %add3A_366 : i32 to index
        %swap3A_368 = arith.constant 0 : index
        %swap3A_369 = tpu.vector_load %arg14[%swap3A_367, %swap3A_368] {strides = array<i32>} : memref<512x16xf32, #tpu.memory_space<vmem>>, vector<16xf32>,
        tpu.vector_store %arg14[%swap3A_367, %swap3A_368], %mul3A_364 {strides = array<i32>} : memref<512x16xf32, #tpu.memory_space<vmem>>, vector<16xf32>,
        %get3A_370 = arith.index_cast %scan3A_301 : i32 to index
        %get3A_371 = arith.constant 80 : index
        %get3A_372 = tpu.vector_load %arg10[%get3A_370, %get3A_371] {strides = array<i32>} : memref<64x128xf32, #tpu.memory_space<vmem>>, vector<16xf32>,
        %add3A_373 = arith.constant 320 : i32
        %add3A_374 = arith.addi %add3A_373, %scan3A_301 : i32
        %get3A_375 = arith.index_cast %add3A_374 : i32 to index
        %get3A_376 = arith.constant 0 : index
        %get3A_377 = tpu.vector_load %arg12[%get3A_375, %get3A_376] {strides = array<i32>} : memref<512x16xf32, #tpu.memory_space<vmem>>, vector<16xf32>,
        %mul3A_378 = arith.mulf %get3A_372, %get3A_377 : vector<16xf32>
        %add3A_379 = arith.constant 320 : i32
        %add3A_380 = arith.addi %add3A_379, %scan3A_301 : i32
        %swap3A_381 = arith.index_cast %add3A_380 : i32 to index
        %swap3A_382 = arith.constant 0 : index
        %swap3A_383 = tpu.vector_load %arg14[%swap3A_381, %swap3A_382] {strides = array<i32>} : memref<512x16xf32, #tpu.memory_space<vmem>>, vector<16xf32>,
        tpu.vector_store %arg14[%swap3A_381, %swap3A_382], %mul3A_378 {strides = array<i32>} : memref<512x16xf32, #tpu.memory_space<vmem>>, vector<16xf32>,
        %get3A_384 = arith.index_cast %scan3A_301 : i32 to index
        %get3A_385 = arith.constant 96 : index
        %get3A_386 = tpu.vector_load %arg10[%get3A_384, %get3A_385] {strides = array<i32>} : memref<64x128xf32, #tpu.memory_space<vmem>>, vector<16xf32>,
        %add3A_387 = arith.constant 384 : i32
        %add3A_388 = arith.addi %add3A_387, %scan3A_301 : i32
        %get3A_389 = arith.index_cast %add3A_388 : i32 to index
        %get3A_390 = arith.constant 0 : index
        %get3A_391 = tpu.vector_load %arg12[%get3A_389, %get3A_390] {strides = array<i32>} : memref<512x16xf32, #tpu.memory_space<vmem>>, vector<16xf32>,
        %mul3A_392 = arith.mulf %get3A_386, %get3A_391 : vector<16xf32>
        %add3A_393 = arith.constant 384 : i32
        %add3A_394 = arith.addi %add3A_393, %scan3A_301 : i32
        %swap3A_395 = arith.index_cast %add3A_394 : i32 to index
        %swap3A_396 = arith.constant 0 : index
        %swap3A_397 = tpu.vector_load %arg14[%swap3A_395, %swap3A_396] {strides = array<i32>} : memref<512x16xf32, #tpu.memory_space<vmem>>, vector<16xf32>,
        tpu.vector_store %arg14[%swap3A_395, %swap3A_396], %mul3A_392 {strides = array<i32>} : memref<512x16xf32, #tpu.memory_space<vmem>>, vector<16xf32>,
        %get3A_398 = arith.index_cast %scan3A_301 : i32 to index
        %get3A_399 = arith.constant 112 : index
        %get3A_400 = tpu.vector_load %arg10[%get3A_398, %get3A_399] {strides = array<i32>} : memref<64x128xf32, #tpu.memory_space<vmem>>, vector<16xf32>,
        %add3A_401 = arith.constant 448 : i32
        %add3A_402 = arith.addi %add3A_401, %scan3A_301 : i32
        %get3A_403 = arith.index_cast %add3A_402 : i32 to index
        %get3A_404 = arith.constant 0 : index
        %get3A_405 = tpu.vector_load %arg12[%get3A_403, %get3A_404] {strides = array<i32>} : memref<512x16xf32, #tpu.memory_space<vmem>>, vector<16xf32>,
        %mul3A_406 = arith.mulf %get3A_400, %get3A_405 : vector<16xf32>
        %add3A_407 = arith.constant 448 : i32
        %add3A_408 = arith.addi %add3A_407, %scan3A_301 : i32
        %swap3A_409 = arith.index_cast %add3A_408 : i32 to index
        %swap3A_410 = arith.constant 0 : index
        %swap3A_411 = tpu.vector_load %arg14[%swap3A_409, %swap3A_410] {strides = array<i32>} : memref<512x16xf32, #tpu.memory_space<vmem>>, vector<16xf32>,
        tpu.vector_store %arg14[%swap3A_409, %swap3A_410], %mul3A_406 {strides = array<i32>} : memref<512x16xf32, #tpu.memory_space<vmem>>, vector<16xf32>,
        %scan3A_412 = arith.constant 1 : i32
        %scan3A_413 = arith.addi %scan3A_301, %scan3A_412 : i32
        %get3A_414 = arith.index_cast %scan3A_413 : i32 to index
        %get3A_415 = arith.constant 0 : index
        %get3A_416 = tpu.vector_load %arg10[%get3A_414, %get3A_415] {strides = array<i32>} : memref<64x128xf32, #tpu.memory_space<vmem>>, vector<16xf32>,
        %add3A_417 = arith.constant 0 : i32
        %add3A_418 = arith.addi %add3A_417, %scan3A_413 : i32
        %get3A_419 = arith.index_cast %add3A_418 : i32 to index
        %get3A_420 = arith.constant 0 : index
        %get3A_421 = tpu.vector_load %arg12[%get3A_419, %get3A_420] {strides = array<i32>} : memref<512x16xf32, #tpu.memory_space<vmem>>, vector<16xf32>,
        %mul3A_422 = arith.mulf %get3A_416, %get3A_421 : vector<16xf32>
        %add3A_423 = arith.constant 0 : i32
        %add3A_424 = arith.addi %add3A_423, %scan3A_413 : i32
        %swap3A_425 = arith.index_cast %add3A_424 : i32 to index
        %swap3A_426 = arith.constant 0 : index
        %swap3A_427 = tpu.vector_load %arg14[%swap3A_425, %swap3A_426] {strides = array<i32>} : memref<512x16xf32, #tpu.memory_space<vmem>>, vector<16xf32>,
        tpu.vector_store %arg14[%swap3A_425, %swap3A_426], %mul3A_422 {strides = array<i32>} : memref<512x16xf32, #tpu.memory_space<vmem>>, vector<16xf32>,
        %get3A_428 = arith.index_cast %scan3A_413 : i32 to index
        %get3A_429 = arith.constant 16 : index
        %get3A_430 = tpu.vector_load %arg10[%get3A_428, %get3A_429] {strides = array<i32>} : memref<64x128xf32, #tpu.memory_space<vmem>>, vector<16xf32>,
        %add3A_431 = arith.constant 64 : i32
        %add3A_432 = arith.addi %add3A_431, %scan3A_413 : i32
        %get3A_433 = arith.index_cast %add3A_432 : i32 to index
        %get3A_434 = arith.constant 0 : index
        %get3A_435 = tpu.vector_load %arg12[%get3A_433, %get3A_434] {strides = array<i32>} : memref<512x16xf32, #tpu.memory_space<vmem>>, vector<16xf32>,
        %mul3A_436 = arith.mulf %get3A_430, %get3A_435 : vector<16xf32>
        %add3A_437 = arith.constant 64 : i32
        %add3A_438 = arith.addi %add3A_437, %scan3A_413 : i32
        %swap3A_439 = arith.index_cast %add3A_438 : i32 to index
        %swap3A_440 = arith.constant 0 : index
        %swap3A_441 = tpu.vector_load %arg14[%swap3A_439, %swap3A_440] {strides = array<i32>} : memref<512x16xf32, #tpu.memory_space<vmem>>, vector<16xf32>,
        tpu.vector_store %arg14[%swap3A_439, %swap3A_440], %mul3A_436 {strides = array<i32>} : memref<512x16xf32, #tpu.memory_space<vmem>>, vector<16xf32>,
        %get3A_442 = arith.index_cast %scan3A_413 : i32 to index
        %get3A_443 = arith.constant 32 : index
        %get3A_444 = tpu.vector_load %arg10[%get3A_442, %get3A_443] {strides = array<i32>} : memref<64x128xf32, #tpu.memory_space<vmem>>, vector<16xf32>,
        %add3A_445 = arith.constant 128 : i32
        %add3A_446 = arith.addi %add3A_445, %scan3A_413 : i32
        %get3A_447 = arith.index_cast %add3A_446 : i32 to index
        %get3A_448 = arith.constant 0 : index
        %get3A_449 = tpu.vector_load %arg12[%get3A_447, %get3A_448] {strides = array<i32>} : memref<512x16xf32, #tpu.memory_space<vmem>>, vector<16xf32>,
        %mul3A_450 = arith.mulf %get3A_444, %get3A_449 : vector<16xf32>
        %add3A_451 = arith.constant 128 : i32
        %add3A_452 = arith.addi %add3A_451, %scan3A_413 : i32
        %swap3A_453 = arith.index_cast %add3A_452 : i32 to index
        %swap3A_454 = arith.constant 0 : index
        %swap3A_455 = tpu.vector_load %arg14[%swap3A_453, %swap3A_454] {strides = array<i32>} : memref<512x16xf32, #tpu.memory_space<vmem>>, vector<16xf32>,
        tpu.vector_store %arg14[%swap3A_453, %swap3A_454], %mul3A_450 {strides = array<i32>} : memref<512x16xf32, #tpu.memory_space<vmem>>, vector<16xf32>,
        %get3A_456 = arith.index_cast %scan3A_413 : i32 to index
        %get3A_457 = arith.constant 48 : index
        %get3A_458 = tpu.vector_load %arg10[%get3A_456, %get3A_457] {strides = array<i32>} : memref<64x128xf32, #tpu.memory_space<vmem>>, vector<16xf32>,
        %add3A_459 = arith.constant 192 : i32
        %add3A_460 = arith.addi %add3A_459, %scan3A_413 : i32
        %get3A_461 = arith.index_cast %add3A_460 : i32 to index
        %get3A_462 = arith.constant 0 : index
        %get3A_463 = tpu.vector_load %arg12[%get3A_461, %get3A_462] {strides = array<i32>} : memref<512x16xf32, #tpu.memory_space<vmem>>, vector<16xf32>,
        %mul3A_464 = arith.mulf %get3A_458, %get3A_463 : vector<16xf32>
        %add3A_465 = arith.constant 192 : i32
        %add3A_466 = arith.addi %add3A_465, %scan3A_413 : i32
        %swap3A_467 = arith.index_cast %add3A_466 : i32 to index
        %swap3A_468 = arith.constant 0 : index
        %swap3A_469 = tpu.vector_load %arg14[%swap3A_467, %swap3A_468] {strides = array<i32>} : memref<512x16xf32, #tpu.memory_space<vmem>>, vector<16xf32>,
        tpu.vector_store %arg14[%swap3A_467, %swap3A_468], %mul3A_464 {strides = array<i32>} : memref<512x16xf32, #tpu.memory_space<vmem>>, vector<16xf32>,
        %get3A_470 = arith.index_cast %scan3A_413 : i32 to index
        %get3A_471 = arith.constant 64 : index
        %get3A_472 = tpu.vector_load %arg10[%get3A_470, %get3A_471] {strides = array<i32>} : memref<64x128xf32, #tpu.memory_space<vmem>>, vector<16xf32>,
        %add3A_473 = arith.constant 256 : i32
        %add3A_474 = arith.addi %add3A_473, %scan3A_413 : i32
        %get3A_475 = arith.index_cast %add3A_474 : i32 to index
        %get3A_476 = arith.constant 0 : index
        %get3A_477 = tpu.vector_load %arg12[%get3A_475, %get3A_476] {strides = array<i32>} : memref<512x16xf32, #tpu.memory_space<vmem>>, vector<16xf32>,
        %mul3A_478 = arith.mulf %get3A_472, %get3A_477 : vector<16xf32>
        %add3A_479 = arith.constant 256 : i32
        %add3A_480 = arith.addi %add3A_479, %scan3A_413 : i32
        %swap3A_481 = arith.index_cast %add3A_480 : i32 to index
        %swap3A_482 = arith.constant 0 : index
        %swap3A_483 = tpu.vector_load %arg14[%swap3A_481, %swap3A_482] {strides = array<i32>} : memref<512x16xf32, #tpu.memory_space<vmem>>, vector<16xf32>,
        tpu.vector_store %arg14[%swap3A_481, %swap3A_482], %mul3A_478 {strides = array<i32>} : memref<512x16xf32, #tpu.memory_space<vmem>>, vector<16xf32>,
        %get3A_484 = arith.index_cast %scan3A_413 : i32 to index
        %get3A_485 = arith.constant 80 : index
        %get3A_486 = tpu.vector_load %arg10[%get3A_484, %get3A_485] {strides = array<i32>} : memref<64x128xf32, #tpu.memory_space<vmem>>, vector<16xf32>,
        %add3A_487 = arith.constant 320 : i32
        %add3A_488 = arith.addi %add3A_487, %scan3A_413 : i32
        %get3A_489 = arith.index_cast %add3A_488 : i32 to index
        %get3A_490 = arith.constant 0 : index
        %get3A_491 = tpu.vector_load %arg12[%get3A_489, %get3A_490] {strides = array<i32>} : memref<512x16xf32, #tpu.memory_space<vmem>>, vector<16xf32>,
        %mul3A_492 = arith.mulf %get3A_486, %get3A_491 : vector<16xf32>
        %add3A_493 = arith.constant 320 : i32
        %add3A_494 = arith.addi %add3A_493, %scan3A_413 : i32
        %swap3A_495 = arith.index_cast %add3A_494 : i32 to index
        %swap3A_496 = arith.constant 0 : index
        %swap3A_497 = tpu.vector_load %arg14[%swap3A_495, %swap3A_496] {strides = array<i32>} : memref<512x16xf32, #tpu.memory_space<vmem>>, vector<16xf32>,
        tpu.vector_store %arg14[%swap3A_495, %swap3A_496], %mul3A_492 {strides = array<i32>} : memref<512x16xf32, #tpu.memory_space<vmem>>, vector<16xf32>,
        %get3A_498 = arith.index_cast %scan3A_413 : i32 to index
        %get3A_499 = arith.constant 96 : index
        %get3A_500 = tpu.vector_load %arg10[%get3A_498, %get3A_499] {strides = array<i32>} : memref<64x128xf32, #tpu.memory_space<vmem>>, vector<16xf32>,
        %add3A_501 = arith.constant 384 : i32
        %add3A_502 = arith.addi %add3A_501, %scan3A_413 : i32
        %get3A_503 = arith.index_cast %add3A_502 : i32 to index
        %get3A_504 = arith.constant 0 : index
        %get3A_505 = tpu.vector_load %arg12[%get3A_503, %get3A_504] {strides = array<i32>} : memref<512x16xf32, #tpu.memory_space<vmem>>, vector<16xf32>,
        %mul3A_506 = arith.mulf %get3A_500, %get3A_505 : vector<16xf32>
        %add3A_507 = arith.constant 384 : i32
        %add3A_508 = arith.addi %add3A_507, %scan3A_413 : i32
        %swap3A_509 = arith.index_cast %add3A_508 : i32 to index
        %swap3A_510 = arith.constant 0 : index
        %swap3A_511 = tpu.vector_load %arg14[%swap3A_509, %swap3A_510] {strides = array<i32>} : memref<512x16xf32, #tpu.memory_space<vmem>>, vector<16xf32>,
        tpu.vector_store %arg14[%swap3A_509, %swap3A_510], %mul3A_506 {strides = array<i32>} : memref<512x16xf32, #tpu.memory_space<vmem>>, vector<16xf32>,
        %get3A_512 = arith.index_cast %scan3A_413 : i32 to index
        %get3A_513 = arith.constant 112 : index
        %get3A_514 = tpu.vector_load %arg10[%get3A_512, %get3A_513] {strides = array<i32>} : memref<64x128xf32, #tpu.memory_space<vmem>>, vector<16xf32>,
        %add3A_515 = arith.constant 448 : i32
        %add3A_516 = arith.addi %add3A_515, %scan3A_413 : i32
        %get3A_517 = arith.index_cast %add3A_516 : i32 to index
        %get3A_518 = arith.constant 0 : index
        %get3A_519 = tpu.vector_load %arg12[%get3A_517, %get3A_518] {strides = array<i32>} : memref<512x16xf32, #tpu.memory_space<vmem>>, vector<16xf32>,
        %mul3A_520 = arith.mulf %get3A_514, %get3A_519 : vector<16xf32>
        %add3A_521 = arith.constant 448 : i32
        %add3A_522 = arith.addi %add3A_521, %scan3A_413 : i32
        %swap3A_523 = arith.index_cast %add3A_522 : i32 to index
        %swap3A_524 = arith.constant 0 : index
        %swap3A_525 = tpu.vector_load %arg14[%swap3A_523, %swap3A_524] {strides = array<i32>} : memref<512x16xf32, #tpu.memory_space<vmem>>, vector<16xf32>,
        tpu.vector_store %arg14[%swap3A_523, %swap3A_524], %mul3A_520 {strides = array<i32>} : memref<512x16xf32, #tpu.memory_space<vmem>>, vector<16xf32>,
      }
      %scan3A_277 = arith.constant 64 : i32
      %mul3A_278 = arith.constant 4 : i32
      %mul3A_279 = arith.muli %mul3A_278, %add3A_210 : i32
      %add3A_280 = arith.constant 0 : i32
      %add3A_281 = arith.addi %mul3A_279, %add3A_280 : i32
      "tpu.region"() ({
        %run_scoped3A = tpu.sem_alloc : memref<!tpu.dma_semaphore, #tpu.memory_space<semaphore_mem>>
        %dma_start3A_301 = arith.constant 0 : i32
        %dma_start3A_302 = arith.constant 0 : i32
        %dma_start3A_303 = tpu.memref_slice %arg14[%dma_start3A_301, %dma_start3A_302] : memref<512x16xf32, #tpu.memory_space<vmem>> -> memref<128x16xf32, #tpu.memory_space<vmem>>
        %dma_start3A_304 = arith.constant 0 : i32
        %dma_start3A_305 = tpu.memref_slice %arg8[%add3A_281, %dma_start3A_304] : memref<40x128xi32, #tpu.memory_space<vmem>> -> memref<1x128xi32, #tpu.memory_space<vmem>>
        %dma_start3A_306 = tpu.memref_squeeze %dma_start3A_305 : memref<1x128xi32, #tpu.memory_space<vmem>> -> memref<128xi32, #tpu.memory_space<vmem>>
        %dma_start3A_307 = arith.constant 0 : i32
        %dma_start3A_308 = arith.constant 0 : i32
        %dma_start3A_309 = tpu.memref_slice %arg17[%dma_start3A_307, %dma_start3A_308] : memref<10240x16xf32, #tpu.memory_space<vmem_shared>> -> memref<10240x16xf32, #tpu.memory_space<vmem_shared>>
        tpu.enqueue_indirect_dma source(%dma_start3A_303 : memref<128x16xf32, #tpu.memory_space<vmem>>) target(%dma_start3A_309 : memref<10240x16xf32, #tpu.memory_space<vmem_shared>>) offsets(%dma_start3A_306 : memref<128xi32, #tpu.memory_space<vmem>>) semaphore(%run_scoped3A : memref<!tpu.dma_semaphore, #tpu.memory_space<semaphore_mem>>) {add = true}
        %dma_wait3A_310 = arith.constant 0 : i32
        %dma_wait3A_311 = arith.constant 0 : i32
        %dma_wait3A_312 = tpu.memref_slice %arg14[%dma_wait3A_310, %dma_wait3A_311] : memref<512x16xf32, #tpu.memory_space<vmem>> -> memref<128x16xf32, #tpu.memory_space<vmem>>
        %dma_wait3A_313 = arith.constant 0 : i32
        %dma_wait3A_314 = tpu.memref_slice %arg8[%add3A_281, %dma_wait3A_313] : memref<40x128xi32, #tpu.memory_space<vmem>> -> memref<1x128xi32, #tpu.memory_space<vmem>>
        %dma_wait3A_315 = tpu.memref_squeeze %dma_wait3A_314 : memref<1x128xi32, #tpu.memory_space<vmem>> -> memref<128xi32, #tpu.memory_space<vmem>>
        %dma_wait3A_316 = arith.constant 0 : i32
        %dma_wait3A_317 = arith.constant 0 : i32
        %dma_wait3A_318 = tpu.memref_slice %arg17[%dma_wait3A_316, %dma_wait3A_317] : memref<10240x16xf32, #tpu.memory_space<vmem_shared>> -> memref<10240x16xf32, #tpu.memory_space<vmem_shared>>
        tpu.wait_indirect_dma semaphore(%run_scoped3A : memref<!tpu.dma_semaphore, #tpu.memory_space<semaphore_mem>>) src(%dma_wait3A_312 : memref<128x16xf32, #tpu.memory_space<vmem>>) dst(%dma_wait3A_318 : memref<10240x16xf32, #tpu.memory_space<vmem_shared>>)
        tpu.yield
      }) : () -> ()
      %mul3A_282 = arith.constant 4 : i32
      %mul3A_283 = arith.muli %mul3A_282, %add3A_210 : i32
      %add3A_284 = arith.constant 1 : i32
      %add3A_285 = arith.addi %mul3A_283, %add3A_284 : i32
      "tpu.region"() ({
        %run_scoped3A = tpu.sem_alloc : memref<!tpu.dma_semaphore, #tpu.memory_space<semaphore_mem>>
        %dma_start3A_301 = arith.constant 128 : i32
        %dma_start3A_302 = arith.constant 0 : i32
        %dma_start3A_303 = tpu.memref_slice %arg14[%dma_start3A_301, %dma_start3A_302] : memref<512x16xf32, #tpu.memory_space<vmem>> -> memref<128x16xf32, #tpu.memory_space<vmem>>
        %dma_start3A_304 = arith.constant 0 : i32
        %dma_start3A_305 = tpu.memref_slice %arg8[%add3A_285, %dma_start3A_304] : memref<40x128xi32, #tpu.memory_space<vmem>> -> memref<1x128xi32, #tpu.memory_space<vmem>>
        %dma_start3A_306 = tpu.memref_squeeze %dma_start3A_305 : memref<1x128xi32, #tpu.memory_space<vmem>> -> memref<128xi32, #tpu.memory_space<vmem>>
        %dma_start3A_307 = arith.constant 0 : i32
        %dma_start3A_308 = arith.constant 0 : i32
        %dma_start3A_309 = tpu.memref_slice %arg17[%dma_start3A_307, %dma_start3A_308] : memref<10240x16xf32, #tpu.memory_space<vmem_shared>> -> memref<10240x16xf32, #tpu.memory_space<vmem_shared>>
        tpu.enqueue_indirect_dma source(%dma_start3A_303 : memref<128x16xf32, #tpu.memory_space<vmem>>) target(%dma_start3A_309 : memref<10240x16xf32, #tpu.memory_space<vmem_shared>>) offsets(%dma_start3A_306 : memref<128xi32, #tpu.memory_space<vmem>>) semaphore(%run_scoped3A : memref<!tpu.dma_semaphore, #tpu.memory_space<semaphore_mem>>) {add = true}
        %dma_wait3A_310 = arith.constant 128 : i32
        %dma_wait3A_311 = arith.constant 0 : i32
        %dma_wait3A_312 = tpu.memref_slice %arg14[%dma_wait3A_310, %dma_wait3A_311] : memref<512x16xf32, #tpu.memory_space<vmem>> -> memref<128x16xf32, #tpu.memory_space<vmem>>
        %dma_wait3A_313 = arith.constant 0 : i32
        %dma_wait3A_314 = tpu.memref_slice %arg8[%add3A_285, %dma_wait3A_313] : memref<40x128xi32, #tpu.memory_space<vmem>> -> memref<1x128xi32, #tpu.memory_space<vmem>>
        %dma_wait3A_315 = tpu.memref_squeeze %dma_wait3A_314 : memref<1x128xi32, #tpu.memory_space<vmem>> -> memref<128xi32, #tpu.memory_space<vmem>>
        %dma_wait3A_316 = arith.constant 0 : i32
        %dma_wait3A_317 = arith.constant 0 : i32
        %dma_wait3A_318 = tpu.memref_slice %arg17[%dma_wait3A_316, %dma_wait3A_317] : memref<10240x16xf32, #tpu.memory_space<vmem_shared>> -> memref<10240x16xf32, #tpu.memory_space<vmem_shared>>
        tpu.wait_indirect_dma semaphore(%run_scoped3A : memref<!tpu.dma_semaphore, #tpu.memory_space<semaphore_mem>>) src(%dma_wait3A_312 : memref<128x16xf32, #tpu.memory_space<vmem>>) dst(%dma_wait3A_318 : memref<10240x16xf32, #tpu.memory_space<vmem_shared>>)
        tpu.yield
      }) : () -> ()
      %mul3A_286 = arith.constant 4 : i32
      %mul3A_287 = arith.muli %mul3A_286, %add3A_210 : i32
      %add3A_288 = arith.constant 2 : i32
      %add3A_289 = arith.addi %mul3A_287, %add3A_288 : i32
      "tpu.region"() ({
        %run_scoped3A = tpu.sem_alloc : memref<!tpu.dma_semaphore, #tpu.memory_space<semaphore_mem>>
        %dma_start3A_301 = arith.constant 256 : i32
        %dma_start3A_302 = arith.constant 0 : i32
        %dma_start3A_303 = tpu.memref_slice %arg14[%dma_start3A_301, %dma_start3A_302] : memref<512x16xf32, #tpu.memory_space<vmem>> -> memref<128x16xf32, #tpu.memory_space<vmem>>
        %dma_start3A_304 = arith.constant 0 : i32
        %dma_start3A_305 = tpu.memref_slice %arg8[%add3A_289, %dma_start3A_304] : memref<40x128xi32, #tpu.memory_space<vmem>> -> memref<1x128xi32, #tpu.memory_space<vmem>>
        %dma_start3A_306 = tpu.memref_squeeze %dma_start3A_305 : memref<1x128xi32, #tpu.memory_space<vmem>> -> memref<128xi32, #tpu.memory_space<vmem>>
        %dma_start3A_307 = arith.constant 0 : i32
        %dma_start3A_308 = arith.constant 0 : i32
        %dma_start3A_309 = tpu.memref_slice %arg17[%dma_start3A_307, %dma_start3A_308] : memref<10240x16xf32, #tpu.memory_space<vmem_shared>> -> memref<10240x16xf32, #tpu.memory_space<vmem_shared>>
        tpu.enqueue_indirect_dma source(%dma_start3A_303 : memref<128x16xf32, #tpu.memory_space<vmem>>) target(%dma_start3A_309 : memref<10240x16xf32, #tpu.memory_space<vmem_shared>>) offsets(%dma_start3A_306 : memref<128xi32, #tpu.memory_space<vmem>>) semaphore(%run_scoped3A : memref<!tpu.dma_semaphore, #tpu.memory_space<semaphore_mem>>) {add = true}
        %dma_wait3A_310 = arith.constant 256 : i32
        %dma_wait3A_311 = arith.constant 0 : i32
        %dma_wait3A_312 = tpu.memref_slice %arg14[%dma_wait3A_310, %dma_wait3A_311] : memref<512x16xf32, #tpu.memory_space<vmem>> -> memref<128x16xf32, #tpu.memory_space<vmem>>
        %dma_wait3A_313 = arith.constant 0 : i32
        %dma_wait3A_314 = tpu.memref_slice %arg8[%add3A_289, %dma_wait3A_313] : memref<40x128xi32, #tpu.memory_space<vmem>> -> memref<1x128xi32, #tpu.memory_space<vmem>>
        %dma_wait3A_315 = tpu.memref_squeeze %dma_wait3A_314 : memref<1x128xi32, #tpu.memory_space<vmem>> -> memref<128xi32, #tpu.memory_space<vmem>>
        %dma_wait3A_316 = arith.constant 0 : i32
        %dma_wait3A_317 = arith.constant 0 : i32
        %dma_wait3A_318 = tpu.memref_slice %arg17[%dma_wait3A_316, %dma_wait3A_317] : memref<10240x16xf32, #tpu.memory_space<vmem_shared>> -> memref<10240x16xf32, #tpu.memory_space<vmem_shared>>
        tpu.wait_indirect_dma semaphore(%run_scoped3A : memref<!tpu.dma_semaphore, #tpu.memory_space<semaphore_mem>>) src(%dma_wait3A_312 : memref<128x16xf32, #tpu.memory_space<vmem>>) dst(%dma_wait3A_318 : memref<10240x16xf32, #tpu.memory_space<vmem_shared>>)
        tpu.yield
      }) : () -> ()
      %mul3A_290 = arith.constant 4 : i32
      %mul3A_291 = arith.muli %mul3A_290, %add3A_210 : i32
      %add3A_292 = arith.constant 3 : i32
      %add3A_293 = arith.addi %mul3A_291, %add3A_292 : i32
      "tpu.region"() ({
        %run_scoped3A = tpu.sem_alloc : memref<!tpu.dma_semaphore, #tpu.memory_space<semaphore_mem>>
        %dma_start3A_301 = arith.constant 384 : i32
        %dma_start3A_302 = arith.constant 0 : i32
        %dma_start3A_303 = tpu.memref_slice %arg14[%dma_start3A_301, %dma_start3A_302] : memref<512x16xf32, #tpu.memory_space<vmem>> -> memref<128x16xf32, #tpu.memory_space<vmem>>
        %dma_start3A_304 = arith.constant 0 : i32
        %dma_start3A_305 = tpu.memref_slice %arg8[%add3A_293, %dma_start3A_304] : memref<40x128xi32, #tpu.memory_space<vmem>> -> memref<1x128xi32, #tpu.memory_space<vmem>>
        %dma_start3A_306 = tpu.memref_squeeze %dma_start3A_305 : memref<1x128xi32, #tpu.memory_space<vmem>> -> memref<128xi32, #tpu.memory_space<vmem>>
        %dma_start3A_307 = arith.constant 0 : i32
        %dma_start3A_308 = arith.constant 0 : i32
        %dma_start3A_309 = tpu.memref_slice %arg17[%dma_start3A_307, %dma_start3A_308] : memref<10240x16xf32, #tpu.memory_space<vmem_shared>> -> memref<10240x16xf32, #tpu.memory_space<vmem_shared>>
        tpu.enqueue_indirect_dma source(%dma_start3A_303 : memref<128x16xf32, #tpu.memory_space<vmem>>) target(%dma_start3A_309 : memref<10240x16xf32, #tpu.memory_space<vmem_shared>>) offsets(%dma_start3A_306 : memref<128xi32, #tpu.memory_space<vmem>>) semaphore(%run_scoped3A : memref<!tpu.dma_semaphore, #tpu.memory_space<semaphore_mem>>) {add = true}
        %dma_wait3A_310 = arith.constant 384 : i32
        %dma_wait3A_311 = arith.constant 0 : i32
        %dma_wait3A_312 = tpu.memref_slice %arg14[%dma_wait3A_310, %dma_wait3A_311] : memref<512x16xf32, #tpu.memory_space<vmem>> -> memref<128x16xf32, #tpu.memory_space<vmem>>
        %dma_wait3A_313 = arith.constant 0 : i32
        %dma_wait3A_314 = tpu.memref_slice %arg8[%add3A_293, %dma_wait3A_313] : memref<40x128xi32, #tpu.memory_space<vmem>> -> memref<1x128xi32, #tpu.memory_space<vmem>>
        %dma_wait3A_315 = tpu.memref_squeeze %dma_wait3A_314 : memref<1x128xi32, #tpu.memory_space<vmem>> -> memref<128xi32, #tpu.memory_space<vmem>>
        %dma_wait3A_316 = arith.constant 0 : i32
        %dma_wait3A_317 = arith.constant 0 : i32
        %dma_wait3A_318 = tpu.memref_slice %arg17[%dma_wait3A_316, %dma_wait3A_317] : memref<10240x16xf32, #tpu.memory_space<vmem_shared>> -> memref<10240x16xf32, #tpu.memory_space<vmem_shared>>
        tpu.wait_indirect_dma semaphore(%run_scoped3A : memref<!tpu.dma_semaphore, #tpu.memory_space<semaphore_mem>>) src(%dma_wait3A_312 : memref<128x16xf32, #tpu.memory_space<vmem>>) dst(%dma_wait3A_318 : memref<10240x16xf32, #tpu.memory_space<vmem_shared>>)
        tpu.yield
      }) : () -> ()
      %add3A_294 = arith.constant 2 : i32
      %add3A_295 = arith.addi %add3A_210, %add3A_294 : i32
      %lt3A_296 = arith.constant 10 : i32
      %lt3A_297 = arith.cmpi slt, %add3A_295, %lt3A_296 : i32
      %convert_element_type3A_298 = arith.extui %lt3A_297 : i1 to i32
      %cond3A_299 = arith.constant 0 : i32
      %cond3A_300 = arith.cmpi ne, %convert_element_type3A_298, %cond3A_299 : i32
      scf.if %cond3A_300 {
        %add3A_301 = arith.constant 2 : i32
        %add3A_302 = arith.addi %add3A_210, %add3A_301 : i32
        %add3A_303 = arith.addi %mul3A_9, %add3A_302 : i32
        %dma_start3A_304 = arith.constant 0 : i32
        %dma_start3A_305 = arith.constant 0 : i32
        %dma_start3A_306 = tpu.memref_slice %arg2[%add3A_303, %dma_start3A_304, %dma_start3A_305] : memref<320x64x128xf32, #tpu.memory_space<hbm>> -> memref<1x64x128xf32, #tpu.memory_space<hbm>>
        %dma_start3A_307 = tpu.memref_squeeze %dma_start3A_306 : memref<1x64x128xf32, #tpu.memory_space<hbm>> -> memref<64x128xf32, #tpu.memory_space<hbm>>
        %dma_start3A_308 = arith.constant 0 : i32
        %dma_start3A_309 = arith.constant 0 : i32
        %dma_start3A_310 = tpu.memref_slice %arg2[%add3A_303, %dma_start3A_308, %dma_start3A_309] : memref<320x64x128xf32, #tpu.memory_space<hbm>> -> memref<1x64x128xf32, #tpu.memory_space<hbm>>
        %dma_start3A_311 = tpu.memref_squeeze %dma_start3A_310 : memref<1x64x128xf32, #tpu.memory_space<hbm>> -> memref<64x128xf32, #tpu.memory_space<hbm>>
        tpu.enqueue_dma source(%dma_start3A_311 : memref<64x128xf32, #tpu.memory_space<hbm>>) target(%arg10 : memref<64x128xf32, #tpu.memory_space<vmem>>) target_semaphore(%arg19 : memref<!tpu.dma_semaphore, #tpu.memory_space<semaphore_mem>>)
        %mul3A_312 = arith.constant 4 : i32
        %mul3A_313 = arith.muli %mul3A_312, %add3A_302 : i32
        %add3A_314 = arith.constant 0 : i32
        %add3A_315 = arith.addi %mul3A_313, %add3A_314 : i32
        %dma_start3A_316 = arith.constant 0 : i32
        %dma_start3A_317 = arith.constant 0 : i32
        %dma_start3A_318 = tpu.memref_slice %arg12[%dma_start3A_316, %dma_start3A_317] : memref<512x16xf32, #tpu.memory_space<vmem>> -> memref<128x16xf32, #tpu.memory_space<vmem>>
        %dma_start3A_319 = arith.constant 0 : i32
        %dma_start3A_320 = tpu.memref_slice %arg7[%add3A_315, %dma_start3A_319] : memref<40x128xi32, #tpu.memory_space<vmem>> -> memref<1x128xi32, #tpu.memory_space<vmem>>
        %dma_start3A_321 = tpu.memref_squeeze %dma_start3A_320 : memref<1x128xi32, #tpu.memory_space<vmem>> -> memref<128xi32, #tpu.memory_space<vmem>>
        %dma_start3A_322 = arith.constant 0 : i32
        %dma_start3A_323 = arith.constant 0 : i32
        %dma_start3A_324 = tpu.memref_slice %arg16[%dma_start3A_322, %dma_start3A_323] : memref<10240x16xf32, #tpu.memory_space<vmem_shared>> -> memref<10240x16xf32, #tpu.memory_space<vmem_shared>>
        tpu.enqueue_indirect_dma source(%dma_start3A_324 : memref<10240x16xf32, #tpu.memory_space<vmem_shared>>) target(%dma_start3A_318 : memref<128x16xf32, #tpu.memory_space<vmem>>) offsets(%dma_start3A_321 : memref<128xi32, #tpu.memory_space<vmem>>) semaphore(%arg21 : memref<!tpu.dma_semaphore, #tpu.memory_space<semaphore_mem>>)
        %mul3A_325 = arith.constant 4 : i32
        %mul3A_326 = arith.muli %mul3A_325, %add3A_302 : i32
        %add3A_327 = arith.constant 1 : i32
        %add3A_328 = arith.addi %mul3A_326, %add3A_327 : i32
        %dma_start3A_329 = arith.constant 128 : i32
        %dma_start3A_330 = arith.constant 0 : i32
        %dma_start3A_331 = tpu.memref_slice %arg12[%dma_start3A_329, %dma_start3A_330] : memref<512x16xf32, #tpu.memory_space<vmem>> -> memref<128x16xf32, #tpu.memory_space<vmem>>
        %dma_start3A_332 = arith.constant 0 : i32
        %dma_start3A_333 = tpu.memref_slice %arg7[%add3A_328, %dma_start3A_332] : memref<40x128xi32, #tpu.memory_space<vmem>> -> memref<1x128xi32, #tpu.memory_space<vmem>>
        %dma_start3A_334 = tpu.memref_squeeze %dma_start3A_333 : memref<1x128xi32, #tpu.memory_space<vmem>> -> memref<128xi32, #tpu.memory_space<vmem>>
        %dma_start3A_335 = arith.constant 0 : i32
        %dma_start3A_336 = arith.constant 0 : i32
        %dma_start3A_337 = tpu.memref_slice %arg16[%dma_start3A_335, %dma_start3A_336] : memref<10240x16xf32, #tpu.memory_space<vmem_shared>> -> memref<10240x16xf32, #tpu.memory_space<vmem_shared>>
        tpu.enqueue_indirect_dma source(%dma_start3A_337 : memref<10240x16xf32, #tpu.memory_space<vmem_shared>>) target(%dma_start3A_331 : memref<128x16xf32, #tpu.memory_space<vmem>>) offsets(%dma_start3A_334 : memref<128xi32, #tpu.memory_space<vmem>>) semaphore(%arg21 : memref<!tpu.dma_semaphore, #tpu.memory_space<semaphore_mem>>)
        %mul3A_338 = arith.constant 4 : i32
        %mul3A_339 = arith.muli %mul3A_338, %add3A_302 : i32
        %add3A_340 = arith.constant 2 : i32
        %add3A_341 = arith.addi %mul3A_339, %add3A_340 : i32
        %dma_start3A_342 = arith.constant 256 : i32
        %dma_start3A_343 = arith.constant 0 : i32
        %dma_start3A_344 = tpu.memref_slice %arg12[%dma_start3A_342, %dma_start3A_343] : memref<512x16xf32, #tpu.memory_space<vmem>> -> memref<128x16xf32, #tpu.memory_space<vmem>>
        %dma_start3A_345 = arith.constant 0 : i32
        %dma_start3A_346 = tpu.memref_slice %arg7[%add3A_341, %dma_start3A_345] : memref<40x128xi32, #tpu.memory_space<vmem>> -> memref<1x128xi32, #tpu.memory_space<vmem>>
        %dma_start3A_347 = tpu.memref_squeeze %dma_start3A_346 : memref<1x128xi32, #tpu.memory_space<vmem>> -> memref<128xi32, #tpu.memory_space<vmem>>
        %dma_start3A_348 = arith.constant 0 : i32
        %dma_start3A_349 = arith.constant 0 : i32
        %dma_start3A_350 = tpu.memref_slice %arg16[%dma_start3A_348, %dma_start3A_349] : memref<10240x16xf32, #tpu.memory_space<vmem_shared>> -> memref<10240x16xf32, #tpu.memory_space<vmem_shared>>
        tpu.enqueue_indirect_dma source(%dma_start3A_350 : memref<10240x16xf32, #tpu.memory_space<vmem_shared>>) target(%dma_start3A_344 : memref<128x16xf32, #tpu.memory_space<vmem>>) offsets(%dma_start3A_347 : memref<128xi32, #tpu.memory_space<vmem>>) semaphore(%arg21 : memref<!tpu.dma_semaphore, #tpu.memory_space<semaphore_mem>>)
        %mul3A_351 = arith.constant 4 : i32
        %mul3A_352 = arith.muli %mul3A_351, %add3A_302 : i32
        %add3A_353 = arith.constant 3 : i32
        %add3A_354 = arith.addi %mul3A_352, %add3A_353 : i32
        %dma_start3A_355 = arith.constant 384 : i32
        %dma_start3A_356 = arith.constant 0 : i32
        %dma_start3A_357 = tpu.memref_slice %arg12[%dma_start3A_355, %dma_start3A_356] : memref<512x16xf32, #tpu.memory_space<vmem>> -> memref<128x16xf32, #tpu.memory_space<vmem>>
        %dma_start3A_358 = arith.constant 0 : i32
        %dma_start3A_359 = tpu.memref_slice %arg7[%add3A_354, %dma_start3A_358] : memref<40x128xi32, #tpu.memory_space<vmem>> -> memref<1x128xi32, #tpu.memory_space<vmem>>
        %dma_start3A_360 = tpu.memref_squeeze %dma_start3A_359 : memref<1x128xi32, #tpu.memory_space<vmem>> -> memref<128xi32, #tpu.memory_space<vmem>>
        %dma_start3A_361 = arith.constant 0 : i32
        %dma_start3A_362 = arith.constant 0 : i32
        %dma_start3A_363 = tpu.memref_slice %arg16[%dma_start3A_361, %dma_start3A_362] : memref<10240x16xf32, #tpu.memory_space<vmem_shared>> -> memref<10240x16xf32, #tpu.memory_space<vmem_shared>>
        tpu.enqueue_indirect_dma source(%dma_start3A_363 : memref<10240x16xf32, #tpu.memory_space<vmem_shared>>) target(%dma_start3A_357 : memref<128x16xf32, #tpu.memory_space<vmem>>) offsets(%dma_start3A_360 : memref<128xi32, #tpu.memory_space<vmem>>) semaphore(%arg21 : memref<!tpu.dma_semaphore, #tpu.memory_space<semaphore_mem>>)
      } else {
      }
    }
    %scan3A_114 = arith.constant 5 : i32
    %barrier3A_115 = arith.constant 0 : index
    tpu.barrier barrier_id(%barrier3A_115)
    "tpu.region"() ({
      %run_scoped3A = tpu.sem_alloc : memref<!tpu.dma_semaphore, #tpu.memory_space<semaphore_mem>>
      %dma_start3A_116 = arith.constant 0 : i32
      %dma_start3A_117 = tpu.memref_slice %arg17[%mul3A_2, %dma_start3A_116] : memref<10240x16xf32, #tpu.memory_space<vmem_shared>> -> memref<640x16xf32, #tpu.memory_space<vmem_shared>>
      %dma_start3A_118 = arith.constant 0 : i32
      %dma_start3A_119 = tpu.memref_slice %arg17[%mul3A_2, %dma_start3A_118] : memref<10240x16xf32, #tpu.memory_space<vmem_shared>> -> memref<640x16xf32, #tpu.memory_space<vmem_shared>>
      tpu.enqueue_dma source(%dma_start3A_119 : memref<640x16xf32, #tpu.memory_space<vmem_shared>>) target(%arg15 : memref<640x16xf32, #tpu.memory_space<vmem>>) target_semaphore(%run_scoped3A : memref<!tpu.dma_semaphore, #tpu.memory_space<semaphore_mem>>)
      %dma_wait3A = arith.constant 0 : i32
      %dma_wait3A_120 = tpu.memref_slice %arg17[%mul3A_2, %dma_wait3A] : memref<10240x16xf32, #tpu.memory_space<vmem_shared>> -> memref<640x16xf32, #tpu.memory_space<vmem_shared>>
      %dma_wait3A_121 = arith.constant 0 : i32
      %dma_wait3A_122 = tpu.memref_slice %arg17[%mul3A_2, %dma_wait3A_121] : memref<10240x16xf32, #tpu.memory_space<vmem_shared>> -> memref<640x16xf32, #tpu.memory_space<vmem_shared>>
      tpu.wait_dma2 semaphore(%run_scoped3A : memref<!tpu.dma_semaphore, #tpu.memory_space<semaphore_mem>>) src(%dma_wait3A_122 : memref<640x16xf32, #tpu.memory_space<vmem_shared>>) dst(%arg15 : memref<640x16xf32, #tpu.memory_space<vmem>>)
      tpu.yield
    }) : () -> ()
    "tpu.region"() ({
      %run_scoped3A = tpu.sem_alloc : memref<!tpu.dma_semaphore, #tpu.memory_space<semaphore_mem>>
      %dma_start3A_116 = arith.constant 0 : i32
      %dma_start3A_117 = tpu.memref_slice %arg6[%arg0, %mul3A_2, %dma_start3A_116] : memref<2x10240x16xf32, #tpu.memory_space<hbm>> -> memref<1x640x16xf32, #tpu.memory_space<hbm>>
      %dma_start3A_118 = tpu.memref_squeeze %dma_start3A_117 : memref<1x640x16xf32, #tpu.memory_space<hbm>> -> memref<640x16xf32, #tpu.memory_space<hbm>>
      %dma_start3A_119 = arith.constant 0 : i32
      %dma_start3A_120 = tpu.memref_slice %arg6[%arg0, %mul3A_2, %dma_start3A_119] : memref<2x10240x16xf32, #tpu.memory_space<hbm>> -> memref<1x640x16xf32, #tpu.memory_space<hbm>>
      %dma_start3A_121 = tpu.memref_squeeze %dma_start3A_120 : memref<1x640x16xf32, #tpu.memory_space<hbm>> -> memref<640x16xf32, #tpu.memory_space<hbm>>
      tpu.enqueue_dma source(%arg15 : memref<640x16xf32, #tpu.memory_space<vmem>>) target(%dma_start3A_121 : memref<640x16xf32, #tpu.memory_space<hbm>>) target_semaphore(%run_scoped3A : memref<!tpu.dma_semaphore, #tpu.memory_space<semaphore_mem>>)
      %dma_wait3A = arith.constant 0 : i32
      %dma_wait3A_122 = tpu.memref_slice %arg6[%arg0, %mul3A_2, %dma_wait3A] : memref<2x10240x16xf32, #tpu.memory_space<hbm>> -> memref<1x640x16xf32, #tpu.memory_space<hbm>>
      %dma_wait3A_123 = tpu.memref_squeeze %dma_wait3A_122 : memref<1x640x16xf32, #tpu.memory_space<hbm>> -> memref<640x16xf32, #tpu.memory_space<hbm>>
      %dma_wait3A_124 = arith.constant 0 : i32
      %dma_wait3A_125 = tpu.memref_slice %arg6[%arg0, %mul3A_2, %dma_wait3A_124] : memref<2x10240x16xf32, #tpu.memory_space<hbm>> -> memref<1x640x16xf32, #tpu.memory_space<hbm>>
      %dma_wait3A_126 = tpu.memref_squeeze %dma_wait3A_125 : memref<1x640x16xf32, #tpu.memory_space<hbm>> -> memref<640x16xf32, #tpu.memory_space<hbm>>
      tpu.wait_dma2 semaphore(%run_scoped3A : memref<!tpu.dma_semaphore, #tpu.memory_space<semaphore_mem>>) src(%arg15 : memref<640x16xf32, #tpu.memory_space<vmem>>) dst(%dma_wait3A_126 : memref<640x16xf32, #tpu.memory_space<hbm>>)
      tpu.yield
    }) : () -> ()
    return
  }
}

module attributes {stable_mosaic.version = 14 : i64} {
  func.func @_mlp_body(%arg0: i32, %arg1: memref<16x2560xf32, #tpu.memory_space<vmem>>, %arg2: memref<1x2560xf32, #tpu.memory_space<vmem>>, %arg3: memref<16x64xf32, #tpu.memory_space<vmem>>, %arg4: memref<64x64xf32, #tpu.memory_space<vmem>>, %arg5: memref<64x64xf32, #tpu.memory_space<vmem>>, %arg6: memref<64x16xf32, #tpu.memory_space<vmem>>, %arg7: memref<5x64x128xf32, #tpu.memory_space<vmem>>) attributes {dimension_semantics = [#tpu.dimension_semantics<arbitrary>], iteration_bounds = array<i64: 64>, scalar_prefetch = 0 : i64, scratch_operands = 0 : i64, tpu.core_type = #tpu.core_type<tc>, window_params = [{transform_indices = @transform_0, window_bounds = array<i64: 16, 2560>}, {transform_indices = @transform_1, window_bounds = array<i64: 1, 2560>}, {pipeline_mode = #tpu.pipeline_mode<synchronous>, transform_indices = @transform_2, window_bounds = array<i64: 16, 64>}, {pipeline_mode = #tpu.pipeline_mode<synchronous>, transform_indices = @transform_3, window_bounds = array<i64: 64, 64>}, {pipeline_mode = #tpu.pipeline_mode<synchronous>, transform_indices = @transform_4, window_bounds = array<i64: 64, 64>}, {pipeline_mode = #tpu.pipeline_mode<synchronous>, transform_indices = @transform_5, window_bounds = array<i64: 64, 16>}, {transform_indices = @transform_6, window_bounds = array<i64: 5, 64, 128>}]} {
    %get3A = arith.constant 0 : index
    %get3A_0 = arith.constant 0 : index
    %get3A_1 = vector.load %arg1[%get3A, %get3A_0] : memref<16x2560xf32, #tpu.memory_space<vmem>>, vector<16x2560xf32>
    %get3A_2 = arith.constant 0 : index
    %get3A_3 = arith.constant 0 : index
    %get3A_4 = vector.load %arg3[%get3A_2, %get3A_3] : memref<16x64xf32, #tpu.memory_space<vmem>>, vector<16x64xf32>
    %dot_general3A = arith.constant dense<0.000000e+00> : vector<64x2560xf32>
    %dot_general3A_5 = tpu.matmul %get3A_4, %get3A_1, %dot_general3A {dimension_numbers = #tpu.dot_dimension_numbers<[0], [0], [1], [1], [0, 1, 1, 1], [], []>, transpose_lhs_hint = false} : vector<16x64xf32>, vector<16x2560xf32>, vector<64x2560xf32> -> vector<64x2560xf32>
    %neg3A = arith.constant 0.000000e+00 : f32
    %neg3A_6 = vector.broadcast %neg3A : f32 to vector<64x2560xf32>
    %neg3A_7 = arith.subf %neg3A_6, %dot_general3A_5 : vector<64x2560xf32>
    %exp3A = math.exp %neg3A_7 : vector<64x2560xf32>
    %add3A = arith.constant 1.000000e+00 : f32
    %add3A_8 = vector.broadcast %add3A : f32 to vector<64x2560xf32>
    %add3A_9 = arith.addf %add3A_8, %exp3A : vector<64x2560xf32>
    %div3A = arith.constant 1.000000e+00 : f32
    %div3A_10 = vector.broadcast %div3A : f32 to vector<64x2560xf32>
    %div3A_11 = arith.divf %div3A_10, %add3A_9 : vector<64x2560xf32>
    %mul3A = arith.mulf %dot_general3A_5, %div3A_11 : vector<64x2560xf32>
    %mul3A_12 = arith.constant 1.67653251 : f32
    %mul3A_13 = vector.broadcast %mul3A_12 : f32 to vector<64x2560xf32>
    %mul3A_14 = arith.mulf %mul3A, %mul3A_13 : vector<64x2560xf32>
    %get3A_15 = arith.constant 0 : index
    %get3A_16 = arith.constant 0 : index
    %get3A_17 = vector.load %arg4[%get3A_15, %get3A_16] : memref<64x64xf32, #tpu.memory_space<vmem>>, vector<64x64xf32>
    %dot_general3A_18 = arith.constant dense<0.000000e+00> : vector<64x2560xf32>
    %dot_general3A_19 = tpu.matmul %get3A_17, %mul3A_14, %dot_general3A_18 {dimension_numbers = #tpu.dot_dimension_numbers<[0], [0], [1], [1], [0, 1, 1, 1], [], []>, transpose_lhs_hint = false} : vector<64x64xf32>, vector<64x2560xf32>, vector<64x2560xf32> -> vector<64x2560xf32>
    %neg3A_20 = arith.constant 0.000000e+00 : f32
    %neg3A_21 = vector.broadcast %neg3A_20 : f32 to vector<64x2560xf32>
    %neg3A_22 = arith.subf %neg3A_21, %dot_general3A_19 : vector<64x2560xf32>
    %exp3A_23 = math.exp %neg3A_22 : vector<64x2560xf32>
    %add3A_24 = arith.constant 1.000000e+00 : f32
    %add3A_25 = vector.broadcast %add3A_24 : f32 to vector<64x2560xf32>
    %add3A_26 = arith.addf %add3A_25, %exp3A_23 : vector<64x2560xf32>
    %div3A_27 = arith.constant 1.000000e+00 : f32
    %div3A_28 = vector.broadcast %div3A_27 : f32 to vector<64x2560xf32>
    %div3A_29 = arith.divf %div3A_28, %add3A_26 : vector<64x2560xf32>
    %mul3A_30 = arith.mulf %dot_general3A_19, %div3A_29 : vector<64x2560xf32>
    %mul3A_31 = arith.constant 1.67653251 : f32
    %mul3A_32 = vector.broadcast %mul3A_31 : f32 to vector<64x2560xf32>
    %mul3A_33 = arith.mulf %mul3A_30, %mul3A_32 : vector<64x2560xf32>
    %get3A_34 = arith.constant 0 : index
    %get3A_35 = arith.constant 0 : index
    %get3A_36 = vector.load %arg5[%get3A_34, %get3A_35] : memref<64x64xf32, #tpu.memory_space<vmem>>, vector<64x64xf32>
    %dot_general3A_37 = arith.constant dense<0.000000e+00> : vector<64x2560xf32>
    %dot_general3A_38 = tpu.matmul %get3A_36, %mul3A_33, %dot_general3A_37 {dimension_numbers = #tpu.dot_dimension_numbers<[0], [0], [1], [1], [0, 1, 1, 1], [], []>, transpose_lhs_hint = false} : vector<64x64xf32>, vector<64x2560xf32>, vector<64x2560xf32> -> vector<64x2560xf32>
    %neg3A_39 = arith.constant 0.000000e+00 : f32
    %neg3A_40 = vector.broadcast %neg3A_39 : f32 to vector<64x2560xf32>
    %neg3A_41 = arith.subf %neg3A_40, %dot_general3A_38 : vector<64x2560xf32>
    %exp3A_42 = math.exp %neg3A_41 : vector<64x2560xf32>
    %add3A_43 = arith.constant 1.000000e+00 : f32
    %add3A_44 = vector.broadcast %add3A_43 : f32 to vector<64x2560xf32>
    %add3A_45 = arith.addf %add3A_44, %exp3A_42 : vector<64x2560xf32>
    %div3A_46 = arith.constant 1.000000e+00 : f32
    %div3A_47 = vector.broadcast %div3A_46 : f32 to vector<64x2560xf32>
    %div3A_48 = arith.divf %div3A_47, %add3A_45 : vector<64x2560xf32>
    %mul3A_49 = arith.mulf %dot_general3A_38, %div3A_48 : vector<64x2560xf32>
    %mul3A_50 = arith.constant 1.67653251 : f32
    %mul3A_51 = vector.broadcast %mul3A_50 : f32 to vector<64x2560xf32>
    %mul3A_52 = arith.mulf %mul3A_49, %mul3A_51 : vector<64x2560xf32>
    %get3A_53 = arith.constant 0 : index
    %get3A_54 = arith.constant 0 : index
    %get3A_55 = vector.load %arg2[%get3A_53, %get3A_54] : memref<1x2560xf32, #tpu.memory_space<vmem>>, vector<1x2560xf32>
    %mul3A_56 = vector.broadcast %get3A_55 : vector<1x2560xf32> to vector<64x2560xf32>
    %mul3A_57 = arith.mulf %mul3A_52, %mul3A_56 : vector<64x2560xf32>
    %get3A_58 = arith.constant 0 : index
    %get3A_59 = arith.constant 0 : index
    %get3A_60 = vector.load %arg6[%get3A_58, %get3A_59] : memref<64x16xf32, #tpu.memory_space<vmem>>, vector<64x16xf32>
    %dot_general3A_61 = arith.constant dense<0.000000e+00> : vector<2560x16xf32>
    %dot_general3A_62 = tpu.matmul %mul3A_57, %get3A_60, %dot_general3A_61 {dimension_numbers = #tpu.dot_dimension_numbers<[0], [0], [1], [1], [0, 1, 1, 1], [], []>, transpose_lhs_hint = false} : vector<64x2560xf32>, vector<64x16xf32>, vector<2560x16xf32> -> vector<2560x16xf32>
    %add3A_63 = arith.constant 64 : i32
    %add3A_64 = arith.addi %add3A_63, %arg0 : i32
    %lt3A = arith.constant 125 : i32
    %lt3A_65 = arith.cmpi slt, %add3A_64, %lt3A : i32
    %jit3A = arith.constant 0.000000e+00 : f32
    %broadcast_in_dim3A = vector.broadcast %jit3A : f32 to vector<2560x16xf32>
    %select_n3A = arith.select %lt3A_65, %dot_general3A_62, %broadcast_in_dim3A : vector<2560x16xf32>
    %slice3A = vector.extract_strided_slice %select_n3A {offsets = [0, 0], sizes = [64, 16], strides = [1, 1]} : vector<2560x16xf32> to vector<64x16xf32>
    %swap3A = arith.constant 0 : index
    %swap3A_66 = arith.constant 0 : index
    %swap3A_67 = arith.constant 0 : index
    %swap3A_68 = vector.load %arg7[%swap3A, %swap3A_66, %swap3A_67] : memref<5x64x128xf32, #tpu.memory_space<vmem>>, vector<1x64x16xf32>
    %swap3A_69 = vector.shape_cast %swap3A_68 : vector<1x64x16xf32> to vector<64x16xf32>
    %swap3A_70 = vector.shape_cast %slice3A : vector<64x16xf32> to vector<1x64x16xf32>
    tpu.vector_store %arg7[%swap3A, %swap3A_66, %swap3A_67], %swap3A_70 {strides = array<i32>} : memref<5x64x128xf32, #tpu.memory_space<vmem>>, vector<1x64x16xf32>,
    %slice3A_71 = vector.extract_strided_slice %select_n3A {offsets = [64, 0], sizes = [64, 16], strides = [1, 1]} : vector<2560x16xf32> to vector<64x16xf32>
    %swap3A_72 = arith.constant 0 : index
    %swap3A_73 = arith.constant 0 : index
    %swap3A_74 = arith.constant 16 : index
    %swap3A_75 = vector.load %arg7[%swap3A_72, %swap3A_73, %swap3A_74] : memref<5x64x128xf32, #tpu.memory_space<vmem>>, vector<1x64x16xf32>
    %swap3A_76 = vector.shape_cast %swap3A_75 : vector<1x64x16xf32> to vector<64x16xf32>
    %swap3A_77 = vector.shape_cast %slice3A_71 : vector<64x16xf32> to vector<1x64x16xf32>
    tpu.vector_store %arg7[%swap3A_72, %swap3A_73, %swap3A_74], %swap3A_77 {strides = array<i32>} : memref<5x64x128xf32, #tpu.memory_space<vmem>>, vector<1x64x16xf32>,
    %slice3A_78 = vector.extract_strided_slice %select_n3A {offsets = [128, 0], sizes = [64, 16], strides = [1, 1]} : vector<2560x16xf32> to vector<64x16xf32>
    %swap3A_79 = arith.constant 0 : index
    %swap3A_80 = arith.constant 0 : index
    %swap3A_81 = arith.constant 32 : index
    %swap3A_82 = vector.load %arg7[%swap3A_79, %swap3A_80, %swap3A_81] : memref<5x64x128xf32, #tpu.memory_space<vmem>>, vector<1x64x16xf32>
    %swap3A_83 = vector.shape_cast %swap3A_82 : vector<1x64x16xf32> to vector<64x16xf32>
    %swap3A_84 = vector.shape_cast %slice3A_78 : vector<64x16xf32> to vector<1x64x16xf32>
    tpu.vector_store %arg7[%swap3A_79, %swap3A_80, %swap3A_81], %swap3A_84 {strides = array<i32>} : memref<5x64x128xf32, #tpu.memory_space<vmem>>, vector<1x64x16xf32>,
    %slice3A_85 = vector.extract_strided_slice %select_n3A {offsets = [192, 0], sizes = [64, 16], strides = [1, 1]} : vector<2560x16xf32> to vector<64x16xf32>
    %swap3A_86 = arith.constant 0 : index
    %swap3A_87 = arith.constant 0 : index
    %swap3A_88 = arith.constant 48 : index
    %swap3A_89 = vector.load %arg7[%swap3A_86, %swap3A_87, %swap3A_88] : memref<5x64x128xf32, #tpu.memory_space<vmem>>, vector<1x64x16xf32>
    %swap3A_90 = vector.shape_cast %swap3A_89 : vector<1x64x16xf32> to vector<64x16xf32>
    %swap3A_91 = vector.shape_cast %slice3A_85 : vector<64x16xf32> to vector<1x64x16xf32>
    tpu.vector_store %arg7[%swap3A_86, %swap3A_87, %swap3A_88], %swap3A_91 {strides = array<i32>} : memref<5x64x128xf32, #tpu.memory_space<vmem>>, vector<1x64x16xf32>,
    %slice3A_92 = vector.extract_strided_slice %select_n3A {offsets = [256, 0], sizes = [64, 16], strides = [1, 1]} : vector<2560x16xf32> to vector<64x16xf32>
    %swap3A_93 = arith.constant 0 : index
    %swap3A_94 = arith.constant 0 : index
    %swap3A_95 = arith.constant 64 : index
    %swap3A_96 = vector.load %arg7[%swap3A_93, %swap3A_94, %swap3A_95] : memref<5x64x128xf32, #tpu.memory_space<vmem>>, vector<1x64x16xf32>
    %swap3A_97 = vector.shape_cast %swap3A_96 : vector<1x64x16xf32> to vector<64x16xf32>
    %swap3A_98 = vector.shape_cast %slice3A_92 : vector<64x16xf32> to vector<1x64x16xf32>
    tpu.vector_store %arg7[%swap3A_93, %swap3A_94, %swap3A_95], %swap3A_98 {strides = array<i32>} : memref<5x64x128xf32, #tpu.memory_space<vmem>>, vector<1x64x16xf32>,
    %slice3A_99 = vector.extract_strided_slice %select_n3A {offsets = [320, 0], sizes = [64, 16], strides = [1, 1]} : vector<2560x16xf32> to vector<64x16xf32>
    %swap3A_100 = arith.constant 0 : index
    %swap3A_101 = arith.constant 0 : index
    %swap3A_102 = arith.constant 80 : index
    %swap3A_103 = vector.load %arg7[%swap3A_100, %swap3A_101, %swap3A_102] : memref<5x64x128xf32, #tpu.memory_space<vmem>>, vector<1x64x16xf32>
    %swap3A_104 = vector.shape_cast %swap3A_103 : vector<1x64x16xf32> to vector<64x16xf32>
    %swap3A_105 = vector.shape_cast %slice3A_99 : vector<64x16xf32> to vector<1x64x16xf32>
    tpu.vector_store %arg7[%swap3A_100, %swap3A_101, %swap3A_102], %swap3A_105 {strides = array<i32>} : memref<5x64x128xf32, #tpu.memory_space<vmem>>, vector<1x64x16xf32>,
    %slice3A_106 = vector.extract_strided_slice %select_n3A {offsets = [384, 0], sizes = [64, 16], strides = [1, 1]} : vector<2560x16xf32> to vector<64x16xf32>
    %swap3A_107 = arith.constant 0 : index
    %swap3A_108 = arith.constant 0 : index
    %swap3A_109 = arith.constant 96 : index
    %swap3A_110 = vector.load %arg7[%swap3A_107, %swap3A_108, %swap3A_109] : memref<5x64x128xf32, #tpu.memory_space<vmem>>, vector<1x64x16xf32>
    %swap3A_111 = vector.shape_cast %swap3A_110 : vector<1x64x16xf32> to vector<64x16xf32>
    %swap3A_112 = vector.shape_cast %slice3A_106 : vector<64x16xf32> to vector<1x64x16xf32>
    tpu.vector_store %arg7[%swap3A_107, %swap3A_108, %swap3A_109], %swap3A_112 {strides = array<i32>} : memref<5x64x128xf32, #tpu.memory_space<vmem>>, vector<1x64x16xf32>,
    %slice3A_113 = vector.extract_strided_slice %select_n3A {offsets = [448, 0], sizes = [64, 16], strides = [1, 1]} : vector<2560x16xf32> to vector<64x16xf32>
    %swap3A_114 = arith.constant 0 : index
    %swap3A_115 = arith.constant 0 : index
    %swap3A_116 = arith.constant 112 : index
    %swap3A_117 = vector.load %arg7[%swap3A_114, %swap3A_115, %swap3A_116] : memref<5x64x128xf32, #tpu.memory_space<vmem>>, vector<1x64x16xf32>
    %swap3A_118 = vector.shape_cast %swap3A_117 : vector<1x64x16xf32> to vector<64x16xf32>
    %swap3A_119 = vector.shape_cast %slice3A_113 : vector<64x16xf32> to vector<1x64x16xf32>
    tpu.vector_store %arg7[%swap3A_114, %swap3A_115, %swap3A_116], %swap3A_119 {strides = array<i32>} : memref<5x64x128xf32, #tpu.memory_space<vmem>>, vector<1x64x16xf32>,
    %slice3A_120 = vector.extract_strided_slice %select_n3A {offsets = [512, 0], sizes = [64, 16], strides = [1, 1]} : vector<2560x16xf32> to vector<64x16xf32>
    %swap3A_121 = arith.constant 1 : index
    %swap3A_122 = arith.constant 0 : index
    %swap3A_123 = arith.constant 0 : index
    %swap3A_124 = vector.load %arg7[%swap3A_121, %swap3A_122, %swap3A_123] : memref<5x64x128xf32, #tpu.memory_space<vmem>>, vector<1x64x16xf32>
    %swap3A_125 = vector.shape_cast %swap3A_124 : vector<1x64x16xf32> to vector<64x16xf32>
    %swap3A_126 = vector.shape_cast %slice3A_120 : vector<64x16xf32> to vector<1x64x16xf32>
    tpu.vector_store %arg7[%swap3A_121, %swap3A_122, %swap3A_123], %swap3A_126 {strides = array<i32>} : memref<5x64x128xf32, #tpu.memory_space<vmem>>, vector<1x64x16xf32>,
    %slice3A_127 = vector.extract_strided_slice %select_n3A {offsets = [576, 0], sizes = [64, 16], strides = [1, 1]} : vector<2560x16xf32> to vector<64x16xf32>
    %swap3A_128 = arith.constant 1 : index
    %swap3A_129 = arith.constant 0 : index
    %swap3A_130 = arith.constant 16 : index
    %swap3A_131 = vector.load %arg7[%swap3A_128, %swap3A_129, %swap3A_130] : memref<5x64x128xf32, #tpu.memory_space<vmem>>, vector<1x64x16xf32>
    %swap3A_132 = vector.shape_cast %swap3A_131 : vector<1x64x16xf32> to vector<64x16xf32>
    %swap3A_133 = vector.shape_cast %slice3A_127 : vector<64x16xf32> to vector<1x64x16xf32>
    tpu.vector_store %arg7[%swap3A_128, %swap3A_129, %swap3A_130], %swap3A_133 {strides = array<i32>} : memref<5x64x128xf32, #tpu.memory_space<vmem>>, vector<1x64x16xf32>,
    %slice3A_134 = vector.extract_strided_slice %select_n3A {offsets = [640, 0], sizes = [64, 16], strides = [1, 1]} : vector<2560x16xf32> to vector<64x16xf32>
    %swap3A_135 = arith.constant 1 : index
    %swap3A_136 = arith.constant 0 : index
    %swap3A_137 = arith.constant 32 : index
    %swap3A_138 = vector.load %arg7[%swap3A_135, %swap3A_136, %swap3A_137] : memref<5x64x128xf32, #tpu.memory_space<vmem>>, vector<1x64x16xf32>
    %swap3A_139 = vector.shape_cast %swap3A_138 : vector<1x64x16xf32> to vector<64x16xf32>
    %swap3A_140 = vector.shape_cast %slice3A_134 : vector<64x16xf32> to vector<1x64x16xf32>
    tpu.vector_store %arg7[%swap3A_135, %swap3A_136, %swap3A_137], %swap3A_140 {strides = array<i32>} : memref<5x64x128xf32, #tpu.memory_space<vmem>>, vector<1x64x16xf32>,
    %slice3A_141 = vector.extract_strided_slice %select_n3A {offsets = [704, 0], sizes = [64, 16], strides = [1, 1]} : vector<2560x16xf32> to vector<64x16xf32>
    %swap3A_142 = arith.constant 1 : index
    %swap3A_143 = arith.constant 0 : index
    %swap3A_144 = arith.constant 48 : index
    %swap3A_145 = vector.load %arg7[%swap3A_142, %swap3A_143, %swap3A_144] : memref<5x64x128xf32, #tpu.memory_space<vmem>>, vector<1x64x16xf32>
    %swap3A_146 = vector.shape_cast %swap3A_145 : vector<1x64x16xf32> to vector<64x16xf32>
    %swap3A_147 = vector.shape_cast %slice3A_141 : vector<64x16xf32> to vector<1x64x16xf32>
    tpu.vector_store %arg7[%swap3A_142, %swap3A_143, %swap3A_144], %swap3A_147 {strides = array<i32>} : memref<5x64x128xf32, #tpu.memory_space<vmem>>, vector<1x64x16xf32>,
    %slice3A_148 = vector.extract_strided_slice %select_n3A {offsets = [768, 0], sizes = [64, 16], strides = [1, 1]} : vector<2560x16xf32> to vector<64x16xf32>
    %swap3A_149 = arith.constant 1 : index
    %swap3A_150 = arith.constant 0 : index
    %swap3A_151 = arith.constant 64 : index
    %swap3A_152 = vector.load %arg7[%swap3A_149, %swap3A_150, %swap3A_151] : memref<5x64x128xf32, #tpu.memory_space<vmem>>, vector<1x64x16xf32>
    %swap3A_153 = vector.shape_cast %swap3A_152 : vector<1x64x16xf32> to vector<64x16xf32>
    %swap3A_154 = vector.shape_cast %slice3A_148 : vector<64x16xf32> to vector<1x64x16xf32>
    tpu.vector_store %arg7[%swap3A_149, %swap3A_150, %swap3A_151], %swap3A_154 {strides = array<i32>} : memref<5x64x128xf32, #tpu.memory_space<vmem>>, vector<1x64x16xf32>,
    %slice3A_155 = vector.extract_strided_slice %select_n3A {offsets = [832, 0], sizes = [64, 16], strides = [1, 1]} : vector<2560x16xf32> to vector<64x16xf32>
    %swap3A_156 = arith.constant 1 : index
    %swap3A_157 = arith.constant 0 : index
    %swap3A_158 = arith.constant 80 : index
    %swap3A_159 = vector.load %arg7[%swap3A_156, %swap3A_157, %swap3A_158] : memref<5x64x128xf32, #tpu.memory_space<vmem>>, vector<1x64x16xf32>
    %swap3A_160 = vector.shape_cast %swap3A_159 : vector<1x64x16xf32> to vector<64x16xf32>
    %swap3A_161 = vector.shape_cast %slice3A_155 : vector<64x16xf32> to vector<1x64x16xf32>
    tpu.vector_store %arg7[%swap3A_156, %swap3A_157, %swap3A_158], %swap3A_161 {strides = array<i32>} : memref<5x64x128xf32, #tpu.memory_space<vmem>>, vector<1x64x16xf32>,
    %slice3A_162 = vector.extract_strided_slice %select_n3A {offsets = [896, 0], sizes = [64, 16], strides = [1, 1]} : vector<2560x16xf32> to vector<64x16xf32>
    %swap3A_163 = arith.constant 1 : index
    %swap3A_164 = arith.constant 0 : index
    %swap3A_165 = arith.constant 96 : index
    %swap3A_166 = vector.load %arg7[%swap3A_163, %swap3A_164, %swap3A_165] : memref<5x64x128xf32, #tpu.memory_space<vmem>>, vector<1x64x16xf32>
    %swap3A_167 = vector.shape_cast %swap3A_166 : vector<1x64x16xf32> to vector<64x16xf32>
    %swap3A_168 = vector.shape_cast %slice3A_162 : vector<64x16xf32> to vector<1x64x16xf32>
    tpu.vector_store %arg7[%swap3A_163, %swap3A_164, %swap3A_165], %swap3A_168 {strides = array<i32>} : memref<5x64x128xf32, #tpu.memory_space<vmem>>, vector<1x64x16xf32>,
    %slice3A_169 = vector.extract_strided_slice %select_n3A {offsets = [960, 0], sizes = [64, 16], strides = [1, 1]} : vector<2560x16xf32> to vector<64x16xf32>
    %swap3A_170 = arith.constant 1 : index
    %swap3A_171 = arith.constant 0 : index
    %swap3A_172 = arith.constant 112 : index
    %swap3A_173 = vector.load %arg7[%swap3A_170, %swap3A_171, %swap3A_172] : memref<5x64x128xf32, #tpu.memory_space<vmem>>, vector<1x64x16xf32>
    %swap3A_174 = vector.shape_cast %swap3A_173 : vector<1x64x16xf32> to vector<64x16xf32>
    %swap3A_175 = vector.shape_cast %slice3A_169 : vector<64x16xf32> to vector<1x64x16xf32>
    tpu.vector_store %arg7[%swap3A_170, %swap3A_171, %swap3A_172], %swap3A_175 {strides = array<i32>} : memref<5x64x128xf32, #tpu.memory_space<vmem>>, vector<1x64x16xf32>,
    %slice3A_176 = vector.extract_strided_slice %select_n3A {offsets = [1024, 0], sizes = [64, 16], strides = [1, 1]} : vector<2560x16xf32> to vector<64x16xf32>
    %swap3A_177 = arith.constant 2 : index
    %swap3A_178 = arith.constant 0 : index
    %swap3A_179 = arith.constant 0 : index
    %swap3A_180 = vector.load %arg7[%swap3A_177, %swap3A_178, %swap3A_179] : memref<5x64x128xf32, #tpu.memory_space<vmem>>, vector<1x64x16xf32>
    %swap3A_181 = vector.shape_cast %swap3A_180 : vector<1x64x16xf32> to vector<64x16xf32>
    %swap3A_182 = vector.shape_cast %slice3A_176 : vector<64x16xf32> to vector<1x64x16xf32>
    tpu.vector_store %arg7[%swap3A_177, %swap3A_178, %swap3A_179], %swap3A_182 {strides = array<i32>} : memref<5x64x128xf32, #tpu.memory_space<vmem>>, vector<1x64x16xf32>,
    %slice3A_183 = vector.extract_strided_slice %select_n3A {offsets = [1088, 0], sizes = [64, 16], strides = [1, 1]} : vector<2560x16xf32> to vector<64x16xf32>
    %swap3A_184 = arith.constant 2 : index
    %swap3A_185 = arith.constant 0 : index
    %swap3A_186 = arith.constant 16 : index
    %swap3A_187 = vector.load %arg7[%swap3A_184, %swap3A_185, %swap3A_186] : memref<5x64x128xf32, #tpu.memory_space<vmem>>, vector<1x64x16xf32>
    %swap3A_188 = vector.shape_cast %swap3A_187 : vector<1x64x16xf32> to vector<64x16xf32>
    %swap3A_189 = vector.shape_cast %slice3A_183 : vector<64x16xf32> to vector<1x64x16xf32>
    tpu.vector_store %arg7[%swap3A_184, %swap3A_185, %swap3A_186], %swap3A_189 {strides = array<i32>} : memref<5x64x128xf32, #tpu.memory_space<vmem>>, vector<1x64x16xf32>,
    %slice3A_190 = vector.extract_strided_slice %select_n3A {offsets = [1152, 0], sizes = [64, 16], strides = [1, 1]} : vector<2560x16xf32> to vector<64x16xf32>
    %swap3A_191 = arith.constant 2 : index
    %swap3A_192 = arith.constant 0 : index
    %swap3A_193 = arith.constant 32 : index
    %swap3A_194 = vector.load %arg7[%swap3A_191, %swap3A_192, %swap3A_193] : memref<5x64x128xf32, #tpu.memory_space<vmem>>, vector<1x64x16xf32>
    %swap3A_195 = vector.shape_cast %swap3A_194 : vector<1x64x16xf32> to vector<64x16xf32>
    %swap3A_196 = vector.shape_cast %slice3A_190 : vector<64x16xf32> to vector<1x64x16xf32>
    tpu.vector_store %arg7[%swap3A_191, %swap3A_192, %swap3A_193], %swap3A_196 {strides = array<i32>} : memref<5x64x128xf32, #tpu.memory_space<vmem>>, vector<1x64x16xf32>,
    %slice3A_197 = vector.extract_strided_slice %select_n3A {offsets = [1216, 0], sizes = [64, 16], strides = [1, 1]} : vector<2560x16xf32> to vector<64x16xf32>
    %swap3A_198 = arith.constant 2 : index
    %swap3A_199 = arith.constant 0 : index
    %swap3A_200 = arith.constant 48 : index
    %swap3A_201 = vector.load %arg7[%swap3A_198, %swap3A_199, %swap3A_200] : memref<5x64x128xf32, #tpu.memory_space<vmem>>, vector<1x64x16xf32>
    %swap3A_202 = vector.shape_cast %swap3A_201 : vector<1x64x16xf32> to vector<64x16xf32>
    %swap3A_203 = vector.shape_cast %slice3A_197 : vector<64x16xf32> to vector<1x64x16xf32>
    tpu.vector_store %arg7[%swap3A_198, %swap3A_199, %swap3A_200], %swap3A_203 {strides = array<i32>} : memref<5x64x128xf32, #tpu.memory_space<vmem>>, vector<1x64x16xf32>,
    %slice3A_204 = vector.extract_strided_slice %select_n3A {offsets = [1280, 0], sizes = [64, 16], strides = [1, 1]} : vector<2560x16xf32> to vector<64x16xf32>
    %swap3A_205 = arith.constant 2 : index
    %swap3A_206 = arith.constant 0 : index
    %swap3A_207 = arith.constant 64 : index
    %swap3A_208 = vector.load %arg7[%swap3A_205, %swap3A_206, %swap3A_207] : memref<5x64x128xf32, #tpu.memory_space<vmem>>, vector<1x64x16xf32>
    %swap3A_209 = vector.shape_cast %swap3A_208 : vector<1x64x16xf32> to vector<64x16xf32>
    %swap3A_210 = vector.shape_cast %slice3A_204 : vector<64x16xf32> to vector<1x64x16xf32>
    tpu.vector_store %arg7[%swap3A_205, %swap3A_206, %swap3A_207], %swap3A_210 {strides = array<i32>} : memref<5x64x128xf32, #tpu.memory_space<vmem>>, vector<1x64x16xf32>,
    %slice3A_211 = vector.extract_strided_slice %select_n3A {offsets = [1344, 0], sizes = [64, 16], strides = [1, 1]} : vector<2560x16xf32> to vector<64x16xf32>
    %swap3A_212 = arith.constant 2 : index
    %swap3A_213 = arith.constant 0 : index
    %swap3A_214 = arith.constant 80 : index
    %swap3A_215 = vector.load %arg7[%swap3A_212, %swap3A_213, %swap3A_214] : memref<5x64x128xf32, #tpu.memory_space<vmem>>, vector<1x64x16xf32>
    %swap3A_216 = vector.shape_cast %swap3A_215 : vector<1x64x16xf32> to vector<64x16xf32>
    %swap3A_217 = vector.shape_cast %slice3A_211 : vector<64x16xf32> to vector<1x64x16xf32>
    tpu.vector_store %arg7[%swap3A_212, %swap3A_213, %swap3A_214], %swap3A_217 {strides = array<i32>} : memref<5x64x128xf32, #tpu.memory_space<vmem>>, vector<1x64x16xf32>,
    %slice3A_218 = vector.extract_strided_slice %select_n3A {offsets = [1408, 0], sizes = [64, 16], strides = [1, 1]} : vector<2560x16xf32> to vector<64x16xf32>
    %swap3A_219 = arith.constant 2 : index
    %swap3A_220 = arith.constant 0 : index
    %swap3A_221 = arith.constant 96 : index
    %swap3A_222 = vector.load %arg7[%swap3A_219, %swap3A_220, %swap3A_221] : memref<5x64x128xf32, #tpu.memory_space<vmem>>, vector<1x64x16xf32>
    %swap3A_223 = vector.shape_cast %swap3A_222 : vector<1x64x16xf32> to vector<64x16xf32>
    %swap3A_224 = vector.shape_cast %slice3A_218 : vector<64x16xf32> to vector<1x64x16xf32>
    tpu.vector_store %arg7[%swap3A_219, %swap3A_220, %swap3A_221], %swap3A_224 {strides = array<i32>} : memref<5x64x128xf32, #tpu.memory_space<vmem>>, vector<1x64x16xf32>,
    %slice3A_225 = vector.extract_strided_slice %select_n3A {offsets = [1472, 0], sizes = [64, 16], strides = [1, 1]} : vector<2560x16xf32> to vector<64x16xf32>
    %swap3A_226 = arith.constant 2 : index
    %swap3A_227 = arith.constant 0 : index
    %swap3A_228 = arith.constant 112 : index
    %swap3A_229 = vector.load %arg7[%swap3A_226, %swap3A_227, %swap3A_228] : memref<5x64x128xf32, #tpu.memory_space<vmem>>, vector<1x64x16xf32>
    %swap3A_230 = vector.shape_cast %swap3A_229 : vector<1x64x16xf32> to vector<64x16xf32>
    %swap3A_231 = vector.shape_cast %slice3A_225 : vector<64x16xf32> to vector<1x64x16xf32>
    tpu.vector_store %arg7[%swap3A_226, %swap3A_227, %swap3A_228], %swap3A_231 {strides = array<i32>} : memref<5x64x128xf32, #tpu.memory_space<vmem>>, vector<1x64x16xf32>,
    %slice3A_232 = vector.extract_strided_slice %select_n3A {offsets = [1536, 0], sizes = [64, 16], strides = [1, 1]} : vector<2560x16xf32> to vector<64x16xf32>
    %swap3A_233 = arith.constant 3 : index
    %swap3A_234 = arith.constant 0 : index
    %swap3A_235 = arith.constant 0 : index
    %swap3A_236 = vector.load %arg7[%swap3A_233, %swap3A_234, %swap3A_235] : memref<5x64x128xf32, #tpu.memory_space<vmem>>, vector<1x64x16xf32>
    %swap3A_237 = vector.shape_cast %swap3A_236 : vector<1x64x16xf32> to vector<64x16xf32>
    %swap3A_238 = vector.shape_cast %slice3A_232 : vector<64x16xf32> to vector<1x64x16xf32>
    tpu.vector_store %arg7[%swap3A_233, %swap3A_234, %swap3A_235], %swap3A_238 {strides = array<i32>} : memref<5x64x128xf32, #tpu.memory_space<vmem>>, vector<1x64x16xf32>,
    %slice3A_239 = vector.extract_strided_slice %select_n3A {offsets = [1600, 0], sizes = [64, 16], strides = [1, 1]} : vector<2560x16xf32> to vector<64x16xf32>
    %swap3A_240 = arith.constant 3 : index
    %swap3A_241 = arith.constant 0 : index
    %swap3A_242 = arith.constant 16 : index
    %swap3A_243 = vector.load %arg7[%swap3A_240, %swap3A_241, %swap3A_242] : memref<5x64x128xf32, #tpu.memory_space<vmem>>, vector<1x64x16xf32>
    %swap3A_244 = vector.shape_cast %swap3A_243 : vector<1x64x16xf32> to vector<64x16xf32>
    %swap3A_245 = vector.shape_cast %slice3A_239 : vector<64x16xf32> to vector<1x64x16xf32>
    tpu.vector_store %arg7[%swap3A_240, %swap3A_241, %swap3A_242], %swap3A_245 {strides = array<i32>} : memref<5x64x128xf32, #tpu.memory_space<vmem>>, vector<1x64x16xf32>,
    %slice3A_246 = vector.extract_strided_slice %select_n3A {offsets = [1664, 0], sizes = [64, 16], strides = [1, 1]} : vector<2560x16xf32> to vector<64x16xf32>
    %swap3A_247 = arith.constant 3 : index
    %swap3A_248 = arith.constant 0 : index
    %swap3A_249 = arith.constant 32 : index
    %swap3A_250 = vector.load %arg7[%swap3A_247, %swap3A_248, %swap3A_249] : memref<5x64x128xf32, #tpu.memory_space<vmem>>, vector<1x64x16xf32>
    %swap3A_251 = vector.shape_cast %swap3A_250 : vector<1x64x16xf32> to vector<64x16xf32>
    %swap3A_252 = vector.shape_cast %slice3A_246 : vector<64x16xf32> to vector<1x64x16xf32>
    tpu.vector_store %arg7[%swap3A_247, %swap3A_248, %swap3A_249], %swap3A_252 {strides = array<i32>} : memref<5x64x128xf32, #tpu.memory_space<vmem>>, vector<1x64x16xf32>,
    %slice3A_253 = vector.extract_strided_slice %select_n3A {offsets = [1728, 0], sizes = [64, 16], strides = [1, 1]} : vector<2560x16xf32> to vector<64x16xf32>
    %swap3A_254 = arith.constant 3 : index
    %swap3A_255 = arith.constant 0 : index
    %swap3A_256 = arith.constant 48 : index
    %swap3A_257 = vector.load %arg7[%swap3A_254, %swap3A_255, %swap3A_256] : memref<5x64x128xf32, #tpu.memory_space<vmem>>, vector<1x64x16xf32>
    %swap3A_258 = vector.shape_cast %swap3A_257 : vector<1x64x16xf32> to vector<64x16xf32>
    %swap3A_259 = vector.shape_cast %slice3A_253 : vector<64x16xf32> to vector<1x64x16xf32>
    tpu.vector_store %arg7[%swap3A_254, %swap3A_255, %swap3A_256], %swap3A_259 {strides = array<i32>} : memref<5x64x128xf32, #tpu.memory_space<vmem>>, vector<1x64x16xf32>,
    %slice3A_260 = vector.extract_strided_slice %select_n3A {offsets = [1792, 0], sizes = [64, 16], strides = [1, 1]} : vector<2560x16xf32> to vector<64x16xf32>
    %swap3A_261 = arith.constant 3 : index
    %swap3A_262 = arith.constant 0 : index
    %swap3A_263 = arith.constant 64 : index
    %swap3A_264 = vector.load %arg7[%swap3A_261, %swap3A_262, %swap3A_263] : memref<5x64x128xf32, #tpu.memory_space<vmem>>, vector<1x64x16xf32>
    %swap3A_265 = vector.shape_cast %swap3A_264 : vector<1x64x16xf32> to vector<64x16xf32>
    %swap3A_266 = vector.shape_cast %slice3A_260 : vector<64x16xf32> to vector<1x64x16xf32>
    tpu.vector_store %arg7[%swap3A_261, %swap3A_262, %swap3A_263], %swap3A_266 {strides = array<i32>} : memref<5x64x128xf32, #tpu.memory_space<vmem>>, vector<1x64x16xf32>,
    %slice3A_267 = vector.extract_strided_slice %select_n3A {offsets = [1856, 0], sizes = [64, 16], strides = [1, 1]} : vector<2560x16xf32> to vector<64x16xf32>
    %swap3A_268 = arith.constant 3 : index
    %swap3A_269 = arith.constant 0 : index
    %swap3A_270 = arith.constant 80 : index
    %swap3A_271 = vector.load %arg7[%swap3A_268, %swap3A_269, %swap3A_270] : memref<5x64x128xf32, #tpu.memory_space<vmem>>, vector<1x64x16xf32>
    %swap3A_272 = vector.shape_cast %swap3A_271 : vector<1x64x16xf32> to vector<64x16xf32>
    %swap3A_273 = vector.shape_cast %slice3A_267 : vector<64x16xf32> to vector<1x64x16xf32>
    tpu.vector_store %arg7[%swap3A_268, %swap3A_269, %swap3A_270], %swap3A_273 {strides = array<i32>} : memref<5x64x128xf32, #tpu.memory_space<vmem>>, vector<1x64x16xf32>,
    %slice3A_274 = vector.extract_strided_slice %select_n3A {offsets = [1920, 0], sizes = [64, 16], strides = [1, 1]} : vector<2560x16xf32> to vector<64x16xf32>
    %swap3A_275 = arith.constant 3 : index
    %swap3A_276 = arith.constant 0 : index
    %swap3A_277 = arith.constant 96 : index
    %swap3A_278 = vector.load %arg7[%swap3A_275, %swap3A_276, %swap3A_277] : memref<5x64x128xf32, #tpu.memory_space<vmem>>, vector<1x64x16xf32>
    %swap3A_279 = vector.shape_cast %swap3A_278 : vector<1x64x16xf32> to vector<64x16xf32>
    %swap3A_280 = vector.shape_cast %slice3A_274 : vector<64x16xf32> to vector<1x64x16xf32>
    tpu.vector_store %arg7[%swap3A_275, %swap3A_276, %swap3A_277], %swap3A_280 {strides = array<i32>} : memref<5x64x128xf32, #tpu.memory_space<vmem>>, vector<1x64x16xf32>,
    %slice3A_281 = vector.extract_strided_slice %select_n3A {offsets = [1984, 0], sizes = [64, 16], strides = [1, 1]} : vector<2560x16xf32> to vector<64x16xf32>
    %swap3A_282 = arith.constant 3 : index
    %swap3A_283 = arith.constant 0 : index
    %swap3A_284 = arith.constant 112 : index
    %swap3A_285 = vector.load %arg7[%swap3A_282, %swap3A_283, %swap3A_284] : memref<5x64x128xf32, #tpu.memory_space<vmem>>, vector<1x64x16xf32>
    %swap3A_286 = vector.shape_cast %swap3A_285 : vector<1x64x16xf32> to vector<64x16xf32>
    %swap3A_287 = vector.shape_cast %slice3A_281 : vector<64x16xf32> to vector<1x64x16xf32>
    tpu.vector_store %arg7[%swap3A_282, %swap3A_283, %swap3A_284], %swap3A_287 {strides = array<i32>} : memref<5x64x128xf32, #tpu.memory_space<vmem>>, vector<1x64x16xf32>,
    %slice3A_288 = vector.extract_strided_slice %select_n3A {offsets = [2048, 0], sizes = [64, 16], strides = [1, 1]} : vector<2560x16xf32> to vector<64x16xf32>
    %swap3A_289 = arith.constant 4 : index
    %swap3A_290 = arith.constant 0 : index
    %swap3A_291 = arith.constant 0 : index
    %swap3A_292 = vector.load %arg7[%swap3A_289, %swap3A_290, %swap3A_291] : memref<5x64x128xf32, #tpu.memory_space<vmem>>, vector<1x64x16xf32>
    %swap3A_293 = vector.shape_cast %swap3A_292 : vector<1x64x16xf32> to vector<64x16xf32>
    %swap3A_294 = vector.shape_cast %slice3A_288 : vector<64x16xf32> to vector<1x64x16xf32>
    tpu.vector_store %arg7[%swap3A_289, %swap3A_290, %swap3A_291], %swap3A_294 {strides = array<i32>} : memref<5x64x128xf32, #tpu.memory_space<vmem>>, vector<1x64x16xf32>,
    %slice3A_295 = vector.extract_strided_slice %select_n3A {offsets = [2112, 0], sizes = [64, 16], strides = [1, 1]} : vector<2560x16xf32> to vector<64x16xf32>
    %swap3A_296 = arith.constant 4 : index
    %swap3A_297 = arith.constant 0 : index
    %swap3A_298 = arith.constant 16 : index
    %swap3A_299 = vector.load %arg7[%swap3A_296, %swap3A_297, %swap3A_298] : memref<5x64x128xf32, #tpu.memory_space<vmem>>, vector<1x64x16xf32>
    %swap3A_300 = vector.shape_cast %swap3A_299 : vector<1x64x16xf32> to vector<64x16xf32>
    %swap3A_301 = vector.shape_cast %slice3A_295 : vector<64x16xf32> to vector<1x64x16xf32>
    tpu.vector_store %arg7[%swap3A_296, %swap3A_297, %swap3A_298], %swap3A_301 {strides = array<i32>} : memref<5x64x128xf32, #tpu.memory_space<vmem>>, vector<1x64x16xf32>,
    %slice3A_302 = vector.extract_strided_slice %select_n3A {offsets = [2176, 0], sizes = [64, 16], strides = [1, 1]} : vector<2560x16xf32> to vector<64x16xf32>
    %swap3A_303 = arith.constant 4 : index
    %swap3A_304 = arith.constant 0 : index
    %swap3A_305 = arith.constant 32 : index
    %swap3A_306 = vector.load %arg7[%swap3A_303, %swap3A_304, %swap3A_305] : memref<5x64x128xf32, #tpu.memory_space<vmem>>, vector<1x64x16xf32>
    %swap3A_307 = vector.shape_cast %swap3A_306 : vector<1x64x16xf32> to vector<64x16xf32>
    %swap3A_308 = vector.shape_cast %slice3A_302 : vector<64x16xf32> to vector<1x64x16xf32>
    tpu.vector_store %arg7[%swap3A_303, %swap3A_304, %swap3A_305], %swap3A_308 {strides = array<i32>} : memref<5x64x128xf32, #tpu.memory_space<vmem>>, vector<1x64x16xf32>,
    %slice3A_309 = vector.extract_strided_slice %select_n3A {offsets = [2240, 0], sizes = [64, 16], strides = [1, 1]} : vector<2560x16xf32> to vector<64x16xf32>
    %swap3A_310 = arith.constant 4 : index
    %swap3A_311 = arith.constant 0 : index
    %swap3A_312 = arith.constant 48 : index
    %swap3A_313 = vector.load %arg7[%swap3A_310, %swap3A_311, %swap3A_312] : memref<5x64x128xf32, #tpu.memory_space<vmem>>, vector<1x64x16xf32>
    %swap3A_314 = vector.shape_cast %swap3A_313 : vector<1x64x16xf32> to vector<64x16xf32>
    %swap3A_315 = vector.shape_cast %slice3A_309 : vector<64x16xf32> to vector<1x64x16xf32>
    tpu.vector_store %arg7[%swap3A_310, %swap3A_311, %swap3A_312], %swap3A_315 {strides = array<i32>} : memref<5x64x128xf32, #tpu.memory_space<vmem>>, vector<1x64x16xf32>,
    %slice3A_316 = vector.extract_strided_slice %select_n3A {offsets = [2304, 0], sizes = [64, 16], strides = [1, 1]} : vector<2560x16xf32> to vector<64x16xf32>
    %swap3A_317 = arith.constant 4 : index
    %swap3A_318 = arith.constant 0 : index
    %swap3A_319 = arith.constant 64 : index
    %swap3A_320 = vector.load %arg7[%swap3A_317, %swap3A_318, %swap3A_319] : memref<5x64x128xf32, #tpu.memory_space<vmem>>, vector<1x64x16xf32>
    %swap3A_321 = vector.shape_cast %swap3A_320 : vector<1x64x16xf32> to vector<64x16xf32>
    %swap3A_322 = vector.shape_cast %slice3A_316 : vector<64x16xf32> to vector<1x64x16xf32>
    tpu.vector_store %arg7[%swap3A_317, %swap3A_318, %swap3A_319], %swap3A_322 {strides = array<i32>} : memref<5x64x128xf32, #tpu.memory_space<vmem>>, vector<1x64x16xf32>,
    %slice3A_323 = vector.extract_strided_slice %select_n3A {offsets = [2368, 0], sizes = [64, 16], strides = [1, 1]} : vector<2560x16xf32> to vector<64x16xf32>
    %swap3A_324 = arith.constant 4 : index
    %swap3A_325 = arith.constant 0 : index
    %swap3A_326 = arith.constant 80 : index
    %swap3A_327 = vector.load %arg7[%swap3A_324, %swap3A_325, %swap3A_326] : memref<5x64x128xf32, #tpu.memory_space<vmem>>, vector<1x64x16xf32>
    %swap3A_328 = vector.shape_cast %swap3A_327 : vector<1x64x16xf32> to vector<64x16xf32>
    %swap3A_329 = vector.shape_cast %slice3A_323 : vector<64x16xf32> to vector<1x64x16xf32>
    tpu.vector_store %arg7[%swap3A_324, %swap3A_325, %swap3A_326], %swap3A_329 {strides = array<i32>} : memref<5x64x128xf32, #tpu.memory_space<vmem>>, vector<1x64x16xf32>,
    %slice3A_330 = vector.extract_strided_slice %select_n3A {offsets = [2432, 0], sizes = [64, 16], strides = [1, 1]} : vector<2560x16xf32> to vector<64x16xf32>
    %swap3A_331 = arith.constant 4 : index
    %swap3A_332 = arith.constant 0 : index
    %swap3A_333 = arith.constant 96 : index
    %swap3A_334 = vector.load %arg7[%swap3A_331, %swap3A_332, %swap3A_333] : memref<5x64x128xf32, #tpu.memory_space<vmem>>, vector<1x64x16xf32>
    %swap3A_335 = vector.shape_cast %swap3A_334 : vector<1x64x16xf32> to vector<64x16xf32>
    %swap3A_336 = vector.shape_cast %slice3A_330 : vector<64x16xf32> to vector<1x64x16xf32>
    tpu.vector_store %arg7[%swap3A_331, %swap3A_332, %swap3A_333], %swap3A_336 {strides = array<i32>} : memref<5x64x128xf32, #tpu.memory_space<vmem>>, vector<1x64x16xf32>,
    %slice3A_337 = vector.extract_strided_slice %select_n3A {offsets = [2496, 0], sizes = [64, 16], strides = [1, 1]} : vector<2560x16xf32> to vector<64x16xf32>
    %swap3A_338 = arith.constant 4 : index
    %swap3A_339 = arith.constant 0 : index
    %swap3A_340 = arith.constant 112 : index
    %swap3A_341 = vector.load %arg7[%swap3A_338, %swap3A_339, %swap3A_340] : memref<5x64x128xf32, #tpu.memory_space<vmem>>, vector<1x64x16xf32>
    %swap3A_342 = vector.shape_cast %swap3A_341 : vector<1x64x16xf32> to vector<64x16xf32>
    %swap3A_343 = vector.shape_cast %slice3A_337 : vector<64x16xf32> to vector<1x64x16xf32>
    tpu.vector_store %arg7[%swap3A_338, %swap3A_339, %swap3A_340], %swap3A_343 {strides = array<i32>} : memref<5x64x128xf32, #tpu.memory_space<vmem>>, vector<1x64x16xf32>,
    return
  }
  func.func @transform_0(%arg0: i32) -> (i32, i32) {
    %add3A = arith.constant 64 : i32
    %add3A_0 = arith.addi %add3A, %arg0 : i32
    %min3A = arith.constant 124 : i32
    %min3A_1 = arith.minsi %add3A_0, %min3A : i32
    %c0_i32 = arith.constant 0 : i32
    %c0_i32_2 = arith.constant 0 : i32
    return %c0_i32, %min3A_1 : i32, i32
  }
  func.func @transform_1(%arg0: i32) -> (i32, i32) {
    %add3A = arith.constant 64 : i32
    %add3A_0 = arith.addi %add3A, %arg0 : i32
    %min3A = arith.constant 124 : i32
    %min3A_1 = arith.minsi %add3A_0, %min3A : i32
    %c0_i32 = arith.constant 0 : i32
    %c0_i32_2 = arith.constant 0 : i32
    return %c0_i32, %min3A_1 : i32, i32
  }
  func.func @transform_2(%arg0: i32) -> (i32, i32) {
    %c0_i32 = arith.constant 0 : i32
    %c0_i32_0 = arith.constant 0 : i32
    %c0_i32_1 = arith.constant 0 : i32
    return %c0_i32, %c0_i32_0 : i32, i32
  }
  func.func @transform_3(%arg0: i32) -> (i32, i32) {
    %c0_i32 = arith.constant 0 : i32
    %c0_i32_0 = arith.constant 0 : i32
    %c0_i32_1 = arith.constant 0 : i32
    return %c0_i32, %c0_i32_0 : i32, i32
  }
  func.func @transform_4(%arg0: i32) -> (i32, i32) {
    %c0_i32 = arith.constant 0 : i32
    %c0_i32_0 = arith.constant 0 : i32
    %c0_i32_1 = arith.constant 0 : i32
    return %c0_i32, %c0_i32_0 : i32, i32
  }
  func.func @transform_5(%arg0: i32) -> (i32, i32) {
    %c0_i32 = arith.constant 0 : i32
    %c0_i32_0 = arith.constant 0 : i32
    %c0_i32_1 = arith.constant 0 : i32
    return %c0_i32, %c0_i32_0 : i32, i32
  }
  func.func @transform_6(%arg0: i32) -> (i32, i32, i32) {
    %c0_i32 = arith.constant 0 : i32
    %c0_i32_0 = arith.constant 0 : i32
    %c0_i32_1 = arith.constant 0 : i32
    return %arg0, %c0_i32, %c0_i32_0 : i32, i32, i32
  }
}

module attributes {stable_mosaic.version = 14 : i64} {
  func.func @_mlp_body(%arg0: i32, %arg1: memref<16x2560xf32, #tpu.memory_space<vmem>>, %arg2: memref<1x2560xf32, #tpu.memory_space<vmem>>, %arg3: memref<16x64xf32, #tpu.memory_space<vmem>>, %arg4: memref<64x64xf32, #tpu.memory_space<vmem>>, %arg5: memref<64x64xf32, #tpu.memory_space<vmem>>, %arg6: memref<64x16xf32, #tpu.memory_space<vmem>>, %arg7: memref<5x64x128xf32, #tpu.memory_space<vmem>>) attributes {dimension_semantics = [#tpu.dimension_semantics<arbitrary>], iteration_bounds = array<i64: 64>, scalar_prefetch = 0 : i64, scratch_operands = 0 : i64, tpu.core_type = #tpu.core_type<tc>, window_params = [{transform_indices = @transform_0, window_bounds = array<i64: 16, 2560>}, {transform_indices = @transform_1, window_bounds = array<i64: 1, 2560>}, {pipeline_mode = #tpu.pipeline_mode<synchronous>, transform_indices = @transform_2, window_bounds = array<i64: 16, 64>}, {pipeline_mode = #tpu.pipeline_mode<synchronous>, transform_indices = @transform_3, window_bounds = array<i64: 64, 64>}, {pipeline_mode = #tpu.pipeline_mode<synchronous>, transform_indices = @transform_4, window_bounds = array<i64: 64, 64>}, {pipeline_mode = #tpu.pipeline_mode<synchronous>, transform_indices = @transform_5, window_bounds = array<i64: 64, 16>}, {transform_indices = @transform_6, window_bounds = array<i64: 5, 64, 128>}]} {
    %get3A = arith.constant 0 : index
    %get3A_0 = arith.constant 0 : index
    %get3A_1 = vector.load %arg1[%get3A, %get3A_0] : memref<16x2560xf32, #tpu.memory_space<vmem>>, vector<16x2560xf32>
    %get3A_2 = arith.constant 0 : index
    %get3A_3 = arith.constant 0 : index
    %get3A_4 = vector.load %arg3[%get3A_2, %get3A_3] : memref<16x64xf32, #tpu.memory_space<vmem>>, vector<16x64xf32>
    %dot_general3A = arith.constant dense<0.000000e+00> : vector<64x2560xf32>
    %dot_general3A_5 = tpu.matmul %get3A_4, %get3A_1, %dot_general3A {dimension_numbers = #tpu.dot_dimension_numbers<[0], [0], [1], [1], [0, 1, 1, 1], [], []>, transpose_lhs_hint = false} : vector<16x64xf32>, vector<16x2560xf32>, vector<64x2560xf32> -> vector<64x2560xf32>
    %neg3A = arith.constant 0.000000e+00 : f32
    %neg3A_6 = vector.broadcast %neg3A : f32 to vector<64x2560xf32>
    %neg3A_7 = arith.subf %neg3A_6, %dot_general3A_5 : vector<64x2560xf32>
    %exp3A = math.exp %neg3A_7 : vector<64x2560xf32>
    %add3A = arith.constant 1.000000e+00 : f32
    %add3A_8 = vector.broadcast %add3A : f32 to vector<64x2560xf32>
    %add3A_9 = arith.addf %add3A_8, %exp3A : vector<64x2560xf32>
    %div3A = arith.constant 1.000000e+00 : f32
    %div3A_10 = vector.broadcast %div3A : f32 to vector<64x2560xf32>
    %div3A_11 = arith.divf %div3A_10, %add3A_9 : vector<64x2560xf32>
    %mul3A = arith.mulf %dot_general3A_5, %div3A_11 : vector<64x2560xf32>
    %mul3A_12 = arith.constant 1.67653251 : f32
    %mul3A_13 = vector.broadcast %mul3A_12 : f32 to vector<64x2560xf32>
    %mul3A_14 = arith.mulf %mul3A, %mul3A_13 : vector<64x2560xf32>
    %get3A_15 = arith.constant 0 : index
    %get3A_16 = arith.constant 0 : index
    %get3A_17 = vector.load %arg4[%get3A_15, %get3A_16] : memref<64x64xf32, #tpu.memory_space<vmem>>, vector<64x64xf32>
    %dot_general3A_18 = arith.constant dense<0.000000e+00> : vector<64x2560xf32>
    %dot_general3A_19 = tpu.matmul %get3A_17, %mul3A_14, %dot_general3A_18 {dimension_numbers = #tpu.dot_dimension_numbers<[0], [0], [1], [1], [0, 1, 1, 1], [], []>, transpose_lhs_hint = false} : vector<64x64xf32>, vector<64x2560xf32>, vector<64x2560xf32> -> vector<64x2560xf32>
    %neg3A_20 = arith.constant 0.000000e+00 : f32
    %neg3A_21 = vector.broadcast %neg3A_20 : f32 to vector<64x2560xf32>
    %neg3A_22 = arith.subf %neg3A_21, %dot_general3A_19 : vector<64x2560xf32>
    %exp3A_23 = math.exp %neg3A_22 : vector<64x2560xf32>
    %add3A_24 = arith.constant 1.000000e+00 : f32
    %add3A_25 = vector.broadcast %add3A_24 : f32 to vector<64x2560xf32>
    %add3A_26 = arith.addf %add3A_25, %exp3A_23 : vector<64x2560xf32>
    %div3A_27 = arith.constant 1.000000e+00 : f32
    %div3A_28 = vector.broadcast %div3A_27 : f32 to vector<64x2560xf32>
    %div3A_29 = arith.divf %div3A_28, %add3A_26 : vector<64x2560xf32>
    %mul3A_30 = arith.mulf %dot_general3A_19, %div3A_29 : vector<64x2560xf32>
    %mul3A_31 = arith.constant 1.67653251 : f32
    %mul3A_32 = vector.broadcast %mul3A_31 : f32 to vector<64x2560xf32>
    %mul3A_33 = arith.mulf %mul3A_30, %mul3A_32 : vector<64x2560xf32>
    %get3A_34 = arith.constant 0 : index
    %get3A_35 = arith.constant 0 : index
    %get3A_36 = vector.load %arg5[%get3A_34, %get3A_35] : memref<64x64xf32, #tpu.memory_space<vmem>>, vector<64x64xf32>
    %dot_general3A_37 = arith.constant dense<0.000000e+00> : vector<64x2560xf32>
    %dot_general3A_38 = tpu.matmul %get3A_36, %mul3A_33, %dot_general3A_37 {dimension_numbers = #tpu.dot_dimension_numbers<[0], [0], [1], [1], [0, 1, 1, 1], [], []>, transpose_lhs_hint = false} : vector<64x64xf32>, vector<64x2560xf32>, vector<64x2560xf32> -> vector<64x2560xf32>
    %neg3A_39 = arith.constant 0.000000e+00 : f32
    %neg3A_40 = vector.broadcast %neg3A_39 : f32 to vector<64x2560xf32>
    %neg3A_41 = arith.subf %neg3A_40, %dot_general3A_38 : vector<64x2560xf32>
    %exp3A_42 = math.exp %neg3A_41 : vector<64x2560xf32>
    %add3A_43 = arith.constant 1.000000e+00 : f32
    %add3A_44 = vector.broadcast %add3A_43 : f32 to vector<64x2560xf32>
    %add3A_45 = arith.addf %add3A_44, %exp3A_42 : vector<64x2560xf32>
    %div3A_46 = arith.constant 1.000000e+00 : f32
    %div3A_47 = vector.broadcast %div3A_46 : f32 to vector<64x2560xf32>
    %div3A_48 = arith.divf %div3A_47, %add3A_45 : vector<64x2560xf32>
    %mul3A_49 = arith.mulf %dot_general3A_38, %div3A_48 : vector<64x2560xf32>
    %mul3A_50 = arith.constant 1.67653251 : f32
    %mul3A_51 = vector.broadcast %mul3A_50 : f32 to vector<64x2560xf32>
    %mul3A_52 = arith.mulf %mul3A_49, %mul3A_51 : vector<64x2560xf32>
    %get3A_53 = arith.constant 0 : index
    %get3A_54 = arith.constant 0 : index
    %get3A_55 = vector.load %arg2[%get3A_53, %get3A_54] : memref<1x2560xf32, #tpu.memory_space<vmem>>, vector<1x2560xf32>
    %mul3A_56 = vector.broadcast %get3A_55 : vector<1x2560xf32> to vector<64x2560xf32>
    %mul3A_57 = arith.mulf %mul3A_52, %mul3A_56 : vector<64x2560xf32>
    %get3A_58 = arith.constant 0 : index
    %get3A_59 = arith.constant 0 : index
    %get3A_60 = vector.load %arg6[%get3A_58, %get3A_59] : memref<64x16xf32, #tpu.memory_space<vmem>>, vector<64x16xf32>
    %dot_general3A_61 = arith.constant dense<0.000000e+00> : vector<2560x16xf32>
    %dot_general3A_62 = tpu.matmul %mul3A_57, %get3A_60, %dot_general3A_61 {dimension_numbers = #tpu.dot_dimension_numbers<[0], [0], [1], [1], [0, 1, 1, 1], [], []>, transpose_lhs_hint = false} : vector<64x2560xf32>, vector<64x16xf32>, vector<2560x16xf32> -> vector<2560x16xf32>
    %add3A_63 = arith.constant 0 : i32
    %add3A_64 = arith.addi %add3A_63, %arg0 : i32
    %lt3A = arith.constant 125 : i32
    %lt3A_65 = arith.cmpi slt, %add3A_64, %lt3A : i32
    %jit3A = arith.constant 0.000000e+00 : f32
    %broadcast_in_dim3A = vector.broadcast %jit3A : f32 to vector<2560x16xf32>
    %select_n3A = arith.select %lt3A_65, %dot_general3A_62, %broadcast_in_dim3A : vector<2560x16xf32>
    %slice3A = vector.extract_strided_slice %select_n3A {offsets = [0, 0], sizes = [64, 16], strides = [1, 1]} : vector<2560x16xf32> to vector<64x16xf32>
    %swap3A = arith.constant 0 : index
    %swap3A_66 = arith.constant 0 : index
    %swap3A_67 = arith.constant 0 : index
    %swap3A_68 = vector.load %arg7[%swap3A, %swap3A_66, %swap3A_67] : memref<5x64x128xf32, #tpu.memory_space<vmem>>, vector<1x64x16xf32>
    %swap3A_69 = vector.shape_cast %swap3A_68 : vector<1x64x16xf32> to vector<64x16xf32>
    %swap3A_70 = vector.shape_cast %slice3A : vector<64x16xf32> to vector<1x64x16xf32>
    tpu.vector_store %arg7[%swap3A, %swap3A_66, %swap3A_67], %swap3A_70 {strides = array<i32>} : memref<5x64x128xf32, #tpu.memory_space<vmem>>, vector<1x64x16xf32>,
    %slice3A_71 = vector.extract_strided_slice %select_n3A {offsets = [64, 0], sizes = [64, 16], strides = [1, 1]} : vector<2560x16xf32> to vector<64x16xf32>
    %swap3A_72 = arith.constant 0 : index
    %swap3A_73 = arith.constant 0 : index
    %swap3A_74 = arith.constant 16 : index
    %swap3A_75 = vector.load %arg7[%swap3A_72, %swap3A_73, %swap3A_74] : memref<5x64x128xf32, #tpu.memory_space<vmem>>, vector<1x64x16xf32>
    %swap3A_76 = vector.shape_cast %swap3A_75 : vector<1x64x16xf32> to vector<64x16xf32>
    %swap3A_77 = vector.shape_cast %slice3A_71 : vector<64x16xf32> to vector<1x64x16xf32>
    tpu.vector_store %arg7[%swap3A_72, %swap3A_73, %swap3A_74], %swap3A_77 {strides = array<i32>} : memref<5x64x128xf32, #tpu.memory_space<vmem>>, vector<1x64x16xf32>,
    %slice3A_78 = vector.extract_strided_slice %select_n3A {offsets = [128, 0], sizes = [64, 16], strides = [1, 1]} : vector<2560x16xf32> to vector<64x16xf32>
    %swap3A_79 = arith.constant 0 : index
    %swap3A_80 = arith.constant 0 : index
    %swap3A_81 = arith.constant 32 : index
    %swap3A_82 = vector.load %arg7[%swap3A_79, %swap3A_80, %swap3A_81] : memref<5x64x128xf32, #tpu.memory_space<vmem>>, vector<1x64x16xf32>
    %swap3A_83 = vector.shape_cast %swap3A_82 : vector<1x64x16xf32> to vector<64x16xf32>
    %swap3A_84 = vector.shape_cast %slice3A_78 : vector<64x16xf32> to vector<1x64x16xf32>
    tpu.vector_store %arg7[%swap3A_79, %swap3A_80, %swap3A_81], %swap3A_84 {strides = array<i32>} : memref<5x64x128xf32, #tpu.memory_space<vmem>>, vector<1x64x16xf32>,
    %slice3A_85 = vector.extract_strided_slice %select_n3A {offsets = [192, 0], sizes = [64, 16], strides = [1, 1]} : vector<2560x16xf32> to vector<64x16xf32>
    %swap3A_86 = arith.constant 0 : index
    %swap3A_87 = arith.constant 0 : index
    %swap3A_88 = arith.constant 48 : index
    %swap3A_89 = vector.load %arg7[%swap3A_86, %swap3A_87, %swap3A_88] : memref<5x64x128xf32, #tpu.memory_space<vmem>>, vector<1x64x16xf32>
    %swap3A_90 = vector.shape_cast %swap3A_89 : vector<1x64x16xf32> to vector<64x16xf32>
    %swap3A_91 = vector.shape_cast %slice3A_85 : vector<64x16xf32> to vector<1x64x16xf32>
    tpu.vector_store %arg7[%swap3A_86, %swap3A_87, %swap3A_88], %swap3A_91 {strides = array<i32>} : memref<5x64x128xf32, #tpu.memory_space<vmem>>, vector<1x64x16xf32>,
    %slice3A_92 = vector.extract_strided_slice %select_n3A {offsets = [256, 0], sizes = [64, 16], strides = [1, 1]} : vector<2560x16xf32> to vector<64x16xf32>
    %swap3A_93 = arith.constant 0 : index
    %swap3A_94 = arith.constant 0 : index
    %swap3A_95 = arith.constant 64 : index
    %swap3A_96 = vector.load %arg7[%swap3A_93, %swap3A_94, %swap3A_95] : memref<5x64x128xf32, #tpu.memory_space<vmem>>, vector<1x64x16xf32>
    %swap3A_97 = vector.shape_cast %swap3A_96 : vector<1x64x16xf32> to vector<64x16xf32>
    %swap3A_98 = vector.shape_cast %slice3A_92 : vector<64x16xf32> to vector<1x64x16xf32>
    tpu.vector_store %arg7[%swap3A_93, %swap3A_94, %swap3A_95], %swap3A_98 {strides = array<i32>} : memref<5x64x128xf32, #tpu.memory_space<vmem>>, vector<1x64x16xf32>,
    %slice3A_99 = vector.extract_strided_slice %select_n3A {offsets = [320, 0], sizes = [64, 16], strides = [1, 1]} : vector<2560x16xf32> to vector<64x16xf32>
    %swap3A_100 = arith.constant 0 : index
    %swap3A_101 = arith.constant 0 : index
    %swap3A_102 = arith.constant 80 : index
    %swap3A_103 = vector.load %arg7[%swap3A_100, %swap3A_101, %swap3A_102] : memref<5x64x128xf32, #tpu.memory_space<vmem>>, vector<1x64x16xf32>
    %swap3A_104 = vector.shape_cast %swap3A_103 : vector<1x64x16xf32> to vector<64x16xf32>
    %swap3A_105 = vector.shape_cast %slice3A_99 : vector<64x16xf32> to vector<1x64x16xf32>
    tpu.vector_store %arg7[%swap3A_100, %swap3A_101, %swap3A_102], %swap3A_105 {strides = array<i32>} : memref<5x64x128xf32, #tpu.memory_space<vmem>>, vector<1x64x16xf32>,
    %slice3A_106 = vector.extract_strided_slice %select_n3A {offsets = [384, 0], sizes = [64, 16], strides = [1, 1]} : vector<2560x16xf32> to vector<64x16xf32>
    %swap3A_107 = arith.constant 0 : index
    %swap3A_108 = arith.constant 0 : index
    %swap3A_109 = arith.constant 96 : index
    %swap3A_110 = vector.load %arg7[%swap3A_107, %swap3A_108, %swap3A_109] : memref<5x64x128xf32, #tpu.memory_space<vmem>>, vector<1x64x16xf32>
    %swap3A_111 = vector.shape_cast %swap3A_110 : vector<1x64x16xf32> to vector<64x16xf32>
    %swap3A_112 = vector.shape_cast %slice3A_106 : vector<64x16xf32> to vector<1x64x16xf32>
    tpu.vector_store %arg7[%swap3A_107, %swap3A_108, %swap3A_109], %swap3A_112 {strides = array<i32>} : memref<5x64x128xf32, #tpu.memory_space<vmem>>, vector<1x64x16xf32>,
    %slice3A_113 = vector.extract_strided_slice %select_n3A {offsets = [448, 0], sizes = [64, 16], strides = [1, 1]} : vector<2560x16xf32> to vector<64x16xf32>
    %swap3A_114 = arith.constant 0 : index
    %swap3A_115 = arith.constant 0 : index
    %swap3A_116 = arith.constant 112 : index
    %swap3A_117 = vector.load %arg7[%swap3A_114, %swap3A_115, %swap3A_116] : memref<5x64x128xf32, #tpu.memory_space<vmem>>, vector<1x64x16xf32>
    %swap3A_118 = vector.shape_cast %swap3A_117 : vector<1x64x16xf32> to vector<64x16xf32>
    %swap3A_119 = vector.shape_cast %slice3A_113 : vector<64x16xf32> to vector<1x64x16xf32>
    tpu.vector_store %arg7[%swap3A_114, %swap3A_115, %swap3A_116], %swap3A_119 {strides = array<i32>} : memref<5x64x128xf32, #tpu.memory_space<vmem>>, vector<1x64x16xf32>,
    %slice3A_120 = vector.extract_strided_slice %select_n3A {offsets = [512, 0], sizes = [64, 16], strides = [1, 1]} : vector<2560x16xf32> to vector<64x16xf32>
    %swap3A_121 = arith.constant 1 : index
    %swap3A_122 = arith.constant 0 : index
    %swap3A_123 = arith.constant 0 : index
    %swap3A_124 = vector.load %arg7[%swap3A_121, %swap3A_122, %swap3A_123] : memref<5x64x128xf32, #tpu.memory_space<vmem>>, vector<1x64x16xf32>
    %swap3A_125 = vector.shape_cast %swap3A_124 : vector<1x64x16xf32> to vector<64x16xf32>
    %swap3A_126 = vector.shape_cast %slice3A_120 : vector<64x16xf32> to vector<1x64x16xf32>
    tpu.vector_store %arg7[%swap3A_121, %swap3A_122, %swap3A_123], %swap3A_126 {strides = array<i32>} : memref<5x64x128xf32, #tpu.memory_space<vmem>>, vector<1x64x16xf32>,
    %slice3A_127 = vector.extract_strided_slice %select_n3A {offsets = [576, 0], sizes = [64, 16], strides = [1, 1]} : vector<2560x16xf32> to vector<64x16xf32>
    %swap3A_128 = arith.constant 1 : index
    %swap3A_129 = arith.constant 0 : index
    %swap3A_130 = arith.constant 16 : index
    %swap3A_131 = vector.load %arg7[%swap3A_128, %swap3A_129, %swap3A_130] : memref<5x64x128xf32, #tpu.memory_space<vmem>>, vector<1x64x16xf32>
    %swap3A_132 = vector.shape_cast %swap3A_131 : vector<1x64x16xf32> to vector<64x16xf32>
    %swap3A_133 = vector.shape_cast %slice3A_127 : vector<64x16xf32> to vector<1x64x16xf32>
    tpu.vector_store %arg7[%swap3A_128, %swap3A_129, %swap3A_130], %swap3A_133 {strides = array<i32>} : memref<5x64x128xf32, #tpu.memory_space<vmem>>, vector<1x64x16xf32>,
    %slice3A_134 = vector.extract_strided_slice %select_n3A {offsets = [640, 0], sizes = [64, 16], strides = [1, 1]} : vector<2560x16xf32> to vector<64x16xf32>
    %swap3A_135 = arith.constant 1 : index
    %swap3A_136 = arith.constant 0 : index
    %swap3A_137 = arith.constant 32 : index
    %swap3A_138 = vector.load %arg7[%swap3A_135, %swap3A_136, %swap3A_137] : memref<5x64x128xf32, #tpu.memory_space<vmem>>, vector<1x64x16xf32>
    %swap3A_139 = vector.shape_cast %swap3A_138 : vector<1x64x16xf32> to vector<64x16xf32>
    %swap3A_140 = vector.shape_cast %slice3A_134 : vector<64x16xf32> to vector<1x64x16xf32>
    tpu.vector_store %arg7[%swap3A_135, %swap3A_136, %swap3A_137], %swap3A_140 {strides = array<i32>} : memref<5x64x128xf32, #tpu.memory_space<vmem>>, vector<1x64x16xf32>,
    %slice3A_141 = vector.extract_strided_slice %select_n3A {offsets = [704, 0], sizes = [64, 16], strides = [1, 1]} : vector<2560x16xf32> to vector<64x16xf32>
    %swap3A_142 = arith.constant 1 : index
    %swap3A_143 = arith.constant 0 : index
    %swap3A_144 = arith.constant 48 : index
    %swap3A_145 = vector.load %arg7[%swap3A_142, %swap3A_143, %swap3A_144] : memref<5x64x128xf32, #tpu.memory_space<vmem>>, vector<1x64x16xf32>
    %swap3A_146 = vector.shape_cast %swap3A_145 : vector<1x64x16xf32> to vector<64x16xf32>
    %swap3A_147 = vector.shape_cast %slice3A_141 : vector<64x16xf32> to vector<1x64x16xf32>
    tpu.vector_store %arg7[%swap3A_142, %swap3A_143, %swap3A_144], %swap3A_147 {strides = array<i32>} : memref<5x64x128xf32, #tpu.memory_space<vmem>>, vector<1x64x16xf32>,
    %slice3A_148 = vector.extract_strided_slice %select_n3A {offsets = [768, 0], sizes = [64, 16], strides = [1, 1]} : vector<2560x16xf32> to vector<64x16xf32>
    %swap3A_149 = arith.constant 1 : index
    %swap3A_150 = arith.constant 0 : index
    %swap3A_151 = arith.constant 64 : index
    %swap3A_152 = vector.load %arg7[%swap3A_149, %swap3A_150, %swap3A_151] : memref<5x64x128xf32, #tpu.memory_space<vmem>>, vector<1x64x16xf32>
    %swap3A_153 = vector.shape_cast %swap3A_152 : vector<1x64x16xf32> to vector<64x16xf32>
    %swap3A_154 = vector.shape_cast %slice3A_148 : vector<64x16xf32> to vector<1x64x16xf32>
    tpu.vector_store %arg7[%swap3A_149, %swap3A_150, %swap3A_151], %swap3A_154 {strides = array<i32>} : memref<5x64x128xf32, #tpu.memory_space<vmem>>, vector<1x64x16xf32>,
    %slice3A_155 = vector.extract_strided_slice %select_n3A {offsets = [832, 0], sizes = [64, 16], strides = [1, 1]} : vector<2560x16xf32> to vector<64x16xf32>
    %swap3A_156 = arith.constant 1 : index
    %swap3A_157 = arith.constant 0 : index
    %swap3A_158 = arith.constant 80 : index
    %swap3A_159 = vector.load %arg7[%swap3A_156, %swap3A_157, %swap3A_158] : memref<5x64x128xf32, #tpu.memory_space<vmem>>, vector<1x64x16xf32>
    %swap3A_160 = vector.shape_cast %swap3A_159 : vector<1x64x16xf32> to vector<64x16xf32>
    %swap3A_161 = vector.shape_cast %slice3A_155 : vector<64x16xf32> to vector<1x64x16xf32>
    tpu.vector_store %arg7[%swap3A_156, %swap3A_157, %swap3A_158], %swap3A_161 {strides = array<i32>} : memref<5x64x128xf32, #tpu.memory_space<vmem>>, vector<1x64x16xf32>,
    %slice3A_162 = vector.extract_strided_slice %select_n3A {offsets = [896, 0], sizes = [64, 16], strides = [1, 1]} : vector<2560x16xf32> to vector<64x16xf32>
    %swap3A_163 = arith.constant 1 : index
    %swap3A_164 = arith.constant 0 : index
    %swap3A_165 = arith.constant 96 : index
    %swap3A_166 = vector.load %arg7[%swap3A_163, %swap3A_164, %swap3A_165] : memref<5x64x128xf32, #tpu.memory_space<vmem>>, vector<1x64x16xf32>
    %swap3A_167 = vector.shape_cast %swap3A_166 : vector<1x64x16xf32> to vector<64x16xf32>
    %swap3A_168 = vector.shape_cast %slice3A_162 : vector<64x16xf32> to vector<1x64x16xf32>
    tpu.vector_store %arg7[%swap3A_163, %swap3A_164, %swap3A_165], %swap3A_168 {strides = array<i32>} : memref<5x64x128xf32, #tpu.memory_space<vmem>>, vector<1x64x16xf32>,
    %slice3A_169 = vector.extract_strided_slice %select_n3A {offsets = [960, 0], sizes = [64, 16], strides = [1, 1]} : vector<2560x16xf32> to vector<64x16xf32>
    %swap3A_170 = arith.constant 1 : index
    %swap3A_171 = arith.constant 0 : index
    %swap3A_172 = arith.constant 112 : index
    %swap3A_173 = vector.load %arg7[%swap3A_170, %swap3A_171, %swap3A_172] : memref<5x64x128xf32, #tpu.memory_space<vmem>>, vector<1x64x16xf32>
    %swap3A_174 = vector.shape_cast %swap3A_173 : vector<1x64x16xf32> to vector<64x16xf32>
    %swap3A_175 = vector.shape_cast %slice3A_169 : vector<64x16xf32> to vector<1x64x16xf32>
    tpu.vector_store %arg7[%swap3A_170, %swap3A_171, %swap3A_172], %swap3A_175 {strides = array<i32>} : memref<5x64x128xf32, #tpu.memory_space<vmem>>, vector<1x64x16xf32>,
    %slice3A_176 = vector.extract_strided_slice %select_n3A {offsets = [1024, 0], sizes = [64, 16], strides = [1, 1]} : vector<2560x16xf32> to vector<64x16xf32>
    %swap3A_177 = arith.constant 2 : index
    %swap3A_178 = arith.constant 0 : index
    %swap3A_179 = arith.constant 0 : index
    %swap3A_180 = vector.load %arg7[%swap3A_177, %swap3A_178, %swap3A_179] : memref<5x64x128xf32, #tpu.memory_space<vmem>>, vector<1x64x16xf32>
    %swap3A_181 = vector.shape_cast %swap3A_180 : vector<1x64x16xf32> to vector<64x16xf32>
    %swap3A_182 = vector.shape_cast %slice3A_176 : vector<64x16xf32> to vector<1x64x16xf32>
    tpu.vector_store %arg7[%swap3A_177, %swap3A_178, %swap3A_179], %swap3A_182 {strides = array<i32>} : memref<5x64x128xf32, #tpu.memory_space<vmem>>, vector<1x64x16xf32>,
    %slice3A_183 = vector.extract_strided_slice %select_n3A {offsets = [1088, 0], sizes = [64, 16], strides = [1, 1]} : vector<2560x16xf32> to vector<64x16xf32>
    %swap3A_184 = arith.constant 2 : index
    %swap3A_185 = arith.constant 0 : index
    %swap3A_186 = arith.constant 16 : index
    %swap3A_187 = vector.load %arg7[%swap3A_184, %swap3A_185, %swap3A_186] : memref<5x64x128xf32, #tpu.memory_space<vmem>>, vector<1x64x16xf32>
    %swap3A_188 = vector.shape_cast %swap3A_187 : vector<1x64x16xf32> to vector<64x16xf32>
    %swap3A_189 = vector.shape_cast %slice3A_183 : vector<64x16xf32> to vector<1x64x16xf32>
    tpu.vector_store %arg7[%swap3A_184, %swap3A_185, %swap3A_186], %swap3A_189 {strides = array<i32>} : memref<5x64x128xf32, #tpu.memory_space<vmem>>, vector<1x64x16xf32>,
    %slice3A_190 = vector.extract_strided_slice %select_n3A {offsets = [1152, 0], sizes = [64, 16], strides = [1, 1]} : vector<2560x16xf32> to vector<64x16xf32>
    %swap3A_191 = arith.constant 2 : index
    %swap3A_192 = arith.constant 0 : index
    %swap3A_193 = arith.constant 32 : index
    %swap3A_194 = vector.load %arg7[%swap3A_191, %swap3A_192, %swap3A_193] : memref<5x64x128xf32, #tpu.memory_space<vmem>>, vector<1x64x16xf32>
    %swap3A_195 = vector.shape_cast %swap3A_194 : vector<1x64x16xf32> to vector<64x16xf32>
    %swap3A_196 = vector.shape_cast %slice3A_190 : vector<64x16xf32> to vector<1x64x16xf32>
    tpu.vector_store %arg7[%swap3A_191, %swap3A_192, %swap3A_193], %swap3A_196 {strides = array<i32>} : memref<5x64x128xf32, #tpu.memory_space<vmem>>, vector<1x64x16xf32>,
    %slice3A_197 = vector.extract_strided_slice %select_n3A {offsets = [1216, 0], sizes = [64, 16], strides = [1, 1]} : vector<2560x16xf32> to vector<64x16xf32>
    %swap3A_198 = arith.constant 2 : index
    %swap3A_199 = arith.constant 0 : index
    %swap3A_200 = arith.constant 48 : index
    %swap3A_201 = vector.load %arg7[%swap3A_198, %swap3A_199, %swap3A_200] : memref<5x64x128xf32, #tpu.memory_space<vmem>>, vector<1x64x16xf32>
    %swap3A_202 = vector.shape_cast %swap3A_201 : vector<1x64x16xf32> to vector<64x16xf32>
    %swap3A_203 = vector.shape_cast %slice3A_197 : vector<64x16xf32> to vector<1x64x16xf32>
    tpu.vector_store %arg7[%swap3A_198, %swap3A_199, %swap3A_200], %swap3A_203 {strides = array<i32>} : memref<5x64x128xf32, #tpu.memory_space<vmem>>, vector<1x64x16xf32>,
    %slice3A_204 = vector.extract_strided_slice %select_n3A {offsets = [1280, 0], sizes = [64, 16], strides = [1, 1]} : vector<2560x16xf32> to vector<64x16xf32>
    %swap3A_205 = arith.constant 2 : index
    %swap3A_206 = arith.constant 0 : index
    %swap3A_207 = arith.constant 64 : index
    %swap3A_208 = vector.load %arg7[%swap3A_205, %swap3A_206, %swap3A_207] : memref<5x64x128xf32, #tpu.memory_space<vmem>>, vector<1x64x16xf32>
    %swap3A_209 = vector.shape_cast %swap3A_208 : vector<1x64x16xf32> to vector<64x16xf32>
    %swap3A_210 = vector.shape_cast %slice3A_204 : vector<64x16xf32> to vector<1x64x16xf32>
    tpu.vector_store %arg7[%swap3A_205, %swap3A_206, %swap3A_207], %swap3A_210 {strides = array<i32>} : memref<5x64x128xf32, #tpu.memory_space<vmem>>, vector<1x64x16xf32>,
    %slice3A_211 = vector.extract_strided_slice %select_n3A {offsets = [1344, 0], sizes = [64, 16], strides = [1, 1]} : vector<2560x16xf32> to vector<64x16xf32>
    %swap3A_212 = arith.constant 2 : index
    %swap3A_213 = arith.constant 0 : index
    %swap3A_214 = arith.constant 80 : index
    %swap3A_215 = vector.load %arg7[%swap3A_212, %swap3A_213, %swap3A_214] : memref<5x64x128xf32, #tpu.memory_space<vmem>>, vector<1x64x16xf32>
    %swap3A_216 = vector.shape_cast %swap3A_215 : vector<1x64x16xf32> to vector<64x16xf32>
    %swap3A_217 = vector.shape_cast %slice3A_211 : vector<64x16xf32> to vector<1x64x16xf32>
    tpu.vector_store %arg7[%swap3A_212, %swap3A_213, %swap3A_214], %swap3A_217 {strides = array<i32>} : memref<5x64x128xf32, #tpu.memory_space<vmem>>, vector<1x64x16xf32>,
    %slice3A_218 = vector.extract_strided_slice %select_n3A {offsets = [1408, 0], sizes = [64, 16], strides = [1, 1]} : vector<2560x16xf32> to vector<64x16xf32>
    %swap3A_219 = arith.constant 2 : index
    %swap3A_220 = arith.constant 0 : index
    %swap3A_221 = arith.constant 96 : index
    %swap3A_222 = vector.load %arg7[%swap3A_219, %swap3A_220, %swap3A_221] : memref<5x64x128xf32, #tpu.memory_space<vmem>>, vector<1x64x16xf32>
    %swap3A_223 = vector.shape_cast %swap3A_222 : vector<1x64x16xf32> to vector<64x16xf32>
    %swap3A_224 = vector.shape_cast %slice3A_218 : vector<64x16xf32> to vector<1x64x16xf32>
    tpu.vector_store %arg7[%swap3A_219, %swap3A_220, %swap3A_221], %swap3A_224 {strides = array<i32>} : memref<5x64x128xf32, #tpu.memory_space<vmem>>, vector<1x64x16xf32>,
    %slice3A_225 = vector.extract_strided_slice %select_n3A {offsets = [1472, 0], sizes = [64, 16], strides = [1, 1]} : vector<2560x16xf32> to vector<64x16xf32>
    %swap3A_226 = arith.constant 2 : index
    %swap3A_227 = arith.constant 0 : index
    %swap3A_228 = arith.constant 112 : index
    %swap3A_229 = vector.load %arg7[%swap3A_226, %swap3A_227, %swap3A_228] : memref<5x64x128xf32, #tpu.memory_space<vmem>>, vector<1x64x16xf32>
    %swap3A_230 = vector.shape_cast %swap3A_229 : vector<1x64x16xf32> to vector<64x16xf32>
    %swap3A_231 = vector.shape_cast %slice3A_225 : vector<64x16xf32> to vector<1x64x16xf32>
    tpu.vector_store %arg7[%swap3A_226, %swap3A_227, %swap3A_228], %swap3A_231 {strides = array<i32>} : memref<5x64x128xf32, #tpu.memory_space<vmem>>, vector<1x64x16xf32>,
    %slice3A_232 = vector.extract_strided_slice %select_n3A {offsets = [1536, 0], sizes = [64, 16], strides = [1, 1]} : vector<2560x16xf32> to vector<64x16xf32>
    %swap3A_233 = arith.constant 3 : index
    %swap3A_234 = arith.constant 0 : index
    %swap3A_235 = arith.constant 0 : index
    %swap3A_236 = vector.load %arg7[%swap3A_233, %swap3A_234, %swap3A_235] : memref<5x64x128xf32, #tpu.memory_space<vmem>>, vector<1x64x16xf32>
    %swap3A_237 = vector.shape_cast %swap3A_236 : vector<1x64x16xf32> to vector<64x16xf32>
    %swap3A_238 = vector.shape_cast %slice3A_232 : vector<64x16xf32> to vector<1x64x16xf32>
    tpu.vector_store %arg7[%swap3A_233, %swap3A_234, %swap3A_235], %swap3A_238 {strides = array<i32>} : memref<5x64x128xf32, #tpu.memory_space<vmem>>, vector<1x64x16xf32>,
    %slice3A_239 = vector.extract_strided_slice %select_n3A {offsets = [1600, 0], sizes = [64, 16], strides = [1, 1]} : vector<2560x16xf32> to vector<64x16xf32>
    %swap3A_240 = arith.constant 3 : index
    %swap3A_241 = arith.constant 0 : index
    %swap3A_242 = arith.constant 16 : index
    %swap3A_243 = vector.load %arg7[%swap3A_240, %swap3A_241, %swap3A_242] : memref<5x64x128xf32, #tpu.memory_space<vmem>>, vector<1x64x16xf32>
    %swap3A_244 = vector.shape_cast %swap3A_243 : vector<1x64x16xf32> to vector<64x16xf32>
    %swap3A_245 = vector.shape_cast %slice3A_239 : vector<64x16xf32> to vector<1x64x16xf32>
    tpu.vector_store %arg7[%swap3A_240, %swap3A_241, %swap3A_242], %swap3A_245 {strides = array<i32>} : memref<5x64x128xf32, #tpu.memory_space<vmem>>, vector<1x64x16xf32>,
    %slice3A_246 = vector.extract_strided_slice %select_n3A {offsets = [1664, 0], sizes = [64, 16], strides = [1, 1]} : vector<2560x16xf32> to vector<64x16xf32>
    %swap3A_247 = arith.constant 3 : index
    %swap3A_248 = arith.constant 0 : index
    %swap3A_249 = arith.constant 32 : index
    %swap3A_250 = vector.load %arg7[%swap3A_247, %swap3A_248, %swap3A_249] : memref<5x64x128xf32, #tpu.memory_space<vmem>>, vector<1x64x16xf32>
    %swap3A_251 = vector.shape_cast %swap3A_250 : vector<1x64x16xf32> to vector<64x16xf32>
    %swap3A_252 = vector.shape_cast %slice3A_246 : vector<64x16xf32> to vector<1x64x16xf32>
    tpu.vector_store %arg7[%swap3A_247, %swap3A_248, %swap3A_249], %swap3A_252 {strides = array<i32>} : memref<5x64x128xf32, #tpu.memory_space<vmem>>, vector<1x64x16xf32>,
    %slice3A_253 = vector.extract_strided_slice %select_n3A {offsets = [1728, 0], sizes = [64, 16], strides = [1, 1]} : vector<2560x16xf32> to vector<64x16xf32>
    %swap3A_254 = arith.constant 3 : index
    %swap3A_255 = arith.constant 0 : index
    %swap3A_256 = arith.constant 48 : index
    %swap3A_257 = vector.load %arg7[%swap3A_254, %swap3A_255, %swap3A_256] : memref<5x64x128xf32, #tpu.memory_space<vmem>>, vector<1x64x16xf32>
    %swap3A_258 = vector.shape_cast %swap3A_257 : vector<1x64x16xf32> to vector<64x16xf32>
    %swap3A_259 = vector.shape_cast %slice3A_253 : vector<64x16xf32> to vector<1x64x16xf32>
    tpu.vector_store %arg7[%swap3A_254, %swap3A_255, %swap3A_256], %swap3A_259 {strides = array<i32>} : memref<5x64x128xf32, #tpu.memory_space<vmem>>, vector<1x64x16xf32>,
    %slice3A_260 = vector.extract_strided_slice %select_n3A {offsets = [1792, 0], sizes = [64, 16], strides = [1, 1]} : vector<2560x16xf32> to vector<64x16xf32>
    %swap3A_261 = arith.constant 3 : index
    %swap3A_262 = arith.constant 0 : index
    %swap3A_263 = arith.constant 64 : index
    %swap3A_264 = vector.load %arg7[%swap3A_261, %swap3A_262, %swap3A_263] : memref<5x64x128xf32, #tpu.memory_space<vmem>>, vector<1x64x16xf32>
    %swap3A_265 = vector.shape_cast %swap3A_264 : vector<1x64x16xf32> to vector<64x16xf32>
    %swap3A_266 = vector.shape_cast %slice3A_260 : vector<64x16xf32> to vector<1x64x16xf32>
    tpu.vector_store %arg7[%swap3A_261, %swap3A_262, %swap3A_263], %swap3A_266 {strides = array<i32>} : memref<5x64x128xf32, #tpu.memory_space<vmem>>, vector<1x64x16xf32>,
    %slice3A_267 = vector.extract_strided_slice %select_n3A {offsets = [1856, 0], sizes = [64, 16], strides = [1, 1]} : vector<2560x16xf32> to vector<64x16xf32>
    %swap3A_268 = arith.constant 3 : index
    %swap3A_269 = arith.constant 0 : index
    %swap3A_270 = arith.constant 80 : index
    %swap3A_271 = vector.load %arg7[%swap3A_268, %swap3A_269, %swap3A_270] : memref<5x64x128xf32, #tpu.memory_space<vmem>>, vector<1x64x16xf32>
    %swap3A_272 = vector.shape_cast %swap3A_271 : vector<1x64x16xf32> to vector<64x16xf32>
    %swap3A_273 = vector.shape_cast %slice3A_267 : vector<64x16xf32> to vector<1x64x16xf32>
    tpu.vector_store %arg7[%swap3A_268, %swap3A_269, %swap3A_270], %swap3A_273 {strides = array<i32>} : memref<5x64x128xf32, #tpu.memory_space<vmem>>, vector<1x64x16xf32>,
    %slice3A_274 = vector.extract_strided_slice %select_n3A {offsets = [1920, 0], sizes = [64, 16], strides = [1, 1]} : vector<2560x16xf32> to vector<64x16xf32>
    %swap3A_275 = arith.constant 3 : index
    %swap3A_276 = arith.constant 0 : index
    %swap3A_277 = arith.constant 96 : index
    %swap3A_278 = vector.load %arg7[%swap3A_275, %swap3A_276, %swap3A_277] : memref<5x64x128xf32, #tpu.memory_space<vmem>>, vector<1x64x16xf32>
    %swap3A_279 = vector.shape_cast %swap3A_278 : vector<1x64x16xf32> to vector<64x16xf32>
    %swap3A_280 = vector.shape_cast %slice3A_274 : vector<64x16xf32> to vector<1x64x16xf32>
    tpu.vector_store %arg7[%swap3A_275, %swap3A_276, %swap3A_277], %swap3A_280 {strides = array<i32>} : memref<5x64x128xf32, #tpu.memory_space<vmem>>, vector<1x64x16xf32>,
    %slice3A_281 = vector.extract_strided_slice %select_n3A {offsets = [1984, 0], sizes = [64, 16], strides = [1, 1]} : vector<2560x16xf32> to vector<64x16xf32>
    %swap3A_282 = arith.constant 3 : index
    %swap3A_283 = arith.constant 0 : index
    %swap3A_284 = arith.constant 112 : index
    %swap3A_285 = vector.load %arg7[%swap3A_282, %swap3A_283, %swap3A_284] : memref<5x64x128xf32, #tpu.memory_space<vmem>>, vector<1x64x16xf32>
    %swap3A_286 = vector.shape_cast %swap3A_285 : vector<1x64x16xf32> to vector<64x16xf32>
    %swap3A_287 = vector.shape_cast %slice3A_281 : vector<64x16xf32> to vector<1x64x16xf32>
    tpu.vector_store %arg7[%swap3A_282, %swap3A_283, %swap3A_284], %swap3A_287 {strides = array<i32>} : memref<5x64x128xf32, #tpu.memory_space<vmem>>, vector<1x64x16xf32>,
    %slice3A_288 = vector.extract_strided_slice %select_n3A {offsets = [2048, 0], sizes = [64, 16], strides = [1, 1]} : vector<2560x16xf32> to vector<64x16xf32>
    %swap3A_289 = arith.constant 4 : index
    %swap3A_290 = arith.constant 0 : index
    %swap3A_291 = arith.constant 0 : index
    %swap3A_292 = vector.load %arg7[%swap3A_289, %swap3A_290, %swap3A_291] : memref<5x64x128xf32, #tpu.memory_space<vmem>>, vector<1x64x16xf32>
    %swap3A_293 = vector.shape_cast %swap3A_292 : vector<1x64x16xf32> to vector<64x16xf32>
    %swap3A_294 = vector.shape_cast %slice3A_288 : vector<64x16xf32> to vector<1x64x16xf32>
    tpu.vector_store %arg7[%swap3A_289, %swap3A_290, %swap3A_291], %swap3A_294 {strides = array<i32>} : memref<5x64x128xf32, #tpu.memory_space<vmem>>, vector<1x64x16xf32>,
    %slice3A_295 = vector.extract_strided_slice %select_n3A {offsets = [2112, 0], sizes = [64, 16], strides = [1, 1]} : vector<2560x16xf32> to vector<64x16xf32>
    %swap3A_296 = arith.constant 4 : index
    %swap3A_297 = arith.constant 0 : index
    %swap3A_298 = arith.constant 16 : index
    %swap3A_299 = vector.load %arg7[%swap3A_296, %swap3A_297, %swap3A_298] : memref<5x64x128xf32, #tpu.memory_space<vmem>>, vector<1x64x16xf32>
    %swap3A_300 = vector.shape_cast %swap3A_299 : vector<1x64x16xf32> to vector<64x16xf32>
    %swap3A_301 = vector.shape_cast %slice3A_295 : vector<64x16xf32> to vector<1x64x16xf32>
    tpu.vector_store %arg7[%swap3A_296, %swap3A_297, %swap3A_298], %swap3A_301 {strides = array<i32>} : memref<5x64x128xf32, #tpu.memory_space<vmem>>, vector<1x64x16xf32>,
    %slice3A_302 = vector.extract_strided_slice %select_n3A {offsets = [2176, 0], sizes = [64, 16], strides = [1, 1]} : vector<2560x16xf32> to vector<64x16xf32>
    %swap3A_303 = arith.constant 4 : index
    %swap3A_304 = arith.constant 0 : index
    %swap3A_305 = arith.constant 32 : index
    %swap3A_306 = vector.load %arg7[%swap3A_303, %swap3A_304, %swap3A_305] : memref<5x64x128xf32, #tpu.memory_space<vmem>>, vector<1x64x16xf32>
    %swap3A_307 = vector.shape_cast %swap3A_306 : vector<1x64x16xf32> to vector<64x16xf32>
    %swap3A_308 = vector.shape_cast %slice3A_302 : vector<64x16xf32> to vector<1x64x16xf32>
    tpu.vector_store %arg7[%swap3A_303, %swap3A_304, %swap3A_305], %swap3A_308 {strides = array<i32>} : memref<5x64x128xf32, #tpu.memory_space<vmem>>, vector<1x64x16xf32>,
    %slice3A_309 = vector.extract_strided_slice %select_n3A {offsets = [2240, 0], sizes = [64, 16], strides = [1, 1]} : vector<2560x16xf32> to vector<64x16xf32>
    %swap3A_310 = arith.constant 4 : index
    %swap3A_311 = arith.constant 0 : index
    %swap3A_312 = arith.constant 48 : index
    %swap3A_313 = vector.load %arg7[%swap3A_310, %swap3A_311, %swap3A_312] : memref<5x64x128xf32, #tpu.memory_space<vmem>>, vector<1x64x16xf32>
    %swap3A_314 = vector.shape_cast %swap3A_313 : vector<1x64x16xf32> to vector<64x16xf32>
    %swap3A_315 = vector.shape_cast %slice3A_309 : vector<64x16xf32> to vector<1x64x16xf32>
    tpu.vector_store %arg7[%swap3A_310, %swap3A_311, %swap3A_312], %swap3A_315 {strides = array<i32>} : memref<5x64x128xf32, #tpu.memory_space<vmem>>, vector<1x64x16xf32>,
    %slice3A_316 = vector.extract_strided_slice %select_n3A {offsets = [2304, 0], sizes = [64, 16], strides = [1, 1]} : vector<2560x16xf32> to vector<64x16xf32>
    %swap3A_317 = arith.constant 4 : index
    %swap3A_318 = arith.constant 0 : index
    %swap3A_319 = arith.constant 64 : index
    %swap3A_320 = vector.load %arg7[%swap3A_317, %swap3A_318, %swap3A_319] : memref<5x64x128xf32, #tpu.memory_space<vmem>>, vector<1x64x16xf32>
    %swap3A_321 = vector.shape_cast %swap3A_320 : vector<1x64x16xf32> to vector<64x16xf32>
    %swap3A_322 = vector.shape_cast %slice3A_316 : vector<64x16xf32> to vector<1x64x16xf32>
    tpu.vector_store %arg7[%swap3A_317, %swap3A_318, %swap3A_319], %swap3A_322 {strides = array<i32>} : memref<5x64x128xf32, #tpu.memory_space<vmem>>, vector<1x64x16xf32>,
    %slice3A_323 = vector.extract_strided_slice %select_n3A {offsets = [2368, 0], sizes = [64, 16], strides = [1, 1]} : vector<2560x16xf32> to vector<64x16xf32>
    %swap3A_324 = arith.constant 4 : index
    %swap3A_325 = arith.constant 0 : index
    %swap3A_326 = arith.constant 80 : index
    %swap3A_327 = vector.load %arg7[%swap3A_324, %swap3A_325, %swap3A_326] : memref<5x64x128xf32, #tpu.memory_space<vmem>>, vector<1x64x16xf32>
    %swap3A_328 = vector.shape_cast %swap3A_327 : vector<1x64x16xf32> to vector<64x16xf32>
    %swap3A_329 = vector.shape_cast %slice3A_323 : vector<64x16xf32> to vector<1x64x16xf32>
    tpu.vector_store %arg7[%swap3A_324, %swap3A_325, %swap3A_326], %swap3A_329 {strides = array<i32>} : memref<5x64x128xf32, #tpu.memory_space<vmem>>, vector<1x64x16xf32>,
    %slice3A_330 = vector.extract_strided_slice %select_n3A {offsets = [2432, 0], sizes = [64, 16], strides = [1, 1]} : vector<2560x16xf32> to vector<64x16xf32>
    %swap3A_331 = arith.constant 4 : index
    %swap3A_332 = arith.constant 0 : index
    %swap3A_333 = arith.constant 96 : index
    %swap3A_334 = vector.load %arg7[%swap3A_331, %swap3A_332, %swap3A_333] : memref<5x64x128xf32, #tpu.memory_space<vmem>>, vector<1x64x16xf32>
    %swap3A_335 = vector.shape_cast %swap3A_334 : vector<1x64x16xf32> to vector<64x16xf32>
    %swap3A_336 = vector.shape_cast %slice3A_330 : vector<64x16xf32> to vector<1x64x16xf32>
    tpu.vector_store %arg7[%swap3A_331, %swap3A_332, %swap3A_333], %swap3A_336 {strides = array<i32>} : memref<5x64x128xf32, #tpu.memory_space<vmem>>, vector<1x64x16xf32>,
    %slice3A_337 = vector.extract_strided_slice %select_n3A {offsets = [2496, 0], sizes = [64, 16], strides = [1, 1]} : vector<2560x16xf32> to vector<64x16xf32>
    %swap3A_338 = arith.constant 4 : index
    %swap3A_339 = arith.constant 0 : index
    %swap3A_340 = arith.constant 112 : index
    %swap3A_341 = vector.load %arg7[%swap3A_338, %swap3A_339, %swap3A_340] : memref<5x64x128xf32, #tpu.memory_space<vmem>>, vector<1x64x16xf32>
    %swap3A_342 = vector.shape_cast %swap3A_341 : vector<1x64x16xf32> to vector<64x16xf32>
    %swap3A_343 = vector.shape_cast %slice3A_337 : vector<64x16xf32> to vector<1x64x16xf32>
    tpu.vector_store %arg7[%swap3A_338, %swap3A_339, %swap3A_340], %swap3A_343 {strides = array<i32>} : memref<5x64x128xf32, #tpu.memory_space<vmem>>, vector<1x64x16xf32>,
    return
  }
  func.func @transform_0(%arg0: i32) -> (i32, i32) {
    %add3A = arith.constant 0 : i32
    %add3A_0 = arith.addi %add3A, %arg0 : i32
    %min3A = arith.constant 124 : i32
    %min3A_1 = arith.minsi %add3A_0, %min3A : i32
    %c0_i32 = arith.constant 0 : i32
    %c0_i32_2 = arith.constant 0 : i32
    return %c0_i32, %min3A_1 : i32, i32
  }
  func.func @transform_1(%arg0: i32) -> (i32, i32) {
    %add3A = arith.constant 0 : i32
    %add3A_0 = arith.addi %add3A, %arg0 : i32
    %min3A = arith.constant 124 : i32
    %min3A_1 = arith.minsi %add3A_0, %min3A : i32
    %c0_i32 = arith.constant 0 : i32
    %c0_i32_2 = arith.constant 0 : i32
    return %c0_i32, %min3A_1 : i32, i32
  }
  func.func @transform_2(%arg0: i32) -> (i32, i32) {
    %c0_i32 = arith.constant 0 : i32
    %c0_i32_0 = arith.constant 0 : i32
    %c0_i32_1 = arith.constant 0 : i32
    return %c0_i32, %c0_i32_0 : i32, i32
  }
  func.func @transform_3(%arg0: i32) -> (i32, i32) {
    %c0_i32 = arith.constant 0 : i32
    %c0_i32_0 = arith.constant 0 : i32
    %c0_i32_1 = arith.constant 0 : i32
    return %c0_i32, %c0_i32_0 : i32, i32
  }
  func.func @transform_4(%arg0: i32) -> (i32, i32) {
    %c0_i32 = arith.constant 0 : i32
    %c0_i32_0 = arith.constant 0 : i32
    %c0_i32_1 = arith.constant 0 : i32
    return %c0_i32, %c0_i32_0 : i32, i32
  }
  func.func @transform_5(%arg0: i32) -> (i32, i32) {
    %c0_i32 = arith.constant 0 : i32
    %c0_i32_0 = arith.constant 0 : i32
    %c0_i32_1 = arith.constant 0 : i32
    return %c0_i32, %c0_i32_0 : i32, i32
  }
  func.func @transform_6(%arg0: i32) -> (i32, i32, i32) {
    %c0_i32 = arith.constant 0 : i32
    %c0_i32_0 = arith.constant 0 : i32
    %c0_i32_1 = arith.constant 0 : i32
    return %arg0, %c0_i32, %c0_i32_0 : i32, i32, i32
  }
}

module attributes {stable_mosaic.version = 14 : i64} {
  func.func @_readout_body(%arg0: i32, %arg1: memref<2x2000x16xf32, #tpu.memory_space<vmem>>, %arg2: memref<2000x128xf32, #tpu.memory_space<vmem>>, %arg3: memref<16x128xf32, #tpu.memory_space<vmem>>, %arg4: memref<2000x1xf32, #tpu.memory_space<vmem>>) attributes {dimension_semantics = [#tpu.dimension_semantics<arbitrary>], iteration_bounds = array<i64: 5>, scalar_prefetch = 0 : i64, scratch_operands = 0 : i64, tpu.core_type = #tpu.core_type<tc>, window_params = [{transform_indices = @transform_0, window_bounds = array<i64: 2, 2000, 16>}, {transform_indices = @transform_1, window_bounds = array<i64: 2000, 128>}, {pipeline_mode = #tpu.pipeline_mode<synchronous>, transform_indices = @transform_2, window_bounds = array<i64: 16, 128>}, {transform_indices = @transform_3, window_bounds = array<i64: 2000, 1>}]} {
    %get3A = arith.constant 0 : index
    %get3A_0 = arith.constant 0 : index
    %get3A_1 = arith.constant 0 : index
    %get3A_2 = vector.load %arg1[%get3A, %get3A_0, %get3A_1] : memref<2x2000x16xf32, #tpu.memory_space<vmem>>, vector<1x2000x16xf32>
    %get3A_3 = vector.shape_cast %get3A_2 : vector<1x2000x16xf32> to vector<2000x16xf32>
    %get3A_4 = arith.constant 1 : index
    %get3A_5 = arith.constant 0 : index
    %get3A_6 = arith.constant 0 : index
    %get3A_7 = vector.load %arg1[%get3A_4, %get3A_5, %get3A_6] : memref<2x2000x16xf32, #tpu.memory_space<vmem>>, vector<1x2000x16xf32>
    %get3A_8 = vector.shape_cast %get3A_7 : vector<1x2000x16xf32> to vector<2000x16xf32>
    %add3A = arith.addf %get3A_3, %get3A_8 : vector<2000x16xf32>
    %get3A_9 = arith.constant 0 : index
    %get3A_10 = arith.constant 0 : index
    %get3A_11 = vector.load %arg2[%get3A_9, %get3A_10] : memref<2000x128xf32, #tpu.memory_space<vmem>>, vector<2000x128xf32>
    %get3A_12 = arith.constant 0 : index
    %get3A_13 = arith.constant 0 : index
    %get3A_14 = vector.load %arg3[%get3A_12, %get3A_13] : memref<16x128xf32, #tpu.memory_space<vmem>>, vector<16x128xf32>
    %dot_general3A = arith.constant dense<0.000000e+00> : vector<2000x16xf32>
    %dot_general3A_15 = tpu.matmul %get3A_11, %get3A_14, %dot_general3A {dimension_numbers = #tpu.dot_dimension_numbers<[1], [1], [0], [0], [0, 0, 1, 0], [], []>, transpose_lhs_hint = false} : vector<2000x128xf32>, vector<16x128xf32>, vector<2000x16xf32> -> vector<2000x16xf32>
    %mul3A = arith.mulf %add3A, %dot_general3A_15 : vector<2000x16xf32>
    %reduce_sum3A = arith.constant dense<0.000000e+00> : vector<2000xf32>
    %reduce_sum3A_16 = vector.multi_reduction <add>, %mul3A, %reduce_sum3A [1] : vector<2000x16xf32> to vector<2000xf32>
    %broadcast_in_dim3A = vector.shape_cast %reduce_sum3A_16 : vector<2000xf32> to vector<2000x1xf32>
    %mul3A_17 = arith.constant 0.0220970865 : f32
    %mul3A_18 = vector.broadcast %mul3A_17 : f32 to vector<2000x1xf32>
    %mul3A_19 = arith.mulf %broadcast_in_dim3A, %mul3A_18 : vector<2000x1xf32>
    %swap3A = arith.constant 0 : index
    %swap3A_20 = arith.constant 0 : index
    %swap3A_21 = vector.load %arg4[%swap3A, %swap3A_20] : memref<2000x1xf32, #tpu.memory_space<vmem>>, vector<2000x1xf32>
    tpu.vector_store %arg4[%swap3A, %swap3A_20], %mul3A_19 {strides = array<i32>} : memref<2000x1xf32, #tpu.memory_space<vmem>>, vector<2000x1xf32>,
    return
  }
  func.func @transform_0(%arg0: i32) -> (i32, i32, i32) {
    %c0_i32 = arith.constant 0 : i32
    %c0_i32_0 = arith.constant 0 : i32
    %c0_i32_1 = arith.constant 0 : i32
    return %c0_i32, %arg0, %c0_i32_0 : i32, i32, i32
  }
  func.func @transform_1(%arg0: i32) -> (i32, i32) {
    %c0_i32 = arith.constant 0 : i32
    %c0_i32_0 = arith.constant 0 : i32
    return %arg0, %c0_i32 : i32, i32
  }
  func.func @transform_2(%arg0: i32) -> (i32, i32) {
    %c0_i32 = arith.constant 0 : i32
    %c0_i32_0 = arith.constant 0 : i32
    %c0_i32_1 = arith.constant 0 : i32
    return %c0_i32, %c0_i32_0 : i32, i32
  }
  func.func @transform_3(%arg0: i32) -> (i32, i32) {
    %c0_i32 = arith.constant 0 : i32
    %c0_i32_0 = arith.constant 0 : i32
    return %arg0, %c0_i32 : i32, i32
  }
}

</mosaic_0001>

<sc_bundles>
// kernel: kernel.10.cloned.1.call-start
scs
__scs_entry_jumppad:
0x0: {  	(pc) =	sbr.rel $0x88, $3  }
0x1: {  	(tag) =	ssettag $0x0;
	lr =	simm.s32 $0x1  }
0x2: {  	[smem:$0x3F97] =	sst lr;
	_ =	strace $0xD0000000  }
0x3: {  	_ = 	snop  }
0x4: {  	_ = 	snop  }
0x5: {  	_ = 	snop  }
0x6: {  	_ = 	snop  }
0x7: {  	_ = 	snop  }
__scs_overlays_trampoline_lowered:
0x8: {  	[smem:$0x3FA6] =	sst s0  }
0x9: {  	[smem:$0x3FA7] =	sst s1  }
0xa: {  	[smem:$0x3FA8] =	sst s2  }
0xb: {  	[smem:$0x3FA9] =	sst s3  }
0xc: {  	[smem:$0x3FAA] =	sst s4  }
0xd: {  	[smem:$0x3FAB] =	sst s5  }
0xe: {  	[smem:$0x3FAC] =	sst s6  }
0xf: {  	[smem:$0x3FAD] =	sst s7  }
0x10: {  	[smem:$0x3FAE] =	sst s8  }
0x11: {  	[smem:$0x3FAF] =	sst s9;
	s0 =	simm.s32 @!p0 $0x0  }
0x12: {  	s1 =	sld [smem:$0x3F95];
	s0 =	simm.s32 @p0 $0x1  }
0x13: {  	[smem:$0x3FB0] =	sst s0;
	s0 =	simm.s32 @!p1 $0x0  }
0x14: {  	s2 =	sld [smem:$0x3F94];
	s0 =	simm.s32 @p1 $0x1  }
0x15: {  	[smem:$0x3FB1] =	sst s0;
	s0 =	simm.s32 @!p2 $0x0  }
0x16: {  	s3 =	sld [smem:$0x3FDB];
	s0 =	simm.s32 @p2 $0x1  }
0x17: {  	s4 =	simm.s32 $0x1BF5;
	[smem:$0x3FB3] =	sst s0  }
0x18: {  	s0 =	sld [smem:$0x3F96];
	_ =	swait.ge [sflag:s4], $0x0  }
0x19: {  	s7 =	sld [smem:$0x3F97]  }
0x1a: {  	s8 =	sadd.s32 $0xFFFFE003, lr  }
0x1b: {  	s9 =	sadd.s32 $0xFFFFFEF7, lr;
	s5 =	simm.s32 $0xFFFFFFFF;
	p2 =	slt.u32 s8, $0xFFFFF086  }
0x1c: {  	p1 =	slt.u32 s9, $0xF7A;
	s5 =	simm.s32 @!p2 $0x0  }
0x1d: {  	s5 =	simm.s32 @p1 $0x1;
	p0 =	seq.s32 s7, s2  }
0x1e: {  	s7 =	smul.u32 @!p0 $0xF7A, s2;
	p2 =	seq.s32 @!p0 s5, $0x0  }
0x1f: {  	s9 =	smul.u32 $0xF7A, s1;
	s8 =	simm.s32 @!p0 $0x1BF5;
	p2 =	por !p2, p0  }
0x20: {  	[sflag:s8] =	ssyncset.s32 @!p0 $0xFFFFF086;
	s6 =	sadd.s32 @!p0 s3, s7;
	s7 =	simm.s32 @!p0 $0x108  }
0x21: {  	s3 =	sadd.s32 s3, s9;
	s6 =	sadd.s32 @!p0 $0x88, s6;
	s7 =	simm.s32 @p2 $0x1082  }
0x22: {  	[simem:s7], [sflag:s8] =	dma.local @!p0 [hbm:s6], $0xF7A  }
0x23: {  	s9 =	sor.u32 $0xD0000000, s2;
	s6 =	simm.s32 $0x108;
	_ =	swait.ge @!p0 [sflag:s8], $0x0  }
0x24: {  	s3 =	sadd.s32 $0x88, s3;
	s6 =	simm.s32 @!p1 $0x1082;
	[sflag:s4] =	ssyncset.s32 $0xFFFFF086  }
0x25: {  	[simem:s6], [sflag:s4] =	dma.local [hbm:s3], $0xF7A  }
0x26: {  	[smem:$0x3F97] =	sst s1;
	(tag) =	ssettag s2;
	_ =	strace s9  }
0x27: {  	s1 =	sld [smem:$0x3FA7]  }
0x28: {  	s2 =	sld [smem:$0x3FA8]  }
0x29: {  	s4 =	sld [smem:$0x3FAA]  }
0x2a: {  	p0 =	seq.s32 s5, $0x0;
	s5 =	sld [smem:$0x3FAB]  }
0x2b: {  	s6 =	sld [smem:$0x3FAC]  }
0x2c: {  	s7 =	sld [smem:$0x3FAD]  }
0x2d: {  	s3 =	simm.s32 $0x108;
	s8 =	sld [smem:$0x3FAE]  }
0x2e: {  	s3 =	simm.s32 @!p0 $0x1082;
	s9 =	sld [smem:$0x3FAF]  }
0x2f: {  	lr =	sadd.s32 s0, s3;
	s0 =	sld [smem:$0x3FA6]  }
0x30: {  	s3 =	sld [smem:$0x3FA9]  }
0x31: {  	[smem:$0x3FB2] =	sst s10  }
0x32: {  	s10 =	sld [smem:$0x3FB0];
	_ =	sdelay $0x3  }
0x33: {  	p0 =	seq.s32 s10, $0x1;
	s10 =	sld [smem:$0x3FB2];
	_ =	sdelay $0x3  }
0x34: {  	[smem:$0x3FB2] =	sst s10  }
0x35: {  	s10 =	sld [smem:$0x3FB1];
	_ =	sdelay $0x3  }
0x36: {  	p1 =	seq.s32 s10, $0x1;
	s10 =	sld [smem:$0x3FB2];
	_ =	sdelay $0x3  }
0x37: {  	[smem:$0x3FB2] =	sst s10  }
0x38: {  	s10 =	sld [smem:$0x3FB3]  }
0x39: {  	_ = 	snop;
	(pc) =	sbr.ind lr, $3  }
0x3a: {  	_ = 	snop  }
0x3b: {  	_ = 	snop  }
0x3c: {  	p2 =	seq.s32 s10, $0x1;
	s10 =	sld [smem:$0x3FB2]  }
0x3d: {  	_ =	shalt  }
0x3e: {  	_ =	shalt  }
0x3f: {  	_ =	shalt  }
0x40: {  	_ =	shalt  }
0x41: {  	_ =	shalt  }
0x42: {  	_ =	shalt  }
0x43: {  	_ =	shalt  }
0x44: {  	_ =	shalt  }
0x45: {  	_ =	shalt  }
0x46: {  	_ =	shalt  }
0x47: {  	_ =	shalt  }
0x48: {  	_ =	shalt  }
0x49: {  	_ =	shalt  }
0x4a: {  	_ =	shalt  }
0x4b: {  	_ =	shalt  }
0x4c: {  	_ =	shalt  }
0x4d: {  	_ =	shalt  }
0x4e: {  	_ =	shalt  }
0x4f: {  	_ =	shalt  }
0x50: {  	_ =	shalt  }
0x51: {  	_ =	shalt  }
0x52: {  	_ =	shalt  }
0x53: {  	_ =	shalt  }
0x54: {  	_ =	shalt  }
0x55: {  	_ =	shalt  }
0x56: {  	_ =	shalt  }
0x57: {  	_ =	shalt  }
0x58: {  	_ =	shalt  }
0x59: {  	_ =	shalt  }
0x5a: {  	_ =	shalt  }
0x5b: {  	_ =	shalt  }
0x5c: {  	_ =	shalt  }
0x5d: {  	_ =	shalt  }
0x5e: {  	_ =	shalt  }
0x5f: {  	_ =	shalt  }
0x60: {  	_ =	shalt  }
0x61: {  	_ =	shalt  }
0x62: {  	_ =	shalt  }
0x63: {  	_ =	shalt  }
0x64: {  	_ =	shalt  }
0x65: {  	_ =	shalt  }
0x66: {  	_ =	shalt  }
0x67: {  	_ =	shalt  }
0x68: {  	_ =	shalt  }
0x69: {  	_ =	shalt  }
0x6a: {  	_ =	shalt  }
0x6b: {  	_ =	shalt  }
0x6c: {  	_ =	shalt  }
0x6d: {  	_ =	shalt  }
0x6e: {  	_ =	shalt  }
0x6f: {  	_ =	shalt  }
0x70: {  	_ =	shalt  }
0x71: {  	_ =	shalt  }
0x72: {  	_ =	shalt  }
0x73: {  	_ =	shalt  }
0x74: {  	_ =	shalt  }
0x75: {  	_ =	shalt  }
0x76: {  	_ =	shalt  }
0x77: {  	_ =	shalt  }
0x78: {  	_ =	shalt  }
0x79: {  	_ =	shalt  }
0x7a: {  	_ =	shalt  }
0x7b: {  	_ =	shalt  }
0x7c: {  	_ =	shalt  }
0x7d: {  	_ =	shalt  }
0x7e: {  	_ =	shalt  }
0x7f: {  	_ =	shalt  }
0x80: {  	_ =	shalt  }
0x81: {  	_ =	shalt  }
0x82: {  	_ =	shalt  }
0x83: {  	_ =	shalt  }
0x84: {  	_ =	shalt  }
0x85: {  	_ =	shalt  }
0x86: {  	_ =	shalt  }
0x87: {  	_ =	shalt  }
.Lfunc_end0:
.L_simem_size_0:
called_computation.1_lowered:
.L_overlay_start_0:
0x88: {  	s2 =	sld [smem:$0x3FD9]  }
0x89: {  	s3 =	sld [smem:$0x3FFE];
	_ =	sdelay $0x1  }
0x8a: {  	s1 =	srdreg.scid  }
0x8b: {  	s0 =	sand.u32 $0x1, s1  }
0x8c: {  	s16 =	sshll.u32 s0, $0xA;
	s2 =	sadd.s32 s3, s2  }
0x8d: {  	s2 =	sadd.s32 s2, s16  }
0x8e: {  	[smem:$0x3FBE] =	sst s2  }
0x8f: {  	_ = 	snop  }
0x90: {  	(tm) =	ssettm $0x1  }
0x91: {  	s17 =	sld [smem:$0x3FFB];
	_ =	sdelay $0x3  }
0x92: {  	_ =	strace s17  }
0x93: {  	s2 =	sld [smem:$0x3FFC];
	_ =	sdelay $0x3  }
0x94: {  	_ =	strace s2  }
0x95: {  	s2 =	sld [smem:$0x3FFD];
	_ =	sdelay $0x3  }
0x96: {  	_ =	strace s2  }
0x97: {  	_ =	strace $0x8FFFFFFF  }
0x98: {  	s18 =	sld [smem:$0x3FDB];
	_ =	sdelay $0x1  }
0x99: {  	s19 =	simm.s32 $_scs_section_size  }
0x9a: {  	s4 =	simm.s32 $_size__tile_overlayer_lowered;
	s5 =	simm.s32 $_tile_overlayer_lowered  }
0x9b: {  	s22 =	simm.s32 $0x1BFF;
	s21 =	sshll.u32 s5, $0x1;
	s2 =	sadd.s32 s19, s18  }
0x9c: {  	s6 =	simm.s32 $0x0;
	s20 =	sshll.u32 s4, $0x1;
	s4 =	sadd.s32 s21, s2  }
0x9d: {  	[timem:s6], [sflag:s22] =	dma.local [hbm:s4], s20  }
0x9e: {  	_ =	swait.ge [sflag:s22], s20  }
0x9f: {  	s3 =	ssub.s32 $0x0, s20;
	[sflag:s22] =	ssyncset.done $0x0  }
0xa0: {  	[sflag:s22] =	ssyncadd.s32 s3;
	_ =	sdelay $0x1  }
0xa1: {  	s23 =	simm.s32 $0x1B8B  }
0xa2: {  	_ =	swait.ge [sflag:s23], $0x1  }
0xa3: {  	[sflag:s23] =	ssyncset.done $0x0  }
0xa4: {  	s25 =	simm.s32 $0x1B8E;
	s24 =	sld [smem:$0x3FFE];
	[sflag:s23] =	ssyncadd.s32 $0xFFFFFFFF  }
0xa5: {  	s26 =	simm.s32 $execute0_lowered;
	[smem:$0x3FD2] =	sst s25  }
0xa6: {  	s4 =	sshll.u32 s26, $0x1;
	_ =	strace $0x80000046;
	[dreg:$0x1] =	wrdreg $0xFFFFFFFF  }
0xa7: {  	s28 =	simm.s32 $_size_execute0_lowered;
	s2 =	sadd.s32 s2, s4;
	[dreg:$0x0] =	wrdreg $0x0  }
0xa8: {  	s4 =	sshll.u32 s28, $0x1;
	[dreg:$0x2] =	wrdreg s2  }
0xa9: {  	[dreg:$0x3] =	wrdreg s4  }
0xaa: {  	[dreg:$0x4] =	wrdreg $0xC0  }
0xab: {  	_ =	task [dreg:s6], $0x5FFFF  }
0xac: {  	[dreg:$0x1] =	wrdreg $0xFFFFFFFF  }
0xad: {  	[dreg:$0x0] =	wrdreg $0x60  }
0xae: {  	[dreg:$0x2] =	wrdreg s24  }
0xaf: {  	[dreg:$0x3] =	wrdreg $0x110000  }
0xb0: {  	[dreg:$0x4] =	wrdreg $0x138000  }
0xb1: {  	[dreg:$0x5] =	wrdreg $0xA  }
0xb2: {  	_ =	task.clear_ibuf [dreg:s6], $0x6FFFF;
	_ =	strace $0x90000046  }
0xb3: {  	s29 =	simm.s32 $0xA;
	_ =	strace $0x80000048  }
0xb4: {  	_ =	swait.ge [sflag:s29], $0x1  }
0xb5: {  	[sflag:s29] =	ssyncadd.s32 $0xFFFFFFFF  }
0xb6: {  	_ =	strace $0x90000048  }
0xb7: {  	_ =	sfence  }
0xb8: {  	s30 =	sld [smem:$0x0];
	_ =	sdelay $0x2  }
0xb9: {  	s31 =	sshll.u32 s1, $0xD;
	s1 =	sshrl.u32 s1, $0x2  }
0xba: {  	s3 =	sand.u32 $0x4000, s31;
	s1 =	sadd.s32 s1, s30  }
0xbb: {  	s0 =	sor.u32 s3, s0;
	s1 =	sshll.u32 s1, $0x11  }
0xbc: {  	s0 =	sor.u32 s1, s0  }
0xbd: {  	s0 =	sadd.s32 $0x8F2B, s0  }
0xbe: {  	[sflag:s0] =	ssyncadd.remote.s32 $0x1  }
0xbf: {  	_ =	sfence.sel $0xFFFF  }
0xc0: {  	[dreg:$0x0] =	wrdreg $0xFFFFFFFF;
	(pc) =	sbr.abs _section_cstart, $3  }
0xc1: {  	[dreg:$0x1] =	wrdreg $0xFFFFFFFF  }
0xc2: {  	_ =	task.clear_ibuf [dreg:s6], $0x2FFFF;
	_ =	strace $0x9FFFFFFF  }
0xc3: {  	(tm) =	ssettm $0x7FFFFFFF  }
tec
execute0_lowered:
.L_overlay_start_1:
0x0: {  	(tag) =	ssettag $0x1  }
0x1: {  	s0 =	srdreg.scid  }
0x2: {  	s1 =	rddreg [dreg:$0x0];
	s5 =	stileid.u32  }
0x3: {  	s2 =	rddreg [dreg:$0x1];
	s10 =	simm.s32 $0x0;
	s13 =	simm.s32 $0xE800  }
0x4: {  	s17 =	simm.s32 $0x5;
	s20 =	simm.s32 $0x80;
	s18 =	simm.s32 $0x9800  }
0x5: {  	s21 =	simm.s32 $0xA000;
	s22 =	simm.s32 $0x1;
	s29 =	simm.s32 $0xC000  }
0x6: {  	s31 =	simm.s32 $0x2;
	s19 =	simm.s32 $0xC800;
	s0 =	sand.u32 $0x1, s0  }
0x7: {  	s7 =	smul.u32 $0x2800, s5;
	[smem:$0x7FF] =	sst s10;
	s3 =	sshll.u32 s0, $0x4  }
0x8: {  	s8 =	smul.u32 $0x28000, s0;
	s0 =	ssub.s32 $0x2, s0;
	s4 =	sor.u32 s5, s3  }
0x9: {  	s3 =	rddreg [dreg:$0x2];
	_ =	strace $0x80000047;
	s5 =	sadd.s32 $0x11200, s1  }
0xa: {  	s9 =	sshrl.u32 s7, $0x3;
	s23 =	sshrl.u32 s0, $0x1;
	s26 =	sadd.s32 s7, s2  }
0xb: {  	s6 =	smul.u32 $0x280, s4;
	s8 =	sadd.s32 s7, s8;
	s9 =	sadd.s32 s9, s1  }
0xc: {  	s0 =	ssub.s32 s0, s23;
	s25 =	smul.u32 $0x2800, s4;
	[dreg:$0x5] =	wrdreg s26  }
0xd: {  	s12 =	sadd.s32 s7, s3;
	s11 =	smul.u32 $0xA, s4;
	s23 =	simm.s32 $0x3  }
0xe: {  	s26 =	simm.s32 $0xB800;
	s7 =	simm.s32 $0xD800;
	s8 =	sshrl.u32 s8, $0x3  }
0xf: {  	s24 =	sadd.s32 $0xC200, s9;
	s0 =	smax.u32 s0, $0x1;
	[dreg:$0x6] =	wrdreg s12  }
0x10: {  	s9 =	simm.s32 $0xE000;
	s6 =	sadd.s32 s6, s1;
	[dreg:$0x4] =	wrdreg s24  }
0x11: {  	s1 =	sadd.s32 s8, s1;
	s30 =	sadd.s32 s5, s25;
	[dreg:$0xc] =	wrdreg s0  }
.Ltmp0:
0x12: {  	s28 =	sadd.s32 $0x7200, s6;
	[dreg:$0x9] =	wrdreg s30;
	(pc) =	sbr.rel .LBB2_1-.Ltmp0, $4  }
0x13: {  	s24 =	simm.s32 $0xA800;
	s6 =	sadd.s32 $0x2200, s6;
	[dreg:$0x7] =	wrdreg s28  }
0x14: {  	s25 =	simm.s32 $0xB000;
	s4 =	sadd.s32 $0x400, s30;
	[dreg:$0x8] =	wrdreg s6  }
0x15: {  	s0 =	simm.s32 $0x4;
	s1 =	sadd.s32 $0x61200, s1;
	[dreg:$0xa] =	wrdreg s4  }
0x16: {  	v0 =	vimm.f32 $0.0e+00;
	[dreg:$0xb] =	wrdreg s1;
	s6 =	simm.s32 $0xD000;
	s4 =	simm.s32 $0x0  }
.LBB2_10:
0x17: {  	[bflag:$0x0] =	sbarrier.arrive $0xFFFF  }
0x18: {  	s13 =	simm.s32 $0xE800;
	s12 =	rddreg [dreg:$0x6]  }
0x19: {  	[tilespmem:s13], [sflag:$0x5] =	stream.linear.gather [spmem:s12], $0x2800, $0x38;
	[tilespmem:$0x16000] =	vst v63  }
0x1a: {  	_ =	swait.ge [sflag:s17], $0x2800  }
0x1b: {  	[sflag:s17] =	ssyncset.done $0x0  }
0x1c: {  	s10 =	simm.s32 $0x0;
	s1 =	rddreg [dreg:$0xb];
	[sflag:s17] =	ssyncadd.s32 $0xFFFFD800  }
0x1d: {  	[hbm4b:s1+s10] =	stream.linear.scatter [tilespmem:s13], [sflag:$0x5], $0x2800, $0x38;
	[tilespmem:$0x16000] =	vst v63  }
0x1e: {  	_ =	swait.ge [sflag:s17], $0x2800  }
0x1f: {  	s4 =	rddreg [dreg:$0xd]  }
0x20: {  	s30 =	rddreg [dreg:$0xc];
	s4 =	sadd.s32 $0x1, s4  }
0x21: {  	p0 =	sne.s32 s4, s30  }
.Ltmp1:
0x22: {  	_ = 	snop;
	(pc) =	sbr.rel @!p0 .LBB2_11-.Ltmp1, $3  }
0x23: {  	_ =	sdelay $0x1  }
0x24: {  	[sflag:s17] =	ssyncset.done $0x0  }
0x25: {  	[sflag:s17] =	ssyncadd.s32 $0xFFFFD800  }
.LBB2_1:
0x26: {  	[dreg:$0xd] =	wrdreg s4  }
0x27: {  	s1 =	rddreg [dreg:$0x4]  }
0x28: {  	[tilespmem:s13], [sflag:$0x5] =	stream.linear.gather [hbm4b:s1+s10], $0x2800, $0x38;
	[tilespmem:$0x16000] =	vst v63  }
0x29: {  	_ =	swait.ge [sflag:s17], $0x2800  }
0x2a: {  	[sflag:s17] =	ssyncset.done $0x0  }
0x2b: {  	s30 =	rddreg [dreg:$0x5];
	[sflag:s17] =	ssyncadd.s32 $0xFFFFD800  }
0x2c: {  	[spmem:s30] =	stream.linear.scatter [tilespmem:s13], [sflag:$0x5], $0x2800, $0x38;
	[tilespmem:$0x16000] =	vst v63  }
0x2d: {  	_ =	swait.ge [sflag:s17], $0x2800  }
0x2e: {  	[sflag:s17] =	ssyncset.done $0x0  }
0x2f: {  	s4 =	simm.s32 $0x40;
	s8 =	simm.s32 $0x0;
	[sflag:s17] =	ssyncadd.s32 $0xFFFFD800  }
.LBB2_2:
0x30: {  	p0 =	sne.s32 s4, $0x9FC0;
	[tilespmem:s8+$0xE800] =	vst v0;
	s8 =	smov.u32 s4;
	s4 =	sadd.s32 $0x40, s4  }
.Ltmp2:
0x31: {  	(pc) =	sbr.rel @p0 .LBB2_2-.Ltmp2, $2  }
0x32: {  	_ =	sdelay $0x2  }
0x33: {  	s8 =	sshra.s32 s8, $0x2  }
0x34: {  	[tilespmem:s8+$0xE800] =	vst v0  }
0x35: {  	[spmem:s12] =	stream.linear.scatter [tilespmem:s13], [sflag:$0x5], $0x2800, $0x38;
	[tilespmem:$0x16000] =	vst v63  }
0x36: {  	_ =	swait.ge [sflag:s17], $0x2800  }
0x37: {  	[sflag:s17] =	ssyncset.done $0x0  }
0x38: {  	s13 =	simm.s32 $0x0;
	s4 =	rddreg [dreg:$0x7];
	[sflag:s17] =	ssyncadd.s32 $0xFFFFD800  }
0x39: {  	[tilespmem:s13], [sflag:$0x5] =	stream.linear.gather [hbm4b:s4+s13], $0x1400, $0x38;
	[tilespmem:$0x16000] =	vst v63  }
0x3a: {  	_ =	swait.ge [sflag:s17], $0x1400  }
0x3b: {  	[sflag:s17] =	ssyncset.done $0x0  }
0x3c: {  	s30 =	simm.s32 $0x1400;
	s28 =	rddreg [dreg:$0x8];
	[sflag:s17] =	ssyncadd.s32 $0xFFFFEC00  }
0x3d: {  	[tilespmem:s30], [sflag:$0x5] =	stream.linear.gather [hbm4b:s28+s13], $0x1400, $0x38;
	[tilespmem:$0x16000] =	vst v63  }
0x3e: {  	_ =	swait.ge [sflag:s17], $0x1400  }
0x3f: {  	[sflag:s17] =	ssyncset.done $0x0  }
0x40: {  	[sflag:s17] =	ssyncadd.s32 $0xFFFFEC00  }
0x41: {  	[bflag:$0x0] =	sbarrier.arrive $0xFFFF  }
0x42: {  	s10 =	simm.s32 $0x2800;
	s8 =	rddreg [dreg:$0x9]  }
0x43: {  	[tilespmem:s10], [sflag:$0x1] =	stream.linear.gather [hbm4b:s8+s13], $0x2000, $0x38;
	[tilespmem:$0x16000] =	vst v63  }
0x44: {  	s12 =	simm.s32 $0x6800  }
0x45: {  	[tilespmem:s12], [sflag:$0x3] =	stream.indirect.gather [spmem:s2], $0x10, s13, s20, $0xb8;
	[tilespmem:$0x16000] =	vst v63  }
0x46: {  	s14 =	simm.s32 $0x7000  }
0x47: {  	[tilespmem:s14], [sflag:$0x3] =	stream.indirect.gather [spmem:s2], $0x10, s20, s20, $0xb8;
	[tilespmem:$0x16000] =	vst v63  }
0x48: {  	s15 =	simm.s32 $0x100;
	s16 =	simm.s32 $0x7800  }
0x49: {  	[tilespmem:s16], [sflag:$0x3] =	stream.indirect.gather [spmem:s2], $0x10, s15, s20, $0xb8;
	[tilespmem:$0x16000] =	vst v63  }
0x4a: {  	s28 =	simm.s32 $0x180;
	s30 =	simm.s32 $0x8000  }
0x4b: {  	[tilespmem:s30], [sflag:$0x3] =	stream.indirect.gather [spmem:s2], $0x10, s28, s20, $0xb8;
	[tilespmem:$0x16000] =	vst v63  }
0x4c: {  	s8 =	rddreg [dreg:$0xa];
	s10 =	simm.s32 $0x4800  }
0x4d: {  	[tilespmem:s10], [sflag:$0x2] =	stream.linear.gather [hbm4b:s8+s13], $0x2000, $0x38;
	[tilespmem:$0x16000] =	vst v63  }
0x4e: {  	s12 =	simm.s32 $0x200;
	s14 =	simm.s32 $0x8800  }
0x4f: {  	[tilespmem:s14], [sflag:$0x4] =	stream.indirect.gather [spmem:s2], $0x10, s12, s20, $0xb8;
	[tilespmem:$0x16000] =	vst v63  }
0x50: {  	s15 =	simm.s32 $0x280;
	s16 =	simm.s32 $0x9000  }
0x51: {  	[tilespmem:s16], [sflag:$0x4] =	stream.indirect.gather [spmem:s2], $0x10, s15, s20, $0xb8;
	[tilespmem:$0x16000] =	vst v63  }
0x52: {  	s28 =	simm.s32 $0x300  }
0x53: {  	[tilespmem:s18], [sflag:$0x4] =	stream.indirect.gather [spmem:s2], $0x10, s28, s20, $0xb8;
	[tilespmem:$0x16000] =	vst v63  }
0x54: {  	s1 =	simm.s32 $0x0;
	s30 =	simm.s32 $0x380  }
0x55: {  	[tilespmem:s21], [sflag:$0x4] =	stream.indirect.gather [spmem:s2], $0x10, s30, s20, $0xb8;
	[tilespmem:$0x16000] =	vst v63  }
.LBB2_4:
0x56: {  	_ =	swait.ge [sflag:s22], $0x2000  }
0x57: {  	[sflag:s22] =	ssyncset.done $0x0  }
0x58: {  	[sflag:s22] =	ssyncadd.s32 $0xFFFFE000  }
0x59: {  	_ =	swait.ge [sflag:s23], $0x800  }
0x5a: {  	[sflag:s23] =	ssyncset.done $0x0  }
0x5b: {  	[sflag:s23] =	ssyncadd.s32 $0xFFFFF800  }
0x5c: {  	_ =	swait.ge [sflag:s23], $0x800  }
0x5d: {  	[sflag:s23] =	ssyncset.done $0x0  }
0x5e: {  	[sflag:s23] =	ssyncadd.s32 $0xFFFFF800  }
0x5f: {  	_ =	swait.ge [sflag:s23], $0x800  }
0x60: {  	[sflag:s23] =	ssyncset.done $0x0  }
0x61: {  	[sflag:s23] =	ssyncadd.s32 $0xFFFFF800  }
0x62: {  	_ =	swait.ge [sflag:s23], $0x800  }
0x63: {  	[sflag:s23] =	ssyncset.done $0x0  }
0x64: {  	s14 =	simm.s32 $0x2880;
	[sflag:s23] =	ssyncadd.s32 $0xFFFFF800  }
0x65: {  	s12 =	simm.s32 $0x7800;
	v1 =	vld [tilespmem:s14+$0xFFFFFF80]  }
0x66: {  	v2 =	vld [tilespmem:s12+$0xFFFFF000];
	_ =	sdelay $0x4  }
0x67: {  	v1 =	vmul.f32 v2, v1  }
0x68: {  	s8 =	simm.s32 $0xB800  }
0x69: {  	[tilespmem:s8+$0xFFFFF000] =	vst v1  }
0x6a: {  	v1 =	vld [tilespmem:s12+$0xFFFFF400]  }
0x6b: {  	v2 =	vld [tilespmem:s14+$0xFFFFFF90];
	_ =	sdelay $0x4  }
0x6c: {  	v1 =	vmul.f32 v1, v2;
	_ =	sdelay $0x1  }
0x6d: {  	[tilespmem:s8+$0xFFFFF400] =	vst v1  }
0x6e: {  	v1 =	vld [tilespmem:s14+$0xFFFFFFA0]  }
0x6f: {  	v2 =	vld [tilespmem:s12+$0xFFFFF800];
	_ =	sdelay $0x4  }
0x70: {  	v1 =	vmul.f32 v2, v1;
	_ =	sdelay $0x1  }
0x71: {  	[tilespmem:s8+$0xFFFFF800] =	vst v1  }
0x72: {  	v1 =	vld [tilespmem:s14+$0xFFFFFFB0]  }
0x73: {  	v2 =	vld [tilespmem:s12+$0xFFFFFC00];
	_ =	sdelay $0x4  }
0x74: {  	v1 =	vmul.f32 v2, v1;
	_ =	sdelay $0x1  }
0x75: {  	[tilespmem:s8+$0xFFFFFC00] =	vst v1  }
0x76: {  	v1 =	vld [tilespmem:s14+$0xFFFFFFC0]  }
0x77: {  	v2 =	vld [tilespmem:s12+$0x0];
	_ =	sdelay $0x4  }
0x78: {  	v1 =	vmul.f32 v2, v1;
	_ =	sdelay $0x1  }
0x79: {  	[tilespmem:s8+$0x0] =	vst v1  }
0x7a: {  	v1 =	vld [tilespmem:s14+$0xFFFFFFD0]  }
0x7b: {  	v2 =	vld [tilespmem:s12+$0x400];
	_ =	sdelay $0x4  }
0x7c: {  	v1 =	vmul.f32 v2, v1;
	_ =	sdelay $0x1  }
0x7d: {  	[tilespmem:s8+$0x400] =	vst v1  }
0x7e: {  	v1 =	vld [tilespmem:s14+$0xFFFFFFE0]  }
0x7f: {  	v2 =	vld [tilespmem:s12+$0x800];
	_ =	sdelay $0x4  }
0x80: {  	v1 =	vmul.f32 v2, v1;
	_ =	sdelay $0x1  }
0x81: {  	[tilespmem:s8+$0x800] =	vst v1  }
0x82: {  	v1 =	vld [tilespmem:s14+$0xFFFFFFF0]  }
0x83: {  	v2 =	vld [tilespmem:s12+$0xC00];
	_ =	sdelay $0x4  }
0x84: {  	v1 =	vmul.f32 v2, v1;
	_ =	sdelay $0x1  }
0x85: {  	[tilespmem:s8+$0xC00] =	vst v1  }
0x86: {  	v1 =	vld [tilespmem:s14+$0x0]  }
0x87: {  	v2 =	vld [tilespmem:s12+$0xFFFFF010];
	_ =	sdelay $0x4  }
0x88: {  	v1 =	vmul.f32 v2, v1;
	_ =	sdelay $0x1  }
0x89: {  	[tilespmem:s8+$0xFFFFF010] =	vst v1  }
0x8a: {  	v1 =	vld [tilespmem:s14+$0x10]  }
0x8b: {  	v2 =	vld [tilespmem:s12+$0xFFFFF410];
	_ =	sdelay $0x4  }
0x8c: {  	v1 =	vmul.f32 v2, v1;
	_ =	sdelay $0x1  }
0x8d: {  	[tilespmem:s8+$0xFFFFF410] =	vst v1  }
0x8e: {  	v1 =	vld [tilespmem:s14+$0x20]  }
0x8f: {  	v2 =	vld [tilespmem:s12+$0xFFFFF810];
	_ =	sdelay $0x4  }
0x90: {  	v1 =	vmul.f32 v2, v1;
	_ =	sdelay $0x1  }
0x91: {  	[tilespmem:s8+$0xFFFFF810] =	vst v1  }
0x92: {  	v1 =	vld [tilespmem:s14+$0x30]  }
0x93: {  	v2 =	vld [tilespmem:s12+$0xFFFFFC10];
	_ =	sdelay $0x4  }
0x94: {  	v1 =	vmul.f32 v2, v1;
	_ =	sdelay $0x1  }
0x95: {  	[tilespmem:s8+$0xFFFFFC10] =	vst v1  }
0x96: {  	v1 =	vld [tilespmem:s14+$0x40]  }
0x97: {  	v2 =	vld [tilespmem:s12+$0x10];
	_ =	sdelay $0x4  }
0x98: {  	v1 =	vmul.f32 v2, v1;
	_ =	sdelay $0x1  }
0x99: {  	[tilespmem:s8+$0x10] =	vst v1  }
0x9a: {  	v1 =	vld [tilespmem:s14+$0x50]  }
0x9b: {  	v2 =	vld [tilespmem:s12+$0x410];
	_ =	sdelay $0x4  }
0x9c: {  	v1 =	vmul.f32 v2, v1;
	_ =	sdelay $0x1  }
0x9d: {  	[tilespmem:s8+$0x410] =	vst v1  }
0x9e: {  	s10 =	simm.s32 $0x0;
	v1 =	vld [tilespmem:s14+$0x60]  }
0x9f: {  	s16 =	simm.s32 $0x2980;
	s15 =	simm.s32 $0xB800;
	s4 =	simm.s32 $0x7800;
	v2 =	vld [tilespmem:s12+$0x810]  }
.LBB2_5:
0xa0: {  	s10 =	sadd.s32 $0x2, s10;
	s8 =	sadd.s32 $0x20, s8;
	s12 =	sadd.s32 $0x20, s12  }
0xa1: {  	p0 =	slt.u32 s10, $0x3E;
	_ =	sdelay $0x2  }
0xa2: {  	v1 =	vmul.f32 v2, v1;
	_ =	sdelay $0x1  }
0xa3: {  	[tilespmem:s15+$0x810] =	vst v1  }
0xa4: {  	v1 =	vld [tilespmem:s14+$0x70];
	s14 =	smov.u32 s16  }
0xa5: {  	v2 =	vld [tilespmem:s4+$0xC10];
	s4 =	smov.u32 s12;
	_ =	sdelay $0x4  }
0xa6: {  	v1 =	vmul.f32 v2, v1;
	_ =	sdelay $0x1  }
0xa7: {  	[tilespmem:s15+$0xC10] =	vst v1;
	s15 =	smov.u32 s8  }
0xa8: {  	v1 =	vld [tilespmem:s16+$0xFFFFFF80]  }
0xa9: {  	v2 =	vld [tilespmem:s12+$0xFFFFF000];
	_ =	sdelay $0x4  }
0xaa: {  	v1 =	vmul.f32 v2, v1;
	_ =	sdelay $0x1  }
0xab: {  	[tilespmem:s8+$0xFFFFF000] =	vst v1  }
0xac: {  	v1 =	vld [tilespmem:s12+$0xFFFFF400]  }
0xad: {  	v2 =	vld [tilespmem:s16+$0xFFFFFF90];
	_ =	sdelay $0x4  }
0xae: {  	v1 =	vmul.f32 v1, v2;
	_ =	sdelay $0x1  }
0xaf: {  	[tilespmem:s8+$0xFFFFF400] =	vst v1  }
0xb0: {  	v1 =	vld [tilespmem:s16+$0xFFFFFFA0]  }
0xb1: {  	v2 =	vld [tilespmem:s12+$0xFFFFF800];
	_ =	sdelay $0x4  }
0xb2: {  	v1 =	vmul.f32 v2, v1;
	_ =	sdelay $0x1  }
0xb3: {  	[tilespmem:s8+$0xFFFFF800] =	vst v1  }
0xb4: {  	v1 =	vld [tilespmem:s16+$0xFFFFFFB0]  }
0xb5: {  	v2 =	vld [tilespmem:s12+$0xFFFFFC00];
	_ =	sdelay $0x4  }
0xb6: {  	v1 =	vmul.f32 v2, v1;
	_ =	sdelay $0x1  }
0xb7: {  	[tilespmem:s8+$0xFFFFFC00] =	vst v1  }
0xb8: {  	v1 =	vld [tilespmem:s16+$0xFFFFFFC0]  }
0xb9: {  	v2 =	vld [tilespmem:s12+$0x0];
	_ =	sdelay $0x4  }
0xba: {  	v1 =	vmul.f32 v2, v1;
	_ =	sdelay $0x1  }
0xbb: {  	[tilespmem:s8+$0x0] =	vst v1  }
0xbc: {  	v1 =	vld [tilespmem:s16+$0xFFFFFFD0]  }
0xbd: {  	v2 =	vld [tilespmem:s12+$0x400];
	_ =	sdelay $0x4  }
0xbe: {  	v1 =	vmul.f32 v2, v1;
	_ =	sdelay $0x1  }
0xbf: {  	[tilespmem:s8+$0x400] =	vst v1  }
0xc0: {  	v1 =	vld [tilespmem:s16+$0xFFFFFFE0]  }
0xc1: {  	v2 =	vld [tilespmem:s12+$0x800];
	_ =	sdelay $0x4  }
0xc2: {  	v1 =	vmul.f32 v2, v1;
	_ =	sdelay $0x1  }
0xc3: {  	[tilespmem:s8+$0x800] =	vst v1  }
0xc4: {  	v1 =	vld [tilespmem:s16+$0xFFFFFFF0]  }
0xc5: {  	v2 =	vld [tilespmem:s12+$0xC00];
	_ =	sdelay $0x4  }
0xc6: {  	v1 =	vmul.f32 v2, v1;
	_ =	sdelay $0x1  }
0xc7: {  	[tilespmem:s8+$0xC00] =	vst v1  }
0xc8: {  	v1 =	vld [tilespmem:s16+$0x0]  }
0xc9: {  	v2 =	vld [tilespmem:s12+$0xFFFFF010];
	_ =	sdelay $0x4  }
0xca: {  	v1 =	vmul.f32 v2, v1;
	_ =	sdelay $0x1  }
0xcb: {  	[tilespmem:s8+$0xFFFFF010] =	vst v1  }
0xcc: {  	v1 =	vld [tilespmem:s16+$0x10]  }
0xcd: {  	v2 =	vld [tilespmem:s12+$0xFFFFF410];
	_ =	sdelay $0x4  }
0xce: {  	v1 =	vmul.f32 v2, v1;
	_ =	sdelay $0x1  }
0xcf: {  	[tilespmem:s8+$0xFFFFF410] =	vst v1  }
0xd0: {  	v1 =	vld [tilespmem:s16+$0x20]  }
0xd1: {  	v2 =	vld [tilespmem:s12+$0xFFFFF810];
	_ =	sdelay $0x4  }
0xd2: {  	v1 =	vmul.f32 v2, v1;
	_ =	sdelay $0x1  }
0xd3: {  	[tilespmem:s8+$0xFFFFF810] =	vst v1  }
0xd4: {  	v1 =	vld [tilespmem:s16+$0x30]  }
0xd5: {  	v2 =	vld [tilespmem:s12+$0xFFFFFC10];
	_ =	sdelay $0x4  }
0xd6: {  	v1 =	vmul.f32 v2, v1;
	_ =	sdelay $0x1  }
0xd7: {  	[tilespmem:s8+$0xFFFFFC10] =	vst v1  }
0xd8: {  	v1 =	vld [tilespmem:s16+$0x40]  }
0xd9: {  	v2 =	vld [tilespmem:s12+$0x10];
	_ =	sdelay $0x4  }
0xda: {  	v1 =	vmul.f32 v2, v1;
	_ =	sdelay $0x1  }
0xdb: {  	[tilespmem:s8+$0x10] =	vst v1  }
0xdc: {  	v1 =	vld [tilespmem:s16+$0x50]  }
0xdd: {  	v2 =	vld [tilespmem:s12+$0x410];
	_ =	sdelay $0x4  }
.Ltmp3:
0xde: {  	v1 =	vmul.f32 v2, v1;
	(pc) =	sbr.rel @p0 .LBB2_5-.Ltmp3, $4  }
0xdf: {  	_ = 	snop  }
0xe0: {  	[tilespmem:s8+$0x410] =	vst v1  }
0xe1: {  	v1 =	vld [tilespmem:s16+$0x60]  }
0xe2: {  	s16 =	sadd.s32 $0x100, s16;
	v2 =	vld [tilespmem:s12+$0x810]  }
0xe3: {  	_ =	sdelay $0x3  }
0xe4: {  	v1 =	vmul.f32 v2, v1;
	_ =	sdelay $0x1  }
0xe5: {  	[tilespmem:s15+$0x810] =	vst v1  }
0xe6: {  	v1 =	vld [tilespmem:s14+$0x70]  }
0xe7: {  	v2 =	vld [tilespmem:s4+$0xC10];
	_ =	sdelay $0x4  }
0xe8: {  	s10 =	sshll.u32 s13, $0xA;
	v1 =	vmul.f32 v2, v1  }
0xe9: {  	s14 =	sand.u32 $0x3FFFFC00, s10  }
0xea: {  	s4 =	sadd.s32 $0x1400, s14;
	[tilespmem:s15+$0xC10] =	vst v1  }
0xeb: {  	[spmem:s3] =	stream.indirect.scatter.add.f32 [tilespmem:s24], [sflag:$0x5], $0x10, s4, s20, $0xb8;
	[tilespmem:$0x16000] =	vst v63  }
0xec: {  	_ =	swait.ge [sflag:s17], $0x800  }
0xed: {  	[sflag:s17] =	ssyncset.done $0x0  }
0xee: {  	s12 =	sadd.s32 $0x1480, s14;
	[sflag:s17] =	ssyncadd.s32 $0xFFFFF800  }
0xef: {  	[spmem:s3] =	stream.indirect.scatter.add.f32 [tilespmem:s25], [sflag:$0x5], $0x10, s12, s20, $0xb8;
	[tilespmem:$0x16000] =	vst v63  }
0xf0: {  	_ =	swait.ge [sflag:s17], $0x800  }
0xf1: {  	[sflag:s17] =	ssyncset.done $0x0  }
0xf2: {  	s15 =	sadd.s32 $0x1500, s14;
	[sflag:s17] =	ssyncadd.s32 $0xFFFFF800  }
0xf3: {  	[spmem:s3] =	stream.indirect.scatter.add.f32 [tilespmem:s26], [sflag:$0x5], $0x10, s15, s20, $0xb8;
	[tilespmem:$0x16000] =	vst v63  }
0xf4: {  	p0 =	seq.s32 s13, $0x4;
	s15 =	sshll.u32 s13, $0x1;
	_ =	swait.ge [sflag:s17], $0x800  }
0xf5: {  	s4 =	sadd.s32 @!p0 $0x2, s15;
	[sflag:s17] =	ssyncset.done $0x0  }
0xf6: {  	s16 =	sadd.s32 $0x1580, s14;
	s8 =	sadd.s32 @!p0 s11, s4;
	[sflag:s17] =	ssyncadd.s32 $0xFFFFF800  }
0xf7: {  	[spmem:s3] =	stream.indirect.scatter.add.f32 [tilespmem:s29], [sflag:$0x5], $0x10, s16, s20, $0xb8;
	[tilespmem:$0x16000] =	vst v63  }
0xf8: {  	s10 =	simm.s32 @!p0 $0x0;
	s8 =	sshll.u32 @!p0 s8, $0xA;
	_ =	swait.ge [sflag:s17], $0x800  }
0xf9: {  	s12 =	simm.s32 @!p0 $0x2800;
	s8 =	sand.u32 @!p0 $0x1FFFF800, s8;
	[sflag:s17] =	ssyncset.done $0x0  }
0xfa: {  	s4 =	sshll.u32 @!p0 s4, $0x9;
	s8 =	sadd.s32 @!p0 s5, s8;
	[sflag:s17] =	ssyncadd.s32 $0xFFFFF800  }
0xfb: {  	[tilespmem:s12], [sflag:$0x1] =	stream.linear.gather @!p0 [hbm4b:s8+s10], $0x2000, $0x38;
	[tilespmem:$0x16000] =	vst v63  }
0xfc: {  	s4 =	sand.u32 @!p0 $0x3FFFFE00, s4;
	s8 =	simm.s32 @!p0 $0x80;
	s10 =	simm.s32 @!p0 $0x6800  }
0xfd: {  	[tilespmem:s10], [sflag:$0x3] =	stream.indirect.gather @!p0 [spmem:s2], $0x10, s4, s8, $0xb8;
	[tilespmem:$0x16000] =	vst v63  }
0xfe: {  	s12 =	simm.s32 @!p0 $0x7000;
	s10 =	sor.u32 @!p0 $0x80, s4  }
0xff: {  	[tilespmem:s12], [sflag:$0x3] =	stream.indirect.gather @!p0 [spmem:s2], $0x10, s10, s8, $0xb8;
	[tilespmem:$0x16000] =	vst v63  }
0x100: {  	s10 =	sor.u32 @!p0 $0x100, s4;
	s12 =	simm.s32 @!p0 $0x7800  }
0x101: {  	[tilespmem:s12], [sflag:$0x3] =	stream.indirect.gather @!p0 [spmem:s2], $0x10, s10, s8, $0xb8;
	[tilespmem:$0x16000] =	vst v63  }
0x102: {  	s4 =	sor.u32 @!p0 $0x180, s4;
	s10 =	simm.s32 @!p0 $0x8000  }
0x103: {  	[tilespmem:s10], [sflag:$0x3] =	stream.indirect.gather @!p0 [spmem:s2], $0x10, s4, s8, $0xb8;
	[tilespmem:$0x16000] =	vst v63  }
0x104: {  	_ =	swait.ge [sflag:s31], $0x2000  }
0x105: {  	[sflag:s31] =	ssyncset.done $0x0  }
0x106: {  	[sflag:s31] =	ssyncadd.s32 $0xFFFFE000  }
0x107: {  	_ =	swait.ge [sflag:s0], $0x800  }
0x108: {  	[sflag:s0] =	ssyncset.done $0x0  }
0x109: {  	[sflag:s0] =	ssyncadd.s32 $0xFFFFF800  }
0x10a: {  	_ =	swait.ge [sflag:s0], $0x800  }
0x10b: {  	[sflag:s0] =	ssyncset.done $0x0  }
0x10c: {  	[sflag:s0] =	ssyncadd.s32 $0xFFFFF800  }
0x10d: {  	_ =	swait.ge [sflag:s0], $0x800  }
0x10e: {  	[sflag:s0] =	ssyncset.done $0x0  }
0x10f: {  	[sflag:s0] =	ssyncadd.s32 $0xFFFFF800  }
0x110: {  	_ =	swait.ge [sflag:s0], $0x800  }
0x111: {  	[sflag:s0] =	ssyncset.done $0x0  }
0x112: {  	s12 =	simm.s32 $0x4880;
	[sflag:s0] =	ssyncadd.s32 $0xFFFFF800  }
0x113: {  	s8 =	simm.s32 $0x9800;
	v1 =	vld [tilespmem:s12+$0xFFFFFF80]  }
0x114: {  	v2 =	vld [tilespmem:s8+$0xFFFFF000];
	_ =	sdelay $0x4  }
0x115: {  	v1 =	vmul.f32 v2, v1  }
0x116: {  	s16 =	simm.s32 $0xD800  }
0x117: {  	[tilespmem:s16+$0xFFFFF000] =	vst v1  }
0x118: {  	v1 =	vld [tilespmem:s8+$0xFFFFF400]  }
0x119: {  	v2 =	vld [tilespmem:s12+$0xFFFFFF90];
	_ =	sdelay $0x4  }
0x11a: {  	v1 =	vmul.f32 v1, v2;
	_ =	sdelay $0x1  }
0x11b: {  	[tilespmem:s16+$0xFFFFF400] =	vst v1  }
0x11c: {  	v1 =	vld [tilespmem:s12+$0xFFFFFFA0]  }
0x11d: {  	v2 =	vld [tilespmem:s8+$0xFFFFF800];
	_ =	sdelay $0x4  }
0x11e: {  	v1 =	vmul.f32 v2, v1;
	_ =	sdelay $0x1  }
0x11f: {  	[tilespmem:s16+$0xFFFFF800] =	vst v1  }
0x120: {  	v1 =	vld [tilespmem:s12+$0xFFFFFFB0]  }
0x121: {  	v2 =	vld [tilespmem:s8+$0xFFFFFC00];
	_ =	sdelay $0x4  }
0x122: {  	v1 =	vmul.f32 v2, v1;
	_ =	sdelay $0x1  }
0x123: {  	[tilespmem:s16+$0xFFFFFC00] =	vst v1  }
0x124: {  	v1 =	vld [tilespmem:s12+$0xFFFFFFC0]  }
0x125: {  	v2 =	vld [tilespmem:s8+$0x0];
	_ =	sdelay $0x4  }
0x126: {  	v1 =	vmul.f32 v2, v1;
	_ =	sdelay $0x1  }
0x127: {  	[tilespmem:s16+$0x0] =	vst v1  }
0x128: {  	v1 =	vld [tilespmem:s12+$0xFFFFFFD0]  }
0x129: {  	v2 =	vld [tilespmem:s8+$0x400];
	_ =	sdelay $0x4  }
0x12a: {  	v1 =	vmul.f32 v2, v1;
	_ =	sdelay $0x1  }
0x12b: {  	[tilespmem:s16+$0x400] =	vst v1  }
0x12c: {  	v1 =	vld [tilespmem:s12+$0xFFFFFFE0]  }
0x12d: {  	v2 =	vld [tilespmem:s8+$0x800];
	_ =	sdelay $0x4  }
0x12e: {  	v1 =	vmul.f32 v2, v1;
	_ =	sdelay $0x1  }
0x12f: {  	[tilespmem:s16+$0x800] =	vst v1  }
0x130: {  	v1 =	vld [tilespmem:s12+$0xFFFFFFF0]  }
0x131: {  	v2 =	vld [tilespmem:s8+$0xC00];
	_ =	sdelay $0x4  }
0x132: {  	v1 =	vmul.f32 v2, v1;
	_ =	sdelay $0x1  }
0x133: {  	[tilespmem:s16+$0xC00] =	vst v1  }
0x134: {  	v1 =	vld [tilespmem:s12+$0x0]  }
0x135: {  	v2 =	vld [tilespmem:s8+$0xFFFFF010];
	_ =	sdelay $0x4  }
0x136: {  	v1 =	vmul.f32 v2, v1;
	_ =	sdelay $0x1  }
0x137: {  	[tilespmem:s16+$0xFFFFF010] =	vst v1  }
0x138: {  	v1 =	vld [tilespmem:s12+$0x10]  }
0x139: {  	v2 =	vld [tilespmem:s8+$0xFFFFF410];
	_ =	sdelay $0x4  }
0x13a: {  	v1 =	vmul.f32 v2, v1;
	_ =	sdelay $0x1  }
0x13b: {  	[tilespmem:s16+$0xFFFFF410] =	vst v1  }
0x13c: {  	v1 =	vld [tilespmem:s12+$0x20]  }
0x13d: {  	v2 =	vld [tilespmem:s8+$0xFFFFF810];
	_ =	sdelay $0x4  }
0x13e: {  	v1 =	vmul.f32 v2, v1;
	_ =	sdelay $0x1  }
0x13f: {  	[tilespmem:s16+$0xFFFFF810] =	vst v1  }
0x140: {  	v1 =	vld [tilespmem:s12+$0x30]  }
0x141: {  	v2 =	vld [tilespmem:s8+$0xFFFFFC10];
	_ =	sdelay $0x4  }
0x142: {  	v1 =	vmul.f32 v2, v1;
	_ =	sdelay $0x1  }
0x143: {  	[tilespmem:s16+$0xFFFFFC10] =	vst v1  }
0x144: {  	v1 =	vld [tilespmem:s12+$0x40]  }
0x145: {  	v2 =	vld [tilespmem:s8+$0x10];
	_ =	sdelay $0x4  }
0x146: {  	v1 =	vmul.f32 v2, v1;
	_ =	sdelay $0x1  }
0x147: {  	[tilespmem:s16+$0x10] =	vst v1  }
0x148: {  	v1 =	vld [tilespmem:s12+$0x50]  }
0x149: {  	v2 =	vld [tilespmem:s8+$0x410];
	_ =	sdelay $0x4  }
0x14a: {  	v1 =	vmul.f32 v2, v1;
	_ =	sdelay $0x1  }
0x14b: {  	[tilespmem:s16+$0x410] =	vst v1  }
0x14c: {  	s30 =	simm.s32 $0x4980;
	v1 =	vld [tilespmem:s12+$0x60]  }
0x14d: {  	s28 =	simm.s32 $0x9800;
	s4 =	simm.s32 $0x0;
	s10 =	simm.s32 $0xD800;
	v2 =	vld [tilespmem:s8+$0x810]  }
.LBB2_7:
0x14e: {  	s4 =	sadd.s32 $0x2, s4;
	s16 =	sadd.s32 $0x20, s16;
	s8 =	sadd.s32 $0x20, s8  }
0x14f: {  	p1 =	slt.u32 s4, $0x3E;
	_ =	sdelay $0x2  }
0x150: {  	v1 =	vmul.f32 v2, v1;
	_ =	sdelay $0x1  }
0x151: {  	[tilespmem:s10+$0x810] =	vst v1  }
0x152: {  	v1 =	vld [tilespmem:s12+$0x70];
	s12 =	smov.u32 s30  }
0x153: {  	v2 =	vld [tilespmem:s28+$0xC10];
	s28 =	smov.u32 s8;
	_ =	sdelay $0x4  }
0x154: {  	v1 =	vmul.f32 v2, v1;
	_ =	sdelay $0x1  }
0x155: {  	[tilespmem:s10+$0xC10] =	vst v1;
	s10 =	smov.u32 s16  }
0x156: {  	v1 =	vld [tilespmem:s30+$0xFFFFFF80]  }
0x157: {  	v2 =	vld [tilespmem:s8+$0xFFFFF000];
	_ =	sdelay $0x4  }
0x158: {  	v1 =	vmul.f32 v2, v1;
	_ =	sdelay $0x1  }
0x159: {  	[tilespmem:s16+$0xFFFFF000] =	vst v1  }
0x15a: {  	v1 =	vld [tilespmem:s8+$0xFFFFF400]  }
0x15b: {  	v2 =	vld [tilespmem:s30+$0xFFFFFF90];
	_ =	sdelay $0x4  }
0x15c: {  	v1 =	vmul.f32 v1, v2;
	_ =	sdelay $0x1  }
0x15d: {  	[tilespmem:s16+$0xFFFFF400] =	vst v1  }
0x15e: {  	v1 =	vld [tilespmem:s30+$0xFFFFFFA0]  }
0x15f: {  	v2 =	vld [tilespmem:s8+$0xFFFFF800];
	_ =	sdelay $0x4  }
0x160: {  	v1 =	vmul.f32 v2, v1;
	_ =	sdelay $0x1  }
0x161: {  	[tilespmem:s16+$0xFFFFF800] =	vst v1  }
0x162: {  	v1 =	vld [tilespmem:s30+$0xFFFFFFB0]  }
0x163: {  	v2 =	vld [tilespmem:s8+$0xFFFFFC00];
	_ =	sdelay $0x4  }
0x164: {  	v1 =	vmul.f32 v2, v1;
	_ =	sdelay $0x1  }
0x165: {  	[tilespmem:s16+$0xFFFFFC00] =	vst v1  }
0x166: {  	v1 =	vld [tilespmem:s30+$0xFFFFFFC0]  }
0x167: {  	v2 =	vld [tilespmem:s8+$0x0];
	_ =	sdelay $0x4  }
0x168: {  	v1 =	vmul.f32 v2, v1;
	_ =	sdelay $0x1  }
0x169: {  	[tilespmem:s16+$0x0] =	vst v1  }
0x16a: {  	v1 =	vld [tilespmem:s30+$0xFFFFFFD0]  }
0x16b: {  	v2 =	vld [tilespmem:s8+$0x400];
	_ =	sdelay $0x4  }
0x16c: {  	v1 =	vmul.f32 v2, v1;
	_ =	sdelay $0x1  }
0x16d: {  	[tilespmem:s16+$0x400] =	vst v1  }
0x16e: {  	v1 =	vld [tilespmem:s30+$0xFFFFFFE0]  }
0x16f: {  	v2 =	vld [tilespmem:s8+$0x800];
	_ =	sdelay $0x4  }
0x170: {  	v1 =	vmul.f32 v2, v1;
	_ =	sdelay $0x1  }
0x171: {  	[tilespmem:s16+$0x800] =	vst v1  }
0x172: {  	v1 =	vld [tilespmem:s30+$0xFFFFFFF0]  }
0x173: {  	v2 =	vld [tilespmem:s8+$0xC00];
	_ =	sdelay $0x4  }
0x174: {  	v1 =	vmul.f32 v2, v1;
	_ =	sdelay $0x1  }
0x175: {  	[tilespmem:s16+$0xC00] =	vst v1  }
0x176: {  	v1 =	vld [tilespmem:s30+$0x0]  }
0x177: {  	v2 =	vld [tilespmem:s8+$0xFFFFF010];
	_ =	sdelay $0x4  }
0x178: {  	v1 =	vmul.f32 v2, v1;
	_ =	sdelay $0x1  }
0x179: {  	[tilespmem:s16+$0xFFFFF010] =	vst v1  }
0x17a: {  	v1 =	vld [tilespmem:s30+$0x10]  }
0x17b: {  	v2 =	vld [tilespmem:s8+$0xFFFFF410];
	_ =	sdelay $0x4  }
0x17c: {  	v1 =	vmul.f32 v2, v1;
	_ =	sdelay $0x1  }
0x17d: {  	[tilespmem:s16+$0xFFFFF410] =	vst v1  }
0x17e: {  	v1 =	vld [tilespmem:s30+$0x20]  }
0x17f: {  	v2 =	vld [tilespmem:s8+$0xFFFFF810];
	_ =	sdelay $0x4  }
0x180: {  	v1 =	vmul.f32 v2, v1;
	_ =	sdelay $0x1  }
0x181: {  	[tilespmem:s16+$0xFFFFF810] =	vst v1  }
0x182: {  	v1 =	vld [tilespmem:s30+$0x30]  }
0x183: {  	v2 =	vld [tilespmem:s8+$0xFFFFFC10];
	_ =	sdelay $0x4  }
0x184: {  	v1 =	vmul.f32 v2, v1;
	_ =	sdelay $0x1  }
0x185: {  	[tilespmem:s16+$0xFFFFFC10] =	vst v1  }
0x186: {  	v1 =	vld [tilespmem:s30+$0x40]  }
0x187: {  	v2 =	vld [tilespmem:s8+$0x10];
	_ =	sdelay $0x4  }
0x188: {  	v1 =	vmul.f32 v2, v1;
	_ =	sdelay $0x1  }
0x189: {  	[tilespmem:s16+$0x10] =	vst v1  }
0x18a: {  	v1 =	vld [tilespmem:s30+$0x50]  }
0x18b: {  	v2 =	vld [tilespmem:s8+$0x410];
	_ =	sdelay $0x4  }
.Ltmp4:
0x18c: {  	v1 =	vmul.f32 v2, v1;
	(pc) =	sbr.rel @p1 .LBB2_7-.Ltmp4, $4  }
0x18d: {  	_ = 	snop  }
0x18e: {  	[tilespmem:s16+$0x410] =	vst v1  }
0x18f: {  	v1 =	vld [tilespmem:s30+$0x60]  }
0x190: {  	s30 =	sadd.s32 $0x100, s30;
	v2 =	vld [tilespmem:s8+$0x810]  }
0x191: {  	_ =	sdelay $0x3  }
0x192: {  	v1 =	vmul.f32 v2, v1;
	_ =	sdelay $0x1  }
0x193: {  	[tilespmem:s10+$0x810] =	vst v1  }
0x194: {  	v1 =	vld [tilespmem:s12+$0x70]  }
0x195: {  	v2 =	vld [tilespmem:s28+$0xC10];
	_ =	sdelay $0x4  }
0x196: {  	v1 =	vmul.f32 v2, v1;
	_ =	sdelay $0x1  }
0x197: {  	s4 =	sadd.s32 $0x1600, s14;
	[tilespmem:s10+$0xC10] =	vst v1  }
0x198: {  	[spmem:s3] =	stream.indirect.scatter.add.f32 [tilespmem:s19], [sflag:$0x5], $0x10, s4, s20, $0xb8;
	[tilespmem:$0x16000] =	vst v63  }
0x199: {  	_ =	swait.ge [sflag:s17], $0x800  }
0x19a: {  	[sflag:s17] =	ssyncset.done $0x0  }
0x19b: {  	s16 =	sadd.s32 $0x1680, s14;
	[sflag:s17] =	ssyncadd.s32 $0xFFFFF800  }
0x19c: {  	[spmem:s3] =	stream.indirect.scatter.add.f32 [tilespmem:s6], [sflag:$0x5], $0x10, s16, s20, $0xb8;
	[tilespmem:$0x16000] =	vst v63  }
0x19d: {  	_ =	swait.ge [sflag:s17], $0x800  }
0x19e: {  	[sflag:s17] =	ssyncset.done $0x0  }
0x19f: {  	s28 =	sadd.s32 $0x1700, s14;
	[sflag:s17] =	ssyncadd.s32 $0xFFFFF800  }
0x1a0: {  	[spmem:s3] =	stream.indirect.scatter.add.f32 [tilespmem:s7], [sflag:$0x5], $0x10, s28, s20, $0xb8;
	[tilespmem:$0x16000] =	vst v63  }
0x1a1: {  	_ =	swait.ge [sflag:s17], $0x800  }
0x1a2: {  	[sflag:s17] =	ssyncset.done $0x0  }
.Ltmp5:
0x1a3: {  	s30 =	sadd.s32 $0x1780, s14;
	[sflag:s17] =	ssyncadd.s32 $0xFFFFF800;
	(pc) =	sbr.rel @p0 .LBB2_10-.Ltmp5, $4  }
0x1a4: {  	[spmem:s3] =	stream.indirect.scatter.add.f32 [tilespmem:s9], [sflag:$0x5], $0x10, s30, s20, $0xb8;
	[tilespmem:$0x16000] =	vst v63  }
0x1a5: {  	_ =	swait.ge [sflag:s17], $0x800  }
0x1a6: {  	[sflag:s17] =	ssyncset.done $0x0  }
0x1a7: {  	[sflag:s17] =	ssyncadd.s32 $0xFFFFF800  }
0x1a8: {  	s4 =	sadd.s32 $0x3, s15  }
0x1a9: {  	s8 =	sadd.s32 s11, s4  }
0x1aa: {  	s8 =	sshll.u32 s8, $0xA  }
0x1ab: {  	s8 =	sand.u32 $0x1FFFFC00, s8  }
0x1ac: {  	s10 =	simm.s32 $0x4800;
	s4 =	sshll.u32 s4, $0x9;
	s8 =	sadd.s32 s5, s8  }
0x1ad: {  	[tilespmem:s10], [sflag:$0x2] =	stream.linear.gather [hbm4b:s8+s1], $0x2000, $0x38;
	[tilespmem:$0x16000] =	vst v63  }
0x1ae: {  	s15 =	simm.s32 $0x8800;
	s4 =	sand.u32 $0x3FFFFE00, s4  }
0x1af: {  	[tilespmem:s15], [sflag:$0x4] =	stream.indirect.gather [spmem:s2], $0x10, s4, s20, $0xb8;
	[tilespmem:$0x16000] =	vst v63  }
0x1b0: {  	s28 =	simm.s32 $0x9000;
	s16 =	sor.u32 $0x80, s4  }
0x1b1: {  	[tilespmem:s28], [sflag:$0x4] =	stream.indirect.gather [spmem:s2], $0x10, s16, s20, $0xb8;
	[tilespmem:$0x16000] =	vst v63  }
.Ltmp6:
0x1b2: {  	_ = 	snop;
	(pc) =	sbr.rel .LBB2_4-.Ltmp6, $4  }
0x1b3: {  	s30 =	sor.u32 $0x100, s4  }
0x1b4: {  	[tilespmem:s18], [sflag:$0x4] =	stream.indirect.gather [spmem:s2], $0x10, s30, s20, $0xb8;
	[tilespmem:$0x16000] =	vst v63  }
0x1b5: {  	s13 =	sadd.s32 $0x1, s13;
	s4 =	sor.u32 $0x180, s4  }
0x1b6: {  	[tilespmem:s21], [sflag:$0x4] =	stream.indirect.gather [spmem:s2], $0x10, s4, s20, $0xb8;
	[tilespmem:$0x16000] =	vst v63  }
.LBB2_11:
0x1b7: {  	_ =	sfence.sel $0x180000  }
0x1b8: {  	[bflag:$0x0] =	sbarrier.arrive $0xFFFF  }
0x1b9: {  	_ =	strace $0x90000047  }
0x1ba: {  	s0 =	stileid.u32;
	[bflag:$0x2] =	sbarrier.arrive $0xFFFF  }
0x1bb: {  	p0 =	sne.s32 s0, $0x0;
	s0 =	rddreg [dreg:$0x3]  }
0x1bc: {  	s0 =	sadd.s32 @!p0 $0x100000, s0  }
0x1bd: {  	[sflag:s0] =	ssyncadd.tile.s32 @!p0 $0x1;
	_ =	shalt  }
.Lfunc_end2:
_tile_overlayer_lowered:
.L_overlay_start_2:
0x1be: {  	(tag) =	ssettag $0x2  }
0x1bf: {  	s0 =	rddreg [dreg:$0x0];
	s2 =	stileid.u32  }
0x1c0: {  	s1 =	rddreg [dreg:$0x1];
	p0 =	sne.s32 s2, $0x0  }
0x1c1: {  	s3 =	rddreg [dreg:$0x2];
	[bflag:$0x3] =	sbarrier.arrive $0xFFFF;
	s2 =	simm.s32 @!p0 $0x1C05  }
0x1c2: {  	[timem:s3], [sflag:s2] =	dma.local @!p0 [hbm:s0], s1  }
0x1c3: {  	s0 =	simm.s32 @!p0 $0x5  }
0x1c4: {  	_ =	swait.ge @!p0 [sflag:s0], s1  }
0x1c5: {  	s1 =	ssub.s32 @!p0 $0x0, s1;
	[sflag:s0] =	ssyncset.done @!p0 $0x0  }
0x1c6: {  	[sflag:s0] =	ssyncadd.s32 @!p0 s1  }
0x1c7: {  	[bflag:$0x3] =	sbarrier.arrive $0xFFFF  }
0x1c8: {  	_ =	shalt  }

// kernel: kernel.7.cloned.1.call-start
scs
__scs_entry_jumppad:
0x0: {  	(pc) =	sbr.rel $0x88, $3  }
0x1: {  	(tag) =	ssettag $0x0;
	lr =	simm.s32 $0x1  }
0x2: {  	[smem:$0x3F97] =	sst lr;
	_ =	strace $0xD0000000  }
0x3: {  	_ = 	snop  }
0x4: {  	_ = 	snop  }
0x5: {  	_ = 	snop  }
0x6: {  	_ = 	snop  }
0x7: {  	_ = 	snop  }
__scs_overlays_trampoline_lowered:
0x8: {  	[smem:$0x3FA6] =	sst s0  }
0x9: {  	[smem:$0x3FA7] =	sst s1  }
0xa: {  	[smem:$0x3FA8] =	sst s2  }
0xb: {  	[smem:$0x3FA9] =	sst s3  }
0xc: {  	[smem:$0x3FAA] =	sst s4  }
0xd: {  	[smem:$0x3FAB] =	sst s5  }
0xe: {  	[smem:$0x3FAC] =	sst s6  }
0xf: {  	[smem:$0x3FAD] =	sst s7  }
0x10: {  	[smem:$0x3FAE] =	sst s8  }
0x11: {  	[smem:$0x3FAF] =	sst s9;
	s0 =	simm.s32 @!p0 $0x0  }
0x12: {  	s1 =	sld [smem:$0x3F95];
	s0 =	simm.s32 @p0 $0x1  }
0x13: {  	[smem:$0x3FB0] =	sst s0;
	s0 =	simm.s32 @!p1 $0x0  }
0x14: {  	s2 =	sld [smem:$0x3F94];
	s0 =	simm.s32 @p1 $0x1  }
0x15: {  	[smem:$0x3FB1] =	sst s0;
	s0 =	simm.s32 @!p2 $0x0  }
0x16: {  	s3 =	sld [smem:$0x3FDB];
	s0 =	simm.s32 @p2 $0x1  }
0x17: {  	s4 =	simm.s32 $0x1BF5;
	[smem:$0x3FB3] =	sst s0  }
0x18: {  	s0 =	sld [smem:$0x3F96];
	_ =	swait.ge [sflag:s4], $0x0  }
0x19: {  	s7 =	sld [smem:$0x3F97]  }
0x1a: {  	s8 =	sadd.s32 $0xFFFFE003, lr  }
0x1b: {  	s9 =	sadd.s32 $0xFFFFFEF7, lr;
	s5 =	simm.s32 $0xFFFFFFFF;
	p2 =	slt.u32 s8, $0xFFFFF086  }
0x1c: {  	p1 =	slt.u32 s9, $0xF7A;
	s5 =	simm.s32 @!p2 $0x0  }
0x1d: {  	s5 =	simm.s32 @p1 $0x1;
	p0 =	seq.s32 s7, s2  }
0x1e: {  	s7 =	smul.u32 @!p0 $0xF7A, s2;
	p2 =	seq.s32 @!p0 s5, $0x0  }
0x1f: {  	s9 =	smul.u32 $0xF7A, s1;
	s8 =	simm.s32 @!p0 $0x1BF5;
	p2 =	por !p2, p0  }
0x20: {  	[sflag:s8] =	ssyncset.s32 @!p0 $0xFFFFF086;
	s6 =	sadd.s32 @!p0 s3, s7;
	s7 =	simm.s32 @!p0 $0x108  }
0x21: {  	s3 =	sadd.s32 s3, s9;
	s6 =	sadd.s32 @!p0 $0x88, s6;
	s7 =	simm.s32 @p2 $0x1082  }
0x22: {  	[simem:s7], [sflag:s8] =	dma.local @!p0 [hbm:s6], $0xF7A  }
0x23: {  	s9 =	sor.u32 $0xD0000000, s2;
	s6 =	simm.s32 $0x108;
	_ =	swait.ge @!p0 [sflag:s8], $0x0  }
0x24: {  	s3 =	sadd.s32 $0x88, s3;
	s6 =	simm.s32 @!p1 $0x1082;
	[sflag:s4] =	ssyncset.s32 $0xFFFFF086  }
0x25: {  	[simem:s6], [sflag:s4] =	dma.local [hbm:s3], $0xF7A  }
0x26: {  	[smem:$0x3F97] =	sst s1;
	(tag) =	ssettag s2;
	_ =	strace s9  }
0x27: {  	s1 =	sld [smem:$0x3FA7]  }
0x28: {  	s2 =	sld [smem:$0x3FA8]  }
0x29: {  	s4 =	sld [smem:$0x3FAA]  }
0x2a: {  	p0 =	seq.s32 s5, $0x0;
	s5 =	sld [smem:$0x3FAB]  }
0x2b: {  	s6 =	sld [smem:$0x3FAC]  }
0x2c: {  	s7 =	sld [smem:$0x3FAD]  }
0x2d: {  	s3 =	simm.s32 $0x108;
	s8 =	sld [smem:$0x3FAE]  }
0x2e: {  	s3 =	simm.s32 @!p0 $0x1082;
	s9 =	sld [smem:$0x3FAF]  }
0x2f: {  	lr =	sadd.s32 s0, s3;
	s0 =	sld [smem:$0x3FA6]  }
0x30: {  	s3 =	sld [smem:$0x3FA9]  }
0x31: {  	[smem:$0x3FB2] =	sst s10  }
0x32: {  	s10 =	sld [smem:$0x3FB0];
	_ =	sdelay $0x3  }
0x33: {  	p0 =	seq.s32 s10, $0x1;
	s10 =	sld [smem:$0x3FB2];
	_ =	sdelay $0x3  }
0x34: {  	[smem:$0x3FB2] =	sst s10  }
0x35: {  	s10 =	sld [smem:$0x3FB1];
	_ =	sdelay $0x3  }
0x36: {  	p1 =	seq.s32 s10, $0x1;
	s10 =	sld [smem:$0x3FB2];
	_ =	sdelay $0x3  }
0x37: {  	[smem:$0x3FB2] =	sst s10  }
0x38: {  	s10 =	sld [smem:$0x3FB3]  }
0x39: {  	_ = 	snop;
	(pc) =	sbr.ind lr, $3  }
0x3a: {  	_ = 	snop  }
0x3b: {  	_ = 	snop  }
0x3c: {  	p2 =	seq.s32 s10, $0x1;
	s10 =	sld [smem:$0x3FB2]  }
0x3d: {  	_ =	shalt  }
0x3e: {  	_ =	shalt  }
0x3f: {  	_ =	shalt  }
0x40: {  	_ =	shalt  }
0x41: {  	_ =	shalt  }
0x42: {  	_ =	shalt  }
0x43: {  	_ =	shalt  }
0x44: {  	_ =	shalt  }
0x45: {  	_ =	shalt  }
0x46: {  	_ =	shalt  }
0x47: {  	_ =	shalt  }
0x48: {  	_ =	shalt  }
0x49: {  	_ =	shalt  }
0x4a: {  	_ =	shalt  }
0x4b: {  	_ =	shalt  }
0x4c: {  	_ =	shalt  }
0x4d: {  	_ =	shalt  }
0x4e: {  	_ =	shalt  }
0x4f: {  	_ =	shalt  }
0x50: {  	_ =	shalt  }
0x51: {  	_ =	shalt  }
0x52: {  	_ =	shalt  }
0x53: {  	_ =	shalt  }
0x54: {  	_ =	shalt  }
0x55: {  	_ =	shalt  }
0x56: {  	_ =	shalt  }
0x57: {  	_ =	shalt  }
0x58: {  	_ =	shalt  }
0x59: {  	_ =	shalt  }
0x5a: {  	_ =	shalt  }
0x5b: {  	_ =	shalt  }
0x5c: {  	_ =	shalt  }
0x5d: {  	_ =	shalt  }
0x5e: {  	_ =	shalt  }
0x5f: {  	_ =	shalt  }
0x60: {  	_ =	shalt  }
0x61: {  	_ =	shalt  }
0x62: {  	_ =	shalt  }
0x63: {  	_ =	shalt  }
0x64: {  	_ =	shalt  }
0x65: {  	_ =	shalt  }
0x66: {  	_ =	shalt  }
0x67: {  	_ =	shalt  }
0x68: {  	_ =	shalt  }
0x69: {  	_ =	shalt  }
0x6a: {  	_ =	shalt  }
0x6b: {  	_ =	shalt  }
0x6c: {  	_ =	shalt  }
0x6d: {  	_ =	shalt  }
0x6e: {  	_ =	shalt  }
0x6f: {  	_ =	shalt  }
0x70: {  	_ =	shalt  }
0x71: {  	_ =	shalt  }
0x72: {  	_ =	shalt  }
0x73: {  	_ =	shalt  }
0x74: {  	_ =	shalt  }
0x75: {  	_ =	shalt  }
0x76: {  	_ =	shalt  }
0x77: {  	_ =	shalt  }
0x78: {  	_ =	shalt  }
0x79: {  	_ =	shalt  }
0x7a: {  	_ =	shalt  }
0x7b: {  	_ =	shalt  }
0x7c: {  	_ =	shalt  }
0x7d: {  	_ =	shalt  }
0x7e: {  	_ =	shalt  }
0x7f: {  	_ =	shalt  }
0x80: {  	_ =	shalt  }
0x81: {  	_ =	shalt  }
0x82: {  	_ =	shalt  }
0x83: {  	_ =	shalt  }
0x84: {  	_ =	shalt  }
0x85: {  	_ =	shalt  }
0x86: {  	_ =	shalt  }
0x87: {  	_ =	shalt  }
.Lfunc_end0:
.L_simem_size_0:
called_computation_lowered:
.L_overlay_start_0:
0x88: {  	s2 =	sld [smem:$0x3FD9]  }
0x89: {  	s3 =	sld [smem:$0x3FFE];
	_ =	sdelay $0x1  }
0x8a: {  	s1 =	srdreg.scid  }
0x8b: {  	s0 =	sand.u32 $0x1, s1  }
0x8c: {  	s17 =	sshll.u32 s0, $0xA;
	s2 =	sadd.s32 s3, s2  }
0x8d: {  	s2 =	sadd.s32 s2, s17  }
0x8e: {  	[smem:$0x3FBE] =	sst s2  }
0x8f: {  	_ = 	snop  }
0x90: {  	(tm) =	ssettm $0x1  }
0x91: {  	s18 =	sld [smem:$0x3FFB];
	_ =	sdelay $0x3  }
0x92: {  	_ =	strace s18  }
0x93: {  	s2 =	sld [smem:$0x3FFC];
	_ =	sdelay $0x3  }
0x94: {  	_ =	strace s2  }
0x95: {  	s2 =	sld [smem:$0x3FFD];
	_ =	sdelay $0x3  }
0x96: {  	_ =	strace s2  }
0x97: {  	_ =	strace $0x8FFFFFFF  }
0x98: {  	s19 =	sld [smem:$0x3FDB];
	_ =	sdelay $0x1  }
0x99: {  	s20 =	simm.s32 $_scs_section_size  }
0x9a: {  	s4 =	simm.s32 $_size__tile_overlayer_lowered;
	s5 =	simm.s32 $_tile_overlayer_lowered  }
0x9b: {  	s6 =	simm.s32 $0x1BFF;
	s21 =	sshll.u32 s5, $0x1;
	s3 =	sadd.s32 s20, s19  }
0x9c: {  	s22 =	simm.s32 $0x0;
	s4 =	sshll.u32 s4, $0x1;
	s5 =	sadd.s32 s21, s3  }
0x9d: {  	[timem:s22], [sflag:s6] =	dma.local [hbm:s5], s4  }
0x9e: {  	_ =	swait.ge [sflag:s6], s4  }
0x9f: {  	s4 =	ssub.s32 $0x0, s4;
	[sflag:s6] =	ssyncset.done $0x0  }
0xa0: {  	[sflag:s6] =	ssyncadd.s32 s4;
	_ =	sdelay $0x1  }
0xa1: {  	s23 =	simm.s32 $0x1B8B  }
0xa2: {  	_ =	swait.ge [sflag:s23], $0x1  }
0xa3: {  	[sflag:s23] =	ssyncset.done $0x0  }
0xa4: {  	[sflag:s23] =	ssyncadd.s32 $0xFFFFFFFF  }
0xa5: {  	s4 =	sld [smem:$0x0]  }
0xa6: {  	s5 =	sand.u32 $0xFFFFFFFE, s1  }
0xa7: {  	p0 =	sne.s32 s1, s5  }
0xa8: {  	s5 =	sshll.u32 @p0 s5, $0xE  }
0xa9: {  	s5 =	sadd.s32 @p0 $0x11B8D, s5;
	s6 =	sshll.u32 @p0 s4, $0x11  }
0xaa: {  	s5 =	sor.u32 @p0 s6, s5  }
0xab: {  	[sflag:s5] =	ssyncadd.remote.s32 @p0 $0x1;
	_ =	sdelay $0x1  }
0xac: {  	s5 =	simm.s32 @p0 $0x1B8D  }
0xad: {  	_ =	swait.eq @p0 [sflag:s5], $0x1  }
0xae: {  	[sflag:s5] =	ssyncadd.s32 @p0 $0xFFFFFFFF  }
0xaf: {  	s6 =	sshll.u32 @!p0 s1, $0xE  }
0xb0: {  	s6 =	sor.u32 @!p0 $0x4000, s6;
	s5 =	simm.s32 @!p0 $0x1B8D  }
0xb1: {  	s4 =	sshll.u32 @!p0 s4, $0x11;
	s6 =	sadd.s32 @!p0 $0x11B8D, s6;
	_ =	swait.eq @!p0 [sflag:s5], $0x1  }
0xb2: {  	s4 =	sor.u32 @!p0 s4, s6;
	[sflag:s5] =	ssyncadd.s32 @!p0 $0xFFFFFFFF  }
0xb3: {  	s25 =	simm.s32 $0x1B8E;
	s24 =	sld [smem:$0x3FFE];
	[sflag:s4] =	ssyncadd.remote.s32 @!p0 $0x1  }
0xb4: {  	s26 =	simm.s32 $execute0_lowered;
	[smem:$0x3FD2] =	sst s25  }
0xb5: {  	s5 =	sshll.u32 s26, $0x1;
	_ =	strace $0x80000049;
	[dreg:$0x1] =	wrdreg $0xFFFFFFFF  }
0xb6: {  	s28 =	simm.s32 $_size_execute0_lowered;
	s3 =	sadd.s32 s3, s5;
	[dreg:$0x0] =	wrdreg $0x0  }
0xb7: {  	s5 =	sshll.u32 s28, $0x1;
	[dreg:$0x2] =	wrdreg s3  }
0xb8: {  	[dreg:$0x3] =	wrdreg s5  }
0xb9: {  	[dreg:$0x4] =	wrdreg $0xC0  }
0xba: {  	_ =	task [dreg:s22], $0x5FFFF  }
0xbb: {  	[dreg:$0x1] =	wrdreg $0xFFFFFFFF  }
0xbc: {  	[dreg:$0x0] =	wrdreg $0x60  }
0xbd: {  	[dreg:$0x2] =	wrdreg s24  }
0xbe: {  	[dreg:$0x3] =	wrdreg $0x110000  }
0xbf: {  	[dreg:$0x4] =	wrdreg $0x138000  }
0xc0: {  	[dreg:$0x5] =	wrdreg $0x9  }
0xc1: {  	_ =	task.clear_ibuf [dreg:s22], $0x6FFFF;
	_ =	strace $0x90000049  }
0xc2: {  	s29 =	simm.s32 $0x9;
	_ =	strace $0x8000004B  }
0xc3: {  	_ =	swait.ge [sflag:s29], $0x1  }
0xc4: {  	[sflag:s29] =	ssyncadd.s32 $0xFFFFFFFF  }
0xc5: {  	_ =	strace $0x9000004B  }
0xc6: {  	_ =	sfence  }
0xc7: {  	s30 =	sld [smem:$0x0];
	_ =	sdelay $0x2  }
0xc8: {  	s31 =	sshll.u32 s1, $0xD;
	s1 =	sshrl.u32 s1, $0x2  }
0xc9: {  	s4 =	sand.u32 $0x4000, s31;
	s1 =	sadd.s32 s1, s30  }
0xca: {  	s0 =	sor.u32 s4, s0;
	s1 =	sshll.u32 s1, $0x11  }
0xcb: {  	s0 =	sor.u32 s1, s0  }
0xcc: {  	s0 =	sadd.s32 $0x8F2B, s0  }
0xcd: {  	[sflag:s0] =	ssyncadd.remote.s32 $0x1  }
0xce: {  	_ =	sfence.sel $0xFFFF  }
0xcf: {  	[dreg:$0x0] =	wrdreg $0xFFFFFFFF;
	(pc) =	sbr.abs _section_cstart, $3  }
0xd0: {  	[dreg:$0x1] =	wrdreg $0xFFFFFFFF  }
0xd1: {  	_ =	task.clear_ibuf [dreg:s22], $0x2FFFF;
	_ =	strace $0x9FFFFFFF  }
0xd2: {  	(tm) =	ssettm $0x7FFFFFFF  }
0xd3: {  	_ =	shalt  }
tec
execute0_lowered:
.L_overlay_start_1:
0x0: {  	(tag) =	ssettag $0x1  }
0x1: {  	s0 =	srdreg.scid  }
0x2: {  	s1 =	rddreg [dreg:$0x0];
	s5 =	stileid.u32  }
0x3: {  	s2 =	rddreg [dreg:$0x1];
	s10 =	simm.s32 $0x0;
	s13 =	simm.s32 $0xE800  }
0x4: {  	s17 =	simm.s32 $0x5;
	s20 =	simm.s32 $0x80;
	s18 =	simm.s32 $0x9800  }
0x5: {  	s21 =	simm.s32 $0xA000;
	s22 =	simm.s32 $0x1;
	s29 =	simm.s32 $0xC000  }
0x6: {  	s31 =	simm.s32 $0x2;
	s19 =	simm.s32 $0xC800;
	s0 =	sand.u32 $0x1, s0  }
0x7: {  	s7 =	smul.u32 $0x2800, s5;
	[smem:$0x7FF] =	sst s10;
	s3 =	sshll.u32 s0, $0x4  }
0x8: {  	s8 =	smul.u32 $0x28000, s0;
	s0 =	ssub.s32 $0x2, s0;
	s4 =	sor.u32 s5, s3  }
0x9: {  	s3 =	rddreg [dreg:$0x2];
	_ =	strace $0x8000004A;
	s5 =	sadd.s32 $0x6B200, s1  }
0xa: {  	s9 =	sshrl.u32 s7, $0x3;
	s23 =	sshrl.u32 s0, $0x1;
	s26 =	sadd.s32 s7, s2  }
0xb: {  	s6 =	smul.u32 $0x280, s4;
	s8 =	sadd.s32 s7, s8;
	s9 =	sadd.s32 s9, s1  }
0xc: {  	s0 =	ssub.s32 s0, s23;
	s25 =	smul.u32 $0x2800, s4;
	[dreg:$0x5] =	wrdreg s26  }
0xd: {  	s12 =	sadd.s32 s7, s3;
	s11 =	smul.u32 $0xA, s4;
	s23 =	simm.s32 $0x3  }
0xe: {  	s26 =	simm.s32 $0xB800;
	s7 =	simm.s32 $0xD800;
	s8 =	sshrl.u32 s8, $0x3  }
0xf: {  	s24 =	sadd.s32 $0xC200, s9;
	s0 =	smax.u32 s0, $0x1;
	[dreg:$0x6] =	wrdreg s12  }
0x10: {  	s9 =	simm.s32 $0xE000;
	s6 =	sadd.s32 s6, s1;
	[dreg:$0x4] =	wrdreg s24  }
0x11: {  	s1 =	sadd.s32 s8, s1;
	s30 =	sadd.s32 s5, s25;
	[dreg:$0xc] =	wrdreg s0  }
.Ltmp0:
0x12: {  	s28 =	sadd.s32 $0xC0200, s6;
	[dreg:$0x9] =	wrdreg s30;
	(pc) =	sbr.rel .LBB2_1-.Ltmp0, $4  }
0x13: {  	s24 =	simm.s32 $0xA800;
	s6 =	sadd.s32 $0xBB200, s6;
	[dreg:$0x7] =	wrdreg s28  }
0x14: {  	s25 =	simm.s32 $0xB000;
	s4 =	sadd.s32 $0x400, s30;
	[dreg:$0x8] =	wrdreg s6  }
0x15: {  	s0 =	simm.s32 $0x4;
	s1 =	sadd.s32 $0xC5200, s1;
	[dreg:$0xa] =	wrdreg s4  }
0x16: {  	v0 =	vimm.f32 $0.0e+00;
	[dreg:$0xb] =	wrdreg s1;
	s6 =	simm.s32 $0xD000;
	s4 =	simm.s32 $0x0  }
.LBB2_10:
0x17: {  	[bflag:$0x0] =	sbarrier.arrive $0xFFFF  }
0x18: {  	s13 =	simm.s32 $0xE800;
	s12 =	rddreg [dreg:$0x6]  }
0x19: {  	[tilespmem:s13], [sflag:$0x5] =	stream.linear.gather [spmem:s12], $0x2800, $0x38;
	[tilespmem:$0x16000] =	vst v63  }
0x1a: {  	_ =	swait.ge [sflag:s17], $0x2800  }
0x1b: {  	[sflag:s17] =	ssyncset.done $0x0  }
0x1c: {  	s10 =	simm.s32 $0x0;
	s1 =	rddreg [dreg:$0xb];
	[sflag:s17] =	ssyncadd.s32 $0xFFFFD800  }
0x1d: {  	[hbm4b:s1+s10] =	stream.linear.scatter [tilespmem:s13], [sflag:$0x5], $0x2800, $0x38;
	[tilespmem:$0x16000] =	vst v63  }
0x1e: {  	_ =	swait.ge [sflag:s17], $0x2800  }
0x1f: {  	s4 =	rddreg [dreg:$0xd]  }
0x20: {  	s30 =	rddreg [dreg:$0xc];
	s4 =	sadd.s32 $0x1, s4  }
0x21: {  	p0 =	sne.s32 s4, s30  }
.Ltmp1:
0x22: {  	_ = 	snop;
	(pc) =	sbr.rel @!p0 .LBB2_11-.Ltmp1, $3  }
0x23: {  	_ =	sdelay $0x1  }
0x24: {  	[sflag:s17] =	ssyncset.done $0x0  }
0x25: {  	[sflag:s17] =	ssyncadd.s32 $0xFFFFD800  }
.LBB2_1:
0x26: {  	[dreg:$0xd] =	wrdreg s4  }
0x27: {  	s1 =	rddreg [dreg:$0x4]  }
0x28: {  	[tilespmem:s13], [sflag:$0x5] =	stream.linear.gather [hbm4b:s1+s10], $0x2800, $0x38;
	[tilespmem:$0x16000] =	vst v63  }
0x29: {  	_ =	swait.ge [sflag:s17], $0x2800  }
0x2a: {  	[sflag:s17] =	ssyncset.done $0x0  }
0x2b: {  	s30 =	rddreg [dreg:$0x5];
	[sflag:s17] =	ssyncadd.s32 $0xFFFFD800  }
0x2c: {  	[spmem:s30] =	stream.linear.scatter [tilespmem:s13], [sflag:$0x5], $0x2800, $0x38;
	[tilespmem:$0x16000] =	vst v63  }
0x2d: {  	_ =	swait.ge [sflag:s17], $0x2800  }
0x2e: {  	[sflag:s17] =	ssyncset.done $0x0  }
0x2f: {  	s4 =	simm.s32 $0x40;
	s8 =	simm.s32 $0x0;
	[sflag:s17] =	ssyncadd.s32 $0xFFFFD800  }
.LBB2_2:
0x30: {  	p0 =	sne.s32 s4, $0x9FC0;
	[tilespmem:s8+$0xE800] =	vst v0;
	s8 =	smov.u32 s4;
	s4 =	sadd.s32 $0x40, s4  }
.Ltmp2:
0x31: {  	(pc) =	sbr.rel @p0 .LBB2_2-.Ltmp2, $2  }
0x32: {  	_ =	sdelay $0x2  }
0x33: {  	s8 =	sshra.s32 s8, $0x2  }
0x34: {  	[tilespmem:s8+$0xE800] =	vst v0  }
0x35: {  	[spmem:s12] =	stream.linear.scatter [tilespmem:s13], [sflag:$0x5], $0x2800, $0x38;
	[tilespmem:$0x16000] =	vst v63  }
0x36: {  	_ =	swait.ge [sflag:s17], $0x2800  }
0x37: {  	[sflag:s17] =	ssyncset.done $0x0  }
0x38: {  	s13 =	simm.s32 $0x0;
	s4 =	rddreg [dreg:$0x7];
	[sflag:s17] =	ssyncadd.s32 $0xFFFFD800  }
0x39: {  	[tilespmem:s13], [sflag:$0x5] =	stream.linear.gather [hbm4b:s4+s13], $0x1400, $0x38;
	[tilespmem:$0x16000] =	vst v63  }
0x3a: {  	_ =	swait.ge [sflag:s17], $0x1400  }
0x3b: {  	[sflag:s17] =	ssyncset.done $0x0  }
0x3c: {  	s30 =	simm.s32 $0x1400;
	s28 =	rddreg [dreg:$0x8];
	[sflag:s17] =	ssyncadd.s32 $0xFFFFEC00  }
0x3d: {  	[tilespmem:s30], [sflag:$0x5] =	stream.linear.gather [hbm4b:s28+s13], $0x1400, $0x38;
	[tilespmem:$0x16000] =	vst v63  }
0x3e: {  	_ =	swait.ge [sflag:s17], $0x1400  }
0x3f: {  	[sflag:s17] =	ssyncset.done $0x0  }
0x40: {  	[sflag:s17] =	ssyncadd.s32 $0xFFFFEC00  }
0x41: {  	[bflag:$0x0] =	sbarrier.arrive $0xFFFF  }
0x42: {  	s10 =	simm.s32 $0x2800;
	s8 =	rddreg [dreg:$0x9]  }
0x43: {  	[tilespmem:s10], [sflag:$0x1] =	stream.linear.gather [hbm4b:s8+s13], $0x2000, $0x38;
	[tilespmem:$0x16000] =	vst v63  }
0x44: {  	s12 =	simm.s32 $0x6800  }
0x45: {  	[tilespmem:s12], [sflag:$0x3] =	stream.indirect.gather [spmem:s2], $0x10, s13, s20, $0xb8;
	[tilespmem:$0x16000] =	vst v63  }
0x46: {  	s14 =	simm.s32 $0x7000  }
0x47: {  	[tilespmem:s14], [sflag:$0x3] =	stream.indirect.gather [spmem:s2], $0x10, s20, s20, $0xb8;
	[tilespmem:$0x16000] =	vst v63  }
0x48: {  	s15 =	simm.s32 $0x100;
	s16 =	simm.s32 $0x7800  }
0x49: {  	[tilespmem:s16], [sflag:$0x3] =	stream.indirect.gather [spmem:s2], $0x10, s15, s20, $0xb8;
	[tilespmem:$0x16000] =	vst v63  }
0x4a: {  	s28 =	simm.s32 $0x180;
	s30 =	simm.s32 $0x8000  }
0x4b: {  	[tilespmem:s30], [sflag:$0x3] =	stream.indirect.gather [spmem:s2], $0x10, s28, s20, $0xb8;
	[tilespmem:$0x16000] =	vst v63  }
0x4c: {  	s8 =	rddreg [dreg:$0xa];
	s10 =	simm.s32 $0x4800  }
0x4d: {  	[tilespmem:s10], [sflag:$0x2] =	stream.linear.gather [hbm4b:s8+s13], $0x2000, $0x38;
	[tilespmem:$0x16000] =	vst v63  }
0x4e: {  	s12 =	simm.s32 $0x200;
	s14 =	simm.s32 $0x8800  }
0x4f: {  	[tilespmem:s14], [sflag:$0x4] =	stream.indirect.gather [spmem:s2], $0x10, s12, s20, $0xb8;
	[tilespmem:$0x16000] =	vst v63  }
0x50: {  	s15 =	simm.s32 $0x280;
	s16 =	simm.s32 $0x9000  }
0x51: {  	[tilespmem:s16], [sflag:$0x4] =	stream.indirect.gather [spmem:s2], $0x10, s15, s20, $0xb8;
	[tilespmem:$0x16000] =	vst v63  }
0x52: {  	s28 =	simm.s32 $0x300  }
0x53: {  	[tilespmem:s18], [sflag:$0x4] =	stream.indirect.gather [spmem:s2], $0x10, s28, s20, $0xb8;
	[tilespmem:$0x16000] =	vst v63  }
0x54: {  	s1 =	simm.s32 $0x0;
	s30 =	simm.s32 $0x380  }
0x55: {  	[tilespmem:s21], [sflag:$0x4] =	stream.indirect.gather [spmem:s2], $0x10, s30, s20, $0xb8;
	[tilespmem:$0x16000] =	vst v63  }
.LBB2_4:
0x56: {  	_ =	swait.ge [sflag:s22], $0x2000  }
0x57: {  	[sflag:s22] =	ssyncset.done $0x0  }
0x58: {  	[sflag:s22] =	ssyncadd.s32 $0xFFFFE000  }
0x59: {  	_ =	swait.ge [sflag:s23], $0x800  }
0x5a: {  	[sflag:s23] =	ssyncset.done $0x0  }
0x5b: {  	[sflag:s23] =	ssyncadd.s32 $0xFFFFF800  }
0x5c: {  	_ =	swait.ge [sflag:s23], $0x800  }
0x5d: {  	[sflag:s23] =	ssyncset.done $0x0  }
0x5e: {  	[sflag:s23] =	ssyncadd.s32 $0xFFFFF800  }
0x5f: {  	_ =	swait.ge [sflag:s23], $0x800  }
0x60: {  	[sflag:s23] =	ssyncset.done $0x0  }
0x61: {  	[sflag:s23] =	ssyncadd.s32 $0xFFFFF800  }
0x62: {  	_ =	swait.ge [sflag:s23], $0x800  }
0x63: {  	[sflag:s23] =	ssyncset.done $0x0  }
0x64: {  	s14 =	simm.s32 $0x2880;
	[sflag:s23] =	ssyncadd.s32 $0xFFFFF800  }
0x65: {  	s12 =	simm.s32 $0x7800;
	v1 =	vld [tilespmem:s14+$0xFFFFFF80]  }
0x66: {  	v2 =	vld [tilespmem:s12+$0xFFFFF000];
	_ =	sdelay $0x4  }
0x67: {  	v1 =	vmul.f32 v2, v1  }
0x68: {  	s8 =	simm.s32 $0xB800  }
0x69: {  	[tilespmem:s8+$0xFFFFF000] =	vst v1  }
0x6a: {  	v1 =	vld [tilespmem:s12+$0xFFFFF400]  }
0x6b: {  	v2 =	vld [tilespmem:s14+$0xFFFFFF90];
	_ =	sdelay $0x4  }
0x6c: {  	v1 =	vmul.f32 v1, v2;
	_ =	sdelay $0x1  }
0x6d: {  	[tilespmem:s8+$0xFFFFF400] =	vst v1  }
0x6e: {  	v1 =	vld [tilespmem:s14+$0xFFFFFFA0]  }
0x6f: {  	v2 =	vld [tilespmem:s12+$0xFFFFF800];
	_ =	sdelay $0x4  }
0x70: {  	v1 =	vmul.f32 v2, v1;
	_ =	sdelay $0x1  }
0x71: {  	[tilespmem:s8+$0xFFFFF800] =	vst v1  }
0x72: {  	v1 =	vld [tilespmem:s14+$0xFFFFFFB0]  }
0x73: {  	v2 =	vld [tilespmem:s12+$0xFFFFFC00];
	_ =	sdelay $0x4  }
0x74: {  	v1 =	vmul.f32 v2, v1;
	_ =	sdelay $0x1  }
0x75: {  	[tilespmem:s8+$0xFFFFFC00] =	vst v1  }
0x76: {  	v1 =	vld [tilespmem:s14+$0xFFFFFFC0]  }
0x77: {  	v2 =	vld [tilespmem:s12+$0x0];
	_ =	sdelay $0x4  }
0x78: {  	v1 =	vmul.f32 v2, v1;
	_ =	sdelay $0x1  }
0x79: {  	[tilespmem:s8+$0x0] =	vst v1  }
0x7a: {  	v1 =	vld [tilespmem:s14+$0xFFFFFFD0]  }
0x7b: {  	v2 =	vld [tilespmem:s12+$0x400];
	_ =	sdelay $0x4  }
0x7c: {  	v1 =	vmul.f32 v2, v1;
	_ =	sdelay $0x1  }
0x7d: {  	[tilespmem:s8+$0x400] =	vst v1  }
0x7e: {  	v1 =	vld [tilespmem:s14+$0xFFFFFFE0]  }
0x7f: {  	v2 =	vld [tilespmem:s12+$0x800];
	_ =	sdelay $0x4  }
0x80: {  	v1 =	vmul.f32 v2, v1;
	_ =	sdelay $0x1  }
0x81: {  	[tilespmem:s8+$0x800] =	vst v1  }
0x82: {  	v1 =	vld [tilespmem:s14+$0xFFFFFFF0]  }
0x83: {  	v2 =	vld [tilespmem:s12+$0xC00];
	_ =	sdelay $0x4  }
0x84: {  	v1 =	vmul.f32 v2, v1;
	_ =	sdelay $0x1  }
0x85: {  	[tilespmem:s8+$0xC00] =	vst v1  }
0x86: {  	v1 =	vld [tilespmem:s14+$0x0]  }
0x87: {  	v2 =	vld [tilespmem:s12+$0xFFFFF010];
	_ =	sdelay $0x4  }
0x88: {  	v1 =	vmul.f32 v2, v1;
	_ =	sdelay $0x1  }
0x89: {  	[tilespmem:s8+$0xFFFFF010] =	vst v1  }
0x8a: {  	v1 =	vld [tilespmem:s14+$0x10]  }
0x8b: {  	v2 =	vld [tilespmem:s12+$0xFFFFF410];
	_ =	sdelay $0x4  }
0x8c: {  	v1 =	vmul.f32 v2, v1;
	_ =	sdelay $0x1  }
0x8d: {  	[tilespmem:s8+$0xFFFFF410] =	vst v1  }
0x8e: {  	v1 =	vld [tilespmem:s14+$0x20]  }
0x8f: {  	v2 =	vld [tilespmem:s12+$0xFFFFF810];
	_ =	sdelay $0x4  }
0x90: {  	v1 =	vmul.f32 v2, v1;
	_ =	sdelay $0x1  }
0x91: {  	[tilespmem:s8+$0xFFFFF810] =	vst v1  }
0x92: {  	v1 =	vld [tilespmem:s14+$0x30]  }
0x93: {  	v2 =	vld [tilespmem:s12+$0xFFFFFC10];
	_ =	sdelay $0x4  }
0x94: {  	v1 =	vmul.f32 v2, v1;
	_ =	sdelay $0x1  }
0x95: {  	[tilespmem:s8+$0xFFFFFC10] =	vst v1  }
0x96: {  	v1 =	vld [tilespmem:s14+$0x40]  }
0x97: {  	v2 =	vld [tilespmem:s12+$0x10];
	_ =	sdelay $0x4  }
0x98: {  	v1 =	vmul.f32 v2, v1;
	_ =	sdelay $0x1  }
0x99: {  	[tilespmem:s8+$0x10] =	vst v1  }
0x9a: {  	v1 =	vld [tilespmem:s14+$0x50]  }
0x9b: {  	v2 =	vld [tilespmem:s12+$0x410];
	_ =	sdelay $0x4  }
0x9c: {  	v1 =	vmul.f32 v2, v1;
	_ =	sdelay $0x1  }
0x9d: {  	[tilespmem:s8+$0x410] =	vst v1  }
0x9e: {  	s10 =	simm.s32 $0x0;
	v1 =	vld [tilespmem:s14+$0x60]  }
0x9f: {  	s16 =	simm.s32 $0x2980;
	s15 =	simm.s32 $0xB800;
	s4 =	simm.s32 $0x7800;
	v2 =	vld [tilespmem:s12+$0x810]  }
.LBB2_5:
0xa0: {  	s10 =	sadd.s32 $0x2, s10;
	s8 =	sadd.s32 $0x20, s8;
	s12 =	sadd.s32 $0x20, s12  }
0xa1: {  	p0 =	slt.u32 s10, $0x3E;
	_ =	sdelay $0x2  }
0xa2: {  	v1 =	vmul.f32 v2, v1;
	_ =	sdelay $0x1  }
0xa3: {  	[tilespmem:s15+$0x810] =	vst v1  }
0xa4: {  	v1 =	vld [tilespmem:s14+$0x70];
	s14 =	smov.u32 s16  }
0xa5: {  	v2 =	vld [tilespmem:s4+$0xC10];
	s4 =	smov.u32 s12;
	_ =	sdelay $0x4  }
0xa6: {  	v1 =	vmul.f32 v2, v1;
	_ =	sdelay $0x1  }
0xa7: {  	[tilespmem:s15+$0xC10] =	vst v1;
	s15 =	smov.u32 s8  }
0xa8: {  	v1 =	vld [tilespmem:s16+$0xFFFFFF80]  }
0xa9: {  	v2 =	vld [tilespmem:s12+$0xFFFFF000];
	_ =	sdelay $0x4  }
0xaa: {  	v1 =	vmul.f32 v2, v1;
	_ =	sdelay $0x1  }
0xab: {  	[tilespmem:s8+$0xFFFFF000] =	vst v1  }
0xac: {  	v1 =	vld [tilespmem:s12+$0xFFFFF400]  }
0xad: {  	v2 =	vld [tilespmem:s16+$0xFFFFFF90];
	_ =	sdelay $0x4  }
0xae: {  	v1 =	vmul.f32 v1, v2;
	_ =	sdelay $0x1  }
0xaf: {  	[tilespmem:s8+$0xFFFFF400] =	vst v1  }
0xb0: {  	v1 =	vld [tilespmem:s16+$0xFFFFFFA0]  }
0xb1: {  	v2 =	vld [tilespmem:s12+$0xFFFFF800];
	_ =	sdelay $0x4  }
0xb2: {  	v1 =	vmul.f32 v2, v1;
	_ =	sdelay $0x1  }
0xb3: {  	[tilespmem:s8+$0xFFFFF800] =	vst v1  }
0xb4: {  	v1 =	vld [tilespmem:s16+$0xFFFFFFB0]  }
0xb5: {  	v2 =	vld [tilespmem:s12+$0xFFFFFC00];
	_ =	sdelay $0x4  }
0xb6: {  	v1 =	vmul.f32 v2, v1;
	_ =	sdelay $0x1  }
0xb7: {  	[tilespmem:s8+$0xFFFFFC00] =	vst v1  }
0xb8: {  	v1 =	vld [tilespmem:s16+$0xFFFFFFC0]  }
0xb9: {  	v2 =	vld [tilespmem:s12+$0x0];
	_ =	sdelay $0x4  }
0xba: {  	v1 =	vmul.f32 v2, v1;
	_ =	sdelay $0x1  }
0xbb: {  	[tilespmem:s8+$0x0] =	vst v1  }
0xbc: {  	v1 =	vld [tilespmem:s16+$0xFFFFFFD0]  }
0xbd: {  	v2 =	vld [tilespmem:s12+$0x400];
	_ =	sdelay $0x4  }
0xbe: {  	v1 =	vmul.f32 v2, v1;
	_ =	sdelay $0x1  }
0xbf: {  	[tilespmem:s8+$0x400] =	vst v1  }
0xc0: {  	v1 =	vld [tilespmem:s16+$0xFFFFFFE0]  }
0xc1: {  	v2 =	vld [tilespmem:s12+$0x800];
	_ =	sdelay $0x4  }
0xc2: {  	v1 =	vmul.f32 v2, v1;
	_ =	sdelay $0x1  }
0xc3: {  	[tilespmem:s8+$0x800] =	vst v1  }
0xc4: {  	v1 =	vld [tilespmem:s16+$0xFFFFFFF0]  }
0xc5: {  	v2 =	vld [tilespmem:s12+$0xC00];
	_ =	sdelay $0x4  }
0xc6: {  	v1 =	vmul.f32 v2, v1;
	_ =	sdelay $0x1  }
0xc7: {  	[tilespmem:s8+$0xC00] =	vst v1  }
0xc8: {  	v1 =	vld [tilespmem:s16+$0x0]  }
0xc9: {  	v2 =	vld [tilespmem:s12+$0xFFFFF010];
	_ =	sdelay $0x4  }
0xca: {  	v1 =	vmul.f32 v2, v1;
	_ =	sdelay $0x1  }
0xcb: {  	[tilespmem:s8+$0xFFFFF010] =	vst v1  }
0xcc: {  	v1 =	vld [tilespmem:s16+$0x10]  }
0xcd: {  	v2 =	vld [tilespmem:s12+$0xFFFFF410];
	_ =	sdelay $0x4  }
0xce: {  	v1 =	vmul.f32 v2, v1;
	_ =	sdelay $0x1  }
0xcf: {  	[tilespmem:s8+$0xFFFFF410] =	vst v1  }
0xd0: {  	v1 =	vld [tilespmem:s16+$0x20]  }
0xd1: {  	v2 =	vld [tilespmem:s12+$0xFFFFF810];
	_ =	sdelay $0x4  }
0xd2: {  	v1 =	vmul.f32 v2, v1;
	_ =	sdelay $0x1  }
0xd3: {  	[tilespmem:s8+$0xFFFFF810] =	vst v1  }
0xd4: {  	v1 =	vld [tilespmem:s16+$0x30]  }
0xd5: {  	v2 =	vld [tilespmem:s12+$0xFFFFFC10];
	_ =	sdelay $0x4  }
0xd6: {  	v1 =	vmul.f32 v2, v1;
	_ =	sdelay $0x1  }
0xd7: {  	[tilespmem:s8+$0xFFFFFC10] =	vst v1  }
0xd8: {  	v1 =	vld [tilespmem:s16+$0x40]  }
0xd9: {  	v2 =	vld [tilespmem:s12+$0x10];
	_ =	sdelay $0x4  }
0xda: {  	v1 =	vmul.f32 v2, v1;
	_ =	sdelay $0x1  }
0xdb: {  	[tilespmem:s8+$0x10] =	vst v1  }
0xdc: {  	v1 =	vld [tilespmem:s16+$0x50]  }
0xdd: {  	v2 =	vld [tilespmem:s12+$0x410];
	_ =	sdelay $0x4  }
.Ltmp3:
0xde: {  	v1 =	vmul.f32 v2, v1;
	(pc) =	sbr.rel @p0 .LBB2_5-.Ltmp3, $4  }
0xdf: {  	_ = 	snop  }
0xe0: {  	[tilespmem:s8+$0x410] =	vst v1  }
0xe1: {  	v1 =	vld [tilespmem:s16+$0x60]  }
0xe2: {  	s16 =	sadd.s32 $0x100, s16;
	v2 =	vld [tilespmem:s12+$0x810]  }
0xe3: {  	_ =	sdelay $0x3  }
0xe4: {  	v1 =	vmul.f32 v2, v1;
	_ =	sdelay $0x1  }
0xe5: {  	[tilespmem:s15+$0x810] =	vst v1  }
0xe6: {  	v1 =	vld [tilespmem:s14+$0x70]  }
0xe7: {  	v2 =	vld [tilespmem:s4+$0xC10];
	_ =	sdelay $0x4  }
0xe8: {  	s10 =	sshll.u32 s13, $0xA;
	v1 =	vmul.f32 v2, v1  }
0xe9: {  	s14 =	sand.u32 $0x3FFFFC00, s10  }
0xea: {  	s4 =	sadd.s32 $0x1400, s14;
	[tilespmem:s15+$0xC10] =	vst v1  }
0xeb: {  	[spmem:s3] =	stream.indirect.scatter.add.f32 [tilespmem:s24], [sflag:$0x5], $0x10, s4, s20, $0xb8;
	[tilespmem:$0x16000] =	vst v63  }
0xec: {  	_ =	swait.ge [sflag:s17], $0x800  }
0xed: {  	[sflag:s17] =	ssyncset.done $0x0  }
0xee: {  	s12 =	sadd.s32 $0x1480, s14;
	[sflag:s17] =	ssyncadd.s32 $0xFFFFF800  }
0xef: {  	[spmem:s3] =	stream.indirect.scatter.add.f32 [tilespmem:s25], [sflag:$0x5], $0x10, s12, s20, $0xb8;
	[tilespmem:$0x16000] =	vst v63  }
0xf0: {  	_ =	swait.ge [sflag:s17], $0x800  }
0xf1: {  	[sflag:s17] =	ssyncset.done $0x0  }
0xf2: {  	s15 =	sadd.s32 $0x1500, s14;
	[sflag:s17] =	ssyncadd.s32 $0xFFFFF800  }
0xf3: {  	[spmem:s3] =	stream.indirect.scatter.add.f32 [tilespmem:s26], [sflag:$0x5], $0x10, s15, s20, $0xb8;
	[tilespmem:$0x16000] =	vst v63  }
0xf4: {  	p0 =	seq.s32 s13, $0x4;
	s15 =	sshll.u32 s13, $0x1;
	_ =	swait.ge [sflag:s17], $0x800  }
0xf5: {  	s4 =	sadd.s32 @!p0 $0x2, s15;
	[sflag:s17] =	ssyncset.done $0x0  }
0xf6: {  	s16 =	sadd.s32 $0x1580, s14;
	s8 =	sadd.s32 @!p0 s11, s4;
	[sflag:s17] =	ssyncadd.s32 $0xFFFFF800  }
0xf7: {  	[spmem:s3] =	stream.indirect.scatter.add.f32 [tilespmem:s29], [sflag:$0x5], $0x10, s16, s20, $0xb8;
	[tilespmem:$0x16000] =	vst v63  }
0xf8: {  	s10 =	simm.s32 @!p0 $0x0;
	s8 =	sshll.u32 @!p0 s8, $0xA;
	_ =	swait.ge [sflag:s17], $0x800  }
0xf9: {  	s12 =	simm.s32 @!p0 $0x2800;
	s8 =	sand.u32 @!p0 $0x1FFFF800, s8;
	[sflag:s17] =	ssyncset.done $0x0  }
0xfa: {  	s4 =	sshll.u32 @!p0 s4, $0x9;
	s8 =	sadd.s32 @!p0 s5, s8;
	[sflag:s17] =	ssyncadd.s32 $0xFFFFF800  }
0xfb: {  	[tilespmem:s12], [sflag:$0x1] =	stream.linear.gather @!p0 [hbm4b:s8+s10], $0x2000, $0x38;
	[tilespmem:$0x16000] =	vst v63  }
0xfc: {  	s4 =	sand.u32 @!p0 $0x3FFFFE00, s4;
	s8 =	simm.s32 @!p0 $0x80;
	s10 =	simm.s32 @!p0 $0x6800  }
0xfd: {  	[tilespmem:s10], [sflag:$0x3] =	stream.indirect.gather @!p0 [spmem:s2], $0x10, s4, s8, $0xb8;
	[tilespmem:$0x16000] =	vst v63  }
0xfe: {  	s12 =	simm.s32 @!p0 $0x7000;
	s10 =	sor.u32 @!p0 $0x80, s4  }
0xff: {  	[tilespmem:s12], [sflag:$0x3] =	stream.indirect.gather @!p0 [spmem:s2], $0x10, s10, s8, $0xb8;
	[tilespmem:$0x16000] =	vst v63  }
0x100: {  	s10 =	sor.u32 @!p0 $0x100, s4;
	s12 =	simm.s32 @!p0 $0x7800  }
0x101: {  	[tilespmem:s12], [sflag:$0x3] =	stream.indirect.gather @!p0 [spmem:s2], $0x10, s10, s8, $0xb8;
	[tilespmem:$0x16000] =	vst v63  }
0x102: {  	s4 =	sor.u32 @!p0 $0x180, s4;
	s10 =	simm.s32 @!p0 $0x8000  }
0x103: {  	[tilespmem:s10], [sflag:$0x3] =	stream.indirect.gather @!p0 [spmem:s2], $0x10, s4, s8, $0xb8;
	[tilespmem:$0x16000] =	vst v63  }
0x104: {  	_ =	swait.ge [sflag:s31], $0x2000  }
0x105: {  	[sflag:s31] =	ssyncset.done $0x0  }
0x106: {  	[sflag:s31] =	ssyncadd.s32 $0xFFFFE000  }
0x107: {  	_ =	swait.ge [sflag:s0], $0x800  }
0x108: {  	[sflag:s0] =	ssyncset.done $0x0  }
0x109: {  	[sflag:s0] =	ssyncadd.s32 $0xFFFFF800  }
0x10a: {  	_ =	swait.ge [sflag:s0], $0x800  }
0x10b: {  	[sflag:s0] =	ssyncset.done $0x0  }
0x10c: {  	[sflag:s0] =	ssyncadd.s32 $0xFFFFF800  }
0x10d: {  	_ =	swait.ge [sflag:s0], $0x800  }
0x10e: {  	[sflag:s0] =	ssyncset.done $0x0  }
0x10f: {  	[sflag:s0] =	ssyncadd.s32 $0xFFFFF800  }
0x110: {  	_ =	swait.ge [sflag:s0], $0x800  }
0x111: {  	[sflag:s0] =	ssyncset.done $0x0  }
0x112: {  	s12 =	simm.s32 $0x4880;
	[sflag:s0] =	ssyncadd.s32 $0xFFFFF800  }
0x113: {  	s8 =	simm.s32 $0x9800;
	v1 =	vld [tilespmem:s12+$0xFFFFFF80]  }
0x114: {  	v2 =	vld [tilespmem:s8+$0xFFFFF000];
	_ =	sdelay $0x4  }
0x115: {  	v1 =	vmul.f32 v2, v1  }
0x116: {  	s16 =	simm.s32 $0xD800  }
0x117: {  	[tilespmem:s16+$0xFFFFF000] =	vst v1  }
0x118: {  	v1 =	vld [tilespmem:s8+$0xFFFFF400]  }
0x119: {  	v2 =	vld [tilespmem:s12+$0xFFFFFF90];
	_ =	sdelay $0x4  }
0x11a: {  	v1 =	vmul.f32 v1, v2;
	_ =	sdelay $0x1  }
0x11b: {  	[tilespmem:s16+$0xFFFFF400] =	vst v1  }
0x11c: {  	v1 =	vld [tilespmem:s12+$0xFFFFFFA0]  }
0x11d: {  	v2 =	vld [tilespmem:s8+$0xFFFFF800];
	_ =	sdelay $0x4  }
0x11e: {  	v1 =	vmul.f32 v2, v1;
	_ =	sdelay $0x1  }
0x11f: {  	[tilespmem:s16+$0xFFFFF800] =	vst v1  }
0x120: {  	v1 =	vld [tilespmem:s12+$0xFFFFFFB0]  }
0x121: {  	v2 =	vld [tilespmem:s8+$0xFFFFFC00];
	_ =	sdelay $0x4  }
0x122: {  	v1 =	vmul.f32 v2, v1;
	_ =	sdelay $0x1  }
0x123: {  	[tilespmem:s16+$0xFFFFFC00] =	vst v1  }
0x124: {  	v1 =	vld [tilespmem:s12+$0xFFFFFFC0]  }
0x125: {  	v2 =	vld [tilespmem:s8+$0x0];
	_ =	sdelay $0x4  }
0x126: {  	v1 =	vmul.f32 v2, v1;
	_ =	sdelay $0x1  }
0x127: {  	[tilespmem:s16+$0x0] =	vst v1  }
0x128: {  	v1 =	vld [tilespmem:s12+$0xFFFFFFD0]  }
0x129: {  	v2 =	vld [tilespmem:s8+$0x400];
	_ =	sdelay $0x4  }
0x12a: {  	v1 =	vmul.f32 v2, v1;
	_ =	sdelay $0x1  }
0x12b: {  	[tilespmem:s16+$0x400] =	vst v1  }
0x12c: {  	v1 =	vld [tilespmem:s12+$0xFFFFFFE0]  }
0x12d: {  	v2 =	vld [tilespmem:s8+$0x800];
	_ =	sdelay $0x4  }
0x12e: {  	v1 =	vmul.f32 v2, v1;
	_ =	sdelay $0x1  }
0x12f: {  	[tilespmem:s16+$0x800] =	vst v1  }
0x130: {  	v1 =	vld [tilespmem:s12+$0xFFFFFFF0]  }
0x131: {  	v2 =	vld [tilespmem:s8+$0xC00];
	_ =	sdelay $0x4  }
0x132: {  	v1 =	vmul.f32 v2, v1;
	_ =	sdelay $0x1  }
0x133: {  	[tilespmem:s16+$0xC00] =	vst v1  }
0x134: {  	v1 =	vld [tilespmem:s12+$0x0]  }
0x135: {  	v2 =	vld [tilespmem:s8+$0xFFFFF010];
	_ =	sdelay $0x4  }
0x136: {  	v1 =	vmul.f32 v2, v1;
	_ =	sdelay $0x1  }
0x137: {  	[tilespmem:s16+$0xFFFFF010] =	vst v1  }
0x138: {  	v1 =	vld [tilespmem:s12+$0x10]  }
0x139: {  	v2 =	vld [tilespmem:s8+$0xFFFFF410];
	_ =	sdelay $0x4  }
0x13a: {  	v1 =	vmul.f32 v2, v1;
	_ =	sdelay $0x1  }
0x13b: {  	[tilespmem:s16+$0xFFFFF410] =	vst v1  }
0x13c: {  	v1 =	vld [tilespmem:s12+$0x20]  }
0x13d: {  	v2 =	vld [tilespmem:s8+$0xFFFFF810];
	_ =	sdelay $0x4  }
0x13e: {  	v1 =	vmul.f32 v2, v1;
	_ =	sdelay $0x1  }
0x13f: {  	[tilespmem:s16+$0xFFFFF810] =	vst v1  }
0x140: {  	v1 =	vld [tilespmem:s12+$0x30]  }
0x141: {  	v2 =	vld [tilespmem:s8+$0xFFFFFC10];
	_ =	sdelay $0x4  }
0x142: {  	v1 =	vmul.f32 v2, v1;
	_ =	sdelay $0x1  }
0x143: {  	[tilespmem:s16+$0xFFFFFC10] =	vst v1  }
0x144: {  	v1 =	vld [tilespmem:s12+$0x40]  }
0x145: {  	v2 =	vld [tilespmem:s8+$0x10];
	_ =	sdelay $0x4  }
0x146: {  	v1 =	vmul.f32 v2, v1;
	_ =	sdelay $0x1  }
0x147: {  	[tilespmem:s16+$0x10] =	vst v1  }
0x148: {  	v1 =	vld [tilespmem:s12+$0x50]  }
0x149: {  	v2 =	vld [tilespmem:s8+$0x410];
	_ =	sdelay $0x4  }
0x14a: {  	v1 =	vmul.f32 v2, v1;
	_ =	sdelay $0x1  }
0x14b: {  	[tilespmem:s16+$0x410] =	vst v1  }
0x14c: {  	s30 =	simm.s32 $0x4980;
	v1 =	vld [tilespmem:s12+$0x60]  }
0x14d: {  	s28 =	simm.s32 $0x9800;
	s4 =	simm.s32 $0x0;
	s10 =	simm.s32 $0xD800;
	v2 =	vld [tilespmem:s8+$0x810]  }
.LBB2_7:
0x14e: {  	s4 =	sadd.s32 $0x2, s4;
	s16 =	sadd.s32 $0x20, s16;
	s8 =	sadd.s32 $0x20, s8  }
0x14f: {  	p1 =	slt.u32 s4, $0x3E;
	_ =	sdelay $0x2  }
0x150: {  	v1 =	vmul.f32 v2, v1;
	_ =	sdelay $0x1  }
0x151: {  	[tilespmem:s10+$0x810] =	vst v1  }
0x152: {  	v1 =	vld [tilespmem:s12+$0x70];
	s12 =	smov.u32 s30  }
0x153: {  	v2 =	vld [tilespmem:s28+$0xC10];
	s28 =	smov.u32 s8;
	_ =	sdelay $0x4  }
0x154: {  	v1 =	vmul.f32 v2, v1;
	_ =	sdelay $0x1  }
0x155: {  	[tilespmem:s10+$0xC10] =	vst v1;
	s10 =	smov.u32 s16  }
0x156: {  	v1 =	vld [tilespmem:s30+$0xFFFFFF80]  }
0x157: {  	v2 =	vld [tilespmem:s8+$0xFFFFF000];
	_ =	sdelay $0x4  }
0x158: {  	v1 =	vmul.f32 v2, v1;
	_ =	sdelay $0x1  }
0x159: {  	[tilespmem:s16+$0xFFFFF000] =	vst v1  }
0x15a: {  	v1 =	vld [tilespmem:s8+$0xFFFFF400]  }
0x15b: {  	v2 =	vld [tilespmem:s30+$0xFFFFFF90];
	_ =	sdelay $0x4  }
0x15c: {  	v1 =	vmul.f32 v1, v2;
	_ =	sdelay $0x1  }
0x15d: {  	[tilespmem:s16+$0xFFFFF400] =	vst v1  }
0x15e: {  	v1 =	vld [tilespmem:s30+$0xFFFFFFA0]  }
0x15f: {  	v2 =	vld [tilespmem:s8+$0xFFFFF800];
	_ =	sdelay $0x4  }
0x160: {  	v1 =	vmul.f32 v2, v1;
	_ =	sdelay $0x1  }
0x161: {  	[tilespmem:s16+$0xFFFFF800] =	vst v1  }
0x162: {  	v1 =	vld [tilespmem:s30+$0xFFFFFFB0]  }
0x163: {  	v2 =	vld [tilespmem:s8+$0xFFFFFC00];
	_ =	sdelay $0x4  }
0x164: {  	v1 =	vmul.f32 v2, v1;
	_ =	sdelay $0x1  }
0x165: {  	[tilespmem:s16+$0xFFFFFC00] =	vst v1  }
0x166: {  	v1 =	vld [tilespmem:s30+$0xFFFFFFC0]  }
0x167: {  	v2 =	vld [tilespmem:s8+$0x0];
	_ =	sdelay $0x4  }
0x168: {  	v1 =	vmul.f32 v2, v1;
	_ =	sdelay $0x1  }
0x169: {  	[tilespmem:s16+$0x0] =	vst v1  }
0x16a: {  	v1 =	vld [tilespmem:s30+$0xFFFFFFD0]  }
0x16b: {  	v2 =	vld [tilespmem:s8+$0x400];
	_ =	sdelay $0x4  }
0x16c: {  	v1 =	vmul.f32 v2, v1;
	_ =	sdelay $0x1  }
0x16d: {  	[tilespmem:s16+$0x400] =	vst v1  }
0x16e: {  	v1 =	vld [tilespmem:s30+$0xFFFFFFE0]  }
0x16f: {  	v2 =	vld [tilespmem:s8+$0x800];
	_ =	sdelay $0x4  }
0x170: {  	v1 =	vmul.f32 v2, v1;
	_ =	sdelay $0x1  }
0x171: {  	[tilespmem:s16+$0x800] =	vst v1  }
0x172: {  	v1 =	vld [tilespmem:s30+$0xFFFFFFF0]  }
0x173: {  	v2 =	vld [tilespmem:s8+$0xC00];
	_ =	sdelay $0x4  }
0x174: {  	v1 =	vmul.f32 v2, v1;
	_ =	sdelay $0x1  }
0x175: {  	[tilespmem:s16+$0xC00] =	vst v1  }
0x176: {  	v1 =	vld [tilespmem:s30+$0x0]  }
0x177: {  	v2 =	vld [tilespmem:s8+$0xFFFFF010];
	_ =	sdelay $0x4  }
0x178: {  	v1 =	vmul.f32 v2, v1;
	_ =	sdelay $0x1  }
0x179: {  	[tilespmem:s16+$0xFFFFF010] =	vst v1  }
0x17a: {  	v1 =	vld [tilespmem:s30+$0x10]  }
0x17b: {  	v2 =	vld [tilespmem:s8+$0xFFFFF410];
	_ =	sdelay $0x4  }
0x17c: {  	v1 =	vmul.f32 v2, v1;
	_ =	sdelay $0x1  }
0x17d: {  	[tilespmem:s16+$0xFFFFF410] =	vst v1  }
0x17e: {  	v1 =	vld [tilespmem:s30+$0x20]  }
0x17f: {  	v2 =	vld [tilespmem:s8+$0xFFFFF810];
	_ =	sdelay $0x4  }
0x180: {  	v1 =	vmul.f32 v2, v1;
	_ =	sdelay $0x1  }
0x181: {  	[tilespmem:s16+$0xFFFFF810] =	vst v1  }
0x182: {  	v1 =	vld [tilespmem:s30+$0x30]  }
0x183: {  	v2 =	vld [tilespmem:s8+$0xFFFFFC10];
	_ =	sdelay $0x4  }
0x184: {  	v1 =	vmul.f32 v2, v1;
	_ =	sdelay $0x1  }
0x185: {  	[tilespmem:s16+$0xFFFFFC10] =	vst v1  }
0x186: {  	v1 =	vld [tilespmem:s30+$0x40]  }
0x187: {  	v2 =	vld [tilespmem:s8+$0x10];
	_ =	sdelay $0x4  }
0x188: {  	v1 =	vmul.f32 v2, v1;
	_ =	sdelay $0x1  }
0x189: {  	[tilespmem:s16+$0x10] =	vst v1  }
0x18a: {  	v1 =	vld [tilespmem:s30+$0x50]  }
0x18b: {  	v2 =	vld [tilespmem:s8+$0x410];
	_ =	sdelay $0x4  }
.Ltmp4:
0x18c: {  	v1 =	vmul.f32 v2, v1;
	(pc) =	sbr.rel @p1 .LBB2_7-.Ltmp4, $4  }
0x18d: {  	_ = 	snop  }
0x18e: {  	[tilespmem:s16+$0x410] =	vst v1  }
0x18f: {  	v1 =	vld [tilespmem:s30+$0x60]  }
0x190: {  	s30 =	sadd.s32 $0x100, s30;
	v2 =	vld [tilespmem:s8+$0x810]  }
0x191: {  	_ =	sdelay $0x3  }
0x192: {  	v1 =	vmul.f32 v2, v1;
	_ =	sdelay $0x1  }
0x193: {  	[tilespmem:s10+$0x810] =	vst v1  }
0x194: {  	v1 =	vld [tilespmem:s12+$0x70]  }
0x195: {  	v2 =	vld [tilespmem:s28+$0xC10];
	_ =	sdelay $0x4  }
0x196: {  	v1 =	vmul.f32 v2, v1;
	_ =	sdelay $0x1  }
0x197: {  	s4 =	sadd.s32 $0x1600, s14;
	[tilespmem:s10+$0xC10] =	vst v1  }
0x198: {  	[spmem:s3] =	stream.indirect.scatter.add.f32 [tilespmem:s19], [sflag:$0x5], $0x10, s4, s20, $0xb8;
	[tilespmem:$0x16000] =	vst v63  }
0x199: {  	_ =	swait.ge [sflag:s17], $0x800  }
0x19a: {  	[sflag:s17] =	ssyncset.done $0x0  }
0x19b: {  	s16 =	sadd.s32 $0x1680, s14;
	[sflag:s17] =	ssyncadd.s32 $0xFFFFF800  }
0x19c: {  	[spmem:s3] =	stream.indirect.scatter.add.f32 [tilespmem:s6], [sflag:$0x5], $0x10, s16, s20, $0xb8;
	[tilespmem:$0x16000] =	vst v63  }
0x19d: {  	_ =	swait.ge [sflag:s17], $0x800  }
0x19e: {  	[sflag:s17] =	ssyncset.done $0x0  }
0x19f: {  	s28 =	sadd.s32 $0x1700, s14;
	[sflag:s17] =	ssyncadd.s32 $0xFFFFF800  }
0x1a0: {  	[spmem:s3] =	stream.indirect.scatter.add.f32 [tilespmem:s7], [sflag:$0x5], $0x10, s28, s20, $0xb8;
	[tilespmem:$0x16000] =	vst v63  }
0x1a1: {  	_ =	swait.ge [sflag:s17], $0x800  }
0x1a2: {  	[sflag:s17] =	ssyncset.done $0x0  }
.Ltmp5:
0x1a3: {  	s30 =	sadd.s32 $0x1780, s14;
	[sflag:s17] =	ssyncadd.s32 $0xFFFFF800;
	(pc) =	sbr.rel @p0 .LBB2_10-.Ltmp5, $4  }
0x1a4: {  	[spmem:s3] =	stream.indirect.scatter.add.f32 [tilespmem:s9], [sflag:$0x5], $0x10, s30, s20, $0xb8;
	[tilespmem:$0x16000] =	vst v63  }
0x1a5: {  	_ =	swait.ge [sflag:s17], $0x800  }
0x1a6: {  	[sflag:s17] =	ssyncset.done $0x0  }
0x1a7: {  	[sflag:s17] =	ssyncadd.s32 $0xFFFFF800  }
0x1a8: {  	s4 =	sadd.s32 $0x3, s15  }
0x1a9: {  	s8 =	sadd.s32 s11, s4  }
0x1aa: {  	s8 =	sshll.u32 s8, $0xA  }
0x1ab: {  	s8 =	sand.u32 $0x1FFFFC00, s8  }
0x1ac: {  	s10 =	simm.s32 $0x4800;
	s4 =	sshll.u32 s4, $0x9;
	s8 =	sadd.s32 s5, s8  }
0x1ad: {  	[tilespmem:s10], [sflag:$0x2] =	stream.linear.gather [hbm4b:s8+s1], $0x2000, $0x38;
	[tilespmem:$0x16000] =	vst v63  }
0x1ae: {  	s15 =	simm.s32 $0x8800;
	s4 =	sand.u32 $0x3FFFFE00, s4  }
0x1af: {  	[tilespmem:s15], [sflag:$0x4] =	stream.indirect.gather [spmem:s2], $0x10, s4, s20, $0xb8;
	[tilespmem:$0x16000] =	vst v63  }
0x1b0: {  	s28 =	simm.s32 $0x9000;
	s16 =	sor.u32 $0x80, s4  }
0x1b1: {  	[tilespmem:s28], [sflag:$0x4] =	stream.indirect.gather [spmem:s2], $0x10, s16, s20, $0xb8;
	[tilespmem:$0x16000] =	vst v63  }
.Ltmp6:
0x1b2: {  	_ = 	snop;
	(pc) =	sbr.rel .LBB2_4-.Ltmp6, $4  }
0x1b3: {  	s30 =	sor.u32 $0x100, s4  }
0x1b4: {  	[tilespmem:s18], [sflag:$0x4] =	stream.indirect.gather [spmem:s2], $0x10, s30, s20, $0xb8;
	[tilespmem:$0x16000] =	vst v63  }
0x1b5: {  	s13 =	sadd.s32 $0x1, s13;
	s4 =	sor.u32 $0x180, s4  }
0x1b6: {  	[tilespmem:s21], [sflag:$0x4] =	stream.indirect.gather [spmem:s2], $0x10, s4, s20, $0xb8;
	[tilespmem:$0x16000] =	vst v63  }
.LBB2_11:
0x1b7: {  	_ =	sfence.sel $0x180000  }
0x1b8: {  	[bflag:$0x0] =	sbarrier.arrive $0xFFFF  }
0x1b9: {  	_ =	strace $0x9000004A  }
0x1ba: {  	s0 =	stileid.u32;
	[bflag:$0x2] =	sbarrier.arrive $0xFFFF  }
0x1bb: {  	p0 =	sne.s32 s0, $0x0;
	s0 =	rddreg [dreg:$0x3]  }
0x1bc: {  	s0 =	sadd.s32 @!p0 $0x100000, s0  }
0x1bd: {  	[sflag:s0] =	ssyncadd.tile.s32 @!p0 $0x1;
	_ =	shalt  }
.Lfunc_end2:
_tile_overlayer_lowered:
.L_overlay_start_2:
0x1be: {  	(tag) =	ssettag $0x2  }
0x1bf: {  	s0 =	rddreg [dreg:$0x0];
	s2 =	stileid.u32  }
0x1c0: {  	s1 =	rddreg [dreg:$0x1];
	p0 =	sne.s32 s2, $0x0  }
0x1c1: {  	s3 =	rddreg [dreg:$0x2];
	[bflag:$0x3] =	sbarrier.arrive $0xFFFF;
	s2 =	simm.s32 @!p0 $0x1C05  }
0x1c2: {  	[timem:s3], [sflag:s2] =	dma.local @!p0 [hbm:s0], s1  }
0x1c3: {  	s0 =	simm.s32 @!p0 $0x5  }
0x1c4: {  	_ =	swait.ge @!p0 [sflag:s0], s1  }
0x1c5: {  	s1 =	ssub.s32 @!p0 $0x0, s1;
	[sflag:s0] =	ssyncset.done @!p0 $0x0  }
0x1c6: {  	[sflag:s0] =	ssyncadd.s32 @!p0 s1  }
0x1c7: {  	[bflag:$0x3] =	sbarrier.arrive $0xFFFF  }
0x1c8: {  	_ =	shalt  }

</sc_bundles>
